<compile_context>
chip_gen: v7x
topology: tpu7x:2x2x1
jax: 0.10.2.dev20260603
libtpu: 0.0.44.dev20260713+nightly
codegen_flags: <defaults>
</compile_context>

<pallas_src>
import functools

import jax
import jax.numpy as jnp
from jax import lax
from jax.experimental import pallas as pl
from jax.experimental.pallas import tpu as pltpu
from jax.experimental.pallas import tpu_sc as plsc

NUM_CLASSES = 1000
N_SUPPORT = 1000000
N_QUERY = 16384
DIM = 64

NC = 2
NS = 16
NW = NC * NS

CHUNK = 128
NCHUNKS = N_SUPPORT // CHUNK
BASE_CHUNKS = NCHUNKS // NW
EXTRA = NCHUNKS - BASE_CHUNKS * NW
TAIL_ROW = NCHUNKS * CHUNK
TAIL_N = N_SUPPORT - TAIL_ROW

CPAD = 1008
AWORDS = CPAD * DIM
CNTPAD = 1024
CWORDS = CNTPAD * 16


def _sc_segment_sums(embeddings, lab1d):
  mesh = plsc.VectorSubcoreMesh(core_axis_name="c", subcore_axis_name="s")

  @functools.partial(
      pl.kernel,
      out_type=(
          jax.ShapeDtypeStruct((NW * AWORDS,), jnp.float32),
          jax.ShapeDtypeStruct((NW * CWORDS,), jnp.float32),
      ),
      mesh=mesh,
      scratch_types=[
          pltpu.VMEM((CHUNK, DIM), jnp.float32),
          pltpu.VMEM((CHUNK, DIM), jnp.float32),
          pltpu.VMEM((CHUNK,), jnp.int32),
          pltpu.VMEM((CHUNK,), jnp.int32),
          pltpu.VMEM((AWORDS,), jnp.float32),
          pltpu.VMEM((CWORDS,), jnp.float32),
          pltpu.SemaphoreType.DMA,
          pltpu.SemaphoreType.DMA,
          pltpu.SemaphoreType.DMA,
          pltpu.SemaphoreType.DMA,
      ],
  )
  def seg(emb_hbm, lab_hbm, sums_out, counts_out, ebuf_a, ebuf_b,
          lbuf_a, lbuf_b, acc, cnt, sea, seb, sla, slb):
    cid = lax.axis_index("c")
    sid = lax.axis_index("s")
    wid = sid * NC + cid

    zeros16 = jnp.zeros((16,), jnp.float32)
    ones16 = jnp.ones((16,), jnp.float32)

    def zero_acc(i, _):
      acc[pl.ds(i * 16, 16)] = zeros16
      return 0
    lax.fori_loop(0, AWORDS // 16, zero_acc, 0)

    def zero_cnt(i, _):
      cnt[pl.ds(i * 16, 16)] = zeros16
      return 0
    lax.fori_loop(0, CWORDS // 16, zero_cnt, 0)

    def make_accum(ebuf, lbuf):
      def accum_group(g, _):
        lv = lbuf[pl.ds(g * 16, 16)]
        for k in range(16):
          l = lv[k]
          r = g * 16 + k
          abase = l * DIM
          for d in range(4):
            v = ebuf[r, pl.ds(d * 16, 16)]
            plsc.addupdate(acc.at[pl.ds(abase + d * 16, 16)], v)
          plsc.addupdate(cnt.at[pl.ds(l * 16, 16)], ones16)
        return 0
      return accum_group

    accum_a = make_accum(ebuf_a, lbuf_a)
    accum_b = make_accum(ebuf_b, lbuf_b)

    nchunks_w = jnp.where(wid < EXTRA, BASE_CHUNKS + 1, BASE_CHUNKS)

    def issue(i, ebuf, lbuf, se, sl):
      c = wid + i * NW
      pltpu.async_copy(lab_hbm.at[pl.ds(c * CHUNK, CHUNK)], lbuf, sl)
      pltpu.async_copy(emb_hbm.at[pl.ds(c * CHUNK, CHUNK)], ebuf, se)

    issue(0, ebuf_a, lbuf_a, sea, sla)

    def pair_body(i2, _):
      e = i2 * 2
      o = e + 1

      @pl.when(o < nchunks_w)
      def _():
        issue(o, ebuf_b, lbuf_b, seb, slb)

      @pl.when(e < nchunks_w)
      def _():
        pltpu.make_async_copy(lab_hbm.at[pl.ds(0, CHUNK)], lbuf_a, sla).wait()
        pltpu.make_async_copy(emb_hbm.at[pl.ds(0, CHUNK)], ebuf_a, sea).wait()

        @plsc.parallel_loop(0, CHUNK // 16, 1, unroll=4)
        def _(g):
          accum_a(g, 0)

      @pl.when(e + 2 < nchunks_w)
      def _():
        issue(e + 2, ebuf_a, lbuf_a, sea, sla)

      @pl.when(o < nchunks_w)
      def _():
        pltpu.make_async_copy(lab_hbm.at[pl.ds(0, CHUNK)], lbuf_b, slb).wait()
        pltpu.make_async_copy(emb_hbm.at[pl.ds(0, CHUNK)], ebuf_b, seb).wait()

        @plsc.parallel_loop(0, CHUNK // 16, 1, unroll=4)
        def _(g):
          accum_b(g, 0)
      return 0

    lax.fori_loop(0, (BASE_CHUNKS + 2) // 2, pair_body, 0)

    @pl.when(wid == NW - 1)
    def _():
      pltpu.sync_copy(lab_hbm.at[pl.ds(TAIL_ROW, TAIL_N)],
                      lbuf_a.at[pl.ds(0, TAIL_N)])
      pltpu.sync_copy(emb_hbm.at[pl.ds(TAIL_ROW, TAIL_N)],
                      ebuf_a.at[pl.ds(0, TAIL_N)])
      lax.fori_loop(0, TAIL_N // 16, accum_a, 0)

    pltpu.sync_copy(acc, sums_out.at[pl.ds(wid * AWORDS, AWORDS)])
    pltpu.sync_copy(cnt, counts_out.at[pl.ds(wid * CWORDS, CWORDS)])

  return seg(embeddings, lab1d)


def _combine_body(sums_ref, counts_ref, proto_ref):
  s = jnp.sum(sums_ref[...], axis=0)
  c = jnp.sum(counts_ref[...], axis=0)
  proto_ref[...] = s[:NUM_CLASSES] / jnp.maximum(c[:NUM_CLASSES, 0:1], 1.0)


def _tc_combine(sums, counts):
  return pl.pallas_call(
      _combine_body,
      out_shape=jax.ShapeDtypeStruct((NUM_CLASSES, DIM), jnp.float32),
  )(sums, counts)


def _tc_body(proto_ref, qt_ref, out_ref):
  proto = proto_ref[...]
  qt = qt_ref[...]
  q2 = jnp.sum(qt * qt, axis=0, keepdims=True)
  p2 = jnp.sum(proto * proto, axis=1, keepdims=True)
  dn = (((1,), (0,)), ((), ()))
  qp = lax.dot_general(proto, qt, dn,
                       precision=lax.Precision.HIGHEST,
                       preferred_element_type=jnp.float32)
  d2 = (p2 + q2) - 2.0 * qp
  dist = jnp.sqrt(jnp.maximum(d2, 1e-12))
  m = jnp.min(dist, axis=0, keepdims=True)
  e = jnp.exp(m - dist)
  out_ref[...] = e / jnp.sum(e, axis=0, keepdims=True)


def _tc_cdist_softmax(proto, qt):
  bq = 1024
  grid = (N_QUERY // bq,)
  return pl.pallas_call(
      _tc_body,
      grid=grid,
      in_specs=[
          pl.BlockSpec((NUM_CLASSES, DIM), lambda i: (0, 0)),
          pl.BlockSpec((DIM, bq), lambda i: (0, i)),
      ],
      out_specs=pl.BlockSpec((NUM_CLASSES, bq), lambda i: (0, i)),
      out_shape=jax.ShapeDtypeStruct((NUM_CLASSES, N_QUERY), jnp.float32),
  )(proto, qt)


@jax.jit
def kernel(embeddings, labels, query_embeddings):
  lab1d = labels.astype(jnp.int32).reshape(N_SUPPORT)
  sums1d, counts1d = _sc_segment_sums(embeddings, lab1d)
  sums = sums1d.reshape(NW, CPAD, DIM)
  counts = counts1d.reshape(NW, CNTPAD, 16)
  proto = _tc_combine(sums, counts)
  return _tc_cdist_softmax(proto, query_embeddings.T).T

# --- scband reference (transcript-rebuilt; emitter-appended) ---
"""Pipeline reference for scband-base-fsl-90391881712070 (READ-ONLY COPY).

The authoritative reference and input builder live on the scoring server;
editing this copy changes nothing except your own understanding.
"""

import jax, jax.numpy as jnp
import numpy as np

NUM_CLASSES = 1000
N_SUPPORT = 1000000
N_QUERY = 16384
DIM = 64


def setup_inputs(seed: int = 0) -> dict:
    key = jax.random.key(seed)
    k1, k2, k3 = jax.random.split(key, 3)
    embeddings = jax.random.normal(k1, (N_SUPPORT, DIM), dtype=jnp.float32)
    labels = jax.random.randint(k2, (N_SUPPORT,), 0, NUM_CLASSES)
    query_embeddings = jax.random.normal(k3, (N_QUERY, DIM), dtype=jnp.float32)
    return {"embeddings": embeddings, "labels": labels, "query_embeddings": query_embeddings}


def _compute_prototypes(embeddings, labels):
    # torch: loop over torch.unique(labels) (sorted), mean of class members.
    # With N >> C every class in [0, NUM_CLASSES) is present w.h.p., so this is
    # exactly a sorted-class segment-mean.
    sums = jax.ops.segment_sum(embeddings, labels, num_segments=NUM_CLASSES)
    counts = jax.ops.segment_sum(
        jnp.ones((embeddings.shape[0],), dtype=embeddings.dtype), labels, num_segments=NUM_CLASSES
    )
    return sums / jnp.maximum(counts, 1.0)[:, None]


def _cdist(q, p):
    q2 = jnp.sum(q * q, axis=1, keepdims=True)
    p2 = jnp.sum(p * p, axis=1)[None, :]
    d2 = q2 + p2 - 2.0 * (q @ p.T)
    return jnp.sqrt(jnp.maximum(d2, 1e-12))


def reference(embeddings, labels, query_embeddings):
    prototypes = _compute_prototypes(embeddings, labels)
    dists = _cdist(query_embeddings, prototypes)
    probs = jax.nn.softmax(-dists, axis=1)  # predict_probabilities
    return probs

if __name__ == "__main__":
    import jax
    _d = setup_inputs()
    print(jax.jit(kernel)(*tuple(_d.values())))

</pallas_src>

<mosaic_0001>
#map = affine_map<(d0, d1) -> (0, 0)>
#map1 = affine_map<(d0, d1) -> (0)>
module attributes {stable_mosaic.version = 14 : i64} {
  func.func @seg(%arg0: i32, %arg1: i32, %arg2: memref<1000000x64xf32, #tpu.memory_space<hbm>>, %arg3: memref<1000000xi32, #tpu.memory_space<hbm>>, %arg4: memref<2064384xf32, #tpu.memory_space<hbm>>, %arg5: memref<524288xf32, #tpu.memory_space<hbm>>, %arg6: memref<128x64xf32, #tpu.memory_space<vmem>>, %arg7: memref<128x64xf32, #tpu.memory_space<vmem>>, %arg8: memref<128xi32, #tpu.memory_space<vmem>>, %arg9: memref<128xi32, #tpu.memory_space<vmem>>, %arg10: memref<64512xf32, #tpu.memory_space<vmem>>, %arg11: memref<16384xf32, #tpu.memory_space<vmem>>, %arg12: memref<!tpu.dma_semaphore, #tpu.memory_space<semaphore_mem>>, %arg13: memref<!tpu.dma_semaphore, #tpu.memory_space<semaphore_mem>>, %arg14: memref<!tpu.dma_semaphore, #tpu.memory_space<semaphore_mem>>, %arg15: memref<!tpu.dma_semaphore, #tpu.memory_space<semaphore_mem>>) attributes {dimension_semantics = [#tpu.dimension_semantics<core_parallel>, #tpu.dimension_semantics<subcore_parallel>], iteration_bounds = array<i64: 2, 16>, scalar_prefetch = 0 : i64, scratch_operands = 10 : i64, tpu.core_type = #tpu.core_type<sc_vector_subcore>, window_params = [{transform_indices = #map}, {transform_indices = #map1}, {transform_indices = #map1}, {transform_indices = #map1}]} {
    %mul3A = arith.constant 2 : i32
    %mul3A_0 = arith.muli %arg1, %mul3A : i32
    %add3A = arith.addi %mul3A_0, %arg0 : i32
    %broadcast_in_dim3A = arith.constant 0.000000e+00 : f32
    %broadcast_in_dim3A_1 = vector.broadcast %broadcast_in_dim3A : f32 to vector<16xf32>
    %broadcast_in_dim3A_2 = arith.constant 1.000000e+00 : f32
    %broadcast_in_dim3A_3 = vector.broadcast %broadcast_in_dim3A_2 : f32 to vector<16xf32>
    %scan3A = arith.constant 0 : i32
    %scan3A_4 = arith.constant 0 : i32
    %scan3A_5 = arith.constant 4032 : i32
    %scan3A_6 = arith.addi %scan3A_4, %scan3A_5 : i32
    %scan3A_7 = arith.constant 1 : i32
    %scan3A_8 = scf.for %scan3A_43 = %scan3A_4 to %scan3A_6 step %scan3A_7 iter_args(%scan3A_44 = %scan3A) -> (i32)  : i32 {
      %mul3A_45 = arith.constant 16 : i32
      %mul3A_46 = arith.muli %scan3A_43, %mul3A_45 : i32
      %swap3A = arith.index_cast %mul3A_46 : i32 to index
      %swap3A_47 = tpu.vector_load %arg10[%swap3A] {strides = array<i32>} : memref<64512xf32, #tpu.memory_space<vmem>>, vector<16xf32>,
      %swap3A_48 = vector.shape_cast %swap3A_47 : vector<16xf32> to vector<16xf32>
      %swap3A_49 = vector.shape_cast %broadcast_in_dim3A_1 : vector<16xf32> to vector<16xf32>
      tpu.vector_store %arg10[%swap3A], %swap3A_49 {strides = array<i32>} : memref<64512xf32, #tpu.memory_space<vmem>>, vector<16xf32>,
      %scan3A_50 = arith.constant 0 : i32
      scf.yield %scan3A_50 : i32
    }
    %scan3A_9 = arith.constant 4032 : i32
    %scan3A_10 = arith.constant 0 : i32
    %scan3A_11 = arith.constant 0 : i32
    %scan3A_12 = arith.constant 1024 : i32
    %scan3A_13 = arith.addi %scan3A_11, %scan3A_12 : i32
    %scan3A_14 = arith.constant 1 : i32
    %scan3A_15 = scf.for %scan3A_43 = %scan3A_11 to %scan3A_13 step %scan3A_14 iter_args(%scan3A_44 = %scan3A_10) -> (i32)  : i32 {
      %mul3A_45 = arith.constant 16 : i32
      %mul3A_46 = arith.muli %scan3A_43, %mul3A_45 : i32
      %swap3A = arith.index_cast %mul3A_46 : i32 to index
      %swap3A_47 = tpu.vector_load %arg11[%swap3A] {strides = array<i32>} : memref<16384xf32, #tpu.memory_space<vmem>>, vector<16xf32>,
      %swap3A_48 = vector.shape_cast %swap3A_47 : vector<16xf32> to vector<16xf32>
      %swap3A_49 = vector.shape_cast %broadcast_in_dim3A_1 : vector<16xf32> to vector<16xf32>
      tpu.vector_store %arg11[%swap3A], %swap3A_49 {strides = array<i32>} : memref<16384xf32, #tpu.memory_space<vmem>>, vector<16xf32>,
      %scan3A_50 = arith.constant 0 : i32
      scf.yield %scan3A_50 : i32
    }
    %scan3A_16 = arith.constant 1024 : i32
    %lt3A = arith.constant 4 : i32
    %lt3A_17 = arith.cmpi slt, %add3A, %lt3A : i32
    %jit3A = arith.constant 245 : i32
    %jit3A_18 = arith.constant 244 : i32
    %select_n3A = arith.select %lt3A_17, %jit3A, %jit3A_18 : i32
    %add3A_19 = arith.constant 0 : i32
    %add3A_20 = arith.addi %add3A, %add3A_19 : i32
    %mul3A_21 = arith.constant 128 : i32
    %mul3A_22 = arith.muli %add3A_20, %mul3A_21 : i32
    %dma_start3A = tpu.memref_slice %arg3[%mul3A_22] : memref<1000000xi32, #tpu.memory_space<hbm>> -> memref<128xi32, #tpu.memory_space<hbm>>
    %dma_start3A_23 = tpu.memref_slice %arg3[%mul3A_22] : memref<1000000xi32, #tpu.memory_space<hbm>> -> memref<128xi32, #tpu.memory_space<hbm>>
    tpu.enqueue_dma source(%dma_start3A_23 : memref<128xi32, #tpu.memory_space<hbm>>) target(%arg8 : memref<128xi32, #tpu.memory_space<vmem>>) target_semaphore(%arg14 : memref<!tpu.dma_semaphore, #tpu.memory_space<semaphore_mem>>)
    %mul3A_24 = arith.constant 128 : i32
    %mul3A_25 = arith.muli %add3A_20, %mul3A_24 : i32
    %dma_start3A_26 = arith.constant 0 : i32
    %dma_start3A_27 = tpu.memref_slice %arg2[%mul3A_25, %dma_start3A_26] : memref<1000000x64xf32, #tpu.memory_space<hbm>> -> memref<128x64xf32, #tpu.memory_space<hbm>>
    %dma_start3A_28 = arith.constant 0 : i32
    %dma_start3A_29 = tpu.memref_slice %arg2[%mul3A_25, %dma_start3A_28] : memref<1000000x64xf32, #tpu.memory_space<hbm>> -> memref<128x64xf32, #tpu.memory_space<hbm>>
    tpu.enqueue_dma source(%dma_start3A_29 : memref<128x64xf32, #tpu.memory_space<hbm>>) target(%arg6 : memref<128x64xf32, #tpu.memory_space<vmem>>) target_semaphore(%arg12 : memref<!tpu.dma_semaphore, #tpu.memory_space<semaphore_mem>>)
    %scan3A_30 = arith.constant 0 : i32
    %scan3A_31 = arith.constant 0 : i32
    %scan3A_32 = arith.constant 123 : i32
    %scan3A_33 = arith.addi %scan3A_31, %scan3A_32 : i32
    %scan3A_34 = arith.constant 1 : i32
    %scan3A_35 = scf.for %scan3A_43 = %scan3A_31 to %scan3A_33 step %scan3A_34 iter_args(%scan3A_44 = %scan3A_30) -> (i32)  : i32 {
      %mul3A_45 = arith.constant 2 : i32
      %mul3A_46 = arith.muli %scan3A_43, %mul3A_45 : i32
      %add3A_47 = arith.constant 1 : i32
      %add3A_48 = arith.addi %mul3A_46, %add3A_47 : i32
      %lt3A_49 = arith.cmpi slt, %add3A_48, %select_n3A : i32
      %convert_element_type3A_50 = arith.extui %lt3A_49 : i1 to i32
      %cond3A_51 = arith.constant 0 : i32
      %cond3A_52 = arith.cmpi ne, %convert_element_type3A_50, %cond3A_51 : i32
      scf.if %cond3A_52 {
        %mul3A_68 = arith.constant 32 : i32
        %mul3A_69 = arith.muli %add3A_48, %mul3A_68 : i32
        %add3A_70 = arith.addi %add3A, %mul3A_69 : i32
        %mul3A_71 = arith.constant 128 : i32
        %mul3A_72 = arith.muli %add3A_70, %mul3A_71 : i32
        %dma_start3A_73 = tpu.memref_slice %arg3[%mul3A_72] : memref<1000000xi32, #tpu.memory_space<hbm>> -> memref<128xi32, #tpu.memory_space<hbm>>
        %dma_start3A_74 = tpu.memref_slice %arg3[%mul3A_72] : memref<1000000xi32, #tpu.memory_space<hbm>> -> memref<128xi32, #tpu.memory_space<hbm>>
        tpu.enqueue_dma source(%dma_start3A_74 : memref<128xi32, #tpu.memory_space<hbm>>) target(%arg9 : memref<128xi32, #tpu.memory_space<vmem>>) target_semaphore(%arg15 : memref<!tpu.dma_semaphore, #tpu.memory_space<semaphore_mem>>)
        %mul3A_75 = arith.constant 128 : i32
        %mul3A_76 = arith.muli %add3A_70, %mul3A_75 : i32
        %dma_start3A_77 = arith.constant 0 : i32
        %dma_start3A_78 = tpu.memref_slice %arg2[%mul3A_76, %dma_start3A_77] : memref<1000000x64xf32, #tpu.memory_space<hbm>> -> memref<128x64xf32, #tpu.memory_space<hbm>>
        %dma_start3A_79 = arith.constant 0 : i32
        %dma_start3A_80 = tpu.memref_slice %arg2[%mul3A_76, %dma_start3A_79] : memref<1000000x64xf32, #tpu.memory_space<hbm>> -> memref<128x64xf32, #tpu.memory_space<hbm>>
        tpu.enqueue_dma source(%dma_start3A_80 : memref<128x64xf32, #tpu.memory_space<hbm>>) target(%arg7 : memref<128x64xf32, #tpu.memory_space<vmem>>) target_semaphore(%arg13 : memref<!tpu.dma_semaphore, #tpu.memory_space<semaphore_mem>>)
      } else {
      }
      %lt3A_53 = arith.cmpi slt, %mul3A_46, %select_n3A : i32
      %convert_element_type3A_54 = arith.extui %lt3A_53 : i1 to i32
      %cond3A_55 = arith.constant 0 : i32
      %cond3A_56 = arith.cmpi ne, %convert_element_type3A_54, %cond3A_55 : i32
      scf.if %cond3A_56 {
        %dma_wait3A = arith.constant 0 : i32
        %dma_wait3A_68 = tpu.memref_slice %arg3[%dma_wait3A] : memref<1000000xi32, #tpu.memory_space<hbm>> -> memref<128xi32, #tpu.memory_space<hbm>>
        %dma_wait3A_69 = arith.constant 0 : i32
        %dma_wait3A_70 = tpu.memref_slice %arg3[%dma_wait3A_69] : memref<1000000xi32, #tpu.memory_space<hbm>> -> memref<128xi32, #tpu.memory_space<hbm>>
        tpu.wait_dma2 semaphore(%arg14 : memref<!tpu.dma_semaphore, #tpu.memory_space<semaphore_mem>>) src(%dma_wait3A_70 : memref<128xi32, #tpu.memory_space<hbm>>) dst(%arg8 : memref<128xi32, #tpu.memory_space<vmem>>)
        %dma_wait3A_71 = arith.constant 0 : i32
        %dma_wait3A_72 = arith.constant 0 : i32
        %dma_wait3A_73 = tpu.memref_slice %arg2[%dma_wait3A_71, %dma_wait3A_72] : memref<1000000x64xf32, #tpu.memory_space<hbm>> -> memref<128x64xf32, #tpu.memory_space<hbm>>
        %dma_wait3A_74 = arith.constant 0 : i32
        %dma_wait3A_75 = arith.constant 0 : i32
        %dma_wait3A_76 = tpu.memref_slice %arg2[%dma_wait3A_74, %dma_wait3A_75] : memref<1000000x64xf32, #tpu.memory_space<hbm>> -> memref<128x64xf32, #tpu.memory_space<hbm>>
        tpu.wait_dma2 semaphore(%arg12 : memref<!tpu.dma_semaphore, #tpu.memory_space<semaphore_mem>>) src(%dma_wait3A_76 : memref<128x64xf32, #tpu.memory_space<hbm>>) dst(%arg6 : memref<128x64xf32, #tpu.memory_space<vmem>>)
        %parallel_loop3A = arith.constant 0 : i32
        %parallel_loop3A_77 = arith.constant 8 : i32
        %parallel_loop3A_78 = arith.constant 1 : i32
        scf.for %parallel_loop3A_79 = %parallel_loop3A to %parallel_loop3A_77 step %parallel_loop3A_78  : i32 {
          %parallel_loop3A_80 = arith.constant 16 : i32
          %parallel_loop3A_81 = arith.muli %parallel_loop3A_79, %parallel_loop3A_80 : i32
          %parallel_loop3A_82 = arith.index_cast %parallel_loop3A_81 : i32 to index
          %parallel_loop3A_83 = tpu.vector_load %arg8[%parallel_loop3A_82] {strides = array<i32>} : memref<128xi32, #tpu.memory_space<vmem>>, vector<16xi32>,
          %parallel_loop3A_84 = vector.shape_cast %parallel_loop3A_83 : vector<16xi32> to vector<16xi32>
          %parallel_loop3A_85 = vector.extract_strided_slice %parallel_loop3A_84 {offsets = [0], sizes = [1], strides = [1]} : vector<16xi32> to vector<1xi32>
          %parallel_loop3A_86 = vector.extract %parallel_loop3A_85[0] : i32 from vector<1xi32>
          %parallel_loop3A_87 = arith.constant 16 : i32
          %parallel_loop3A_88 = arith.muli %parallel_loop3A_79, %parallel_loop3A_87 : i32
          %parallel_loop3A_89 = arith.constant 0 : i32
          %parallel_loop3A_90 = arith.addi %parallel_loop3A_88, %parallel_loop3A_89 : i32
          %parallel_loop3A_91 = arith.constant 64 : i32
          %parallel_loop3A_92 = arith.muli %parallel_loop3A_86, %parallel_loop3A_91 : i32
          %parallel_loop3A_93 = arith.index_cast %parallel_loop3A_90 : i32 to index
          %parallel_loop3A_94 = arith.constant 0 : index
          %parallel_loop3A_95 = tpu.vector_load %arg6[%parallel_loop3A_93, %parallel_loop3A_94] {strides = array<i32>} : memref<128x64xf32, #tpu.memory_space<vmem>>, vector<1x16xf32>,
          %parallel_loop3A_96 = vector.shape_cast %parallel_loop3A_95 : vector<1x16xf32> to vector<16xf32>
          %parallel_loop3A_97 = arith.constant 0 : i32
          %parallel_loop3A_98 = arith.addi %parallel_loop3A_92, %parallel_loop3A_97 : i32
          %parallel_loop3A_99 = arith.index_cast %parallel_loop3A_98 : i32 to index
          %parallel_loop3A_100 = tpu.vector_load %arg10[%parallel_loop3A_99] {strides = array<i32>} : memref<64512xf32, #tpu.memory_space<vmem>>, vector<16xf32>,
          %parallel_loop3A_101 = vector.shape_cast %parallel_loop3A_100 : vector<16xf32> to vector<16xf32>
          %parallel_loop3A_102 = vector.shape_cast %parallel_loop3A_96 : vector<16xf32> to vector<16xf32>
          tpu.vector_store %arg10[%parallel_loop3A_99], %parallel_loop3A_102 {add = true, strides = array<i32>} : memref<64512xf32, #tpu.memory_space<vmem>>, vector<16xf32>,
          %parallel_loop3A_103 = arith.index_cast %parallel_loop3A_90 : i32 to index
          %parallel_loop3A_104 = arith.constant 16 : index
          %parallel_loop3A_105 = tpu.vector_load %arg6[%parallel_loop3A_103, %parallel_loop3A_104] {strides = array<i32>} : memref<128x64xf32, #tpu.memory_space<vmem>>, vector<1x16xf32>,
          %parallel_loop3A_106 = vector.shape_cast %parallel_loop3A_105 : vector<1x16xf32> to vector<16xf32>
          %parallel_loop3A_107 = arith.constant 16 : i32
          %parallel_loop3A_108 = arith.addi %parallel_loop3A_92, %parallel_loop3A_107 : i32
          %parallel_loop3A_109 = arith.index_cast %parallel_loop3A_108 : i32 to index
          %parallel_loop3A_110 = tpu.vector_load %arg10[%parallel_loop3A_109] {strides = array<i32>} : memref<64512xf32, #tpu.memory_space<vmem>>, vector<16xf32>,
          %parallel_loop3A_111 = vector.shape_cast %parallel_loop3A_110 : vector<16xf32> to vector<16xf32>
          %parallel_loop3A_112 = vector.shape_cast %parallel_loop3A_106 : vector<16xf32> to vector<16xf32>
          tpu.vector_store %arg10[%parallel_loop3A_109], %parallel_loop3A_112 {add = true, strides = array<i32>} : memref<64512xf32, #tpu.memory_space<vmem>>, vector<16xf32>,
          %parallel_loop3A_113 = arith.index_cast %parallel_loop3A_90 : i32 to index
          %parallel_loop3A_114 = arith.constant 32 : index
          %parallel_loop3A_115 = tpu.vector_load %arg6[%parallel_loop3A_113, %parallel_loop3A_114] {strides = array<i32>} : memref<128x64xf32, #tpu.memory_space<vmem>>, vector<1x16xf32>,
          %parallel_loop3A_116 = vector.shape_cast %parallel_loop3A_115 : vector<1x16xf32> to vector<16xf32>
          %parallel_loop3A_117 = arith.constant 32 : i32
          %parallel_loop3A_118 = arith.addi %parallel_loop3A_92, %parallel_loop3A_117 : i32
          %parallel_loop3A_119 = arith.index_cast %parallel_loop3A_118 : i32 to index
          %parallel_loop3A_120 = tpu.vector_load %arg10[%parallel_loop3A_119] {strides = array<i32>} : memref<64512xf32, #tpu.memory_space<vmem>>, vector<16xf32>,
          %parallel_loop3A_121 = vector.shape_cast %parallel_loop3A_120 : vector<16xf32> to vector<16xf32>
          %parallel_loop3A_122 = vector.shape_cast %parallel_loop3A_116 : vector<16xf32> to vector<16xf32>
          tpu.vector_store %arg10[%parallel_loop3A_119], %parallel_loop3A_122 {add = true, strides = array<i32>} : memref<64512xf32, #tpu.memory_space<vmem>>, vector<16xf32>,
          %parallel_loop3A_123 = arith.index_cast %parallel_loop3A_90 : i32 to index
          %parallel_loop3A_124 = arith.constant 48 : index
          %parallel_loop3A_125 = tpu.vector_load %arg6[%parallel_loop3A_123, %parallel_loop3A_124] {strides = array<i32>} : memref<128x64xf32, #tpu.memory_space<vmem>>, vector<1x16xf32>,
          %parallel_loop3A_126 = vector.shape_cast %parallel_loop3A_125 : vector<1x16xf32> to vector<16xf32>
          %parallel_loop3A_127 = arith.constant 48 : i32
          %parallel_loop3A_128 = arith.addi %parallel_loop3A_92, %parallel_loop3A_127 : i32
          %parallel_loop3A_129 = arith.index_cast %parallel_loop3A_128 : i32 to index
          %parallel_loop3A_130 = tpu.vector_load %arg10[%parallel_loop3A_129] {strides = array<i32>} : memref<64512xf32, #tpu.memory_space<vmem>>, vector<16xf32>,
          %parallel_loop3A_131 = vector.shape_cast %parallel_loop3A_130 : vector<16xf32> to vector<16xf32>
          %parallel_loop3A_132 = vector.shape_cast %parallel_loop3A_126 : vector<16xf32> to vector<16xf32>
          tpu.vector_store %arg10[%parallel_loop3A_129], %parallel_loop3A_132 {add = true, strides = array<i32>} : memref<64512xf32, #tpu.memory_space<vmem>>, vector<16xf32>,
          %parallel_loop3A_133 = arith.constant 16 : i32
          %parallel_loop3A_134 = arith.muli %parallel_loop3A_86, %parallel_loop3A_133 : i32
          %parallel_loop3A_135 = arith.index_cast %parallel_loop3A_134 : i32 to index
          %parallel_loop3A_136 = tpu.vector_load %arg11[%parallel_loop3A_135] {strides = array<i32>} : memref<16384xf32, #tpu.memory_space<vmem>>, vector<16xf32>,
          %parallel_loop3A_137 = vector.shape_cast %parallel_loop3A_136 : vector<16xf32> to vector<16xf32>
          %parallel_loop3A_138 = vector.shape_cast %broadcast_in_dim3A_3 : vector<16xf32> to vector<16xf32>
          tpu.vector_store %arg11[%parallel_loop3A_135], %parallel_loop3A_138 {add = true, strides = array<i32>} : memref<16384xf32, #tpu.memory_space<vmem>>, vector<16xf32>,
          %parallel_loop3A_139 = vector.extract_strided_slice %parallel_loop3A_84 {offsets = [1], sizes = [1], strides = [1]} : vector<16xi32> to vector<1xi32>
          %parallel_loop3A_140 = vector.extract %parallel_loop3A_139[0] : i32 from vector<1xi32>
          %parallel_loop3A_141 = arith.constant 16 : i32
          %parallel_loop3A_142 = arith.muli %parallel_loop3A_79, %parallel_loop3A_141 : i32
          %parallel_loop3A_143 = arith.constant 1 : i32
          %parallel_loop3A_144 = arith.addi %parallel_loop3A_142, %parallel_loop3A_143 : i32
          %parallel_loop3A_145 = arith.constant 64 : i32
          %parallel_loop3A_146 = arith.muli %parallel_loop3A_140, %parallel_loop3A_145 : i32
          %parallel_loop3A_147 = arith.index_cast %parallel_loop3A_144 : i32 to index
          %parallel_loop3A_148 = arith.constant 0 : index
          %parallel_loop3A_149 = tpu.vector_load %arg6[%parallel_loop3A_147, %parallel_loop3A_148] {strides = array<i32>} : memref<128x64xf32, #tpu.memory_space<vmem>>, vector<1x16xf32>,
          %parallel_loop3A_150 = vector.shape_cast %parallel_loop3A_149 : vector<1x16xf32> to vector<16xf32>
          %parallel_loop3A_151 = arith.constant 0 : i32
          %parallel_loop3A_152 = arith.addi %parallel_loop3A_146, %parallel_loop3A_151 : i32
          %parallel_loop3A_153 = arith.index_cast %parallel_loop3A_152 : i32 to index
          %parallel_loop3A_154 = tpu.vector_load %arg10[%parallel_loop3A_153] {strides = array<i32>} : memref<64512xf32, #tpu.memory_space<vmem>>, vector<16xf32>,
          %parallel_loop3A_155 = vector.shape_cast %parallel_loop3A_154 : vector<16xf32> to vector<16xf32>
          %parallel_loop3A_156 = vector.shape_cast %parallel_loop3A_150 : vector<16xf32> to vector<16xf32>
          tpu.vector_store %arg10[%parallel_loop3A_153], %parallel_loop3A_156 {add = true, strides = array<i32>} : memref<64512xf32, #tpu.memory_space<vmem>>, vector<16xf32>,
          %parallel_loop3A_157 = arith.index_cast %parallel_loop3A_144 : i32 to index
          %parallel_loop3A_158 = arith.constant 16 : index
          %parallel_loop3A_159 = tpu.vector_load %arg6[%parallel_loop3A_157, %parallel_loop3A_158] {strides = array<i32>} : memref<128x64xf32, #tpu.memory_space<vmem>>, vector<1x16xf32>,
          %parallel_loop3A_160 = vector.shape_cast %parallel_loop3A_159 : vector<1x16xf32> to vector<16xf32>
          %parallel_loop3A_161 = arith.constant 16 : i32
          %parallel_loop3A_162 = arith.addi %parallel_loop3A_146, %parallel_loop3A_161 : i32
          %parallel_loop3A_163 = arith.index_cast %parallel_loop3A_162 : i32 to index
          %parallel_loop3A_164 = tpu.vector_load %arg10[%parallel_loop3A_163] {strides = array<i32>} : memref<64512xf32, #tpu.memory_space<vmem>>, vector<16xf32>,
          %parallel_loop3A_165 = vector.shape_cast %parallel_loop3A_164 : vector<16xf32> to vector<16xf32>
          %parallel_loop3A_166 = vector.shape_cast %parallel_loop3A_160 : vector<16xf32> to vector<16xf32>
          tpu.vector_store %arg10[%parallel_loop3A_163], %parallel_loop3A_166 {add = true, strides = array<i32>} : memref<64512xf32, #tpu.memory_space<vmem>>, vector<16xf32>,
          %parallel_loop3A_167 = arith.index_cast %parallel_loop3A_144 : i32 to index
          %parallel_loop3A_168 = arith.constant 32 : index
          %parallel_loop3A_169 = tpu.vector_load %arg6[%parallel_loop3A_167, %parallel_loop3A_168] {strides = array<i32>} : memref<128x64xf32, #tpu.memory_space<vmem>>, vector<1x16xf32>,
          %parallel_loop3A_170 = vector.shape_cast %parallel_loop3A_169 : vector<1x16xf32> to vector<16xf32>
          %parallel_loop3A_171 = arith.constant 32 : i32
          %parallel_loop3A_172 = arith.addi %parallel_loop3A_146, %parallel_loop3A_171 : i32
          %parallel_loop3A_173 = arith.index_cast %parallel_loop3A_172 : i32 to index
          %parallel_loop3A_174 = tpu.vector_load %arg10[%parallel_loop3A_173] {strides = array<i32>} : memref<64512xf32, #tpu.memory_space<vmem>>, vector<16xf32>,
          %parallel_loop3A_175 = vector.shape_cast %parallel_loop3A_174 : vector<16xf32> to vector<16xf32>
          %parallel_loop3A_176 = vector.shape_cast %parallel_loop3A_170 : vector<16xf32> to vector<16xf32>
          tpu.vector_store %arg10[%parallel_loop3A_173], %parallel_loop3A_176 {add = true, strides = array<i32>} : memref<64512xf32, #tpu.memory_space<vmem>>, vector<16xf32>,
          %parallel_loop3A_177 = arith.index_cast %parallel_loop3A_144 : i32 to index
          %parallel_loop3A_178 = arith.constant 48 : index
          %parallel_loop3A_179 = tpu.vector_load %arg6[%parallel_loop3A_177, %parallel_loop3A_178] {strides = array<i32>} : memref<128x64xf32, #tpu.memory_space<vmem>>, vector<1x16xf32>,
          %parallel_loop3A_180 = vector.shape_cast %parallel_loop3A_179 : vector<1x16xf32> to vector<16xf32>
          %parallel_loop3A_181 = arith.constant 48 : i32
          %parallel_loop3A_182 = arith.addi %parallel_loop3A_146, %parallel_loop3A_181 : i32
          %parallel_loop3A_183 = arith.index_cast %parallel_loop3A_182 : i32 to index
          %parallel_loop3A_184 = tpu.vector_load %arg10[%parallel_loop3A_183] {strides = array<i32>} : memref<64512xf32, #tpu.memory_space<vmem>>, vector<16xf32>,
          %parallel_loop3A_185 = vector.shape_cast %parallel_loop3A_184 : vector<16xf32> to vector<16xf32>
          %parallel_loop3A_186 = vector.shape_cast %parallel_loop3A_180 : vector<16xf32> to vector<16xf32>
          tpu.vector_store %arg10[%parallel_loop3A_183], %parallel_loop3A_186 {add = true, strides = array<i32>} : memref<64512xf32, #tpu.memory_space<vmem>>, vector<16xf32>,
          %parallel_loop3A_187 = arith.constant 16 : i32
          %parallel_loop3A_188 = arith.muli %parallel_loop3A_140, %parallel_loop3A_187 : i32
          %parallel_loop3A_189 = arith.index_cast %parallel_loop3A_188 : i32 to index
          %parallel_loop3A_190 = tpu.vector_load %arg11[%parallel_loop3A_189] {strides = array<i32>} : memref<16384xf32, #tpu.memory_space<vmem>>, vector<16xf32>,
          %parallel_loop3A_191 = vector.shape_cast %parallel_loop3A_190 : vector<16xf32> to vector<16xf32>
          %parallel_loop3A_192 = vector.shape_cast %broadcast_in_dim3A_3 : vector<16xf32> to vector<16xf32>
          tpu.vector_store %arg11[%parallel_loop3A_189], %parallel_loop3A_192 {add = true, strides = array<i32>} : memref<16384xf32, #tpu.memory_space<vmem>>, vector<16xf32>,
          %parallel_loop3A_193 = vector.extract_strided_slice %parallel_loop3A_84 {offsets = [2], sizes = [1], strides = [1]} : vector<16xi32> to vector<1xi32>
          %parallel_loop3A_194 = vector.extract %parallel_loop3A_193[0] : i32 from vector<1xi32>
          %parallel_loop3A_195 = arith.constant 16 : i32
          %parallel_loop3A_196 = arith.muli %parallel_loop3A_79, %parallel_loop3A_195 : i32
          %parallel_loop3A_197 = arith.constant 2 : i32
          %parallel_loop3A_198 = arith.addi %parallel_loop3A_196, %parallel_loop3A_197 : i32
          %parallel_loop3A_199 = arith.constant 64 : i32
          %parallel_loop3A_200 = arith.muli %parallel_loop3A_194, %parallel_loop3A_199 : i32
          %parallel_loop3A_201 = arith.index_cast %parallel_loop3A_198 : i32 to index
          %parallel_loop3A_202 = arith.constant 0 : index
          %parallel_loop3A_203 = tpu.vector_load %arg6[%parallel_loop3A_201, %parallel_loop3A_202] {strides = array<i32>} : memref<128x64xf32, #tpu.memory_space<vmem>>, vector<1x16xf32>,
          %parallel_loop3A_204 = vector.shape_cast %parallel_loop3A_203 : vector<1x16xf32> to vector<16xf32>
          %parallel_loop3A_205 = arith.constant 0 : i32
          %parallel_loop3A_206 = arith.addi %parallel_loop3A_200, %parallel_loop3A_205 : i32
          %parallel_loop3A_207 = arith.index_cast %parallel_loop3A_206 : i32 to index
          %parallel_loop3A_208 = tpu.vector_load %arg10[%parallel_loop3A_207] {strides = array<i32>} : memref<64512xf32, #tpu.memory_space<vmem>>, vector<16xf32>,
          %parallel_loop3A_209 = vector.shape_cast %parallel_loop3A_208 : vector<16xf32> to vector<16xf32>
          %parallel_loop3A_210 = vector.shape_cast %parallel_loop3A_204 : vector<16xf32> to vector<16xf32>
          tpu.vector_store %arg10[%parallel_loop3A_207], %parallel_loop3A_210 {add = true, strides = array<i32>} : memref<64512xf32, #tpu.memory_space<vmem>>, vector<16xf32>,
          %parallel_loop3A_211 = arith.index_cast %parallel_loop3A_198 : i32 to index
          %parallel_loop3A_212 = arith.constant 16 : index
          %parallel_loop3A_213 = tpu.vector_load %arg6[%parallel_loop3A_211, %parallel_loop3A_212] {strides = array<i32>} : memref<128x64xf32, #tpu.memory_space<vmem>>, vector<1x16xf32>,
          %parallel_loop3A_214 = vector.shape_cast %parallel_loop3A_213 : vector<1x16xf32> to vector<16xf32>
          %parallel_loop3A_215 = arith.constant 16 : i32
          %parallel_loop3A_216 = arith.addi %parallel_loop3A_200, %parallel_loop3A_215 : i32
          %parallel_loop3A_217 = arith.index_cast %parallel_loop3A_216 : i32 to index
          %parallel_loop3A_218 = tpu.vector_load %arg10[%parallel_loop3A_217] {strides = array<i32>} : memref<64512xf32, #tpu.memory_space<vmem>>, vector<16xf32>,
          %parallel_loop3A_219 = vector.shape_cast %parallel_loop3A_218 : vector<16xf32> to vector<16xf32>
          %parallel_loop3A_220 = vector.shape_cast %parallel_loop3A_214 : vector<16xf32> to vector<16xf32>
          tpu.vector_store %arg10[%parallel_loop3A_217], %parallel_loop3A_220 {add = true, strides = array<i32>} : memref<64512xf32, #tpu.memory_space<vmem>>, vector<16xf32>,
          %parallel_loop3A_221 = arith.index_cast %parallel_loop3A_198 : i32 to index
          %parallel_loop3A_222 = arith.constant 32 : index
          %parallel_loop3A_223 = tpu.vector_load %arg6[%parallel_loop3A_221, %parallel_loop3A_222] {strides = array<i32>} : memref<128x64xf32, #tpu.memory_space<vmem>>, vector<1x16xf32>,
          %parallel_loop3A_224 = vector.shape_cast %parallel_loop3A_223 : vector<1x16xf32> to vector<16xf32>
          %parallel_loop3A_225 = arith.constant 32 : i32
          %parallel_loop3A_226 = arith.addi %parallel_loop3A_200, %parallel_loop3A_225 : i32
          %parallel_loop3A_227 = arith.index_cast %parallel_loop3A_226 : i32 to index
          %parallel_loop3A_228 = tpu.vector_load %arg10[%parallel_loop3A_227] {strides = array<i32>} : memref<64512xf32, #tpu.memory_space<vmem>>, vector<16xf32>,
          %parallel_loop3A_229 = vector.shape_cast %parallel_loop3A_228 : vector<16xf32> to vector<16xf32>
          %parallel_loop3A_230 = vector.shape_cast %parallel_loop3A_224 : vector<16xf32> to vector<16xf32>
          tpu.vector_store %arg10[%parallel_loop3A_227], %parallel_loop3A_230 {add = true, strides = array<i32>} : memref<64512xf32, #tpu.memory_space<vmem>>, vector<16xf32>,
          %parallel_loop3A_231 = arith.index_cast %parallel_loop3A_198 : i32 to index
          %parallel_loop3A_232 = arith.constant 48 : index
          %parallel_loop3A_233 = tpu.vector_load %arg6[%parallel_loop3A_231, %parallel_loop3A_232] {strides = array<i32>} : memref<128x64xf32, #tpu.memory_space<vmem>>, vector<1x16xf32>,
          %parallel_loop3A_234 = vector.shape_cast %parallel_loop3A_233 : vector<1x16xf32> to vector<16xf32>
          %parallel_loop3A_235 = arith.constant 48 : i32
          %parallel_loop3A_236 = arith.addi %parallel_loop3A_200, %parallel_loop3A_235 : i32
          %parallel_loop3A_237 = arith.index_cast %parallel_loop3A_236 : i32 to index
          %parallel_loop3A_238 = tpu.vector_load %arg10[%parallel_loop3A_237] {strides = array<i32>} : memref<64512xf32, #tpu.memory_space<vmem>>, vector<16xf32>,
          %parallel_loop3A_239 = vector.shape_cast %parallel_loop3A_238 : vector<16xf32> to vector<16xf32>
          %parallel_loop3A_240 = vector.shape_cast %parallel_loop3A_234 : vector<16xf32> to vector<16xf32>
          tpu.vector_store %arg10[%parallel_loop3A_237], %parallel_loop3A_240 {add = true, strides = array<i32>} : memref<64512xf32, #tpu.memory_space<vmem>>, vector<16xf32>,
          %parallel_loop3A_241 = arith.constant 16 : i32
          %parallel_loop3A_242 = arith.muli %parallel_loop3A_194, %parallel_loop3A_241 : i32
          %parallel_loop3A_243 = arith.index_cast %parallel_loop3A_242 : i32 to index
          %parallel_loop3A_244 = tpu.vector_load %arg11[%parallel_loop3A_243] {strides = array<i32>} : memref<16384xf32, #tpu.memory_space<vmem>>, vector<16xf32>,
          %parallel_loop3A_245 = vector.shape_cast %parallel_loop3A_244 : vector<16xf32> to vector<16xf32>
          %parallel_loop3A_246 = vector.shape_cast %broadcast_in_dim3A_3 : vector<16xf32> to vector<16xf32>
          tpu.vector_store %arg11[%parallel_loop3A_243], %parallel_loop3A_246 {add = true, strides = array<i32>} : memref<16384xf32, #tpu.memory_space<vmem>>, vector<16xf32>,
          %parallel_loop3A_247 = vector.extract_strided_slice %parallel_loop3A_84 {offsets = [3], sizes = [1], strides = [1]} : vector<16xi32> to vector<1xi32>
          %parallel_loop3A_248 = vector.extract %parallel_loop3A_247[0] : i32 from vector<1xi32>
          %parallel_loop3A_249 = arith.constant 16 : i32
          %parallel_loop3A_250 = arith.muli %parallel_loop3A_79, %parallel_loop3A_249 : i32
          %parallel_loop3A_251 = arith.constant 3 : i32
          %parallel_loop3A_252 = arith.addi %parallel_loop3A_250, %parallel_loop3A_251 : i32
          %parallel_loop3A_253 = arith.constant 64 : i32
          %parallel_loop3A_254 = arith.muli %parallel_loop3A_248, %parallel_loop3A_253 : i32
          %parallel_loop3A_255 = arith.index_cast %parallel_loop3A_252 : i32 to index
          %parallel_loop3A_256 = arith.constant 0 : index
          %parallel_loop3A_257 = tpu.vector_load %arg6[%parallel_loop3A_255, %parallel_loop3A_256] {strides = array<i32>} : memref<128x64xf32, #tpu.memory_space<vmem>>, vector<1x16xf32>,
          %parallel_loop3A_258 = vector.shape_cast %parallel_loop3A_257 : vector<1x16xf32> to vector<16xf32>
          %parallel_loop3A_259 = arith.constant 0 : i32
          %parallel_loop3A_260 = arith.addi %parallel_loop3A_254, %parallel_loop3A_259 : i32
          %parallel_loop3A_261 = arith.index_cast %parallel_loop3A_260 : i32 to index
          %parallel_loop3A_262 = tpu.vector_load %arg10[%parallel_loop3A_261] {strides = array<i32>} : memref<64512xf32, #tpu.memory_space<vmem>>, vector<16xf32>,
          %parallel_loop3A_263 = vector.shape_cast %parallel_loop3A_262 : vector<16xf32> to vector<16xf32>
          %parallel_loop3A_264 = vector.shape_cast %parallel_loop3A_258 : vector<16xf32> to vector<16xf32>
          tpu.vector_store %arg10[%parallel_loop3A_261], %parallel_loop3A_264 {add = true, strides = array<i32>} : memref<64512xf32, #tpu.memory_space<vmem>>, vector<16xf32>,
          %parallel_loop3A_265 = arith.index_cast %parallel_loop3A_252 : i32 to index
          %parallel_loop3A_266 = arith.constant 16 : index
          %parallel_loop3A_267 = tpu.vector_load %arg6[%parallel_loop3A_265, %parallel_loop3A_266] {strides = array<i32>} : memref<128x64xf32, #tpu.memory_space<vmem>>, vector<1x16xf32>,
          %parallel_loop3A_268 = vector.shape_cast %parallel_loop3A_267 : vector<1x16xf32> to vector<16xf32>
          %parallel_loop3A_269 = arith.constant 16 : i32
          %parallel_loop3A_270 = arith.addi %parallel_loop3A_254, %parallel_loop3A_269 : i32
          %parallel_loop3A_271 = arith.index_cast %parallel_loop3A_270 : i32 to index
          %parallel_loop3A_272 = tpu.vector_load %arg10[%parallel_loop3A_271] {strides = array<i32>} : memref<64512xf32, #tpu.memory_space<vmem>>, vector<16xf32>,
          %parallel_loop3A_273 = vector.shape_cast %parallel_loop3A_272 : vector<16xf32> to vector<16xf32>
          %parallel_loop3A_274 = vector.shape_cast %parallel_loop3A_268 : vector<16xf32> to vector<16xf32>
          tpu.vector_store %arg10[%parallel_loop3A_271], %parallel_loop3A_274 {add = true, strides = array<i32>} : memref<64512xf32, #tpu.memory_space<vmem>>, vector<16xf32>,
          %parallel_loop3A_275 = arith.index_cast %parallel_loop3A_252 : i32 to index
          %parallel_loop3A_276 = arith.constant 32 : index
          %parallel_loop3A_277 = tpu.vector_load %arg6[%parallel_loop3A_275, %parallel_loop3A_276] {strides = array<i32>} : memref<128x64xf32, #tpu.memory_space<vmem>>, vector<1x16xf32>,
          %parallel_loop3A_278 = vector.shape_cast %parallel_loop3A_277 : vector<1x16xf32> to vector<16xf32>
          %parallel_loop3A_279 = arith.constant 32 : i32
          %parallel_loop3A_280 = arith.addi %parallel_loop3A_254, %parallel_loop3A_279 : i32
          %parallel_loop3A_281 = arith.index_cast %parallel_loop3A_280 : i32 to index
          %parallel_loop3A_282 = tpu.vector_load %arg10[%parallel_loop3A_281] {strides = array<i32>} : memref<64512xf32, #tpu.memory_space<vmem>>, vector<16xf32>,
          %parallel_loop3A_283 = vector.shape_cast %parallel_loop3A_282 : vector<16xf32> to vector<16xf32>
          %parallel_loop3A_284 = vector.shape_cast %parallel_loop3A_278 : vector<16xf32> to vector<16xf32>
          tpu.vector_store %arg10[%parallel_loop3A_281], %parallel_loop3A_284 {add = true, strides = array<i32>} : memref<64512xf32, #tpu.memory_space<vmem>>, vector<16xf32>,
          %parallel_loop3A_285 = arith.index_cast %parallel_loop3A_252 : i32 to index
          %parallel_loop3A_286 = arith.constant 48 : index
          %parallel_loop3A_287 = tpu.vector_load %arg6[%parallel_loop3A_285, %parallel_loop3A_286] {strides = array<i32>} : memref<128x64xf32, #tpu.memory_space<vmem>>, vector<1x16xf32>,
          %parallel_loop3A_288 = vector.shape_cast %parallel_loop3A_287 : vector<1x16xf32> to vector<16xf32>
          %parallel_loop3A_289 = arith.constant 48 : i32
          %parallel_loop3A_290 = arith.addi %parallel_loop3A_254, %parallel_loop3A_289 : i32
          %parallel_loop3A_291 = arith.index_cast %parallel_loop3A_290 : i32 to index
          %parallel_loop3A_292 = tpu.vector_load %arg10[%parallel_loop3A_291] {strides = array<i32>} : memref<64512xf32, #tpu.memory_space<vmem>>, vector<16xf32>,
          %parallel_loop3A_293 = vector.shape_cast %parallel_loop3A_292 : vector<16xf32> to vector<16xf32>
          %parallel_loop3A_294 = vector.shape_cast %parallel_loop3A_288 : vector<16xf32> to vector<16xf32>
          tpu.vector_store %arg10[%parallel_loop3A_291], %parallel_loop3A_294 {add = true, strides = array<i32>} : memref<64512xf32, #tpu.memory_space<vmem>>, vector<16xf32>,
          %parallel_loop3A_295 = arith.constant 16 : i32
          %parallel_loop3A_296 = arith.muli %parallel_loop3A_248, %parallel_loop3A_295 : i32
          %parallel_loop3A_297 = arith.index_cast %parallel_loop3A_296 : i32 to index
          %parallel_loop3A_298 = tpu.vector_load %arg11[%parallel_loop3A_297] {strides = array<i32>} : memref<16384xf32, #tpu.memory_space<vmem>>, vector<16xf32>,
          %parallel_loop3A_299 = vector.shape_cast %parallel_loop3A_298 : vector<16xf32> to vector<16xf32>
          %parallel_loop3A_300 = vector.shape_cast %broadcast_in_dim3A_3 : vector<16xf32> to vector<16xf32>
          tpu.vector_store %arg11[%parallel_loop3A_297], %parallel_loop3A_300 {add = true, strides = array<i32>} : memref<16384xf32, #tpu.memory_space<vmem>>, vector<16xf32>,
          %parallel_loop3A_301 = vector.extract_strided_slice %parallel_loop3A_84 {offsets = [4], sizes = [1], strides = [1]} : vector<16xi32> to vector<1xi32>
          %parallel_loop3A_302 = vector.extract %parallel_loop3A_301[0] : i32 from vector<1xi32>
          %parallel_loop3A_303 = arith.constant 16 : i32
          %parallel_loop3A_304 = arith.muli %parallel_loop3A_79, %parallel_loop3A_303 : i32
          %parallel_loop3A_305 = arith.constant 4 : i32
          %parallel_loop3A_306 = arith.addi %parallel_loop3A_304, %parallel_loop3A_305 : i32
          %parallel_loop3A_307 = arith.constant 64 : i32
          %parallel_loop3A_308 = arith.muli %parallel_loop3A_302, %parallel_loop3A_307 : i32
          %parallel_loop3A_309 = arith.index_cast %parallel_loop3A_306 : i32 to index
          %parallel_loop3A_310 = arith.constant 0 : index
          %parallel_loop3A_311 = tpu.vector_load %arg6[%parallel_loop3A_309, %parallel_loop3A_310] {strides = array<i32>} : memref<128x64xf32, #tpu.memory_space<vmem>>, vector<1x16xf32>,
          %parallel_loop3A_312 = vector.shape_cast %parallel_loop3A_311 : vector<1x16xf32> to vector<16xf32>
          %parallel_loop3A_313 = arith.constant 0 : i32
          %parallel_loop3A_314 = arith.addi %parallel_loop3A_308, %parallel_loop3A_313 : i32
          %parallel_loop3A_315 = arith.index_cast %parallel_loop3A_314 : i32 to index
          %parallel_loop3A_316 = tpu.vector_load %arg10[%parallel_loop3A_315] {strides = array<i32>} : memref<64512xf32, #tpu.memory_space<vmem>>, vector<16xf32>,
          %parallel_loop3A_317 = vector.shape_cast %parallel_loop3A_316 : vector<16xf32> to vector<16xf32>
          %parallel_loop3A_318 = vector.shape_cast %parallel_loop3A_312 : vector<16xf32> to vector<16xf32>
          tpu.vector_store %arg10[%parallel_loop3A_315], %parallel_loop3A_318 {add = true, strides = array<i32>} : memref<64512xf32, #tpu.memory_space<vmem>>, vector<16xf32>,
          %parallel_loop3A_319 = arith.index_cast %parallel_loop3A_306 : i32 to index
          %parallel_loop3A_320 = arith.constant 16 : index
          %parallel_loop3A_321 = tpu.vector_load %arg6[%parallel_loop3A_319, %parallel_loop3A_320] {strides = array<i32>} : memref<128x64xf32, #tpu.memory_space<vmem>>, vector<1x16xf32>,
          %parallel_loop3A_322 = vector.shape_cast %parallel_loop3A_321 : vector<1x16xf32> to vector<16xf32>
          %parallel_loop3A_323 = arith.constant 16 : i32
          %parallel_loop3A_324 = arith.addi %parallel_loop3A_308, %parallel_loop3A_323 : i32
          %parallel_loop3A_325 = arith.index_cast %parallel_loop3A_324 : i32 to index
          %parallel_loop3A_326 = tpu.vector_load %arg10[%parallel_loop3A_325] {strides = array<i32>} : memref<64512xf32, #tpu.memory_space<vmem>>, vector<16xf32>,
          %parallel_loop3A_327 = vector.shape_cast %parallel_loop3A_326 : vector<16xf32> to vector<16xf32>
          %parallel_loop3A_328 = vector.shape_cast %parallel_loop3A_322 : vector<16xf32> to vector<16xf32>
          tpu.vector_store %arg10[%parallel_loop3A_325], %parallel_loop3A_328 {add = true, strides = array<i32>} : memref<64512xf32, #tpu.memory_space<vmem>>, vector<16xf32>,
          %parallel_loop3A_329 = arith.index_cast %parallel_loop3A_306 : i32 to index
          %parallel_loop3A_330 = arith.constant 32 : index
          %parallel_loop3A_331 = tpu.vector_load %arg6[%parallel_loop3A_329, %parallel_loop3A_330] {strides = array<i32>} : memref<128x64xf32, #tpu.memory_space<vmem>>, vector<1x16xf32>,
          %parallel_loop3A_332 = vector.shape_cast %parallel_loop3A_331 : vector<1x16xf32> to vector<16xf32>
          %parallel_loop3A_333 = arith.constant 32 : i32
          %parallel_loop3A_334 = arith.addi %parallel_loop3A_308, %parallel_loop3A_333 : i32
          %parallel_loop3A_335 = arith.index_cast %parallel_loop3A_334 : i32 to index
          %parallel_loop3A_336 = tpu.vector_load %arg10[%parallel_loop3A_335] {strides = array<i32>} : memref<64512xf32, #tpu.memory_space<vmem>>, vector<16xf32>,
          %parallel_loop3A_337 = vector.shape_cast %parallel_loop3A_336 : vector<16xf32> to vector<16xf32>
          %parallel_loop3A_338 = vector.shape_cast %parallel_loop3A_332 : vector<16xf32> to vector<16xf32>
          tpu.vector_store %arg10[%parallel_loop3A_335], %parallel_loop3A_338 {add = true, strides = array<i32>} : memref<64512xf32, #tpu.memory_space<vmem>>, vector<16xf32>,
          %parallel_loop3A_339 = arith.index_cast %parallel_loop3A_306 : i32 to index
          %parallel_loop3A_340 = arith.constant 48 : index
          %parallel_loop3A_341 = tpu.vector_load %arg6[%parallel_loop3A_339, %parallel_loop3A_340] {strides = array<i32>} : memref<128x64xf32, #tpu.memory_space<vmem>>, vector<1x16xf32>,
          %parallel_loop3A_342 = vector.shape_cast %parallel_loop3A_341 : vector<1x16xf32> to vector<16xf32>
          %parallel_loop3A_343 = arith.constant 48 : i32
          %parallel_loop3A_344 = arith.addi %parallel_loop3A_308, %parallel_loop3A_343 : i32
          %parallel_loop3A_345 = arith.index_cast %parallel_loop3A_344 : i32 to index
          %parallel_loop3A_346 = tpu.vector_load %arg10[%parallel_loop3A_345] {strides = array<i32>} : memref<64512xf32, #tpu.memory_space<vmem>>, vector<16xf32>,
          %parallel_loop3A_347 = vector.shape_cast %parallel_loop3A_346 : vector<16xf32> to vector<16xf32>
          %parallel_loop3A_348 = vector.shape_cast %parallel_loop3A_342 : vector<16xf32> to vector<16xf32>
          tpu.vector_store %arg10[%parallel_loop3A_345], %parallel_loop3A_348 {add = true, strides = array<i32>} : memref<64512xf32, #tpu.memory_space<vmem>>, vector<16xf32>,
          %parallel_loop3A_349 = arith.constant 16 : i32
          %parallel_loop3A_350 = arith.muli %parallel_loop3A_302, %parallel_loop3A_349 : i32
          %parallel_loop3A_351 = arith.index_cast %parallel_loop3A_350 : i32 to index
          %parallel_loop3A_352 = tpu.vector_load %arg11[%parallel_loop3A_351] {strides = array<i32>} : memref<16384xf32, #tpu.memory_space<vmem>>, vector<16xf32>,
          %parallel_loop3A_353 = vector.shape_cast %parallel_loop3A_352 : vector<16xf32> to vector<16xf32>
          %parallel_loop3A_354 = vector.shape_cast %broadcast_in_dim3A_3 : vector<16xf32> to vector<16xf32>
          tpu.vector_store %arg11[%parallel_loop3A_351], %parallel_loop3A_354 {add = true, strides = array<i32>} : memref<16384xf32, #tpu.memory_space<vmem>>, vector<16xf32>,
          %parallel_loop3A_355 = vector.extract_strided_slice %parallel_loop3A_84 {offsets = [5], sizes = [1], strides = [1]} : vector<16xi32> to vector<1xi32>
          %parallel_loop3A_356 = vector.extract %parallel_loop3A_355[0] : i32 from vector<1xi32>
          %parallel_loop3A_357 = arith.constant 16 : i32
          %parallel_loop3A_358 = arith.muli %parallel_loop3A_79, %parallel_loop3A_357 : i32
          %parallel_loop3A_359 = arith.constant 5 : i32
          %parallel_loop3A_360 = arith.addi %parallel_loop3A_358, %parallel_loop3A_359 : i32
          %parallel_loop3A_361 = arith.constant 64 : i32
          %parallel_loop3A_362 = arith.muli %parallel_loop3A_356, %parallel_loop3A_361 : i32
          %parallel_loop3A_363 = arith.index_cast %parallel_loop3A_360 : i32 to index
          %parallel_loop3A_364 = arith.constant 0 : index
          %parallel_loop3A_365 = tpu.vector_load %arg6[%parallel_loop3A_363, %parallel_loop3A_364] {strides = array<i32>} : memref<128x64xf32, #tpu.memory_space<vmem>>, vector<1x16xf32>,
          %parallel_loop3A_366 = vector.shape_cast %parallel_loop3A_365 : vector<1x16xf32> to vector<16xf32>
          %parallel_loop3A_367 = arith.constant 0 : i32
          %parallel_loop3A_368 = arith.addi %parallel_loop3A_362, %parallel_loop3A_367 : i32
          %parallel_loop3A_369 = arith.index_cast %parallel_loop3A_368 : i32 to index
          %parallel_loop3A_370 = tpu.vector_load %arg10[%parallel_loop3A_369] {strides = array<i32>} : memref<64512xf32, #tpu.memory_space<vmem>>, vector<16xf32>,
          %parallel_loop3A_371 = vector.shape_cast %parallel_loop3A_370 : vector<16xf32> to vector<16xf32>
          %parallel_loop3A_372 = vector.shape_cast %parallel_loop3A_366 : vector<16xf32> to vector<16xf32>
          tpu.vector_store %arg10[%parallel_loop3A_369], %parallel_loop3A_372 {add = true, strides = array<i32>} : memref<64512xf32, #tpu.memory_space<vmem>>, vector<16xf32>,
          %parallel_loop3A_373 = arith.index_cast %parallel_loop3A_360 : i32 to index
          %parallel_loop3A_374 = arith.constant 16 : index
          %parallel_loop3A_375 = tpu.vector_load %arg6[%parallel_loop3A_373, %parallel_loop3A_374] {strides = array<i32>} : memref<128x64xf32, #tpu.memory_space<vmem>>, vector<1x16xf32>,
          %parallel_loop3A_376 = vector.shape_cast %parallel_loop3A_375 : vector<1x16xf32> to vector<16xf32>
          %parallel_loop3A_377 = arith.constant 16 : i32
          %parallel_loop3A_378 = arith.addi %parallel_loop3A_362, %parallel_loop3A_377 : i32
          %parallel_loop3A_379 = arith.index_cast %parallel_loop3A_378 : i32 to index
          %parallel_loop3A_380 = tpu.vector_load %arg10[%parallel_loop3A_379] {strides = array<i32>} : memref<64512xf32, #tpu.memory_space<vmem>>, vector<16xf32>,
          %parallel_loop3A_381 = vector.shape_cast %parallel_loop3A_380 : vector<16xf32> to vector<16xf32>
          %parallel_loop3A_382 = vector.shape_cast %parallel_loop3A_376 : vector<16xf32> to vector<16xf32>
          tpu.vector_store %arg10[%parallel_loop3A_379], %parallel_loop3A_382 {add = true, strides = array<i32>} : memref<64512xf32, #tpu.memory_space<vmem>>, vector<16xf32>,
          %parallel_loop3A_383 = arith.index_cast %parallel_loop3A_360 : i32 to index
          %parallel_loop3A_384 = arith.constant 32 : index
          %parallel_loop3A_385 = tpu.vector_load %arg6[%parallel_loop3A_383, %parallel_loop3A_384] {strides = array<i32>} : memref<128x64xf32, #tpu.memory_space<vmem>>, vector<1x16xf32>,
          %parallel_loop3A_386 = vector.shape_cast %parallel_loop3A_385 : vector<1x16xf32> to vector<16xf32>
          %parallel_loop3A_387 = arith.constant 32 : i32
          %parallel_loop3A_388 = arith.addi %parallel_loop3A_362, %parallel_loop3A_387 : i32
          %parallel_loop3A_389 = arith.index_cast %parallel_loop3A_388 : i32 to index
          %parallel_loop3A_390 = tpu.vector_load %arg10[%parallel_loop3A_389] {strides = array<i32>} : memref<64512xf32, #tpu.memory_space<vmem>>, vector<16xf32>,
          %parallel_loop3A_391 = vector.shape_cast %parallel_loop3A_390 : vector<16xf32> to vector<16xf32>
          %parallel_loop3A_392 = vector.shape_cast %parallel_loop3A_386 : vector<16xf32> to vector<16xf32>
          tpu.vector_store %arg10[%parallel_loop3A_389], %parallel_loop3A_392 {add = true, strides = array<i32>} : memref<64512xf32, #tpu.memory_space<vmem>>, vector<16xf32>,
          %parallel_loop3A_393 = arith.index_cast %parallel_loop3A_360 : i32 to index
          %parallel_loop3A_394 = arith.constant 48 : index
          %parallel_loop3A_395 = tpu.vector_load %arg6[%parallel_loop3A_393, %parallel_loop3A_394] {strides = array<i32>} : memref<128x64xf32, #tpu.memory_space<vmem>>, vector<1x16xf32>,
          %parallel_loop3A_396 = vector.shape_cast %parallel_loop3A_395 : vector<1x16xf32> to vector<16xf32>
          %parallel_loop3A_397 = arith.constant 48 : i32
          %parallel_loop3A_398 = arith.addi %parallel_loop3A_362, %parallel_loop3A_397 : i32
          %parallel_loop3A_399 = arith.index_cast %parallel_loop3A_398 : i32 to index
          %parallel_loop3A_400 = tpu.vector_load %arg10[%parallel_loop3A_399] {strides = array<i32>} : memref<64512xf32, #tpu.memory_space<vmem>>, vector<16xf32>,
          %parallel_loop3A_401 = vector.shape_cast %parallel_loop3A_400 : vector<16xf32> to vector<16xf32>
          %parallel_loop3A_402 = vector.shape_cast %parallel_loop3A_396 : vector<16xf32> to vector<16xf32>
          tpu.vector_store %arg10[%parallel_loop3A_399], %parallel_loop3A_402 {add = true, strides = array<i32>} : memref<64512xf32, #tpu.memory_space<vmem>>, vector<16xf32>,
          %parallel_loop3A_403 = arith.constant 16 : i32
          %parallel_loop3A_404 = arith.muli %parallel_loop3A_356, %parallel_loop3A_403 : i32
          %parallel_loop3A_405 = arith.index_cast %parallel_loop3A_404 : i32 to index
          %parallel_loop3A_406 = tpu.vector_load %arg11[%parallel_loop3A_405] {strides = array<i32>} : memref<16384xf32, #tpu.memory_space<vmem>>, vector<16xf32>,
          %parallel_loop3A_407 = vector.shape_cast %parallel_loop3A_406 : vector<16xf32> to vector<16xf32>
          %parallel_loop3A_408 = vector.shape_cast %broadcast_in_dim3A_3 : vector<16xf32> to vector<16xf32>
          tpu.vector_store %arg11[%parallel_loop3A_405], %parallel_loop3A_408 {add = true, strides = array<i32>} : memref<16384xf32, #tpu.memory_space<vmem>>, vector<16xf32>,
          %parallel_loop3A_409 = vector.extract_strided_slice %parallel_loop3A_84 {offsets = [6], sizes = [1], strides = [1]} : vector<16xi32> to vector<1xi32>
          %parallel_loop3A_410 = vector.extract %parallel_loop3A_409[0] : i32 from vector<1xi32>
          %parallel_loop3A_411 = arith.constant 16 : i32
          %parallel_loop3A_412 = arith.muli %parallel_loop3A_79, %parallel_loop3A_411 : i32
          %parallel_loop3A_413 = arith.constant 6 : i32
          %parallel_loop3A_414 = arith.addi %parallel_loop3A_412, %parallel_loop3A_413 : i32
          %parallel_loop3A_415 = arith.constant 64 : i32
          %parallel_loop3A_416 = arith.muli %parallel_loop3A_410, %parallel_loop3A_415 : i32
          %parallel_loop3A_417 = arith.index_cast %parallel_loop3A_414 : i32 to index
          %parallel_loop3A_418 = arith.constant 0 : index
          %parallel_loop3A_419 = tpu.vector_load %arg6[%parallel_loop3A_417, %parallel_loop3A_418] {strides = array<i32>} : memref<128x64xf32, #tpu.memory_space<vmem>>, vector<1x16xf32>,
          %parallel_loop3A_420 = vector.shape_cast %parallel_loop3A_419 : vector<1x16xf32> to vector<16xf32>
          %parallel_loop3A_421 = arith.constant 0 : i32
          %parallel_loop3A_422 = arith.addi %parallel_loop3A_416, %parallel_loop3A_421 : i32
          %parallel_loop3A_423 = arith.index_cast %parallel_loop3A_422 : i32 to index
          %parallel_loop3A_424 = tpu.vector_load %arg10[%parallel_loop3A_423] {strides = array<i32>} : memref<64512xf32, #tpu.memory_space<vmem>>, vector<16xf32>,
          %parallel_loop3A_425 = vector.shape_cast %parallel_loop3A_424 : vector<16xf32> to vector<16xf32>
          %parallel_loop3A_426 = vector.shape_cast %parallel_loop3A_420 : vector<16xf32> to vector<16xf32>
          tpu.vector_store %arg10[%parallel_loop3A_423], %parallel_loop3A_426 {add = true, strides = array<i32>} : memref<64512xf32, #tpu.memory_space<vmem>>, vector<16xf32>,
          %parallel_loop3A_427 = arith.index_cast %parallel_loop3A_414 : i32 to index
          %parallel_loop3A_428 = arith.constant 16 : index
          %parallel_loop3A_429 = tpu.vector_load %arg6[%parallel_loop3A_427, %parallel_loop3A_428] {strides = array<i32>} : memref<128x64xf32, #tpu.memory_space<vmem>>, vector<1x16xf32>,
          %parallel_loop3A_430 = vector.shape_cast %parallel_loop3A_429 : vector<1x16xf32> to vector<16xf32>
          %parallel_loop3A_431 = arith.constant 16 : i32
          %parallel_loop3A_432 = arith.addi %parallel_loop3A_416, %parallel_loop3A_431 : i32
          %parallel_loop3A_433 = arith.index_cast %parallel_loop3A_432 : i32 to index
          %parallel_loop3A_434 = tpu.vector_load %arg10[%parallel_loop3A_433] {strides = array<i32>} : memref<64512xf32, #tpu.memory_space<vmem>>, vector<16xf32>,
          %parallel_loop3A_435 = vector.shape_cast %parallel_loop3A_434 : vector<16xf32> to vector<16xf32>
          %parallel_loop3A_436 = vector.shape_cast %parallel_loop3A_430 : vector<16xf32> to vector<16xf32>
          tpu.vector_store %arg10[%parallel_loop3A_433], %parallel_loop3A_436 {add = true, strides = array<i32>} : memref<64512xf32, #tpu.memory_space<vmem>>, vector<16xf32>,
          %parallel_loop3A_437 = arith.index_cast %parallel_loop3A_414 : i32 to index
          %parallel_loop3A_438 = arith.constant 32 : index
          %parallel_loop3A_439 = tpu.vector_load %arg6[%parallel_loop3A_437, %parallel_loop3A_438] {strides = array<i32>} : memref<128x64xf32, #tpu.memory_space<vmem>>, vector<1x16xf32>,
          %parallel_loop3A_440 = vector.shape_cast %parallel_loop3A_439 : vector<1x16xf32> to vector<16xf32>
          %parallel_loop3A_441 = arith.constant 32 : i32
          %parallel_loop3A_442 = arith.addi %parallel_loop3A_416, %parallel_loop3A_441 : i32
          %parallel_loop3A_443 = arith.index_cast %parallel_loop3A_442 : i32 to index
          %parallel_loop3A_444 = tpu.vector_load %arg10[%parallel_loop3A_443] {strides = array<i32>} : memref<64512xf32, #tpu.memory_space<vmem>>, vector<16xf32>,
          %parallel_loop3A_445 = vector.shape_cast %parallel_loop3A_444 : vector<16xf32> to vector<16xf32>
          %parallel_loop3A_446 = vector.shape_cast %parallel_loop3A_440 : vector<16xf32> to vector<16xf32>
          tpu.vector_store %arg10[%parallel_loop3A_443], %parallel_loop3A_446 {add = true, strides = array<i32>} : memref<64512xf32, #tpu.memory_space<vmem>>, vector<16xf32>,
          %parallel_loop3A_447 = arith.index_cast %parallel_loop3A_414 : i32 to index
          %parallel_loop3A_448 = arith.constant 48 : index
          %parallel_loop3A_449 = tpu.vector_load %arg6[%parallel_loop3A_447, %parallel_loop3A_448] {strides = array<i32>} : memref<128x64xf32, #tpu.memory_space<vmem>>, vector<1x16xf32>,
          %parallel_loop3A_450 = vector.shape_cast %parallel_loop3A_449 : vector<1x16xf32> to vector<16xf32>
          %parallel_loop3A_451 = arith.constant 48 : i32
          %parallel_loop3A_452 = arith.addi %parallel_loop3A_416, %parallel_loop3A_451 : i32
          %parallel_loop3A_453 = arith.index_cast %parallel_loop3A_452 : i32 to index
          %parallel_loop3A_454 = tpu.vector_load %arg10[%parallel_loop3A_453] {strides = array<i32>} : memref<64512xf32, #tpu.memory_space<vmem>>, vector<16xf32>,
          %parallel_loop3A_455 = vector.shape_cast %parallel_loop3A_454 : vector<16xf32> to vector<16xf32>
          %parallel_loop3A_456 = vector.shape_cast %parallel_loop3A_450 : vector<16xf32> to vector<16xf32>
          tpu.vector_store %arg10[%parallel_loop3A_453], %parallel_loop3A_456 {add = true, strides = array<i32>} : memref<64512xf32, #tpu.memory_space<vmem>>, vector<16xf32>,
          %parallel_loop3A_457 = arith.constant 16 : i32
          %parallel_loop3A_458 = arith.muli %parallel_loop3A_410, %parallel_loop3A_457 : i32
          %parallel_loop3A_459 = arith.index_cast %parallel_loop3A_458 : i32 to index
          %parallel_loop3A_460 = tpu.vector_load %arg11[%parallel_loop3A_459] {strides = array<i32>} : memref<16384xf32, #tpu.memory_space<vmem>>, vector<16xf32>,
          %parallel_loop3A_461 = vector.shape_cast %parallel_loop3A_460 : vector<16xf32> to vector<16xf32>
          %parallel_loop3A_462 = vector.shape_cast %broadcast_in_dim3A_3 : vector<16xf32> to vector<16xf32>
          tpu.vector_store %arg11[%parallel_loop3A_459], %parallel_loop3A_462 {add = true, strides = array<i32>} : memref<16384xf32, #tpu.memory_space<vmem>>, vector<16xf32>,
          %parallel_loop3A_463 = vector.extract_strided_slice %parallel_loop3A_84 {offsets = [7], sizes = [1], strides = [1]} : vector<16xi32> to vector<1xi32>
          %parallel_loop3A_464 = vector.extract %parallel_loop3A_463[0] : i32 from vector<1xi32>
          %parallel_loop3A_465 = arith.constant 16 : i32
          %parallel_loop3A_466 = arith.muli %parallel_loop3A_79, %parallel_loop3A_465 : i32
          %parallel_loop3A_467 = arith.constant 7 : i32
          %parallel_loop3A_468 = arith.addi %parallel_loop3A_466, %parallel_loop3A_467 : i32
          %parallel_loop3A_469 = arith.constant 64 : i32
          %parallel_loop3A_470 = arith.muli %parallel_loop3A_464, %parallel_loop3A_469 : i32
          %parallel_loop3A_471 = arith.index_cast %parallel_loop3A_468 : i32 to index
          %parallel_loop3A_472 = arith.constant 0 : index
          %parallel_loop3A_473 = tpu.vector_load %arg6[%parallel_loop3A_471, %parallel_loop3A_472] {strides = array<i32>} : memref<128x64xf32, #tpu.memory_space<vmem>>, vector<1x16xf32>,
          %parallel_loop3A_474 = vector.shape_cast %parallel_loop3A_473 : vector<1x16xf32> to vector<16xf32>
          %parallel_loop3A_475 = arith.constant 0 : i32
          %parallel_loop3A_476 = arith.addi %parallel_loop3A_470, %parallel_loop3A_475 : i32
          %parallel_loop3A_477 = arith.index_cast %parallel_loop3A_476 : i32 to index
          %parallel_loop3A_478 = tpu.vector_load %arg10[%parallel_loop3A_477] {strides = array<i32>} : memref<64512xf32, #tpu.memory_space<vmem>>, vector<16xf32>,
          %parallel_loop3A_479 = vector.shape_cast %parallel_loop3A_478 : vector<16xf32> to vector<16xf32>
          %parallel_loop3A_480 = vector.shape_cast %parallel_loop3A_474 : vector<16xf32> to vector<16xf32>
          tpu.vector_store %arg10[%parallel_loop3A_477], %parallel_loop3A_480 {add = true, strides = array<i32>} : memref<64512xf32, #tpu.memory_space<vmem>>, vector<16xf32>,
          %parallel_loop3A_481 = arith.index_cast %parallel_loop3A_468 : i32 to index
          %parallel_loop3A_482 = arith.constant 16 : index
          %parallel_loop3A_483 = tpu.vector_load %arg6[%parallel_loop3A_481, %parallel_loop3A_482] {strides = array<i32>} : memref<128x64xf32, #tpu.memory_space<vmem>>, vector<1x16xf32>,
          %parallel_loop3A_484 = vector.shape_cast %parallel_loop3A_483 : vector<1x16xf32> to vector<16xf32>
          %parallel_loop3A_485 = arith.constant 16 : i32
          %parallel_loop3A_486 = arith.addi %parallel_loop3A_470, %parallel_loop3A_485 : i32
          %parallel_loop3A_487 = arith.index_cast %parallel_loop3A_486 : i32 to index
          %parallel_loop3A_488 = tpu.vector_load %arg10[%parallel_loop3A_487] {strides = array<i32>} : memref<64512xf32, #tpu.memory_space<vmem>>, vector<16xf32>,
          %parallel_loop3A_489 = vector.shape_cast %parallel_loop3A_488 : vector<16xf32> to vector<16xf32>
          %parallel_loop3A_490 = vector.shape_cast %parallel_loop3A_484 : vector<16xf32> to vector<16xf32>
          tpu.vector_store %arg10[%parallel_loop3A_487], %parallel_loop3A_490 {add = true, strides = array<i32>} : memref<64512xf32, #tpu.memory_space<vmem>>, vector<16xf32>,
          %parallel_loop3A_491 = arith.index_cast %parallel_loop3A_468 : i32 to index
          %parallel_loop3A_492 = arith.constant 32 : index
          %parallel_loop3A_493 = tpu.vector_load %arg6[%parallel_loop3A_491, %parallel_loop3A_492] {strides = array<i32>} : memref<128x64xf32, #tpu.memory_space<vmem>>, vector<1x16xf32>,
          %parallel_loop3A_494 = vector.shape_cast %parallel_loop3A_493 : vector<1x16xf32> to vector<16xf32>
          %parallel_loop3A_495 = arith.constant 32 : i32
          %parallel_loop3A_496 = arith.addi %parallel_loop3A_470, %parallel_loop3A_495 : i32
          %parallel_loop3A_497 = arith.index_cast %parallel_loop3A_496 : i32 to index
          %parallel_loop3A_498 = tpu.vector_load %arg10[%parallel_loop3A_497] {strides = array<i32>} : memref<64512xf32, #tpu.memory_space<vmem>>, vector<16xf32>,
          %parallel_loop3A_499 = vector.shape_cast %parallel_loop3A_498 : vector<16xf32> to vector<16xf32>
          %parallel_loop3A_500 = vector.shape_cast %parallel_loop3A_494 : vector<16xf32> to vector<16xf32>
          tpu.vector_store %arg10[%parallel_loop3A_497], %parallel_loop3A_500 {add = true, strides = array<i32>} : memref<64512xf32, #tpu.memory_space<vmem>>, vector<16xf32>,
          %parallel_loop3A_501 = arith.index_cast %parallel_loop3A_468 : i32 to index
          %parallel_loop3A_502 = arith.constant 48 : index
          %parallel_loop3A_503 = tpu.vector_load %arg6[%parallel_loop3A_501, %parallel_loop3A_502] {strides = array<i32>} : memref<128x64xf32, #tpu.memory_space<vmem>>, vector<1x16xf32>,
          %parallel_loop3A_504 = vector.shape_cast %parallel_loop3A_503 : vector<1x16xf32> to vector<16xf32>
          %parallel_loop3A_505 = arith.constant 48 : i32
          %parallel_loop3A_506 = arith.addi %parallel_loop3A_470, %parallel_loop3A_505 : i32
          %parallel_loop3A_507 = arith.index_cast %parallel_loop3A_506 : i32 to index
          %parallel_loop3A_508 = tpu.vector_load %arg10[%parallel_loop3A_507] {strides = array<i32>} : memref<64512xf32, #tpu.memory_space<vmem>>, vector<16xf32>,
          %parallel_loop3A_509 = vector.shape_cast %parallel_loop3A_508 : vector<16xf32> to vector<16xf32>
          %parallel_loop3A_510 = vector.shape_cast %parallel_loop3A_504 : vector<16xf32> to vector<16xf32>
          tpu.vector_store %arg10[%parallel_loop3A_507], %parallel_loop3A_510 {add = true, strides = array<i32>} : memref<64512xf32, #tpu.memory_space<vmem>>, vector<16xf32>,
          %parallel_loop3A_511 = arith.constant 16 : i32
          %parallel_loop3A_512 = arith.muli %parallel_loop3A_464, %parallel_loop3A_511 : i32
          %parallel_loop3A_513 = arith.index_cast %parallel_loop3A_512 : i32 to index
          %parallel_loop3A_514 = tpu.vector_load %arg11[%parallel_loop3A_513] {strides = array<i32>} : memref<16384xf32, #tpu.memory_space<vmem>>, vector<16xf32>,
          %parallel_loop3A_515 = vector.shape_cast %parallel_loop3A_514 : vector<16xf32> to vector<16xf32>
          %parallel_loop3A_516 = vector.shape_cast %broadcast_in_dim3A_3 : vector<16xf32> to vector<16xf32>
          tpu.vector_store %arg11[%parallel_loop3A_513], %parallel_loop3A_516 {add = true, strides = array<i32>} : memref<16384xf32, #tpu.memory_space<vmem>>, vector<16xf32>,
          %parallel_loop3A_517 = vector.extract_strided_slice %parallel_loop3A_84 {offsets = [8], sizes = [1], strides = [1]} : vector<16xi32> to vector<1xi32>
          %parallel_loop3A_518 = vector.extract %parallel_loop3A_517[0] : i32 from vector<1xi32>
          %parallel_loop3A_519 = arith.constant 16 : i32
          %parallel_loop3A_520 = arith.muli %parallel_loop3A_79, %parallel_loop3A_519 : i32
          %parallel_loop3A_521 = arith.constant 8 : i32
          %parallel_loop3A_522 = arith.addi %parallel_loop3A_520, %parallel_loop3A_521 : i32
          %parallel_loop3A_523 = arith.constant 64 : i32
          %parallel_loop3A_524 = arith.muli %parallel_loop3A_518, %parallel_loop3A_523 : i32
          %parallel_loop3A_525 = arith.index_cast %parallel_loop3A_522 : i32 to index
          %parallel_loop3A_526 = arith.constant 0 : index
          %parallel_loop3A_527 = tpu.vector_load %arg6[%parallel_loop3A_525, %parallel_loop3A_526] {strides = array<i32>} : memref<128x64xf32, #tpu.memory_space<vmem>>, vector<1x16xf32>,
          %parallel_loop3A_528 = vector.shape_cast %parallel_loop3A_527 : vector<1x16xf32> to vector<16xf32>
          %parallel_loop3A_529 = arith.constant 0 : i32
          %parallel_loop3A_530 = arith.addi %parallel_loop3A_524, %parallel_loop3A_529 : i32
          %parallel_loop3A_531 = arith.index_cast %parallel_loop3A_530 : i32 to index
          %parallel_loop3A_532 = tpu.vector_load %arg10[%parallel_loop3A_531] {strides = array<i32>} : memref<64512xf32, #tpu.memory_space<vmem>>, vector<16xf32>,
          %parallel_loop3A_533 = vector.shape_cast %parallel_loop3A_532 : vector<16xf32> to vector<16xf32>
          %parallel_loop3A_534 = vector.shape_cast %parallel_loop3A_528 : vector<16xf32> to vector<16xf32>
          tpu.vector_store %arg10[%parallel_loop3A_531], %parallel_loop3A_534 {add = true, strides = array<i32>} : memref<64512xf32, #tpu.memory_space<vmem>>, vector<16xf32>,
          %parallel_loop3A_535 = arith.index_cast %parallel_loop3A_522 : i32 to index
          %parallel_loop3A_536 = arith.constant 16 : index
          %parallel_loop3A_537 = tpu.vector_load %arg6[%parallel_loop3A_535, %parallel_loop3A_536] {strides = array<i32>} : memref<128x64xf32, #tpu.memory_space<vmem>>, vector<1x16xf32>,
          %parallel_loop3A_538 = vector.shape_cast %parallel_loop3A_537 : vector<1x16xf32> to vector<16xf32>
          %parallel_loop3A_539 = arith.constant 16 : i32
          %parallel_loop3A_540 = arith.addi %parallel_loop3A_524, %parallel_loop3A_539 : i32
          %parallel_loop3A_541 = arith.index_cast %parallel_loop3A_540 : i32 to index
          %parallel_loop3A_542 = tpu.vector_load %arg10[%parallel_loop3A_541] {strides = array<i32>} : memref<64512xf32, #tpu.memory_space<vmem>>, vector<16xf32>,
          %parallel_loop3A_543 = vector.shape_cast %parallel_loop3A_542 : vector<16xf32> to vector<16xf32>
          %parallel_loop3A_544 = vector.shape_cast %parallel_loop3A_538 : vector<16xf32> to vector<16xf32>
          tpu.vector_store %arg10[%parallel_loop3A_541], %parallel_loop3A_544 {add = true, strides = array<i32>} : memref<64512xf32, #tpu.memory_space<vmem>>, vector<16xf32>,
          %parallel_loop3A_545 = arith.index_cast %parallel_loop3A_522 : i32 to index
          %parallel_loop3A_546 = arith.constant 32 : index
          %parallel_loop3A_547 = tpu.vector_load %arg6[%parallel_loop3A_545, %parallel_loop3A_546] {strides = array<i32>} : memref<128x64xf32, #tpu.memory_space<vmem>>, vector<1x16xf32>,
          %parallel_loop3A_548 = vector.shape_cast %parallel_loop3A_547 : vector<1x16xf32> to vector<16xf32>
          %parallel_loop3A_549 = arith.constant 32 : i32
          %parallel_loop3A_550 = arith.addi %parallel_loop3A_524, %parallel_loop3A_549 : i32
          %parallel_loop3A_551 = arith.index_cast %parallel_loop3A_550 : i32 to index
          %parallel_loop3A_552 = tpu.vector_load %arg10[%parallel_loop3A_551] {strides = array<i32>} : memref<64512xf32, #tpu.memory_space<vmem>>, vector<16xf32>,
          %parallel_loop3A_553 = vector.shape_cast %parallel_loop3A_552 : vector<16xf32> to vector<16xf32>
          %parallel_loop3A_554 = vector.shape_cast %parallel_loop3A_548 : vector<16xf32> to vector<16xf32>
          tpu.vector_store %arg10[%parallel_loop3A_551], %parallel_loop3A_554 {add = true, strides = array<i32>} : memref<64512xf32, #tpu.memory_space<vmem>>, vector<16xf32>,
          %parallel_loop3A_555 = arith.index_cast %parallel_loop3A_522 : i32 to index
          %parallel_loop3A_556 = arith.constant 48 : index
          %parallel_loop3A_557 = tpu.vector_load %arg6[%parallel_loop3A_555, %parallel_loop3A_556] {strides = array<i32>} : memref<128x64xf32, #tpu.memory_space<vmem>>, vector<1x16xf32>,
          %parallel_loop3A_558 = vector.shape_cast %parallel_loop3A_557 : vector<1x16xf32> to vector<16xf32>
          %parallel_loop3A_559 = arith.constant 48 : i32
          %parallel_loop3A_560 = arith.addi %parallel_loop3A_524, %parallel_loop3A_559 : i32
          %parallel_loop3A_561 = arith.index_cast %parallel_loop3A_560 : i32 to index
          %parallel_loop3A_562 = tpu.vector_load %arg10[%parallel_loop3A_561] {strides = array<i32>} : memref<64512xf32, #tpu.memory_space<vmem>>, vector<16xf32>,
          %parallel_loop3A_563 = vector.shape_cast %parallel_loop3A_562 : vector<16xf32> to vector<16xf32>
          %parallel_loop3A_564 = vector.shape_cast %parallel_loop3A_558 : vector<16xf32> to vector<16xf32>
          tpu.vector_store %arg10[%parallel_loop3A_561], %parallel_loop3A_564 {add = true, strides = array<i32>} : memref<64512xf32, #tpu.memory_space<vmem>>, vector<16xf32>,
          %parallel_loop3A_565 = arith.constant 16 : i32
          %parallel_loop3A_566 = arith.muli %parallel_loop3A_518, %parallel_loop3A_565 : i32
          %parallel_loop3A_567 = arith.index_cast %parallel_loop3A_566 : i32 to index
          %parallel_loop3A_568 = tpu.vector_load %arg11[%parallel_loop3A_567] {strides = array<i32>} : memref<16384xf32, #tpu.memory_space<vmem>>, vector<16xf32>,
          %parallel_loop3A_569 = vector.shape_cast %parallel_loop3A_568 : vector<16xf32> to vector<16xf32>
          %parallel_loop3A_570 = vector.shape_cast %broadcast_in_dim3A_3 : vector<16xf32> to vector<16xf32>
          tpu.vector_store %arg11[%parallel_loop3A_567], %parallel_loop3A_570 {add = true, strides = array<i32>} : memref<16384xf32, #tpu.memory_space<vmem>>, vector<16xf32>,
          %parallel_loop3A_571 = vector.extract_strided_slice %parallel_loop3A_84 {offsets = [9], sizes = [1], strides = [1]} : vector<16xi32> to vector<1xi32>
          %parallel_loop3A_572 = vector.extract %parallel_loop3A_571[0] : i32 from vector<1xi32>
          %parallel_loop3A_573 = arith.constant 16 : i32
          %parallel_loop3A_574 = arith.muli %parallel_loop3A_79, %parallel_loop3A_573 : i32
          %parallel_loop3A_575 = arith.constant 9 : i32
          %parallel_loop3A_576 = arith.addi %parallel_loop3A_574, %parallel_loop3A_575 : i32
          %parallel_loop3A_577 = arith.constant 64 : i32
          %parallel_loop3A_578 = arith.muli %parallel_loop3A_572, %parallel_loop3A_577 : i32
          %parallel_loop3A_579 = arith.index_cast %parallel_loop3A_576 : i32 to index
          %parallel_loop3A_580 = arith.constant 0 : index
          %parallel_loop3A_581 = tpu.vector_load %arg6[%parallel_loop3A_579, %parallel_loop3A_580] {strides = array<i32>} : memref<128x64xf32, #tpu.memory_space<vmem>>, vector<1x16xf32>,
          %parallel_loop3A_582 = vector.shape_cast %parallel_loop3A_581 : vector<1x16xf32> to vector<16xf32>
          %parallel_loop3A_583 = arith.constant 0 : i32
          %parallel_loop3A_584 = arith.addi %parallel_loop3A_578, %parallel_loop3A_583 : i32
          %parallel_loop3A_585 = arith.index_cast %parallel_loop3A_584 : i32 to index
          %parallel_loop3A_586 = tpu.vector_load %arg10[%parallel_loop3A_585] {strides = array<i32>} : memref<64512xf32, #tpu.memory_space<vmem>>, vector<16xf32>,
          %parallel_loop3A_587 = vector.shape_cast %parallel_loop3A_586 : vector<16xf32> to vector<16xf32>
          %parallel_loop3A_588 = vector.shape_cast %parallel_loop3A_582 : vector<16xf32> to vector<16xf32>
          tpu.vector_store %arg10[%parallel_loop3A_585], %parallel_loop3A_588 {add = true, strides = array<i32>} : memref<64512xf32, #tpu.memory_space<vmem>>, vector<16xf32>,
          %parallel_loop3A_589 = arith.index_cast %parallel_loop3A_576 : i32 to index
          %parallel_loop3A_590 = arith.constant 16 : index
          %parallel_loop3A_591 = tpu.vector_load %arg6[%parallel_loop3A_589, %parallel_loop3A_590] {strides = array<i32>} : memref<128x64xf32, #tpu.memory_space<vmem>>, vector<1x16xf32>,
          %parallel_loop3A_592 = vector.shape_cast %parallel_loop3A_591 : vector<1x16xf32> to vector<16xf32>
          %parallel_loop3A_593 = arith.constant 16 : i32
          %parallel_loop3A_594 = arith.addi %parallel_loop3A_578, %parallel_loop3A_593 : i32
          %parallel_loop3A_595 = arith.index_cast %parallel_loop3A_594 : i32 to index
          %parallel_loop3A_596 = tpu.vector_load %arg10[%parallel_loop3A_595] {strides = array<i32>} : memref<64512xf32, #tpu.memory_space<vmem>>, vector<16xf32>,
          %parallel_loop3A_597 = vector.shape_cast %parallel_loop3A_596 : vector<16xf32> to vector<16xf32>
          %parallel_loop3A_598 = vector.shape_cast %parallel_loop3A_592 : vector<16xf32> to vector<16xf32>
          tpu.vector_store %arg10[%parallel_loop3A_595], %parallel_loop3A_598 {add = true, strides = array<i32>} : memref<64512xf32, #tpu.memory_space<vmem>>, vector<16xf32>,
          %parallel_loop3A_599 = arith.index_cast %parallel_loop3A_576 : i32 to index
          %parallel_loop3A_600 = arith.constant 32 : index
          %parallel_loop3A_601 = tpu.vector_load %arg6[%parallel_loop3A_599, %parallel_loop3A_600] {strides = array<i32>} : memref<128x64xf32, #tpu.memory_space<vmem>>, vector<1x16xf32>,
          %parallel_loop3A_602 = vector.shape_cast %parallel_loop3A_601 : vector<1x16xf32> to vector<16xf32>
          %parallel_loop3A_603 = arith.constant 32 : i32
          %parallel_loop3A_604 = arith.addi %parallel_loop3A_578, %parallel_loop3A_603 : i32
          %parallel_loop3A_605 = arith.index_cast %parallel_loop3A_604 : i32 to index
          %parallel_loop3A_606 = tpu.vector_load %arg10[%parallel_loop3A_605] {strides = array<i32>} : memref<64512xf32, #tpu.memory_space<vmem>>, vector<16xf32>,
          %parallel_loop3A_607 = vector.shape_cast %parallel_loop3A_606 : vector<16xf32> to vector<16xf32>
          %parallel_loop3A_608 = vector.shape_cast %parallel_loop3A_602 : vector<16xf32> to vector<16xf32>
          tpu.vector_store %arg10[%parallel_loop3A_605], %parallel_loop3A_608 {add = true, strides = array<i32>} : memref<64512xf32, #tpu.memory_space<vmem>>, vector<16xf32>,
          %parallel_loop3A_609 = arith.index_cast %parallel_loop3A_576 : i32 to index
          %parallel_loop3A_610 = arith.constant 48 : index
          %parallel_loop3A_611 = tpu.vector_load %arg6[%parallel_loop3A_609, %parallel_loop3A_610] {strides = array<i32>} : memref<128x64xf32, #tpu.memory_space<vmem>>, vector<1x16xf32>,
          %parallel_loop3A_612 = vector.shape_cast %parallel_loop3A_611 : vector<1x16xf32> to vector<16xf32>
          %parallel_loop3A_613 = arith.constant 48 : i32
          %parallel_loop3A_614 = arith.addi %parallel_loop3A_578, %parallel_loop3A_613 : i32
          %parallel_loop3A_615 = arith.index_cast %parallel_loop3A_614 : i32 to index
          %parallel_loop3A_616 = tpu.vector_load %arg10[%parallel_loop3A_615] {strides = array<i32>} : memref<64512xf32, #tpu.memory_space<vmem>>, vector<16xf32>,
          %parallel_loop3A_617 = vector.shape_cast %parallel_loop3A_616 : vector<16xf32> to vector<16xf32>
          %parallel_loop3A_618 = vector.shape_cast %parallel_loop3A_612 : vector<16xf32> to vector<16xf32>
          tpu.vector_store %arg10[%parallel_loop3A_615], %parallel_loop3A_618 {add = true, strides = array<i32>} : memref<64512xf32, #tpu.memory_space<vmem>>, vector<16xf32>,
          %parallel_loop3A_619 = arith.constant 16 : i32
          %parallel_loop3A_620 = arith.muli %parallel_loop3A_572, %parallel_loop3A_619 : i32
          %parallel_loop3A_621 = arith.index_cast %parallel_loop3A_620 : i32 to index
          %parallel_loop3A_622 = tpu.vector_load %arg11[%parallel_loop3A_621] {strides = array<i32>} : memref<16384xf32, #tpu.memory_space<vmem>>, vector<16xf32>,
          %parallel_loop3A_623 = vector.shape_cast %parallel_loop3A_622 : vector<16xf32> to vector<16xf32>
          %parallel_loop3A_624 = vector.shape_cast %broadcast_in_dim3A_3 : vector<16xf32> to vector<16xf32>
          tpu.vector_store %arg11[%parallel_loop3A_621], %parallel_loop3A_624 {add = true, strides = array<i32>} : memref<16384xf32, #tpu.memory_space<vmem>>, vector<16xf32>,
          %parallel_loop3A_625 = vector.extract_strided_slice %parallel_loop3A_84 {offsets = [10], sizes = [1], strides = [1]} : vector<16xi32> to vector<1xi32>
          %parallel_loop3A_626 = vector.extract %parallel_loop3A_625[0] : i32 from vector<1xi32>
          %parallel_loop3A_627 = arith.constant 16 : i32
          %parallel_loop3A_628 = arith.muli %parallel_loop3A_79, %parallel_loop3A_627 : i32
          %parallel_loop3A_629 = arith.constant 10 : i32
          %parallel_loop3A_630 = arith.addi %parallel_loop3A_628, %parallel_loop3A_629 : i32
          %parallel_loop3A_631 = arith.constant 64 : i32
          %parallel_loop3A_632 = arith.muli %parallel_loop3A_626, %parallel_loop3A_631 : i32
          %parallel_loop3A_633 = arith.index_cast %parallel_loop3A_630 : i32 to index
          %parallel_loop3A_634 = arith.constant 0 : index
          %parallel_loop3A_635 = tpu.vector_load %arg6[%parallel_loop3A_633, %parallel_loop3A_634] {strides = array<i32>} : memref<128x64xf32, #tpu.memory_space<vmem>>, vector<1x16xf32>,
          %parallel_loop3A_636 = vector.shape_cast %parallel_loop3A_635 : vector<1x16xf32> to vector<16xf32>
          %parallel_loop3A_637 = arith.constant 0 : i32
          %parallel_loop3A_638 = arith.addi %parallel_loop3A_632, %parallel_loop3A_637 : i32
          %parallel_loop3A_639 = arith.index_cast %parallel_loop3A_638 : i32 to index
          %parallel_loop3A_640 = tpu.vector_load %arg10[%parallel_loop3A_639] {strides = array<i32>} : memref<64512xf32, #tpu.memory_space<vmem>>, vector<16xf32>,
          %parallel_loop3A_641 = vector.shape_cast %parallel_loop3A_640 : vector<16xf32> to vector<16xf32>
          %parallel_loop3A_642 = vector.shape_cast %parallel_loop3A_636 : vector<16xf32> to vector<16xf32>
          tpu.vector_store %arg10[%parallel_loop3A_639], %parallel_loop3A_642 {add = true, strides = array<i32>} : memref<64512xf32, #tpu.memory_space<vmem>>, vector<16xf32>,
          %parallel_loop3A_643 = arith.index_cast %parallel_loop3A_630 : i32 to index
          %parallel_loop3A_644 = arith.constant 16 : index
          %parallel_loop3A_645 = tpu.vector_load %arg6[%parallel_loop3A_643, %parallel_loop3A_644] {strides = array<i32>} : memref<128x64xf32, #tpu.memory_space<vmem>>, vector<1x16xf32>,
          %parallel_loop3A_646 = vector.shape_cast %parallel_loop3A_645 : vector<1x16xf32> to vector<16xf32>
          %parallel_loop3A_647 = arith.constant 16 : i32
          %parallel_loop3A_648 = arith.addi %parallel_loop3A_632, %parallel_loop3A_647 : i32
          %parallel_loop3A_649 = arith.index_cast %parallel_loop3A_648 : i32 to index
          %parallel_loop3A_650 = tpu.vector_load %arg10[%parallel_loop3A_649] {strides = array<i32>} : memref<64512xf32, #tpu.memory_space<vmem>>, vector<16xf32>,
          %parallel_loop3A_651 = vector.shape_cast %parallel_loop3A_650 : vector<16xf32> to vector<16xf32>
          %parallel_loop3A_652 = vector.shape_cast %parallel_loop3A_646 : vector<16xf32> to vector<16xf32>
          tpu.vector_store %arg10[%parallel_loop3A_649], %parallel_loop3A_652 {add = true, strides = array<i32>} : memref<64512xf32, #tpu.memory_space<vmem>>, vector<16xf32>,
          %parallel_loop3A_653 = arith.index_cast %parallel_loop3A_630 : i32 to index
          %parallel_loop3A_654 = arith.constant 32 : index
          %parallel_loop3A_655 = tpu.vector_load %arg6[%parallel_loop3A_653, %parallel_loop3A_654] {strides = array<i32>} : memref<128x64xf32, #tpu.memory_space<vmem>>, vector<1x16xf32>,
          %parallel_loop3A_656 = vector.shape_cast %parallel_loop3A_655 : vector<1x16xf32> to vector<16xf32>
          %parallel_loop3A_657 = arith.constant 32 : i32
          %parallel_loop3A_658 = arith.addi %parallel_loop3A_632, %parallel_loop3A_657 : i32
          %parallel_loop3A_659 = arith.index_cast %parallel_loop3A_658 : i32 to index
          %parallel_loop3A_660 = tpu.vector_load %arg10[%parallel_loop3A_659] {strides = array<i32>} : memref<64512xf32, #tpu.memory_space<vmem>>, vector<16xf32>,
          %parallel_loop3A_661 = vector.shape_cast %parallel_loop3A_660 : vector<16xf32> to vector<16xf32>
          %parallel_loop3A_662 = vector.shape_cast %parallel_loop3A_656 : vector<16xf32> to vector<16xf32>
          tpu.vector_store %arg10[%parallel_loop3A_659], %parallel_loop3A_662 {add = true, strides = array<i32>} : memref<64512xf32, #tpu.memory_space<vmem>>, vector<16xf32>,
          %parallel_loop3A_663 = arith.index_cast %parallel_loop3A_630 : i32 to index
          %parallel_loop3A_664 = arith.constant 48 : index
          %parallel_loop3A_665 = tpu.vector_load %arg6[%parallel_loop3A_663, %parallel_loop3A_664] {strides = array<i32>} : memref<128x64xf32, #tpu.memory_space<vmem>>, vector<1x16xf32>,
          %parallel_loop3A_666 = vector.shape_cast %parallel_loop3A_665 : vector<1x16xf32> to vector<16xf32>
          %parallel_loop3A_667 = arith.constant 48 : i32
          %parallel_loop3A_668 = arith.addi %parallel_loop3A_632, %parallel_loop3A_667 : i32
          %parallel_loop3A_669 = arith.index_cast %parallel_loop3A_668 : i32 to index
          %parallel_loop3A_670 = tpu.vector_load %arg10[%parallel_loop3A_669] {strides = array<i32>} : memref<64512xf32, #tpu.memory_space<vmem>>, vector<16xf32>,
          %parallel_loop3A_671 = vector.shape_cast %parallel_loop3A_670 : vector<16xf32> to vector<16xf32>
          %parallel_loop3A_672 = vector.shape_cast %parallel_loop3A_666 : vector<16xf32> to vector<16xf32>
          tpu.vector_store %arg10[%parallel_loop3A_669], %parallel_loop3A_672 {add = true, strides = array<i32>} : memref<64512xf32, #tpu.memory_space<vmem>>, vector<16xf32>,
          %parallel_loop3A_673 = arith.constant 16 : i32
          %parallel_loop3A_674 = arith.muli %parallel_loop3A_626, %parallel_loop3A_673 : i32
          %parallel_loop3A_675 = arith.index_cast %parallel_loop3A_674 : i32 to index
          %parallel_loop3A_676 = tpu.vector_load %arg11[%parallel_loop3A_675] {strides = array<i32>} : memref<16384xf32, #tpu.memory_space<vmem>>, vector<16xf32>,
          %parallel_loop3A_677 = vector.shape_cast %parallel_loop3A_676 : vector<16xf32> to vector<16xf32>
          %parallel_loop3A_678 = vector.shape_cast %broadcast_in_dim3A_3 : vector<16xf32> to vector<16xf32>
          tpu.vector_store %arg11[%parallel_loop3A_675], %parallel_loop3A_678 {add = true, strides = array<i32>} : memref<16384xf32, #tpu.memory_space<vmem>>, vector<16xf32>,
          %parallel_loop3A_679 = vector.extract_strided_slice %parallel_loop3A_84 {offsets = [11], sizes = [1], strides = [1]} : vector<16xi32> to vector<1xi32>
          %parallel_loop3A_680 = vector.extract %parallel_loop3A_679[0] : i32 from vector<1xi32>
          %parallel_loop3A_681 = arith.constant 16 : i32
          %parallel_loop3A_682 = arith.muli %parallel_loop3A_79, %parallel_loop3A_681 : i32
          %parallel_loop3A_683 = arith.constant 11 : i32
          %parallel_loop3A_684 = arith.addi %parallel_loop3A_682, %parallel_loop3A_683 : i32
          %parallel_loop3A_685 = arith.constant 64 : i32
          %parallel_loop3A_686 = arith.muli %parallel_loop3A_680, %parallel_loop3A_685 : i32
          %parallel_loop3A_687 = arith.index_cast %parallel_loop3A_684 : i32 to index
          %parallel_loop3A_688 = arith.constant 0 : index
          %parallel_loop3A_689 = tpu.vector_load %arg6[%parallel_loop3A_687, %parallel_loop3A_688] {strides = array<i32>} : memref<128x64xf32, #tpu.memory_space<vmem>>, vector<1x16xf32>,
          %parallel_loop3A_690 = vector.shape_cast %parallel_loop3A_689 : vector<1x16xf32> to vector<16xf32>
          %parallel_loop3A_691 = arith.constant 0 : i32
          %parallel_loop3A_692 = arith.addi %parallel_loop3A_686, %parallel_loop3A_691 : i32
          %parallel_loop3A_693 = arith.index_cast %parallel_loop3A_692 : i32 to index
          %parallel_loop3A_694 = tpu.vector_load %arg10[%parallel_loop3A_693] {strides = array<i32>} : memref<64512xf32, #tpu.memory_space<vmem>>, vector<16xf32>,
          %parallel_loop3A_695 = vector.shape_cast %parallel_loop3A_694 : vector<16xf32> to vector<16xf32>
          %parallel_loop3A_696 = vector.shape_cast %parallel_loop3A_690 : vector<16xf32> to vector<16xf32>
          tpu.vector_store %arg10[%parallel_loop3A_693], %parallel_loop3A_696 {add = true, strides = array<i32>} : memref<64512xf32, #tpu.memory_space<vmem>>, vector<16xf32>,
          %parallel_loop3A_697 = arith.index_cast %parallel_loop3A_684 : i32 to index
          %parallel_loop3A_698 = arith.constant 16 : index
          %parallel_loop3A_699 = tpu.vector_load %arg6[%parallel_loop3A_697, %parallel_loop3A_698] {strides = array<i32>} : memref<128x64xf32, #tpu.memory_space<vmem>>, vector<1x16xf32>,
          %parallel_loop3A_700 = vector.shape_cast %parallel_loop3A_699 : vector<1x16xf32> to vector<16xf32>
          %parallel_loop3A_701 = arith.constant 16 : i32
          %parallel_loop3A_702 = arith.addi %parallel_loop3A_686, %parallel_loop3A_701 : i32
          %parallel_loop3A_703 = arith.index_cast %parallel_loop3A_702 : i32 to index
          %parallel_loop3A_704 = tpu.vector_load %arg10[%parallel_loop3A_703] {strides = array<i32>} : memref<64512xf32, #tpu.memory_space<vmem>>, vector<16xf32>,
          %parallel_loop3A_705 = vector.shape_cast %parallel_loop3A_704 : vector<16xf32> to vector<16xf32>
          %parallel_loop3A_706 = vector.shape_cast %parallel_loop3A_700 : vector<16xf32> to vector<16xf32>
          tpu.vector_store %arg10[%parallel_loop3A_703], %parallel_loop3A_706 {add = true, strides = array<i32>} : memref<64512xf32, #tpu.memory_space<vmem>>, vector<16xf32>,
          %parallel_loop3A_707 = arith.index_cast %parallel_loop3A_684 : i32 to index
          %parallel_loop3A_708 = arith.constant 32 : index
          %parallel_loop3A_709 = tpu.vector_load %arg6[%parallel_loop3A_707, %parallel_loop3A_708] {strides = array<i32>} : memref<128x64xf32, #tpu.memory_space<vmem>>, vector<1x16xf32>,
          %parallel_loop3A_710 = vector.shape_cast %parallel_loop3A_709 : vector<1x16xf32> to vector<16xf32>
          %parallel_loop3A_711 = arith.constant 32 : i32
          %parallel_loop3A_712 = arith.addi %parallel_loop3A_686, %parallel_loop3A_711 : i32
          %parallel_loop3A_713 = arith.index_cast %parallel_loop3A_712 : i32 to index
          %parallel_loop3A_714 = tpu.vector_load %arg10[%parallel_loop3A_713] {strides = array<i32>} : memref<64512xf32, #tpu.memory_space<vmem>>, vector<16xf32>,
          %parallel_loop3A_715 = vector.shape_cast %parallel_loop3A_714 : vector<16xf32> to vector<16xf32>
          %parallel_loop3A_716 = vector.shape_cast %parallel_loop3A_710 : vector<16xf32> to vector<16xf32>
          tpu.vector_store %arg10[%parallel_loop3A_713], %parallel_loop3A_716 {add = true, strides = array<i32>} : memref<64512xf32, #tpu.memory_space<vmem>>, vector<16xf32>,
          %parallel_loop3A_717 = arith.index_cast %parallel_loop3A_684 : i32 to index
          %parallel_loop3A_718 = arith.constant 48 : index
          %parallel_loop3A_719 = tpu.vector_load %arg6[%parallel_loop3A_717, %parallel_loop3A_718] {strides = array<i32>} : memref<128x64xf32, #tpu.memory_space<vmem>>, vector<1x16xf32>,
          %parallel_loop3A_720 = vector.shape_cast %parallel_loop3A_719 : vector<1x16xf32> to vector<16xf32>
          %parallel_loop3A_721 = arith.constant 48 : i32
          %parallel_loop3A_722 = arith.addi %parallel_loop3A_686, %parallel_loop3A_721 : i32
          %parallel_loop3A_723 = arith.index_cast %parallel_loop3A_722 : i32 to index
          %parallel_loop3A_724 = tpu.vector_load %arg10[%parallel_loop3A_723] {strides = array<i32>} : memref<64512xf32, #tpu.memory_space<vmem>>, vector<16xf32>,
          %parallel_loop3A_725 = vector.shape_cast %parallel_loop3A_724 : vector<16xf32> to vector<16xf32>
          %parallel_loop3A_726 = vector.shape_cast %parallel_loop3A_720 : vector<16xf32> to vector<16xf32>
          tpu.vector_store %arg10[%parallel_loop3A_723], %parallel_loop3A_726 {add = true, strides = array<i32>} : memref<64512xf32, #tpu.memory_space<vmem>>, vector<16xf32>,
          %parallel_loop3A_727 = arith.constant 16 : i32
          %parallel_loop3A_728 = arith.muli %parallel_loop3A_680, %parallel_loop3A_727 : i32
          %parallel_loop3A_729 = arith.index_cast %parallel_loop3A_728 : i32 to index
          %parallel_loop3A_730 = tpu.vector_load %arg11[%parallel_loop3A_729] {strides = array<i32>} : memref<16384xf32, #tpu.memory_space<vmem>>, vector<16xf32>,
          %parallel_loop3A_731 = vector.shape_cast %parallel_loop3A_730 : vector<16xf32> to vector<16xf32>
          %parallel_loop3A_732 = vector.shape_cast %broadcast_in_dim3A_3 : vector<16xf32> to vector<16xf32>
          tpu.vector_store %arg11[%parallel_loop3A_729], %parallel_loop3A_732 {add = true, strides = array<i32>} : memref<16384xf32, #tpu.memory_space<vmem>>, vector<16xf32>,
          %parallel_loop3A_733 = vector.extract_strided_slice %parallel_loop3A_84 {offsets = [12], sizes = [1], strides = [1]} : vector<16xi32> to vector<1xi32>
          %parallel_loop3A_734 = vector.extract %parallel_loop3A_733[0] : i32 from vector<1xi32>
          %parallel_loop3A_735 = arith.constant 16 : i32
          %parallel_loop3A_736 = arith.muli %parallel_loop3A_79, %parallel_loop3A_735 : i32
          %parallel_loop3A_737 = arith.constant 12 : i32
          %parallel_loop3A_738 = arith.addi %parallel_loop3A_736, %parallel_loop3A_737 : i32
          %parallel_loop3A_739 = arith.constant 64 : i32
          %parallel_loop3A_740 = arith.muli %parallel_loop3A_734, %parallel_loop3A_739 : i32
          %parallel_loop3A_741 = arith.index_cast %parallel_loop3A_738 : i32 to index
          %parallel_loop3A_742 = arith.constant 0 : index
          %parallel_loop3A_743 = tpu.vector_load %arg6[%parallel_loop3A_741, %parallel_loop3A_742] {strides = array<i32>} : memref<128x64xf32, #tpu.memory_space<vmem>>, vector<1x16xf32>,
          %parallel_loop3A_744 = vector.shape_cast %parallel_loop3A_743 : vector<1x16xf32> to vector<16xf32>
          %parallel_loop3A_745 = arith.constant 0 : i32
          %parallel_loop3A_746 = arith.addi %parallel_loop3A_740, %parallel_loop3A_745 : i32
          %parallel_loop3A_747 = arith.index_cast %parallel_loop3A_746 : i32 to index
          %parallel_loop3A_748 = tpu.vector_load %arg10[%parallel_loop3A_747] {strides = array<i32>} : memref<64512xf32, #tpu.memory_space<vmem>>, vector<16xf32>,
          %parallel_loop3A_749 = vector.shape_cast %parallel_loop3A_748 : vector<16xf32> to vector<16xf32>
          %parallel_loop3A_750 = vector.shape_cast %parallel_loop3A_744 : vector<16xf32> to vector<16xf32>
          tpu.vector_store %arg10[%parallel_loop3A_747], %parallel_loop3A_750 {add = true, strides = array<i32>} : memref<64512xf32, #tpu.memory_space<vmem>>, vector<16xf32>,
          %parallel_loop3A_751 = arith.index_cast %parallel_loop3A_738 : i32 to index
          %parallel_loop3A_752 = arith.constant 16 : index
          %parallel_loop3A_753 = tpu.vector_load %arg6[%parallel_loop3A_751, %parallel_loop3A_752] {strides = array<i32>} : memref<128x64xf32, #tpu.memory_space<vmem>>, vector<1x16xf32>,
          %parallel_loop3A_754 = vector.shape_cast %parallel_loop3A_753 : vector<1x16xf32> to vector<16xf32>
          %parallel_loop3A_755 = arith.constant 16 : i32
          %parallel_loop3A_756 = arith.addi %parallel_loop3A_740, %parallel_loop3A_755 : i32
          %parallel_loop3A_757 = arith.index_cast %parallel_loop3A_756 : i32 to index
          %parallel_loop3A_758 = tpu.vector_load %arg10[%parallel_loop3A_757] {strides = array<i32>} : memref<64512xf32, #tpu.memory_space<vmem>>, vector<16xf32>,
          %parallel_loop3A_759 = vector.shape_cast %parallel_loop3A_758 : vector<16xf32> to vector<16xf32>
          %parallel_loop3A_760 = vector.shape_cast %parallel_loop3A_754 : vector<16xf32> to vector<16xf32>
          tpu.vector_store %arg10[%parallel_loop3A_757], %parallel_loop3A_760 {add = true, strides = array<i32>} : memref<64512xf32, #tpu.memory_space<vmem>>, vector<16xf32>,
          %parallel_loop3A_761 = arith.index_cast %parallel_loop3A_738 : i32 to index
          %parallel_loop3A_762 = arith.constant 32 : index
          %parallel_loop3A_763 = tpu.vector_load %arg6[%parallel_loop3A_761, %parallel_loop3A_762] {strides = array<i32>} : memref<128x64xf32, #tpu.memory_space<vmem>>, vector<1x16xf32>,
          %parallel_loop3A_764 = vector.shape_cast %parallel_loop3A_763 : vector<1x16xf32> to vector<16xf32>
          %parallel_loop3A_765 = arith.constant 32 : i32
          %parallel_loop3A_766 = arith.addi %parallel_loop3A_740, %parallel_loop3A_765 : i32
          %parallel_loop3A_767 = arith.index_cast %parallel_loop3A_766 : i32 to index
          %parallel_loop3A_768 = tpu.vector_load %arg10[%parallel_loop3A_767] {strides = array<i32>} : memref<64512xf32, #tpu.memory_space<vmem>>, vector<16xf32>,
          %parallel_loop3A_769 = vector.shape_cast %parallel_loop3A_768 : vector<16xf32> to vector<16xf32>
          %parallel_loop3A_770 = vector.shape_cast %parallel_loop3A_764 : vector<16xf32> to vector<16xf32>
          tpu.vector_store %arg10[%parallel_loop3A_767], %parallel_loop3A_770 {add = true, strides = array<i32>} : memref<64512xf32, #tpu.memory_space<vmem>>, vector<16xf32>,
          %parallel_loop3A_771 = arith.index_cast %parallel_loop3A_738 : i32 to index
          %parallel_loop3A_772 = arith.constant 48 : index
          %parallel_loop3A_773 = tpu.vector_load %arg6[%parallel_loop3A_771, %parallel_loop3A_772] {strides = array<i32>} : memref<128x64xf32, #tpu.memory_space<vmem>>, vector<1x16xf32>,
          %parallel_loop3A_774 = vector.shape_cast %parallel_loop3A_773 : vector<1x16xf32> to vector<16xf32>
          %parallel_loop3A_775 = arith.constant 48 : i32
          %parallel_loop3A_776 = arith.addi %parallel_loop3A_740, %parallel_loop3A_775 : i32
          %parallel_loop3A_777 = arith.index_cast %parallel_loop3A_776 : i32 to index
          %parallel_loop3A_778 = tpu.vector_load %arg10[%parallel_loop3A_777] {strides = array<i32>} : memref<64512xf32, #tpu.memory_space<vmem>>, vector<16xf32>,
          %parallel_loop3A_779 = vector.shape_cast %parallel_loop3A_778 : vector<16xf32> to vector<16xf32>
          %parallel_loop3A_780 = vector.shape_cast %parallel_loop3A_774 : vector<16xf32> to vector<16xf32>
          tpu.vector_store %arg10[%parallel_loop3A_777], %parallel_loop3A_780 {add = true, strides = array<i32>} : memref<64512xf32, #tpu.memory_space<vmem>>, vector<16xf32>,
          %parallel_loop3A_781 = arith.constant 16 : i32
          %parallel_loop3A_782 = arith.muli %parallel_loop3A_734, %parallel_loop3A_781 : i32
          %parallel_loop3A_783 = arith.index_cast %parallel_loop3A_782 : i32 to index
          %parallel_loop3A_784 = tpu.vector_load %arg11[%parallel_loop3A_783] {strides = array<i32>} : memref<16384xf32, #tpu.memory_space<vmem>>, vector<16xf32>,
          %parallel_loop3A_785 = vector.shape_cast %parallel_loop3A_784 : vector<16xf32> to vector<16xf32>
          %parallel_loop3A_786 = vector.shape_cast %broadcast_in_dim3A_3 : vector<16xf32> to vector<16xf32>
          tpu.vector_store %arg11[%parallel_loop3A_783], %parallel_loop3A_786 {add = true, strides = array<i32>} : memref<16384xf32, #tpu.memory_space<vmem>>, vector<16xf32>,
          %parallel_loop3A_787 = vector.extract_strided_slice %parallel_loop3A_84 {offsets = [13], sizes = [1], strides = [1]} : vector<16xi32> to vector<1xi32>
          %parallel_loop3A_788 = vector.extract %parallel_loop3A_787[0] : i32 from vector<1xi32>
          %parallel_loop3A_789 = arith.constant 16 : i32
          %parallel_loop3A_790 = arith.muli %parallel_loop3A_79, %parallel_loop3A_789 : i32
          %parallel_loop3A_791 = arith.constant 13 : i32
          %parallel_loop3A_792 = arith.addi %parallel_loop3A_790, %parallel_loop3A_791 : i32
          %parallel_loop3A_793 = arith.constant 64 : i32
          %parallel_loop3A_794 = arith.muli %parallel_loop3A_788, %parallel_loop3A_793 : i32
          %parallel_loop3A_795 = arith.index_cast %parallel_loop3A_792 : i32 to index
          %parallel_loop3A_796 = arith.constant 0 : index
          %parallel_loop3A_797 = tpu.vector_load %arg6[%parallel_loop3A_795, %parallel_loop3A_796] {strides = array<i32>} : memref<128x64xf32, #tpu.memory_space<vmem>>, vector<1x16xf32>,
          %parallel_loop3A_798 = vector.shape_cast %parallel_loop3A_797 : vector<1x16xf32> to vector<16xf32>
          %parallel_loop3A_799 = arith.constant 0 : i32
          %parallel_loop3A_800 = arith.addi %parallel_loop3A_794, %parallel_loop3A_799 : i32
          %parallel_loop3A_801 = arith.index_cast %parallel_loop3A_800 : i32 to index
          %parallel_loop3A_802 = tpu.vector_load %arg10[%parallel_loop3A_801] {strides = array<i32>} : memref<64512xf32, #tpu.memory_space<vmem>>, vector<16xf32>,
          %parallel_loop3A_803 = vector.shape_cast %parallel_loop3A_802 : vector<16xf32> to vector<16xf32>
          %parallel_loop3A_804 = vector.shape_cast %parallel_loop3A_798 : vector<16xf32> to vector<16xf32>
          tpu.vector_store %arg10[%parallel_loop3A_801], %parallel_loop3A_804 {add = true, strides = array<i32>} : memref<64512xf32, #tpu.memory_space<vmem>>, vector<16xf32>,
          %parallel_loop3A_805 = arith.index_cast %parallel_loop3A_792 : i32 to index
          %parallel_loop3A_806 = arith.constant 16 : index
          %parallel_loop3A_807 = tpu.vector_load %arg6[%parallel_loop3A_805, %parallel_loop3A_806] {strides = array<i32>} : memref<128x64xf32, #tpu.memory_space<vmem>>, vector<1x16xf32>,
          %parallel_loop3A_808 = vector.shape_cast %parallel_loop3A_807 : vector<1x16xf32> to vector<16xf32>
          %parallel_loop3A_809 = arith.constant 16 : i32
          %parallel_loop3A_810 = arith.addi %parallel_loop3A_794, %parallel_loop3A_809 : i32
          %parallel_loop3A_811 = arith.index_cast %parallel_loop3A_810 : i32 to index
          %parallel_loop3A_812 = tpu.vector_load %arg10[%parallel_loop3A_811] {strides = array<i32>} : memref<64512xf32, #tpu.memory_space<vmem>>, vector<16xf32>,
          %parallel_loop3A_813 = vector.shape_cast %parallel_loop3A_812 : vector<16xf32> to vector<16xf32>
          %parallel_loop3A_814 = vector.shape_cast %parallel_loop3A_808 : vector<16xf32> to vector<16xf32>
          tpu.vector_store %arg10[%parallel_loop3A_811], %parallel_loop3A_814 {add = true, strides = array<i32>} : memref<64512xf32, #tpu.memory_space<vmem>>, vector<16xf32>,
          %parallel_loop3A_815 = arith.index_cast %parallel_loop3A_792 : i32 to index
          %parallel_loop3A_816 = arith.constant 32 : index
          %parallel_loop3A_817 = tpu.vector_load %arg6[%parallel_loop3A_815, %parallel_loop3A_816] {strides = array<i32>} : memref<128x64xf32, #tpu.memory_space<vmem>>, vector<1x16xf32>,
          %parallel_loop3A_818 = vector.shape_cast %parallel_loop3A_817 : vector<1x16xf32> to vector<16xf32>
          %parallel_loop3A_819 = arith.constant 32 : i32
          %parallel_loop3A_820 = arith.addi %parallel_loop3A_794, %parallel_loop3A_819 : i32
          %parallel_loop3A_821 = arith.index_cast %parallel_loop3A_820 : i32 to index
          %parallel_loop3A_822 = tpu.vector_load %arg10[%parallel_loop3A_821] {strides = array<i32>} : memref<64512xf32, #tpu.memory_space<vmem>>, vector<16xf32>,
          %parallel_loop3A_823 = vector.shape_cast %parallel_loop3A_822 : vector<16xf32> to vector<16xf32>
          %parallel_loop3A_824 = vector.shape_cast %parallel_loop3A_818 : vector<16xf32> to vector<16xf32>
          tpu.vector_store %arg10[%parallel_loop3A_821], %parallel_loop3A_824 {add = true, strides = array<i32>} : memref<64512xf32, #tpu.memory_space<vmem>>, vector<16xf32>,
          %parallel_loop3A_825 = arith.index_cast %parallel_loop3A_792 : i32 to index
          %parallel_loop3A_826 = arith.constant 48 : index
          %parallel_loop3A_827 = tpu.vector_load %arg6[%parallel_loop3A_825, %parallel_loop3A_826] {strides = array<i32>} : memref<128x64xf32, #tpu.memory_space<vmem>>, vector<1x16xf32>,
          %parallel_loop3A_828 = vector.shape_cast %parallel_loop3A_827 : vector<1x16xf32> to vector<16xf32>
          %parallel_loop3A_829 = arith.constant 48 : i32
          %parallel_loop3A_830 = arith.addi %parallel_loop3A_794, %parallel_loop3A_829 : i32
          %parallel_loop3A_831 = arith.index_cast %parallel_loop3A_830 : i32 to index
          %parallel_loop3A_832 = tpu.vector_load %arg10[%parallel_loop3A_831] {strides = array<i32>} : memref<64512xf32, #tpu.memory_space<vmem>>, vector<16xf32>,
          %parallel_loop3A_833 = vector.shape_cast %parallel_loop3A_832 : vector<16xf32> to vector<16xf32>
          %parallel_loop3A_834 = vector.shape_cast %parallel_loop3A_828 : vector<16xf32> to vector<16xf32>
          tpu.vector_store %arg10[%parallel_loop3A_831], %parallel_loop3A_834 {add = true, strides = array<i32>} : memref<64512xf32, #tpu.memory_space<vmem>>, vector<16xf32>,
          %parallel_loop3A_835 = arith.constant 16 : i32
          %parallel_loop3A_836 = arith.muli %parallel_loop3A_788, %parallel_loop3A_835 : i32
          %parallel_loop3A_837 = arith.index_cast %parallel_loop3A_836 : i32 to index
          %parallel_loop3A_838 = tpu.vector_load %arg11[%parallel_loop3A_837] {strides = array<i32>} : memref<16384xf32, #tpu.memory_space<vmem>>, vector<16xf32>,
          %parallel_loop3A_839 = vector.shape_cast %parallel_loop3A_838 : vector<16xf32> to vector<16xf32>
          %parallel_loop3A_840 = vector.shape_cast %broadcast_in_dim3A_3 : vector<16xf32> to vector<16xf32>
          tpu.vector_store %arg11[%parallel_loop3A_837], %parallel_loop3A_840 {add = true, strides = array<i32>} : memref<16384xf32, #tpu.memory_space<vmem>>, vector<16xf32>,
          %parallel_loop3A_841 = vector.extract_strided_slice %parallel_loop3A_84 {offsets = [14], sizes = [1], strides = [1]} : vector<16xi32> to vector<1xi32>
          %parallel_loop3A_842 = vector.extract %parallel_loop3A_841[0] : i32 from vector<1xi32>
          %parallel_loop3A_843 = arith.constant 16 : i32
          %parallel_loop3A_844 = arith.muli %parallel_loop3A_79, %parallel_loop3A_843 : i32
          %parallel_loop3A_845 = arith.constant 14 : i32
          %parallel_loop3A_846 = arith.addi %parallel_loop3A_844, %parallel_loop3A_845 : i32
          %parallel_loop3A_847 = arith.constant 64 : i32
          %parallel_loop3A_848 = arith.muli %parallel_loop3A_842, %parallel_loop3A_847 : i32
          %parallel_loop3A_849 = arith.index_cast %parallel_loop3A_846 : i32 to index
          %parallel_loop3A_850 = arith.constant 0 : index
          %parallel_loop3A_851 = tpu.vector_load %arg6[%parallel_loop3A_849, %parallel_loop3A_850] {strides = array<i32>} : memref<128x64xf32, #tpu.memory_space<vmem>>, vector<1x16xf32>,
          %parallel_loop3A_852 = vector.shape_cast %parallel_loop3A_851 : vector<1x16xf32> to vector<16xf32>
          %parallel_loop3A_853 = arith.constant 0 : i32
          %parallel_loop3A_854 = arith.addi %parallel_loop3A_848, %parallel_loop3A_853 : i32
          %parallel_loop3A_855 = arith.index_cast %parallel_loop3A_854 : i32 to index
          %parallel_loop3A_856 = tpu.vector_load %arg10[%parallel_loop3A_855] {strides = array<i32>} : memref<64512xf32, #tpu.memory_space<vmem>>, vector<16xf32>,
          %parallel_loop3A_857 = vector.shape_cast %parallel_loop3A_856 : vector<16xf32> to vector<16xf32>
          %parallel_loop3A_858 = vector.shape_cast %parallel_loop3A_852 : vector<16xf32> to vector<16xf32>
          tpu.vector_store %arg10[%parallel_loop3A_855], %parallel_loop3A_858 {add = true, strides = array<i32>} : memref<64512xf32, #tpu.memory_space<vmem>>, vector<16xf32>,
          %parallel_loop3A_859 = arith.index_cast %parallel_loop3A_846 : i32 to index
          %parallel_loop3A_860 = arith.constant 16 : index
          %parallel_loop3A_861 = tpu.vector_load %arg6[%parallel_loop3A_859, %parallel_loop3A_860] {strides = array<i32>} : memref<128x64xf32, #tpu.memory_space<vmem>>, vector<1x16xf32>,
          %parallel_loop3A_862 = vector.shape_cast %parallel_loop3A_861 : vector<1x16xf32> to vector<16xf32>
          %parallel_loop3A_863 = arith.constant 16 : i32
          %parallel_loop3A_864 = arith.addi %parallel_loop3A_848, %parallel_loop3A_863 : i32
          %parallel_loop3A_865 = arith.index_cast %parallel_loop3A_864 : i32 to index
          %parallel_loop3A_866 = tpu.vector_load %arg10[%parallel_loop3A_865] {strides = array<i32>} : memref<64512xf32, #tpu.memory_space<vmem>>, vector<16xf32>,
          %parallel_loop3A_867 = vector.shape_cast %parallel_loop3A_866 : vector<16xf32> to vector<16xf32>
          %parallel_loop3A_868 = vector.shape_cast %parallel_loop3A_862 : vector<16xf32> to vector<16xf32>
          tpu.vector_store %arg10[%parallel_loop3A_865], %parallel_loop3A_868 {add = true, strides = array<i32>} : memref<64512xf32, #tpu.memory_space<vmem>>, vector<16xf32>,
          %parallel_loop3A_869 = arith.index_cast %parallel_loop3A_846 : i32 to index
          %parallel_loop3A_870 = arith.constant 32 : index
          %parallel_loop3A_871 = tpu.vector_load %arg6[%parallel_loop3A_869, %parallel_loop3A_870] {strides = array<i32>} : memref<128x64xf32, #tpu.memory_space<vmem>>, vector<1x16xf32>,
          %parallel_loop3A_872 = vector.shape_cast %parallel_loop3A_871 : vector<1x16xf32> to vector<16xf32>
          %parallel_loop3A_873 = arith.constant 32 : i32
          %parallel_loop3A_874 = arith.addi %parallel_loop3A_848, %parallel_loop3A_873 : i32
          %parallel_loop3A_875 = arith.index_cast %parallel_loop3A_874 : i32 to index
          %parallel_loop3A_876 = tpu.vector_load %arg10[%parallel_loop3A_875] {strides = array<i32>} : memref<64512xf32, #tpu.memory_space<vmem>>, vector<16xf32>,
          %parallel_loop3A_877 = vector.shape_cast %parallel_loop3A_876 : vector<16xf32> to vector<16xf32>
          %parallel_loop3A_878 = vector.shape_cast %parallel_loop3A_872 : vector<16xf32> to vector<16xf32>
          tpu.vector_store %arg10[%parallel_loop3A_875], %parallel_loop3A_878 {add = true, strides = array<i32>} : memref<64512xf32, #tpu.memory_space<vmem>>, vector<16xf32>,
          %parallel_loop3A_879 = arith.index_cast %parallel_loop3A_846 : i32 to index
          %parallel_loop3A_880 = arith.constant 48 : index
          %parallel_loop3A_881 = tpu.vector_load %arg6[%parallel_loop3A_879, %parallel_loop3A_880] {strides = array<i32>} : memref<128x64xf32, #tpu.memory_space<vmem>>, vector<1x16xf32>,
          %parallel_loop3A_882 = vector.shape_cast %parallel_loop3A_881 : vector<1x16xf32> to vector<16xf32>
          %parallel_loop3A_883 = arith.constant 48 : i32
          %parallel_loop3A_884 = arith.addi %parallel_loop3A_848, %parallel_loop3A_883 : i32
          %parallel_loop3A_885 = arith.index_cast %parallel_loop3A_884 : i32 to index
          %parallel_loop3A_886 = tpu.vector_load %arg10[%parallel_loop3A_885] {strides = array<i32>} : memref<64512xf32, #tpu.memory_space<vmem>>, vector<16xf32>,
          %parallel_loop3A_887 = vector.shape_cast %parallel_loop3A_886 : vector<16xf32> to vector<16xf32>
          %parallel_loop3A_888 = vector.shape_cast %parallel_loop3A_882 : vector<16xf32> to vector<16xf32>
          tpu.vector_store %arg10[%parallel_loop3A_885], %parallel_loop3A_888 {add = true, strides = array<i32>} : memref<64512xf32, #tpu.memory_space<vmem>>, vector<16xf32>,
          %parallel_loop3A_889 = arith.constant 16 : i32
          %parallel_loop3A_890 = arith.muli %parallel_loop3A_842, %parallel_loop3A_889 : i32
          %parallel_loop3A_891 = arith.index_cast %parallel_loop3A_890 : i32 to index
          %parallel_loop3A_892 = tpu.vector_load %arg11[%parallel_loop3A_891] {strides = array<i32>} : memref<16384xf32, #tpu.memory_space<vmem>>, vector<16xf32>,
          %parallel_loop3A_893 = vector.shape_cast %parallel_loop3A_892 : vector<16xf32> to vector<16xf32>
          %parallel_loop3A_894 = vector.shape_cast %broadcast_in_dim3A_3 : vector<16xf32> to vector<16xf32>
          tpu.vector_store %arg11[%parallel_loop3A_891], %parallel_loop3A_894 {add = true, strides = array<i32>} : memref<16384xf32, #tpu.memory_space<vmem>>, vector<16xf32>,
          %parallel_loop3A_895 = vector.extract_strided_slice %parallel_loop3A_84 {offsets = [15], sizes = [1], strides = [1]} : vector<16xi32> to vector<1xi32>
          %parallel_loop3A_896 = vector.extract %parallel_loop3A_895[0] : i32 from vector<1xi32>
          %parallel_loop3A_897 = arith.constant 16 : i32
          %parallel_loop3A_898 = arith.muli %parallel_loop3A_79, %parallel_loop3A_897 : i32
          %parallel_loop3A_899 = arith.constant 15 : i32
          %parallel_loop3A_900 = arith.addi %parallel_loop3A_898, %parallel_loop3A_899 : i32
          %parallel_loop3A_901 = arith.constant 64 : i32
          %parallel_loop3A_902 = arith.muli %parallel_loop3A_896, %parallel_loop3A_901 : i32
          %parallel_loop3A_903 = arith.index_cast %parallel_loop3A_900 : i32 to index
          %parallel_loop3A_904 = arith.constant 0 : index
          %parallel_loop3A_905 = tpu.vector_load %arg6[%parallel_loop3A_903, %parallel_loop3A_904] {strides = array<i32>} : memref<128x64xf32, #tpu.memory_space<vmem>>, vector<1x16xf32>,
          %parallel_loop3A_906 = vector.shape_cast %parallel_loop3A_905 : vector<1x16xf32> to vector<16xf32>
          %parallel_loop3A_907 = arith.constant 0 : i32
          %parallel_loop3A_908 = arith.addi %parallel_loop3A_902, %parallel_loop3A_907 : i32
          %parallel_loop3A_909 = arith.index_cast %parallel_loop3A_908 : i32 to index
          %parallel_loop3A_910 = tpu.vector_load %arg10[%parallel_loop3A_909] {strides = array<i32>} : memref<64512xf32, #tpu.memory_space<vmem>>, vector<16xf32>,
          %parallel_loop3A_911 = vector.shape_cast %parallel_loop3A_910 : vector<16xf32> to vector<16xf32>
          %parallel_loop3A_912 = vector.shape_cast %parallel_loop3A_906 : vector<16xf32> to vector<16xf32>
          tpu.vector_store %arg10[%parallel_loop3A_909], %parallel_loop3A_912 {add = true, strides = array<i32>} : memref<64512xf32, #tpu.memory_space<vmem>>, vector<16xf32>,
          %parallel_loop3A_913 = arith.index_cast %parallel_loop3A_900 : i32 to index
          %parallel_loop3A_914 = arith.constant 16 : index
          %parallel_loop3A_915 = tpu.vector_load %arg6[%parallel_loop3A_913, %parallel_loop3A_914] {strides = array<i32>} : memref<128x64xf32, #tpu.memory_space<vmem>>, vector<1x16xf32>,
          %parallel_loop3A_916 = vector.shape_cast %parallel_loop3A_915 : vector<1x16xf32> to vector<16xf32>
          %parallel_loop3A_917 = arith.constant 16 : i32
          %parallel_loop3A_918 = arith.addi %parallel_loop3A_902, %parallel_loop3A_917 : i32
          %parallel_loop3A_919 = arith.index_cast %parallel_loop3A_918 : i32 to index
          %parallel_loop3A_920 = tpu.vector_load %arg10[%parallel_loop3A_919] {strides = array<i32>} : memref<64512xf32, #tpu.memory_space<vmem>>, vector<16xf32>,
          %parallel_loop3A_921 = vector.shape_cast %parallel_loop3A_920 : vector<16xf32> to vector<16xf32>
          %parallel_loop3A_922 = vector.shape_cast %parallel_loop3A_916 : vector<16xf32> to vector<16xf32>
          tpu.vector_store %arg10[%parallel_loop3A_919], %parallel_loop3A_922 {add = true, strides = array<i32>} : memref<64512xf32, #tpu.memory_space<vmem>>, vector<16xf32>,
          %parallel_loop3A_923 = arith.index_cast %parallel_loop3A_900 : i32 to index
          %parallel_loop3A_924 = arith.constant 32 : index
          %parallel_loop3A_925 = tpu.vector_load %arg6[%parallel_loop3A_923, %parallel_loop3A_924] {strides = array<i32>} : memref<128x64xf32, #tpu.memory_space<vmem>>, vector<1x16xf32>,
          %parallel_loop3A_926 = vector.shape_cast %parallel_loop3A_925 : vector<1x16xf32> to vector<16xf32>
          %parallel_loop3A_927 = arith.constant 32 : i32
          %parallel_loop3A_928 = arith.addi %parallel_loop3A_902, %parallel_loop3A_927 : i32
          %parallel_loop3A_929 = arith.index_cast %parallel_loop3A_928 : i32 to index
          %parallel_loop3A_930 = tpu.vector_load %arg10[%parallel_loop3A_929] {strides = array<i32>} : memref<64512xf32, #tpu.memory_space<vmem>>, vector<16xf32>,
          %parallel_loop3A_931 = vector.shape_cast %parallel_loop3A_930 : vector<16xf32> to vector<16xf32>
          %parallel_loop3A_932 = vector.shape_cast %parallel_loop3A_926 : vector<16xf32> to vector<16xf32>
          tpu.vector_store %arg10[%parallel_loop3A_929], %parallel_loop3A_932 {add = true, strides = array<i32>} : memref<64512xf32, #tpu.memory_space<vmem>>, vector<16xf32>,
          %parallel_loop3A_933 = arith.index_cast %parallel_loop3A_900 : i32 to index
          %parallel_loop3A_934 = arith.constant 48 : index
          %parallel_loop3A_935 = tpu.vector_load %arg6[%parallel_loop3A_933, %parallel_loop3A_934] {strides = array<i32>} : memref<128x64xf32, #tpu.memory_space<vmem>>, vector<1x16xf32>,
          %parallel_loop3A_936 = vector.shape_cast %parallel_loop3A_935 : vector<1x16xf32> to vector<16xf32>
          %parallel_loop3A_937 = arith.constant 48 : i32
          %parallel_loop3A_938 = arith.addi %parallel_loop3A_902, %parallel_loop3A_937 : i32
          %parallel_loop3A_939 = arith.index_cast %parallel_loop3A_938 : i32 to index
          %parallel_loop3A_940 = tpu.vector_load %arg10[%parallel_loop3A_939] {strides = array<i32>} : memref<64512xf32, #tpu.memory_space<vmem>>, vector<16xf32>,
          %parallel_loop3A_941 = vector.shape_cast %parallel_loop3A_940 : vector<16xf32> to vector<16xf32>
          %parallel_loop3A_942 = vector.shape_cast %parallel_loop3A_936 : vector<16xf32> to vector<16xf32>
          tpu.vector_store %arg10[%parallel_loop3A_939], %parallel_loop3A_942 {add = true, strides = array<i32>} : memref<64512xf32, #tpu.memory_space<vmem>>, vector<16xf32>,
          %parallel_loop3A_943 = arith.constant 16 : i32
          %parallel_loop3A_944 = arith.muli %parallel_loop3A_896, %parallel_loop3A_943 : i32
          %parallel_loop3A_945 = arith.index_cast %parallel_loop3A_944 : i32 to index
          %parallel_loop3A_946 = tpu.vector_load %arg11[%parallel_loop3A_945] {strides = array<i32>} : memref<16384xf32, #tpu.memory_space<vmem>>, vector<16xf32>,
          %parallel_loop3A_947 = vector.shape_cast %parallel_loop3A_946 : vector<16xf32> to vector<16xf32>
          %parallel_loop3A_948 = vector.shape_cast %broadcast_in_dim3A_3 : vector<16xf32> to vector<16xf32>
          tpu.vector_store %arg11[%parallel_loop3A_945], %parallel_loop3A_948 {add = true, strides = array<i32>} : memref<16384xf32, #tpu.memory_space<vmem>>, vector<16xf32>,
        } {sc.loop_unroll_factor = 4 : i64, sc.parallel_access}
      } else {
      }
      %add3A_57 = arith.constant 2 : i32
      %add3A_58 = arith.addi %mul3A_46, %add3A_57 : i32
      %lt3A_59 = arith.cmpi slt, %add3A_58, %select_n3A : i32
      %convert_element_type3A_60 = arith.extui %lt3A_59 : i1 to i32
      %cond3A_61 = arith.constant 0 : i32
      %cond3A_62 = arith.cmpi ne, %convert_element_type3A_60, %cond3A_61 : i32
      scf.if %cond3A_62 {
        %add3A_68 = arith.constant 2 : i32
        %add3A_69 = arith.addi %mul3A_46, %add3A_68 : i32
        %mul3A_70 = arith.constant 32 : i32
        %mul3A_71 = arith.muli %add3A_69, %mul3A_70 : i32
        %add3A_72 = arith.addi %add3A, %mul3A_71 : i32
        %mul3A_73 = arith.constant 128 : i32
        %mul3A_74 = arith.muli %add3A_72, %mul3A_73 : i32
        %dma_start3A_75 = tpu.memref_slice %arg3[%mul3A_74] : memref<1000000xi32, #tpu.memory_space<hbm>> -> memref<128xi32, #tpu.memory_space<hbm>>
        %dma_start3A_76 = tpu.memref_slice %arg3[%mul3A_74] : memref<1000000xi32, #tpu.memory_space<hbm>> -> memref<128xi32, #tpu.memory_space<hbm>>
        tpu.enqueue_dma source(%dma_start3A_76 : memref<128xi32, #tpu.memory_space<hbm>>) target(%arg8 : memref<128xi32, #tpu.memory_space<vmem>>) target_semaphore(%arg14 : memref<!tpu.dma_semaphore, #tpu.memory_space<semaphore_mem>>)
        %mul3A_77 = arith.constant 128 : i32
        %mul3A_78 = arith.muli %add3A_72, %mul3A_77 : i32
        %dma_start3A_79 = arith.constant 0 : i32
        %dma_start3A_80 = tpu.memref_slice %arg2[%mul3A_78, %dma_start3A_79] : memref<1000000x64xf32, #tpu.memory_space<hbm>> -> memref<128x64xf32, #tpu.memory_space<hbm>>
        %dma_start3A_81 = arith.constant 0 : i32
        %dma_start3A_82 = tpu.memref_slice %arg2[%mul3A_78, %dma_start3A_81] : memref<1000000x64xf32, #tpu.memory_space<hbm>> -> memref<128x64xf32, #tpu.memory_space<hbm>>
        tpu.enqueue_dma source(%dma_start3A_82 : memref<128x64xf32, #tpu.memory_space<hbm>>) target(%arg6 : memref<128x64xf32, #tpu.memory_space<vmem>>) target_semaphore(%arg12 : memref<!tpu.dma_semaphore, #tpu.memory_space<semaphore_mem>>)
      } else {
      }
      %lt3A_63 = arith.cmpi slt, %add3A_48, %select_n3A : i32
      %convert_element_type3A_64 = arith.extui %lt3A_63 : i1 to i32
      %cond3A_65 = arith.constant 0 : i32
      %cond3A_66 = arith.cmpi ne, %convert_element_type3A_64, %cond3A_65 : i32
      scf.if %cond3A_66 {
        %dma_wait3A = arith.constant 0 : i32
        %dma_wait3A_68 = tpu.memref_slice %arg3[%dma_wait3A] : memref<1000000xi32, #tpu.memory_space<hbm>> -> memref<128xi32, #tpu.memory_space<hbm>>
        %dma_wait3A_69 = arith.constant 0 : i32
        %dma_wait3A_70 = tpu.memref_slice %arg3[%dma_wait3A_69] : memref<1000000xi32, #tpu.memory_space<hbm>> -> memref<128xi32, #tpu.memory_space<hbm>>
        tpu.wait_dma2 semaphore(%arg15 : memref<!tpu.dma_semaphore, #tpu.memory_space<semaphore_mem>>) src(%dma_wait3A_70 : memref<128xi32, #tpu.memory_space<hbm>>) dst(%arg9 : memref<128xi32, #tpu.memory_space<vmem>>)
        %dma_wait3A_71 = arith.constant 0 : i32
        %dma_wait3A_72 = arith.constant 0 : i32
        %dma_wait3A_73 = tpu.memref_slice %arg2[%dma_wait3A_71, %dma_wait3A_72] : memref<1000000x64xf32, #tpu.memory_space<hbm>> -> memref<128x64xf32, #tpu.memory_space<hbm>>
        %dma_wait3A_74 = arith.constant 0 : i32
        %dma_wait3A_75 = arith.constant 0 : i32
        %dma_wait3A_76 = tpu.memref_slice %arg2[%dma_wait3A_74, %dma_wait3A_75] : memref<1000000x64xf32, #tpu.memory_space<hbm>> -> memref<128x64xf32, #tpu.memory_space<hbm>>
        tpu.wait_dma2 semaphore(%arg13 : memref<!tpu.dma_semaphore, #tpu.memory_space<semaphore_mem>>) src(%dma_wait3A_76 : memref<128x64xf32, #tpu.memory_space<hbm>>) dst(%arg7 : memref<128x64xf32, #tpu.memory_space<vmem>>)
        %parallel_loop3A = arith.constant 0 : i32
        %parallel_loop3A_77 = arith.constant 8 : i32
        %parallel_loop3A_78 = arith.constant 1 : i32
        scf.for %parallel_loop3A_79 = %parallel_loop3A to %parallel_loop3A_77 step %parallel_loop3A_78  : i32 {
          %parallel_loop3A_80 = arith.constant 16 : i32
          %parallel_loop3A_81 = arith.muli %parallel_loop3A_79, %parallel_loop3A_80 : i32
          %parallel_loop3A_82 = arith.index_cast %parallel_loop3A_81 : i32 to index
          %parallel_loop3A_83 = tpu.vector_load %arg9[%parallel_loop3A_82] {strides = array<i32>} : memref<128xi32, #tpu.memory_space<vmem>>, vector<16xi32>,
          %parallel_loop3A_84 = vector.shape_cast %parallel_loop3A_83 : vector<16xi32> to vector<16xi32>
          %parallel_loop3A_85 = vector.extract_strided_slice %parallel_loop3A_84 {offsets = [0], sizes = [1], strides = [1]} : vector<16xi32> to vector<1xi32>
          %parallel_loop3A_86 = vector.extract %parallel_loop3A_85[0] : i32 from vector<1xi32>
          %parallel_loop3A_87 = arith.constant 16 : i32
          %parallel_loop3A_88 = arith.muli %parallel_loop3A_79, %parallel_loop3A_87 : i32
          %parallel_loop3A_89 = arith.constant 0 : i32
          %parallel_loop3A_90 = arith.addi %parallel_loop3A_88, %parallel_loop3A_89 : i32
          %parallel_loop3A_91 = arith.constant 64 : i32
          %parallel_loop3A_92 = arith.muli %parallel_loop3A_86, %parallel_loop3A_91 : i32
          %parallel_loop3A_93 = arith.index_cast %parallel_loop3A_90 : i32 to index
          %parallel_loop3A_94 = arith.constant 0 : index
          %parallel_loop3A_95 = tpu.vector_load %arg7[%parallel_loop3A_93, %parallel_loop3A_94] {strides = array<i32>} : memref<128x64xf32, #tpu.memory_space<vmem>>, vector<1x16xf32>,
          %parallel_loop3A_96 = vector.shape_cast %parallel_loop3A_95 : vector<1x16xf32> to vector<16xf32>
          %parallel_loop3A_97 = arith.constant 0 : i32
          %parallel_loop3A_98 = arith.addi %parallel_loop3A_92, %parallel_loop3A_97 : i32
          %parallel_loop3A_99 = arith.index_cast %parallel_loop3A_98 : i32 to index
          %parallel_loop3A_100 = tpu.vector_load %arg10[%parallel_loop3A_99] {strides = array<i32>} : memref<64512xf32, #tpu.memory_space<vmem>>, vector<16xf32>,
          %parallel_loop3A_101 = vector.shape_cast %parallel_loop3A_100 : vector<16xf32> to vector<16xf32>
          %parallel_loop3A_102 = vector.shape_cast %parallel_loop3A_96 : vector<16xf32> to vector<16xf32>
          tpu.vector_store %arg10[%parallel_loop3A_99], %parallel_loop3A_102 {add = true, strides = array<i32>} : memref<64512xf32, #tpu.memory_space<vmem>>, vector<16xf32>,
          %parallel_loop3A_103 = arith.index_cast %parallel_loop3A_90 : i32 to index
          %parallel_loop3A_104 = arith.constant 16 : index
          %parallel_loop3A_105 = tpu.vector_load %arg7[%parallel_loop3A_103, %parallel_loop3A_104] {strides = array<i32>} : memref<128x64xf32, #tpu.memory_space<vmem>>, vector<1x16xf32>,
          %parallel_loop3A_106 = vector.shape_cast %parallel_loop3A_105 : vector<1x16xf32> to vector<16xf32>
          %parallel_loop3A_107 = arith.constant 16 : i32
          %parallel_loop3A_108 = arith.addi %parallel_loop3A_92, %parallel_loop3A_107 : i32
          %parallel_loop3A_109 = arith.index_cast %parallel_loop3A_108 : i32 to index
          %parallel_loop3A_110 = tpu.vector_load %arg10[%parallel_loop3A_109] {strides = array<i32>} : memref<64512xf32, #tpu.memory_space<vmem>>, vector<16xf32>,
          %parallel_loop3A_111 = vector.shape_cast %parallel_loop3A_110 : vector<16xf32> to vector<16xf32>
          %parallel_loop3A_112 = vector.shape_cast %parallel_loop3A_106 : vector<16xf32> to vector<16xf32>
          tpu.vector_store %arg10[%parallel_loop3A_109], %parallel_loop3A_112 {add = true, strides = array<i32>} : memref<64512xf32, #tpu.memory_space<vmem>>, vector<16xf32>,
          %parallel_loop3A_113 = arith.index_cast %parallel_loop3A_90 : i32 to index
          %parallel_loop3A_114 = arith.constant 32 : index
          %parallel_loop3A_115 = tpu.vector_load %arg7[%parallel_loop3A_113, %parallel_loop3A_114] {strides = array<i32>} : memref<128x64xf32, #tpu.memory_space<vmem>>, vector<1x16xf32>,
          %parallel_loop3A_116 = vector.shape_cast %parallel_loop3A_115 : vector<1x16xf32> to vector<16xf32>
          %parallel_loop3A_117 = arith.constant 32 : i32
          %parallel_loop3A_118 = arith.addi %parallel_loop3A_92, %parallel_loop3A_117 : i32
          %parallel_loop3A_119 = arith.index_cast %parallel_loop3A_118 : i32 to index
          %parallel_loop3A_120 = tpu.vector_load %arg10[%parallel_loop3A_119] {strides = array<i32>} : memref<64512xf32, #tpu.memory_space<vmem>>, vector<16xf32>,
          %parallel_loop3A_121 = vector.shape_cast %parallel_loop3A_120 : vector<16xf32> to vector<16xf32>
          %parallel_loop3A_122 = vector.shape_cast %parallel_loop3A_116 : vector<16xf32> to vector<16xf32>
          tpu.vector_store %arg10[%parallel_loop3A_119], %parallel_loop3A_122 {add = true, strides = array<i32>} : memref<64512xf32, #tpu.memory_space<vmem>>, vector<16xf32>,
          %parallel_loop3A_123 = arith.index_cast %parallel_loop3A_90 : i32 to index
          %parallel_loop3A_124 = arith.constant 48 : index
          %parallel_loop3A_125 = tpu.vector_load %arg7[%parallel_loop3A_123, %parallel_loop3A_124] {strides = array<i32>} : memref<128x64xf32, #tpu.memory_space<vmem>>, vector<1x16xf32>,
          %parallel_loop3A_126 = vector.shape_cast %parallel_loop3A_125 : vector<1x16xf32> to vector<16xf32>
          %parallel_loop3A_127 = arith.constant 48 : i32
          %parallel_loop3A_128 = arith.addi %parallel_loop3A_92, %parallel_loop3A_127 : i32
          %parallel_loop3A_129 = arith.index_cast %parallel_loop3A_128 : i32 to index
          %parallel_loop3A_130 = tpu.vector_load %arg10[%parallel_loop3A_129] {strides = array<i32>} : memref<64512xf32, #tpu.memory_space<vmem>>, vector<16xf32>,
          %parallel_loop3A_131 = vector.shape_cast %parallel_loop3A_130 : vector<16xf32> to vector<16xf32>
          %parallel_loop3A_132 = vector.shape_cast %parallel_loop3A_126 : vector<16xf32> to vector<16xf32>
          tpu.vector_store %arg10[%parallel_loop3A_129], %parallel_loop3A_132 {add = true, strides = array<i32>} : memref<64512xf32, #tpu.memory_space<vmem>>, vector<16xf32>,
          %parallel_loop3A_133 = arith.constant 16 : i32
          %parallel_loop3A_134 = arith.muli %parallel_loop3A_86, %parallel_loop3A_133 : i32
          %parallel_loop3A_135 = arith.index_cast %parallel_loop3A_134 : i32 to index
          %parallel_loop3A_136 = tpu.vector_load %arg11[%parallel_loop3A_135] {strides = array<i32>} : memref<16384xf32, #tpu.memory_space<vmem>>, vector<16xf32>,
          %parallel_loop3A_137 = vector.shape_cast %parallel_loop3A_136 : vector<16xf32> to vector<16xf32>
          %parallel_loop3A_138 = vector.shape_cast %broadcast_in_dim3A_3 : vector<16xf32> to vector<16xf32>
          tpu.vector_store %arg11[%parallel_loop3A_135], %parallel_loop3A_138 {add = true, strides = array<i32>} : memref<16384xf32, #tpu.memory_space<vmem>>, vector<16xf32>,
          %parallel_loop3A_139 = vector.extract_strided_slice %parallel_loop3A_84 {offsets = [1], sizes = [1], strides = [1]} : vector<16xi32> to vector<1xi32>
          %parallel_loop3A_140 = vector.extract %parallel_loop3A_139[0] : i32 from vector<1xi32>
          %parallel_loop3A_141 = arith.constant 16 : i32
          %parallel_loop3A_142 = arith.muli %parallel_loop3A_79, %parallel_loop3A_141 : i32
          %parallel_loop3A_143 = arith.constant 1 : i32
          %parallel_loop3A_144 = arith.addi %parallel_loop3A_142, %parallel_loop3A_143 : i32
          %parallel_loop3A_145 = arith.constant 64 : i32
          %parallel_loop3A_146 = arith.muli %parallel_loop3A_140, %parallel_loop3A_145 : i32
          %parallel_loop3A_147 = arith.index_cast %parallel_loop3A_144 : i32 to index
          %parallel_loop3A_148 = arith.constant 0 : index
          %parallel_loop3A_149 = tpu.vector_load %arg7[%parallel_loop3A_147, %parallel_loop3A_148] {strides = array<i32>} : memref<128x64xf32, #tpu.memory_space<vmem>>, vector<1x16xf32>,
          %parallel_loop3A_150 = vector.shape_cast %parallel_loop3A_149 : vector<1x16xf32> to vector<16xf32>
          %parallel_loop3A_151 = arith.constant 0 : i32
          %parallel_loop3A_152 = arith.addi %parallel_loop3A_146, %parallel_loop3A_151 : i32
          %parallel_loop3A_153 = arith.index_cast %parallel_loop3A_152 : i32 to index
          %parallel_loop3A_154 = tpu.vector_load %arg10[%parallel_loop3A_153] {strides = array<i32>} : memref<64512xf32, #tpu.memory_space<vmem>>, vector<16xf32>,
          %parallel_loop3A_155 = vector.shape_cast %parallel_loop3A_154 : vector<16xf32> to vector<16xf32>
          %parallel_loop3A_156 = vector.shape_cast %parallel_loop3A_150 : vector<16xf32> to vector<16xf32>
          tpu.vector_store %arg10[%parallel_loop3A_153], %parallel_loop3A_156 {add = true, strides = array<i32>} : memref<64512xf32, #tpu.memory_space<vmem>>, vector<16xf32>,
          %parallel_loop3A_157 = arith.index_cast %parallel_loop3A_144 : i32 to index
          %parallel_loop3A_158 = arith.constant 16 : index
          %parallel_loop3A_159 = tpu.vector_load %arg7[%parallel_loop3A_157, %parallel_loop3A_158] {strides = array<i32>} : memref<128x64xf32, #tpu.memory_space<vmem>>, vector<1x16xf32>,
          %parallel_loop3A_160 = vector.shape_cast %parallel_loop3A_159 : vector<1x16xf32> to vector<16xf32>
          %parallel_loop3A_161 = arith.constant 16 : i32
          %parallel_loop3A_162 = arith.addi %parallel_loop3A_146, %parallel_loop3A_161 : i32
          %parallel_loop3A_163 = arith.index_cast %parallel_loop3A_162 : i32 to index
          %parallel_loop3A_164 = tpu.vector_load %arg10[%parallel_loop3A_163] {strides = array<i32>} : memref<64512xf32, #tpu.memory_space<vmem>>, vector<16xf32>,
          %parallel_loop3A_165 = vector.shape_cast %parallel_loop3A_164 : vector<16xf32> to vector<16xf32>
          %parallel_loop3A_166 = vector.shape_cast %parallel_loop3A_160 : vector<16xf32> to vector<16xf32>
          tpu.vector_store %arg10[%parallel_loop3A_163], %parallel_loop3A_166 {add = true, strides = array<i32>} : memref<64512xf32, #tpu.memory_space<vmem>>, vector<16xf32>,
          %parallel_loop3A_167 = arith.index_cast %parallel_loop3A_144 : i32 to index
          %parallel_loop3A_168 = arith.constant 32 : index
          %parallel_loop3A_169 = tpu.vector_load %arg7[%parallel_loop3A_167, %parallel_loop3A_168] {strides = array<i32>} : memref<128x64xf32, #tpu.memory_space<vmem>>, vector<1x16xf32>,
          %parallel_loop3A_170 = vector.shape_cast %parallel_loop3A_169 : vector<1x16xf32> to vector<16xf32>
          %parallel_loop3A_171 = arith.constant 32 : i32
          %parallel_loop3A_172 = arith.addi %parallel_loop3A_146, %parallel_loop3A_171 : i32
          %parallel_loop3A_173 = arith.index_cast %parallel_loop3A_172 : i32 to index
          %parallel_loop3A_174 = tpu.vector_load %arg10[%parallel_loop3A_173] {strides = array<i32>} : memref<64512xf32, #tpu.memory_space<vmem>>, vector<16xf32>,
          %parallel_loop3A_175 = vector.shape_cast %parallel_loop3A_174 : vector<16xf32> to vector<16xf32>
          %parallel_loop3A_176 = vector.shape_cast %parallel_loop3A_170 : vector<16xf32> to vector<16xf32>
          tpu.vector_store %arg10[%parallel_loop3A_173], %parallel_loop3A_176 {add = true, strides = array<i32>} : memref<64512xf32, #tpu.memory_space<vmem>>, vector<16xf32>,
          %parallel_loop3A_177 = arith.index_cast %parallel_loop3A_144 : i32 to index
          %parallel_loop3A_178 = arith.constant 48 : index
          %parallel_loop3A_179 = tpu.vector_load %arg7[%parallel_loop3A_177, %parallel_loop3A_178] {strides = array<i32>} : memref<128x64xf32, #tpu.memory_space<vmem>>, vector<1x16xf32>,
          %parallel_loop3A_180 = vector.shape_cast %parallel_loop3A_179 : vector<1x16xf32> to vector<16xf32>
          %parallel_loop3A_181 = arith.constant 48 : i32
          %parallel_loop3A_182 = arith.addi %parallel_loop3A_146, %parallel_loop3A_181 : i32
          %parallel_loop3A_183 = arith.index_cast %parallel_loop3A_182 : i32 to index
          %parallel_loop3A_184 = tpu.vector_load %arg10[%parallel_loop3A_183] {strides = array<i32>} : memref<64512xf32, #tpu.memory_space<vmem>>, vector<16xf32>,
          %parallel_loop3A_185 = vector.shape_cast %parallel_loop3A_184 : vector<16xf32> to vector<16xf32>
          %parallel_loop3A_186 = vector.shape_cast %parallel_loop3A_180 : vector<16xf32> to vector<16xf32>
          tpu.vector_store %arg10[%parallel_loop3A_183], %parallel_loop3A_186 {add = true, strides = array<i32>} : memref<64512xf32, #tpu.memory_space<vmem>>, vector<16xf32>,
          %parallel_loop3A_187 = arith.constant 16 : i32
          %parallel_loop3A_188 = arith.muli %parallel_loop3A_140, %parallel_loop3A_187 : i32
          %parallel_loop3A_189 = arith.index_cast %parallel_loop3A_188 : i32 to index
          %parallel_loop3A_190 = tpu.vector_load %arg11[%parallel_loop3A_189] {strides = array<i32>} : memref<16384xf32, #tpu.memory_space<vmem>>, vector<16xf32>,
          %parallel_loop3A_191 = vector.shape_cast %parallel_loop3A_190 : vector<16xf32> to vector<16xf32>
          %parallel_loop3A_192 = vector.shape_cast %broadcast_in_dim3A_3 : vector<16xf32> to vector<16xf32>
          tpu.vector_store %arg11[%parallel_loop3A_189], %parallel_loop3A_192 {add = true, strides = array<i32>} : memref<16384xf32, #tpu.memory_space<vmem>>, vector<16xf32>,
          %parallel_loop3A_193 = vector.extract_strided_slice %parallel_loop3A_84 {offsets = [2], sizes = [1], strides = [1]} : vector<16xi32> to vector<1xi32>
          %parallel_loop3A_194 = vector.extract %parallel_loop3A_193[0] : i32 from vector<1xi32>
          %parallel_loop3A_195 = arith.constant 16 : i32
          %parallel_loop3A_196 = arith.muli %parallel_loop3A_79, %parallel_loop3A_195 : i32
          %parallel_loop3A_197 = arith.constant 2 : i32
          %parallel_loop3A_198 = arith.addi %parallel_loop3A_196, %parallel_loop3A_197 : i32
          %parallel_loop3A_199 = arith.constant 64 : i32
          %parallel_loop3A_200 = arith.muli %parallel_loop3A_194, %parallel_loop3A_199 : i32
          %parallel_loop3A_201 = arith.index_cast %parallel_loop3A_198 : i32 to index
          %parallel_loop3A_202 = arith.constant 0 : index
          %parallel_loop3A_203 = tpu.vector_load %arg7[%parallel_loop3A_201, %parallel_loop3A_202] {strides = array<i32>} : memref<128x64xf32, #tpu.memory_space<vmem>>, vector<1x16xf32>,
          %parallel_loop3A_204 = vector.shape_cast %parallel_loop3A_203 : vector<1x16xf32> to vector<16xf32>
          %parallel_loop3A_205 = arith.constant 0 : i32
          %parallel_loop3A_206 = arith.addi %parallel_loop3A_200, %parallel_loop3A_205 : i32
          %parallel_loop3A_207 = arith.index_cast %parallel_loop3A_206 : i32 to index
          %parallel_loop3A_208 = tpu.vector_load %arg10[%parallel_loop3A_207] {strides = array<i32>} : memref<64512xf32, #tpu.memory_space<vmem>>, vector<16xf32>,
          %parallel_loop3A_209 = vector.shape_cast %parallel_loop3A_208 : vector<16xf32> to vector<16xf32>
          %parallel_loop3A_210 = vector.shape_cast %parallel_loop3A_204 : vector<16xf32> to vector<16xf32>
          tpu.vector_store %arg10[%parallel_loop3A_207], %parallel_loop3A_210 {add = true, strides = array<i32>} : memref<64512xf32, #tpu.memory_space<vmem>>, vector<16xf32>,
          %parallel_loop3A_211 = arith.index_cast %parallel_loop3A_198 : i32 to index
          %parallel_loop3A_212 = arith.constant 16 : index
          %parallel_loop3A_213 = tpu.vector_load %arg7[%parallel_loop3A_211, %parallel_loop3A_212] {strides = array<i32>} : memref<128x64xf32, #tpu.memory_space<vmem>>, vector<1x16xf32>,
          %parallel_loop3A_214 = vector.shape_cast %parallel_loop3A_213 : vector<1x16xf32> to vector<16xf32>
          %parallel_loop3A_215 = arith.constant 16 : i32
          %parallel_loop3A_216 = arith.addi %parallel_loop3A_200, %parallel_loop3A_215 : i32
          %parallel_loop3A_217 = arith.index_cast %parallel_loop3A_216 : i32 to index
          %parallel_loop3A_218 = tpu.vector_load %arg10[%parallel_loop3A_217] {strides = array<i32>} : memref<64512xf32, #tpu.memory_space<vmem>>, vector<16xf32>,
          %parallel_loop3A_219 = vector.shape_cast %parallel_loop3A_218 : vector<16xf32> to vector<16xf32>
          %parallel_loop3A_220 = vector.shape_cast %parallel_loop3A_214 : vector<16xf32> to vector<16xf32>
          tpu.vector_store %arg10[%parallel_loop3A_217], %parallel_loop3A_220 {add = true, strides = array<i32>} : memref<64512xf32, #tpu.memory_space<vmem>>, vector<16xf32>,
          %parallel_loop3A_221 = arith.index_cast %parallel_loop3A_198 : i32 to index
          %parallel_loop3A_222 = arith.constant 32 : index
          %parallel_loop3A_223 = tpu.vector_load %arg7[%parallel_loop3A_221, %parallel_loop3A_222] {strides = array<i32>} : memref<128x64xf32, #tpu.memory_space<vmem>>, vector<1x16xf32>,
          %parallel_loop3A_224 = vector.shape_cast %parallel_loop3A_223 : vector<1x16xf32> to vector<16xf32>
          %parallel_loop3A_225 = arith.constant 32 : i32
          %parallel_loop3A_226 = arith.addi %parallel_loop3A_200, %parallel_loop3A_225 : i32
          %parallel_loop3A_227 = arith.index_cast %parallel_loop3A_226 : i32 to index
          %parallel_loop3A_228 = tpu.vector_load %arg10[%parallel_loop3A_227] {strides = array<i32>} : memref<64512xf32, #tpu.memory_space<vmem>>, vector<16xf32>,
          %parallel_loop3A_229 = vector.shape_cast %parallel_loop3A_228 : vector<16xf32> to vector<16xf32>
          %parallel_loop3A_230 = vector.shape_cast %parallel_loop3A_224 : vector<16xf32> to vector<16xf32>
          tpu.vector_store %arg10[%parallel_loop3A_227], %parallel_loop3A_230 {add = true, strides = array<i32>} : memref<64512xf32, #tpu.memory_space<vmem>>, vector<16xf32>,
          %parallel_loop3A_231 = arith.index_cast %parallel_loop3A_198 : i32 to index
          %parallel_loop3A_232 = arith.constant 48 : index
          %parallel_loop3A_233 = tpu.vector_load %arg7[%parallel_loop3A_231, %parallel_loop3A_232] {strides = array<i32>} : memref<128x64xf32, #tpu.memory_space<vmem>>, vector<1x16xf32>,
          %parallel_loop3A_234 = vector.shape_cast %parallel_loop3A_233 : vector<1x16xf32> to vector<16xf32>
          %parallel_loop3A_235 = arith.constant 48 : i32
          %parallel_loop3A_236 = arith.addi %parallel_loop3A_200, %parallel_loop3A_235 : i32
          %parallel_loop3A_237 = arith.index_cast %parallel_loop3A_236 : i32 to index
          %parallel_loop3A_238 = tpu.vector_load %arg10[%parallel_loop3A_237] {strides = array<i32>} : memref<64512xf32, #tpu.memory_space<vmem>>, vector<16xf32>,
          %parallel_loop3A_239 = vector.shape_cast %parallel_loop3A_238 : vector<16xf32> to vector<16xf32>
          %parallel_loop3A_240 = vector.shape_cast %parallel_loop3A_234 : vector<16xf32> to vector<16xf32>
          tpu.vector_store %arg10[%parallel_loop3A_237], %parallel_loop3A_240 {add = true, strides = array<i32>} : memref<64512xf32, #tpu.memory_space<vmem>>, vector<16xf32>,
          %parallel_loop3A_241 = arith.constant 16 : i32
          %parallel_loop3A_242 = arith.muli %parallel_loop3A_194, %parallel_loop3A_241 : i32
          %parallel_loop3A_243 = arith.index_cast %parallel_loop3A_242 : i32 to index
          %parallel_loop3A_244 = tpu.vector_load %arg11[%parallel_loop3A_243] {strides = array<i32>} : memref<16384xf32, #tpu.memory_space<vmem>>, vector<16xf32>,
          %parallel_loop3A_245 = vector.shape_cast %parallel_loop3A_244 : vector<16xf32> to vector<16xf32>
          %parallel_loop3A_246 = vector.shape_cast %broadcast_in_dim3A_3 : vector<16xf32> to vector<16xf32>
          tpu.vector_store %arg11[%parallel_loop3A_243], %parallel_loop3A_246 {add = true, strides = array<i32>} : memref<16384xf32, #tpu.memory_space<vmem>>, vector<16xf32>,
          %parallel_loop3A_247 = vector.extract_strided_slice %parallel_loop3A_84 {offsets = [3], sizes = [1], strides = [1]} : vector<16xi32> to vector<1xi32>
          %parallel_loop3A_248 = vector.extract %parallel_loop3A_247[0] : i32 from vector<1xi32>
          %parallel_loop3A_249 = arith.constant 16 : i32
          %parallel_loop3A_250 = arith.muli %parallel_loop3A_79, %parallel_loop3A_249 : i32
          %parallel_loop3A_251 = arith.constant 3 : i32
          %parallel_loop3A_252 = arith.addi %parallel_loop3A_250, %parallel_loop3A_251 : i32
          %parallel_loop3A_253 = arith.constant 64 : i32
          %parallel_loop3A_254 = arith.muli %parallel_loop3A_248, %parallel_loop3A_253 : i32
          %parallel_loop3A_255 = arith.index_cast %parallel_loop3A_252 : i32 to index
          %parallel_loop3A_256 = arith.constant 0 : index
          %parallel_loop3A_257 = tpu.vector_load %arg7[%parallel_loop3A_255, %parallel_loop3A_256] {strides = array<i32>} : memref<128x64xf32, #tpu.memory_space<vmem>>, vector<1x16xf32>,
          %parallel_loop3A_258 = vector.shape_cast %parallel_loop3A_257 : vector<1x16xf32> to vector<16xf32>
          %parallel_loop3A_259 = arith.constant 0 : i32
          %parallel_loop3A_260 = arith.addi %parallel_loop3A_254, %parallel_loop3A_259 : i32
          %parallel_loop3A_261 = arith.index_cast %parallel_loop3A_260 : i32 to index
          %parallel_loop3A_262 = tpu.vector_load %arg10[%parallel_loop3A_261] {strides = array<i32>} : memref<64512xf32, #tpu.memory_space<vmem>>, vector<16xf32>,
          %parallel_loop3A_263 = vector.shape_cast %parallel_loop3A_262 : vector<16xf32> to vector<16xf32>
          %parallel_loop3A_264 = vector.shape_cast %parallel_loop3A_258 : vector<16xf32> to vector<16xf32>
          tpu.vector_store %arg10[%parallel_loop3A_261], %parallel_loop3A_264 {add = true, strides = array<i32>} : memref<64512xf32, #tpu.memory_space<vmem>>, vector<16xf32>,
          %parallel_loop3A_265 = arith.index_cast %parallel_loop3A_252 : i32 to index
          %parallel_loop3A_266 = arith.constant 16 : index
          %parallel_loop3A_267 = tpu.vector_load %arg7[%parallel_loop3A_265, %parallel_loop3A_266] {strides = array<i32>} : memref<128x64xf32, #tpu.memory_space<vmem>>, vector<1x16xf32>,
          %parallel_loop3A_268 = vector.shape_cast %parallel_loop3A_267 : vector<1x16xf32> to vector<16xf32>
          %parallel_loop3A_269 = arith.constant 16 : i32
          %parallel_loop3A_270 = arith.addi %parallel_loop3A_254, %parallel_loop3A_269 : i32
          %parallel_loop3A_271 = arith.index_cast %parallel_loop3A_270 : i32 to index
          %parallel_loop3A_272 = tpu.vector_load %arg10[%parallel_loop3A_271] {strides = array<i32>} : memref<64512xf32, #tpu.memory_space<vmem>>, vector<16xf32>,
          %parallel_loop3A_273 = vector.shape_cast %parallel_loop3A_272 : vector<16xf32> to vector<16xf32>
          %parallel_loop3A_274 = vector.shape_cast %parallel_loop3A_268 : vector<16xf32> to vector<16xf32>
          tpu.vector_store %arg10[%parallel_loop3A_271], %parallel_loop3A_274 {add = true, strides = array<i32>} : memref<64512xf32, #tpu.memory_space<vmem>>, vector<16xf32>,
          %parallel_loop3A_275 = arith.index_cast %parallel_loop3A_252 : i32 to index
          %parallel_loop3A_276 = arith.constant 32 : index
          %parallel_loop3A_277 = tpu.vector_load %arg7[%parallel_loop3A_275, %parallel_loop3A_276] {strides = array<i32>} : memref<128x64xf32, #tpu.memory_space<vmem>>, vector<1x16xf32>,
          %parallel_loop3A_278 = vector.shape_cast %parallel_loop3A_277 : vector<1x16xf32> to vector<16xf32>
          %parallel_loop3A_279 = arith.constant 32 : i32
          %parallel_loop3A_280 = arith.addi %parallel_loop3A_254, %parallel_loop3A_279 : i32
          %parallel_loop3A_281 = arith.index_cast %parallel_loop3A_280 : i32 to index
          %parallel_loop3A_282 = tpu.vector_load %arg10[%parallel_loop3A_281] {strides = array<i32>} : memref<64512xf32, #tpu.memory_space<vmem>>, vector<16xf32>,
          %parallel_loop3A_283 = vector.shape_cast %parallel_loop3A_282 : vector<16xf32> to vector<16xf32>
          %parallel_loop3A_284 = vector.shape_cast %parallel_loop3A_278 : vector<16xf32> to vector<16xf32>
          tpu.vector_store %arg10[%parallel_loop3A_281], %parallel_loop3A_284 {add = true, strides = array<i32>} : memref<64512xf32, #tpu.memory_space<vmem>>, vector<16xf32>,
          %parallel_loop3A_285 = arith.index_cast %parallel_loop3A_252 : i32 to index
          %parallel_loop3A_286 = arith.constant 48 : index
          %parallel_loop3A_287 = tpu.vector_load %arg7[%parallel_loop3A_285, %parallel_loop3A_286] {strides = array<i32>} : memref<128x64xf32, #tpu.memory_space<vmem>>, vector<1x16xf32>,
          %parallel_loop3A_288 = vector.shape_cast %parallel_loop3A_287 : vector<1x16xf32> to vector<16xf32>
          %parallel_loop3A_289 = arith.constant 48 : i32
          %parallel_loop3A_290 = arith.addi %parallel_loop3A_254, %parallel_loop3A_289 : i32
          %parallel_loop3A_291 = arith.index_cast %parallel_loop3A_290 : i32 to index
          %parallel_loop3A_292 = tpu.vector_load %arg10[%parallel_loop3A_291] {strides = array<i32>} : memref<64512xf32, #tpu.memory_space<vmem>>, vector<16xf32>,
          %parallel_loop3A_293 = vector.shape_cast %parallel_loop3A_292 : vector<16xf32> to vector<16xf32>
          %parallel_loop3A_294 = vector.shape_cast %parallel_loop3A_288 : vector<16xf32> to vector<16xf32>
          tpu.vector_store %arg10[%parallel_loop3A_291], %parallel_loop3A_294 {add = true, strides = array<i32>} : memref<64512xf32, #tpu.memory_space<vmem>>, vector<16xf32>,
          %parallel_loop3A_295 = arith.constant 16 : i32
          %parallel_loop3A_296 = arith.muli %parallel_loop3A_248, %parallel_loop3A_295 : i32
          %parallel_loop3A_297 = arith.index_cast %parallel_loop3A_296 : i32 to index
          %parallel_loop3A_298 = tpu.vector_load %arg11[%parallel_loop3A_297] {strides = array<i32>} : memref<16384xf32, #tpu.memory_space<vmem>>, vector<16xf32>,
          %parallel_loop3A_299 = vector.shape_cast %parallel_loop3A_298 : vector<16xf32> to vector<16xf32>
          %parallel_loop3A_300 = vector.shape_cast %broadcast_in_dim3A_3 : vector<16xf32> to vector<16xf32>
          tpu.vector_store %arg11[%parallel_loop3A_297], %parallel_loop3A_300 {add = true, strides = array<i32>} : memref<16384xf32, #tpu.memory_space<vmem>>, vector<16xf32>,
          %parallel_loop3A_301 = vector.extract_strided_slice %parallel_loop3A_84 {offsets = [4], sizes = [1], strides = [1]} : vector<16xi32> to vector<1xi32>
          %parallel_loop3A_302 = vector.extract %parallel_loop3A_301[0] : i32 from vector<1xi32>
          %parallel_loop3A_303 = arith.constant 16 : i32
          %parallel_loop3A_304 = arith.muli %parallel_loop3A_79, %parallel_loop3A_303 : i32
          %parallel_loop3A_305 = arith.constant 4 : i32
          %parallel_loop3A_306 = arith.addi %parallel_loop3A_304, %parallel_loop3A_305 : i32
          %parallel_loop3A_307 = arith.constant 64 : i32
          %parallel_loop3A_308 = arith.muli %parallel_loop3A_302, %parallel_loop3A_307 : i32
          %parallel_loop3A_309 = arith.index_cast %parallel_loop3A_306 : i32 to index
          %parallel_loop3A_310 = arith.constant 0 : index
          %parallel_loop3A_311 = tpu.vector_load %arg7[%parallel_loop3A_309, %parallel_loop3A_310] {strides = array<i32>} : memref<128x64xf32, #tpu.memory_space<vmem>>, vector<1x16xf32>,
          %parallel_loop3A_312 = vector.shape_cast %parallel_loop3A_311 : vector<1x16xf32> to vector<16xf32>
          %parallel_loop3A_313 = arith.constant 0 : i32
          %parallel_loop3A_314 = arith.addi %parallel_loop3A_308, %parallel_loop3A_313 : i32
          %parallel_loop3A_315 = arith.index_cast %parallel_loop3A_314 : i32 to index
          %parallel_loop3A_316 = tpu.vector_load %arg10[%parallel_loop3A_315] {strides = array<i32>} : memref<64512xf32, #tpu.memory_space<vmem>>, vector<16xf32>,
          %parallel_loop3A_317 = vector.shape_cast %parallel_loop3A_316 : vector<16xf32> to vector<16xf32>
          %parallel_loop3A_318 = vector.shape_cast %parallel_loop3A_312 : vector<16xf32> to vector<16xf32>
          tpu.vector_store %arg10[%parallel_loop3A_315], %parallel_loop3A_318 {add = true, strides = array<i32>} : memref<64512xf32, #tpu.memory_space<vmem>>, vector<16xf32>,
          %parallel_loop3A_319 = arith.index_cast %parallel_loop3A_306 : i32 to index
          %parallel_loop3A_320 = arith.constant 16 : index
          %parallel_loop3A_321 = tpu.vector_load %arg7[%parallel_loop3A_319, %parallel_loop3A_320] {strides = array<i32>} : memref<128x64xf32, #tpu.memory_space<vmem>>, vector<1x16xf32>,
          %parallel_loop3A_322 = vector.shape_cast %parallel_loop3A_321 : vector<1x16xf32> to vector<16xf32>
          %parallel_loop3A_323 = arith.constant 16 : i32
          %parallel_loop3A_324 = arith.addi %parallel_loop3A_308, %parallel_loop3A_323 : i32
          %parallel_loop3A_325 = arith.index_cast %parallel_loop3A_324 : i32 to index
          %parallel_loop3A_326 = tpu.vector_load %arg10[%parallel_loop3A_325] {strides = array<i32>} : memref<64512xf32, #tpu.memory_space<vmem>>, vector<16xf32>,
          %parallel_loop3A_327 = vector.shape_cast %parallel_loop3A_326 : vector<16xf32> to vector<16xf32>
          %parallel_loop3A_328 = vector.shape_cast %parallel_loop3A_322 : vector<16xf32> to vector<16xf32>
          tpu.vector_store %arg10[%parallel_loop3A_325], %parallel_loop3A_328 {add = true, strides = array<i32>} : memref<64512xf32, #tpu.memory_space<vmem>>, vector<16xf32>,
          %parallel_loop3A_329 = arith.index_cast %parallel_loop3A_306 : i32 to index
          %parallel_loop3A_330 = arith.constant 32 : index
          %parallel_loop3A_331 = tpu.vector_load %arg7[%parallel_loop3A_329, %parallel_loop3A_330] {strides = array<i32>} : memref<128x64xf32, #tpu.memory_space<vmem>>, vector<1x16xf32>,
          %parallel_loop3A_332 = vector.shape_cast %parallel_loop3A_331 : vector<1x16xf32> to vector<16xf32>
          %parallel_loop3A_333 = arith.constant 32 : i32
          %parallel_loop3A_334 = arith.addi %parallel_loop3A_308, %parallel_loop3A_333 : i32
          %parallel_loop3A_335 = arith.index_cast %parallel_loop3A_334 : i32 to index
          %parallel_loop3A_336 = tpu.vector_load %arg10[%parallel_loop3A_335] {strides = array<i32>} : memref<64512xf32, #tpu.memory_space<vmem>>, vector<16xf32>,
          %parallel_loop3A_337 = vector.shape_cast %parallel_loop3A_336 : vector<16xf32> to vector<16xf32>
          %parallel_loop3A_338 = vector.shape_cast %parallel_loop3A_332 : vector<16xf32> to vector<16xf32>
          tpu.vector_store %arg10[%parallel_loop3A_335], %parallel_loop3A_338 {add = true, strides = array<i32>} : memref<64512xf32, #tpu.memory_space<vmem>>, vector<16xf32>,
          %parallel_loop3A_339 = arith.index_cast %parallel_loop3A_306 : i32 to index
          %parallel_loop3A_340 = arith.constant 48 : index
          %parallel_loop3A_341 = tpu.vector_load %arg7[%parallel_loop3A_339, %parallel_loop3A_340] {strides = array<i32>} : memref<128x64xf32, #tpu.memory_space<vmem>>, vector<1x16xf32>,
          %parallel_loop3A_342 = vector.shape_cast %parallel_loop3A_341 : vector<1x16xf32> to vector<16xf32>
          %parallel_loop3A_343 = arith.constant 48 : i32
          %parallel_loop3A_344 = arith.addi %parallel_loop3A_308, %parallel_loop3A_343 : i32
          %parallel_loop3A_345 = arith.index_cast %parallel_loop3A_344 : i32 to index
          %parallel_loop3A_346 = tpu.vector_load %arg10[%parallel_loop3A_345] {strides = array<i32>} : memref<64512xf32, #tpu.memory_space<vmem>>, vector<16xf32>,
          %parallel_loop3A_347 = vector.shape_cast %parallel_loop3A_346 : vector<16xf32> to vector<16xf32>
          %parallel_loop3A_348 = vector.shape_cast %parallel_loop3A_342 : vector<16xf32> to vector<16xf32>
          tpu.vector_store %arg10[%parallel_loop3A_345], %parallel_loop3A_348 {add = true, strides = array<i32>} : memref<64512xf32, #tpu.memory_space<vmem>>, vector<16xf32>,
          %parallel_loop3A_349 = arith.constant 16 : i32
          %parallel_loop3A_350 = arith.muli %parallel_loop3A_302, %parallel_loop3A_349 : i32
          %parallel_loop3A_351 = arith.index_cast %parallel_loop3A_350 : i32 to index
          %parallel_loop3A_352 = tpu.vector_load %arg11[%parallel_loop3A_351] {strides = array<i32>} : memref<16384xf32, #tpu.memory_space<vmem>>, vector<16xf32>,
          %parallel_loop3A_353 = vector.shape_cast %parallel_loop3A_352 : vector<16xf32> to vector<16xf32>
          %parallel_loop3A_354 = vector.shape_cast %broadcast_in_dim3A_3 : vector<16xf32> to vector<16xf32>
          tpu.vector_store %arg11[%parallel_loop3A_351], %parallel_loop3A_354 {add = true, strides = array<i32>} : memref<16384xf32, #tpu.memory_space<vmem>>, vector<16xf32>,
          %parallel_loop3A_355 = vector.extract_strided_slice %parallel_loop3A_84 {offsets = [5], sizes = [1], strides = [1]} : vector<16xi32> to vector<1xi32>
          %parallel_loop3A_356 = vector.extract %parallel_loop3A_355[0] : i32 from vector<1xi32>
          %parallel_loop3A_357 = arith.constant 16 : i32
          %parallel_loop3A_358 = arith.muli %parallel_loop3A_79, %parallel_loop3A_357 : i32
          %parallel_loop3A_359 = arith.constant 5 : i32
          %parallel_loop3A_360 = arith.addi %parallel_loop3A_358, %parallel_loop3A_359 : i32
          %parallel_loop3A_361 = arith.constant 64 : i32
          %parallel_loop3A_362 = arith.muli %parallel_loop3A_356, %parallel_loop3A_361 : i32
          %parallel_loop3A_363 = arith.index_cast %parallel_loop3A_360 : i32 to index
          %parallel_loop3A_364 = arith.constant 0 : index
          %parallel_loop3A_365 = tpu.vector_load %arg7[%parallel_loop3A_363, %parallel_loop3A_364] {strides = array<i32>} : memref<128x64xf32, #tpu.memory_space<vmem>>, vector<1x16xf32>,
          %parallel_loop3A_366 = vector.shape_cast %parallel_loop3A_365 : vector<1x16xf32> to vector<16xf32>
          %parallel_loop3A_367 = arith.constant 0 : i32
          %parallel_loop3A_368 = arith.addi %parallel_loop3A_362, %parallel_loop3A_367 : i32
          %parallel_loop3A_369 = arith.index_cast %parallel_loop3A_368 : i32 to index
          %parallel_loop3A_370 = tpu.vector_load %arg10[%parallel_loop3A_369] {strides = array<i32>} : memref<64512xf32, #tpu.memory_space<vmem>>, vector<16xf32>,
          %parallel_loop3A_371 = vector.shape_cast %parallel_loop3A_370 : vector<16xf32> to vector<16xf32>
          %parallel_loop3A_372 = vector.shape_cast %parallel_loop3A_366 : vector<16xf32> to vector<16xf32>
          tpu.vector_store %arg10[%parallel_loop3A_369], %parallel_loop3A_372 {add = true, strides = array<i32>} : memref<64512xf32, #tpu.memory_space<vmem>>, vector<16xf32>,
          %parallel_loop3A_373 = arith.index_cast %parallel_loop3A_360 : i32 to index
          %parallel_loop3A_374 = arith.constant 16 : index
          %parallel_loop3A_375 = tpu.vector_load %arg7[%parallel_loop3A_373, %parallel_loop3A_374] {strides = array<i32>} : memref<128x64xf32, #tpu.memory_space<vmem>>, vector<1x16xf32>,
          %parallel_loop3A_376 = vector.shape_cast %parallel_loop3A_375 : vector<1x16xf32> to vector<16xf32>
          %parallel_loop3A_377 = arith.constant 16 : i32
          %parallel_loop3A_378 = arith.addi %parallel_loop3A_362, %parallel_loop3A_377 : i32
          %parallel_loop3A_379 = arith.index_cast %parallel_loop3A_378 : i32 to index
          %parallel_loop3A_380 = tpu.vector_load %arg10[%parallel_loop3A_379] {strides = array<i32>} : memref<64512xf32, #tpu.memory_space<vmem>>, vector<16xf32>,
          %parallel_loop3A_381 = vector.shape_cast %parallel_loop3A_380 : vector<16xf32> to vector<16xf32>
          %parallel_loop3A_382 = vector.shape_cast %parallel_loop3A_376 : vector<16xf32> to vector<16xf32>
          tpu.vector_store %arg10[%parallel_loop3A_379], %parallel_loop3A_382 {add = true, strides = array<i32>} : memref<64512xf32, #tpu.memory_space<vmem>>, vector<16xf32>,
          %parallel_loop3A_383 = arith.index_cast %parallel_loop3A_360 : i32 to index
          %parallel_loop3A_384 = arith.constant 32 : index
          %parallel_loop3A_385 = tpu.vector_load %arg7[%parallel_loop3A_383, %parallel_loop3A_384] {strides = array<i32>} : memref<128x64xf32, #tpu.memory_space<vmem>>, vector<1x16xf32>,
          %parallel_loop3A_386 = vector.shape_cast %parallel_loop3A_385 : vector<1x16xf32> to vector<16xf32>
          %parallel_loop3A_387 = arith.constant 32 : i32
          %parallel_loop3A_388 = arith.addi %parallel_loop3A_362, %parallel_loop3A_387 : i32
          %parallel_loop3A_389 = arith.index_cast %parallel_loop3A_388 : i32 to index
          %parallel_loop3A_390 = tpu.vector_load %arg10[%parallel_loop3A_389] {strides = array<i32>} : memref<64512xf32, #tpu.memory_space<vmem>>, vector<16xf32>,
          %parallel_loop3A_391 = vector.shape_cast %parallel_loop3A_390 : vector<16xf32> to vector<16xf32>
          %parallel_loop3A_392 = vector.shape_cast %parallel_loop3A_386 : vector<16xf32> to vector<16xf32>
          tpu.vector_store %arg10[%parallel_loop3A_389], %parallel_loop3A_392 {add = true, strides = array<i32>} : memref<64512xf32, #tpu.memory_space<vmem>>, vector<16xf32>,
          %parallel_loop3A_393 = arith.index_cast %parallel_loop3A_360 : i32 to index
          %parallel_loop3A_394 = arith.constant 48 : index
          %parallel_loop3A_395 = tpu.vector_load %arg7[%parallel_loop3A_393, %parallel_loop3A_394] {strides = array<i32>} : memref<128x64xf32, #tpu.memory_space<vmem>>, vector<1x16xf32>,
          %parallel_loop3A_396 = vector.shape_cast %parallel_loop3A_395 : vector<1x16xf32> to vector<16xf32>
          %parallel_loop3A_397 = arith.constant 48 : i32
          %parallel_loop3A_398 = arith.addi %parallel_loop3A_362, %parallel_loop3A_397 : i32
          %parallel_loop3A_399 = arith.index_cast %parallel_loop3A_398 : i32 to index
          %parallel_loop3A_400 = tpu.vector_load %arg10[%parallel_loop3A_399] {strides = array<i32>} : memref<64512xf32, #tpu.memory_space<vmem>>, vector<16xf32>,
          %parallel_loop3A_401 = vector.shape_cast %parallel_loop3A_400 : vector<16xf32> to vector<16xf32>
          %parallel_loop3A_402 = vector.shape_cast %parallel_loop3A_396 : vector<16xf32> to vector<16xf32>
          tpu.vector_store %arg10[%parallel_loop3A_399], %parallel_loop3A_402 {add = true, strides = array<i32>} : memref<64512xf32, #tpu.memory_space<vmem>>, vector<16xf32>,
          %parallel_loop3A_403 = arith.constant 16 : i32
          %parallel_loop3A_404 = arith.muli %parallel_loop3A_356, %parallel_loop3A_403 : i32
          %parallel_loop3A_405 = arith.index_cast %parallel_loop3A_404 : i32 to index
          %parallel_loop3A_406 = tpu.vector_load %arg11[%parallel_loop3A_405] {strides = array<i32>} : memref<16384xf32, #tpu.memory_space<vmem>>, vector<16xf32>,
          %parallel_loop3A_407 = vector.shape_cast %parallel_loop3A_406 : vector<16xf32> to vector<16xf32>
          %parallel_loop3A_408 = vector.shape_cast %broadcast_in_dim3A_3 : vector<16xf32> to vector<16xf32>
          tpu.vector_store %arg11[%parallel_loop3A_405], %parallel_loop3A_408 {add = true, strides = array<i32>} : memref<16384xf32, #tpu.memory_space<vmem>>, vector<16xf32>,
          %parallel_loop3A_409 = vector.extract_strided_slice %parallel_loop3A_84 {offsets = [6], sizes = [1], strides = [1]} : vector<16xi32> to vector<1xi32>
          %parallel_loop3A_410 = vector.extract %parallel_loop3A_409[0] : i32 from vector<1xi32>
          %parallel_loop3A_411 = arith.constant 16 : i32
          %parallel_loop3A_412 = arith.muli %parallel_loop3A_79, %parallel_loop3A_411 : i32
          %parallel_loop3A_413 = arith.constant 6 : i32
          %parallel_loop3A_414 = arith.addi %parallel_loop3A_412, %parallel_loop3A_413 : i32
          %parallel_loop3A_415 = arith.constant 64 : i32
          %parallel_loop3A_416 = arith.muli %parallel_loop3A_410, %parallel_loop3A_415 : i32
          %parallel_loop3A_417 = arith.index_cast %parallel_loop3A_414 : i32 to index
          %parallel_loop3A_418 = arith.constant 0 : index
          %parallel_loop3A_419 = tpu.vector_load %arg7[%parallel_loop3A_417, %parallel_loop3A_418] {strides = array<i32>} : memref<128x64xf32, #tpu.memory_space<vmem>>, vector<1x16xf32>,
          %parallel_loop3A_420 = vector.shape_cast %parallel_loop3A_419 : vector<1x16xf32> to vector<16xf32>
          %parallel_loop3A_421 = arith.constant 0 : i32
          %parallel_loop3A_422 = arith.addi %parallel_loop3A_416, %parallel_loop3A_421 : i32
          %parallel_loop3A_423 = arith.index_cast %parallel_loop3A_422 : i32 to index
          %parallel_loop3A_424 = tpu.vector_load %arg10[%parallel_loop3A_423] {strides = array<i32>} : memref<64512xf32, #tpu.memory_space<vmem>>, vector<16xf32>,
          %parallel_loop3A_425 = vector.shape_cast %parallel_loop3A_424 : vector<16xf32> to vector<16xf32>
          %parallel_loop3A_426 = vector.shape_cast %parallel_loop3A_420 : vector<16xf32> to vector<16xf32>
          tpu.vector_store %arg10[%parallel_loop3A_423], %parallel_loop3A_426 {add = true, strides = array<i32>} : memref<64512xf32, #tpu.memory_space<vmem>>, vector<16xf32>,
          %parallel_loop3A_427 = arith.index_cast %parallel_loop3A_414 : i32 to index
          %parallel_loop3A_428 = arith.constant 16 : index
          %parallel_loop3A_429 = tpu.vector_load %arg7[%parallel_loop3A_427, %parallel_loop3A_428] {strides = array<i32>} : memref<128x64xf32, #tpu.memory_space<vmem>>, vector<1x16xf32>,
          %parallel_loop3A_430 = vector.shape_cast %parallel_loop3A_429 : vector<1x16xf32> to vector<16xf32>
          %parallel_loop3A_431 = arith.constant 16 : i32
          %parallel_loop3A_432 = arith.addi %parallel_loop3A_416, %parallel_loop3A_431 : i32
          %parallel_loop3A_433 = arith.index_cast %parallel_loop3A_432 : i32 to index
          %parallel_loop3A_434 = tpu.vector_load %arg10[%parallel_loop3A_433] {strides = array<i32>} : memref<64512xf32, #tpu.memory_space<vmem>>, vector<16xf32>,
          %parallel_loop3A_435 = vector.shape_cast %parallel_loop3A_434 : vector<16xf32> to vector<16xf32>
          %parallel_loop3A_436 = vector.shape_cast %parallel_loop3A_430 : vector<16xf32> to vector<16xf32>
          tpu.vector_store %arg10[%parallel_loop3A_433], %parallel_loop3A_436 {add = true, strides = array<i32>} : memref<64512xf32, #tpu.memory_space<vmem>>, vector<16xf32>,
          %parallel_loop3A_437 = arith.index_cast %parallel_loop3A_414 : i32 to index
          %parallel_loop3A_438 = arith.constant 32 : index
          %parallel_loop3A_439 = tpu.vector_load %arg7[%parallel_loop3A_437, %parallel_loop3A_438] {strides = array<i32>} : memref<128x64xf32, #tpu.memory_space<vmem>>, vector<1x16xf32>,
          %parallel_loop3A_440 = vector.shape_cast %parallel_loop3A_439 : vector<1x16xf32> to vector<16xf32>
          %parallel_loop3A_441 = arith.constant 32 : i32
          %parallel_loop3A_442 = arith.addi %parallel_loop3A_416, %parallel_loop3A_441 : i32
          %parallel_loop3A_443 = arith.index_cast %parallel_loop3A_442 : i32 to index
          %parallel_loop3A_444 = tpu.vector_load %arg10[%parallel_loop3A_443] {strides = array<i32>} : memref<64512xf32, #tpu.memory_space<vmem>>, vector<16xf32>,
          %parallel_loop3A_445 = vector.shape_cast %parallel_loop3A_444 : vector<16xf32> to vector<16xf32>
          %parallel_loop3A_446 = vector.shape_cast %parallel_loop3A_440 : vector<16xf32> to vector<16xf32>
          tpu.vector_store %arg10[%parallel_loop3A_443], %parallel_loop3A_446 {add = true, strides = array<i32>} : memref<64512xf32, #tpu.memory_space<vmem>>, vector<16xf32>,
          %parallel_loop3A_447 = arith.index_cast %parallel_loop3A_414 : i32 to index
          %parallel_loop3A_448 = arith.constant 48 : index
          %parallel_loop3A_449 = tpu.vector_load %arg7[%parallel_loop3A_447, %parallel_loop3A_448] {strides = array<i32>} : memref<128x64xf32, #tpu.memory_space<vmem>>, vector<1x16xf32>,
          %parallel_loop3A_450 = vector.shape_cast %parallel_loop3A_449 : vector<1x16xf32> to vector<16xf32>
          %parallel_loop3A_451 = arith.constant 48 : i32
          %parallel_loop3A_452 = arith.addi %parallel_loop3A_416, %parallel_loop3A_451 : i32
          %parallel_loop3A_453 = arith.index_cast %parallel_loop3A_452 : i32 to index
          %parallel_loop3A_454 = tpu.vector_load %arg10[%parallel_loop3A_453] {strides = array<i32>} : memref<64512xf32, #tpu.memory_space<vmem>>, vector<16xf32>,
          %parallel_loop3A_455 = vector.shape_cast %parallel_loop3A_454 : vector<16xf32> to vector<16xf32>
          %parallel_loop3A_456 = vector.shape_cast %parallel_loop3A_450 : vector<16xf32> to vector<16xf32>
          tpu.vector_store %arg10[%parallel_loop3A_453], %parallel_loop3A_456 {add = true, strides = array<i32>} : memref<64512xf32, #tpu.memory_space<vmem>>, vector<16xf32>,
          %parallel_loop3A_457 = arith.constant 16 : i32
          %parallel_loop3A_458 = arith.muli %parallel_loop3A_410, %parallel_loop3A_457 : i32
          %parallel_loop3A_459 = arith.index_cast %parallel_loop3A_458 : i32 to index
          %parallel_loop3A_460 = tpu.vector_load %arg11[%parallel_loop3A_459] {strides = array<i32>} : memref<16384xf32, #tpu.memory_space<vmem>>, vector<16xf32>,
          %parallel_loop3A_461 = vector.shape_cast %parallel_loop3A_460 : vector<16xf32> to vector<16xf32>
          %parallel_loop3A_462 = vector.shape_cast %broadcast_in_dim3A_3 : vector<16xf32> to vector<16xf32>
          tpu.vector_store %arg11[%parallel_loop3A_459], %parallel_loop3A_462 {add = true, strides = array<i32>} : memref<16384xf32, #tpu.memory_space<vmem>>, vector<16xf32>,
          %parallel_loop3A_463 = vector.extract_strided_slice %parallel_loop3A_84 {offsets = [7], sizes = [1], strides = [1]} : vector<16xi32> to vector<1xi32>
          %parallel_loop3A_464 = vector.extract %parallel_loop3A_463[0] : i32 from vector<1xi32>
          %parallel_loop3A_465 = arith.constant 16 : i32
          %parallel_loop3A_466 = arith.muli %parallel_loop3A_79, %parallel_loop3A_465 : i32
          %parallel_loop3A_467 = arith.constant 7 : i32
          %parallel_loop3A_468 = arith.addi %parallel_loop3A_466, %parallel_loop3A_467 : i32
          %parallel_loop3A_469 = arith.constant 64 : i32
          %parallel_loop3A_470 = arith.muli %parallel_loop3A_464, %parallel_loop3A_469 : i32
          %parallel_loop3A_471 = arith.index_cast %parallel_loop3A_468 : i32 to index
          %parallel_loop3A_472 = arith.constant 0 : index
          %parallel_loop3A_473 = tpu.vector_load %arg7[%parallel_loop3A_471, %parallel_loop3A_472] {strides = array<i32>} : memref<128x64xf32, #tpu.memory_space<vmem>>, vector<1x16xf32>,
          %parallel_loop3A_474 = vector.shape_cast %parallel_loop3A_473 : vector<1x16xf32> to vector<16xf32>
          %parallel_loop3A_475 = arith.constant 0 : i32
          %parallel_loop3A_476 = arith.addi %parallel_loop3A_470, %parallel_loop3A_475 : i32
          %parallel_loop3A_477 = arith.index_cast %parallel_loop3A_476 : i32 to index
          %parallel_loop3A_478 = tpu.vector_load %arg10[%parallel_loop3A_477] {strides = array<i32>} : memref<64512xf32, #tpu.memory_space<vmem>>, vector<16xf32>,
          %parallel_loop3A_479 = vector.shape_cast %parallel_loop3A_478 : vector<16xf32> to vector<16xf32>
          %parallel_loop3A_480 = vector.shape_cast %parallel_loop3A_474 : vector<16xf32> to vector<16xf32>
          tpu.vector_store %arg10[%parallel_loop3A_477], %parallel_loop3A_480 {add = true, strides = array<i32>} : memref<64512xf32, #tpu.memory_space<vmem>>, vector<16xf32>,
          %parallel_loop3A_481 = arith.index_cast %parallel_loop3A_468 : i32 to index
          %parallel_loop3A_482 = arith.constant 16 : index
          %parallel_loop3A_483 = tpu.vector_load %arg7[%parallel_loop3A_481, %parallel_loop3A_482] {strides = array<i32>} : memref<128x64xf32, #tpu.memory_space<vmem>>, vector<1x16xf32>,
          %parallel_loop3A_484 = vector.shape_cast %parallel_loop3A_483 : vector<1x16xf32> to vector<16xf32>
          %parallel_loop3A_485 = arith.constant 16 : i32
          %parallel_loop3A_486 = arith.addi %parallel_loop3A_470, %parallel_loop3A_485 : i32
          %parallel_loop3A_487 = arith.index_cast %parallel_loop3A_486 : i32 to index
          %parallel_loop3A_488 = tpu.vector_load %arg10[%parallel_loop3A_487] {strides = array<i32>} : memref<64512xf32, #tpu.memory_space<vmem>>, vector<16xf32>,
          %parallel_loop3A_489 = vector.shape_cast %parallel_loop3A_488 : vector<16xf32> to vector<16xf32>
          %parallel_loop3A_490 = vector.shape_cast %parallel_loop3A_484 : vector<16xf32> to vector<16xf32>
          tpu.vector_store %arg10[%parallel_loop3A_487], %parallel_loop3A_490 {add = true, strides = array<i32>} : memref<64512xf32, #tpu.memory_space<vmem>>, vector<16xf32>,
          %parallel_loop3A_491 = arith.index_cast %parallel_loop3A_468 : i32 to index
          %parallel_loop3A_492 = arith.constant 32 : index
          %parallel_loop3A_493 = tpu.vector_load %arg7[%parallel_loop3A_491, %parallel_loop3A_492] {strides = array<i32>} : memref<128x64xf32, #tpu.memory_space<vmem>>, vector<1x16xf32>,
          %parallel_loop3A_494 = vector.shape_cast %parallel_loop3A_493 : vector<1x16xf32> to vector<16xf32>
          %parallel_loop3A_495 = arith.constant 32 : i32
          %parallel_loop3A_496 = arith.addi %parallel_loop3A_470, %parallel_loop3A_495 : i32
          %parallel_loop3A_497 = arith.index_cast %parallel_loop3A_496 : i32 to index
          %parallel_loop3A_498 = tpu.vector_load %arg10[%parallel_loop3A_497] {strides = array<i32>} : memref<64512xf32, #tpu.memory_space<vmem>>, vector<16xf32>,
          %parallel_loop3A_499 = vector.shape_cast %parallel_loop3A_498 : vector<16xf32> to vector<16xf32>
          %parallel_loop3A_500 = vector.shape_cast %parallel_loop3A_494 : vector<16xf32> to vector<16xf32>
          tpu.vector_store %arg10[%parallel_loop3A_497], %parallel_loop3A_500 {add = true, strides = array<i32>} : memref<64512xf32, #tpu.memory_space<vmem>>, vector<16xf32>,
          %parallel_loop3A_501 = arith.index_cast %parallel_loop3A_468 : i32 to index
          %parallel_loop3A_502 = arith.constant 48 : index
          %parallel_loop3A_503 = tpu.vector_load %arg7[%parallel_loop3A_501, %parallel_loop3A_502] {strides = array<i32>} : memref<128x64xf32, #tpu.memory_space<vmem>>, vector<1x16xf32>,
          %parallel_loop3A_504 = vector.shape_cast %parallel_loop3A_503 : vector<1x16xf32> to vector<16xf32>
          %parallel_loop3A_505 = arith.constant 48 : i32
          %parallel_loop3A_506 = arith.addi %parallel_loop3A_470, %parallel_loop3A_505 : i32
          %parallel_loop3A_507 = arith.index_cast %parallel_loop3A_506 : i32 to index
          %parallel_loop3A_508 = tpu.vector_load %arg10[%parallel_loop3A_507] {strides = array<i32>} : memref<64512xf32, #tpu.memory_space<vmem>>, vector<16xf32>,
          %parallel_loop3A_509 = vector.shape_cast %parallel_loop3A_508 : vector<16xf32> to vector<16xf32>
          %parallel_loop3A_510 = vector.shape_cast %parallel_loop3A_504 : vector<16xf32> to vector<16xf32>
          tpu.vector_store %arg10[%parallel_loop3A_507], %parallel_loop3A_510 {add = true, strides = array<i32>} : memref<64512xf32, #tpu.memory_space<vmem>>, vector<16xf32>,
          %parallel_loop3A_511 = arith.constant 16 : i32
          %parallel_loop3A_512 = arith.muli %parallel_loop3A_464, %parallel_loop3A_511 : i32
          %parallel_loop3A_513 = arith.index_cast %parallel_loop3A_512 : i32 to index
          %parallel_loop3A_514 = tpu.vector_load %arg11[%parallel_loop3A_513] {strides = array<i32>} : memref<16384xf32, #tpu.memory_space<vmem>>, vector<16xf32>,
          %parallel_loop3A_515 = vector.shape_cast %parallel_loop3A_514 : vector<16xf32> to vector<16xf32>
          %parallel_loop3A_516 = vector.shape_cast %broadcast_in_dim3A_3 : vector<16xf32> to vector<16xf32>
          tpu.vector_store %arg11[%parallel_loop3A_513], %parallel_loop3A_516 {add = true, strides = array<i32>} : memref<16384xf32, #tpu.memory_space<vmem>>, vector<16xf32>,
          %parallel_loop3A_517 = vector.extract_strided_slice %parallel_loop3A_84 {offsets = [8], sizes = [1], strides = [1]} : vector<16xi32> to vector<1xi32>
          %parallel_loop3A_518 = vector.extract %parallel_loop3A_517[0] : i32 from vector<1xi32>
          %parallel_loop3A_519 = arith.constant 16 : i32
          %parallel_loop3A_520 = arith.muli %parallel_loop3A_79, %parallel_loop3A_519 : i32
          %parallel_loop3A_521 = arith.constant 8 : i32
          %parallel_loop3A_522 = arith.addi %parallel_loop3A_520, %parallel_loop3A_521 : i32
          %parallel_loop3A_523 = arith.constant 64 : i32
          %parallel_loop3A_524 = arith.muli %parallel_loop3A_518, %parallel_loop3A_523 : i32
          %parallel_loop3A_525 = arith.index_cast %parallel_loop3A_522 : i32 to index
          %parallel_loop3A_526 = arith.constant 0 : index
          %parallel_loop3A_527 = tpu.vector_load %arg7[%parallel_loop3A_525, %parallel_loop3A_526] {strides = array<i32>} : memref<128x64xf32, #tpu.memory_space<vmem>>, vector<1x16xf32>,
          %parallel_loop3A_528 = vector.shape_cast %parallel_loop3A_527 : vector<1x16xf32> to vector<16xf32>
          %parallel_loop3A_529 = arith.constant 0 : i32
          %parallel_loop3A_530 = arith.addi %parallel_loop3A_524, %parallel_loop3A_529 : i32
          %parallel_loop3A_531 = arith.index_cast %parallel_loop3A_530 : i32 to index
          %parallel_loop3A_532 = tpu.vector_load %arg10[%parallel_loop3A_531] {strides = array<i32>} : memref<64512xf32, #tpu.memory_space<vmem>>, vector<16xf32>,
          %parallel_loop3A_533 = vector.shape_cast %parallel_loop3A_532 : vector<16xf32> to vector<16xf32>
          %parallel_loop3A_534 = vector.shape_cast %parallel_loop3A_528 : vector<16xf32> to vector<16xf32>
          tpu.vector_store %arg10[%parallel_loop3A_531], %parallel_loop3A_534 {add = true, strides = array<i32>} : memref<64512xf32, #tpu.memory_space<vmem>>, vector<16xf32>,
          %parallel_loop3A_535 = arith.index_cast %parallel_loop3A_522 : i32 to index
          %parallel_loop3A_536 = arith.constant 16 : index
          %parallel_loop3A_537 = tpu.vector_load %arg7[%parallel_loop3A_535, %parallel_loop3A_536] {strides = array<i32>} : memref<128x64xf32, #tpu.memory_space<vmem>>, vector<1x16xf32>,
          %parallel_loop3A_538 = vector.shape_cast %parallel_loop3A_537 : vector<1x16xf32> to vector<16xf32>
          %parallel_loop3A_539 = arith.constant 16 : i32
          %parallel_loop3A_540 = arith.addi %parallel_loop3A_524, %parallel_loop3A_539 : i32
          %parallel_loop3A_541 = arith.index_cast %parallel_loop3A_540 : i32 to index
          %parallel_loop3A_542 = tpu.vector_load %arg10[%parallel_loop3A_541] {strides = array<i32>} : memref<64512xf32, #tpu.memory_space<vmem>>, vector<16xf32>,
          %parallel_loop3A_543 = vector.shape_cast %parallel_loop3A_542 : vector<16xf32> to vector<16xf32>
          %parallel_loop3A_544 = vector.shape_cast %parallel_loop3A_538 : vector<16xf32> to vector<16xf32>
          tpu.vector_store %arg10[%parallel_loop3A_541], %parallel_loop3A_544 {add = true, strides = array<i32>} : memref<64512xf32, #tpu.memory_space<vmem>>, vector<16xf32>,
          %parallel_loop3A_545 = arith.index_cast %parallel_loop3A_522 : i32 to index
          %parallel_loop3A_546 = arith.constant 32 : index
          %parallel_loop3A_547 = tpu.vector_load %arg7[%parallel_loop3A_545, %parallel_loop3A_546] {strides = array<i32>} : memref<128x64xf32, #tpu.memory_space<vmem>>, vector<1x16xf32>,
          %parallel_loop3A_548 = vector.shape_cast %parallel_loop3A_547 : vector<1x16xf32> to vector<16xf32>
          %parallel_loop3A_549 = arith.constant 32 : i32
          %parallel_loop3A_550 = arith.addi %parallel_loop3A_524, %parallel_loop3A_549 : i32
          %parallel_loop3A_551 = arith.index_cast %parallel_loop3A_550 : i32 to index
          %parallel_loop3A_552 = tpu.vector_load %arg10[%parallel_loop3A_551] {strides = array<i32>} : memref<64512xf32, #tpu.memory_space<vmem>>, vector<16xf32>,
          %parallel_loop3A_553 = vector.shape_cast %parallel_loop3A_552 : vector<16xf32> to vector<16xf32>
          %parallel_loop3A_554 = vector.shape_cast %parallel_loop3A_548 : vector<16xf32> to vector<16xf32>
          tpu.vector_store %arg10[%parallel_loop3A_551], %parallel_loop3A_554 {add = true, strides = array<i32>} : memref<64512xf32, #tpu.memory_space<vmem>>, vector<16xf32>,
          %parallel_loop3A_555 = arith.index_cast %parallel_loop3A_522 : i32 to index
          %parallel_loop3A_556 = arith.constant 48 : index
          %parallel_loop3A_557 = tpu.vector_load %arg7[%parallel_loop3A_555, %parallel_loop3A_556] {strides = array<i32>} : memref<128x64xf32, #tpu.memory_space<vmem>>, vector<1x16xf32>,
          %parallel_loop3A_558 = vector.shape_cast %parallel_loop3A_557 : vector<1x16xf32> to vector<16xf32>
          %parallel_loop3A_559 = arith.constant 48 : i32
          %parallel_loop3A_560 = arith.addi %parallel_loop3A_524, %parallel_loop3A_559 : i32
          %parallel_loop3A_561 = arith.index_cast %parallel_loop3A_560 : i32 to index
          %parallel_loop3A_562 = tpu.vector_load %arg10[%parallel_loop3A_561] {strides = array<i32>} : memref<64512xf32, #tpu.memory_space<vmem>>, vector<16xf32>,
          %parallel_loop3A_563 = vector.shape_cast %parallel_loop3A_562 : vector<16xf32> to vector<16xf32>
          %parallel_loop3A_564 = vector.shape_cast %parallel_loop3A_558 : vector<16xf32> to vector<16xf32>
          tpu.vector_store %arg10[%parallel_loop3A_561], %parallel_loop3A_564 {add = true, strides = array<i32>} : memref<64512xf32, #tpu.memory_space<vmem>>, vector<16xf32>,
          %parallel_loop3A_565 = arith.constant 16 : i32
          %parallel_loop3A_566 = arith.muli %parallel_loop3A_518, %parallel_loop3A_565 : i32
          %parallel_loop3A_567 = arith.index_cast %parallel_loop3A_566 : i32 to index
          %parallel_loop3A_568 = tpu.vector_load %arg11[%parallel_loop3A_567] {strides = array<i32>} : memref<16384xf32, #tpu.memory_space<vmem>>, vector<16xf32>,
          %parallel_loop3A_569 = vector.shape_cast %parallel_loop3A_568 : vector<16xf32> to vector<16xf32>
          %parallel_loop3A_570 = vector.shape_cast %broadcast_in_dim3A_3 : vector<16xf32> to vector<16xf32>
          tpu.vector_store %arg11[%parallel_loop3A_567], %parallel_loop3A_570 {add = true, strides = array<i32>} : memref<16384xf32, #tpu.memory_space<vmem>>, vector<16xf32>,
          %parallel_loop3A_571 = vector.extract_strided_slice %parallel_loop3A_84 {offsets = [9], sizes = [1], strides = [1]} : vector<16xi32> to vector<1xi32>
          %parallel_loop3A_572 = vector.extract %parallel_loop3A_571[0] : i32 from vector<1xi32>
          %parallel_loop3A_573 = arith.constant 16 : i32
          %parallel_loop3A_574 = arith.muli %parallel_loop3A_79, %parallel_loop3A_573 : i32
          %parallel_loop3A_575 = arith.constant 9 : i32
          %parallel_loop3A_576 = arith.addi %parallel_loop3A_574, %parallel_loop3A_575 : i32
          %parallel_loop3A_577 = arith.constant 64 : i32
          %parallel_loop3A_578 = arith.muli %parallel_loop3A_572, %parallel_loop3A_577 : i32
          %parallel_loop3A_579 = arith.index_cast %parallel_loop3A_576 : i32 to index
          %parallel_loop3A_580 = arith.constant 0 : index
          %parallel_loop3A_581 = tpu.vector_load %arg7[%parallel_loop3A_579, %parallel_loop3A_580] {strides = array<i32>} : memref<128x64xf32, #tpu.memory_space<vmem>>, vector<1x16xf32>,
          %parallel_loop3A_582 = vector.shape_cast %parallel_loop3A_581 : vector<1x16xf32> to vector<16xf32>
          %parallel_loop3A_583 = arith.constant 0 : i32
          %parallel_loop3A_584 = arith.addi %parallel_loop3A_578, %parallel_loop3A_583 : i32
          %parallel_loop3A_585 = arith.index_cast %parallel_loop3A_584 : i32 to index
          %parallel_loop3A_586 = tpu.vector_load %arg10[%parallel_loop3A_585] {strides = array<i32>} : memref<64512xf32, #tpu.memory_space<vmem>>, vector<16xf32>,
          %parallel_loop3A_587 = vector.shape_cast %parallel_loop3A_586 : vector<16xf32> to vector<16xf32>
          %parallel_loop3A_588 = vector.shape_cast %parallel_loop3A_582 : vector<16xf32> to vector<16xf32>
          tpu.vector_store %arg10[%parallel_loop3A_585], %parallel_loop3A_588 {add = true, strides = array<i32>} : memref<64512xf32, #tpu.memory_space<vmem>>, vector<16xf32>,
          %parallel_loop3A_589 = arith.index_cast %parallel_loop3A_576 : i32 to index
          %parallel_loop3A_590 = arith.constant 16 : index
          %parallel_loop3A_591 = tpu.vector_load %arg7[%parallel_loop3A_589, %parallel_loop3A_590] {strides = array<i32>} : memref<128x64xf32, #tpu.memory_space<vmem>>, vector<1x16xf32>,
          %parallel_loop3A_592 = vector.shape_cast %parallel_loop3A_591 : vector<1x16xf32> to vector<16xf32>
          %parallel_loop3A_593 = arith.constant 16 : i32
          %parallel_loop3A_594 = arith.addi %parallel_loop3A_578, %parallel_loop3A_593 : i32
          %parallel_loop3A_595 = arith.index_cast %parallel_loop3A_594 : i32 to index
          %parallel_loop3A_596 = tpu.vector_load %arg10[%parallel_loop3A_595] {strides = array<i32>} : memref<64512xf32, #tpu.memory_space<vmem>>, vector<16xf32>,
          %parallel_loop3A_597 = vector.shape_cast %parallel_loop3A_596 : vector<16xf32> to vector<16xf32>
          %parallel_loop3A_598 = vector.shape_cast %parallel_loop3A_592 : vector<16xf32> to vector<16xf32>
          tpu.vector_store %arg10[%parallel_loop3A_595], %parallel_loop3A_598 {add = true, strides = array<i32>} : memref<64512xf32, #tpu.memory_space<vmem>>, vector<16xf32>,
          %parallel_loop3A_599 = arith.index_cast %parallel_loop3A_576 : i32 to index
          %parallel_loop3A_600 = arith.constant 32 : index
          %parallel_loop3A_601 = tpu.vector_load %arg7[%parallel_loop3A_599, %parallel_loop3A_600] {strides = array<i32>} : memref<128x64xf32, #tpu.memory_space<vmem>>, vector<1x16xf32>,
          %parallel_loop3A_602 = vector.shape_cast %parallel_loop3A_601 : vector<1x16xf32> to vector<16xf32>
          %parallel_loop3A_603 = arith.constant 32 : i32
          %parallel_loop3A_604 = arith.addi %parallel_loop3A_578, %parallel_loop3A_603 : i32
          %parallel_loop3A_605 = arith.index_cast %parallel_loop3A_604 : i32 to index
          %parallel_loop3A_606 = tpu.vector_load %arg10[%parallel_loop3A_605] {strides = array<i32>} : memref<64512xf32, #tpu.memory_space<vmem>>, vector<16xf32>,
          %parallel_loop3A_607 = vector.shape_cast %parallel_loop3A_606 : vector<16xf32> to vector<16xf32>
          %parallel_loop3A_608 = vector.shape_cast %parallel_loop3A_602 : vector<16xf32> to vector<16xf32>
          tpu.vector_store %arg10[%parallel_loop3A_605], %parallel_loop3A_608 {add = true, strides = array<i32>} : memref<64512xf32, #tpu.memory_space<vmem>>, vector<16xf32>,
          %parallel_loop3A_609 = arith.index_cast %parallel_loop3A_576 : i32 to index
          %parallel_loop3A_610 = arith.constant 48 : index
          %parallel_loop3A_611 = tpu.vector_load %arg7[%parallel_loop3A_609, %parallel_loop3A_610] {strides = array<i32>} : memref<128x64xf32, #tpu.memory_space<vmem>>, vector<1x16xf32>,
          %parallel_loop3A_612 = vector.shape_cast %parallel_loop3A_611 : vector<1x16xf32> to vector<16xf32>
          %parallel_loop3A_613 = arith.constant 48 : i32
          %parallel_loop3A_614 = arith.addi %parallel_loop3A_578, %parallel_loop3A_613 : i32
          %parallel_loop3A_615 = arith.index_cast %parallel_loop3A_614 : i32 to index
          %parallel_loop3A_616 = tpu.vector_load %arg10[%parallel_loop3A_615] {strides = array<i32>} : memref<64512xf32, #tpu.memory_space<vmem>>, vector<16xf32>,
          %parallel_loop3A_617 = vector.shape_cast %parallel_loop3A_616 : vector<16xf32> to vector<16xf32>
          %parallel_loop3A_618 = vector.shape_cast %parallel_loop3A_612 : vector<16xf32> to vector<16xf32>
          tpu.vector_store %arg10[%parallel_loop3A_615], %parallel_loop3A_618 {add = true, strides = array<i32>} : memref<64512xf32, #tpu.memory_space<vmem>>, vector<16xf32>,
          %parallel_loop3A_619 = arith.constant 16 : i32
          %parallel_loop3A_620 = arith.muli %parallel_loop3A_572, %parallel_loop3A_619 : i32
          %parallel_loop3A_621 = arith.index_cast %parallel_loop3A_620 : i32 to index
          %parallel_loop3A_622 = tpu.vector_load %arg11[%parallel_loop3A_621] {strides = array<i32>} : memref<16384xf32, #tpu.memory_space<vmem>>, vector<16xf32>,
          %parallel_loop3A_623 = vector.shape_cast %parallel_loop3A_622 : vector<16xf32> to vector<16xf32>
          %parallel_loop3A_624 = vector.shape_cast %broadcast_in_dim3A_3 : vector<16xf32> to vector<16xf32>
          tpu.vector_store %arg11[%parallel_loop3A_621], %parallel_loop3A_624 {add = true, strides = array<i32>} : memref<16384xf32, #tpu.memory_space<vmem>>, vector<16xf32>,
          %parallel_loop3A_625 = vector.extract_strided_slice %parallel_loop3A_84 {offsets = [10], sizes = [1], strides = [1]} : vector<16xi32> to vector<1xi32>
          %parallel_loop3A_626 = vector.extract %parallel_loop3A_625[0] : i32 from vector<1xi32>
          %parallel_loop3A_627 = arith.constant 16 : i32
          %parallel_loop3A_628 = arith.muli %parallel_loop3A_79, %parallel_loop3A_627 : i32
          %parallel_loop3A_629 = arith.constant 10 : i32
          %parallel_loop3A_630 = arith.addi %parallel_loop3A_628, %parallel_loop3A_629 : i32
          %parallel_loop3A_631 = arith.constant 64 : i32
          %parallel_loop3A_632 = arith.muli %parallel_loop3A_626, %parallel_loop3A_631 : i32
          %parallel_loop3A_633 = arith.index_cast %parallel_loop3A_630 : i32 to index
          %parallel_loop3A_634 = arith.constant 0 : index
          %parallel_loop3A_635 = tpu.vector_load %arg7[%parallel_loop3A_633, %parallel_loop3A_634] {strides = array<i32>} : memref<128x64xf32, #tpu.memory_space<vmem>>, vector<1x16xf32>,
          %parallel_loop3A_636 = vector.shape_cast %parallel_loop3A_635 : vector<1x16xf32> to vector<16xf32>
          %parallel_loop3A_637 = arith.constant 0 : i32
          %parallel_loop3A_638 = arith.addi %parallel_loop3A_632, %parallel_loop3A_637 : i32
          %parallel_loop3A_639 = arith.index_cast %parallel_loop3A_638 : i32 to index
          %parallel_loop3A_640 = tpu.vector_load %arg10[%parallel_loop3A_639] {strides = array<i32>} : memref<64512xf32, #tpu.memory_space<vmem>>, vector<16xf32>,
          %parallel_loop3A_641 = vector.shape_cast %parallel_loop3A_640 : vector<16xf32> to vector<16xf32>
          %parallel_loop3A_642 = vector.shape_cast %parallel_loop3A_636 : vector<16xf32> to vector<16xf32>
          tpu.vector_store %arg10[%parallel_loop3A_639], %parallel_loop3A_642 {add = true, strides = array<i32>} : memref<64512xf32, #tpu.memory_space<vmem>>, vector<16xf32>,
          %parallel_loop3A_643 = arith.index_cast %parallel_loop3A_630 : i32 to index
          %parallel_loop3A_644 = arith.constant 16 : index
          %parallel_loop3A_645 = tpu.vector_load %arg7[%parallel_loop3A_643, %parallel_loop3A_644] {strides = array<i32>} : memref<128x64xf32, #tpu.memory_space<vmem>>, vector<1x16xf32>,
          %parallel_loop3A_646 = vector.shape_cast %parallel_loop3A_645 : vector<1x16xf32> to vector<16xf32>
          %parallel_loop3A_647 = arith.constant 16 : i32
          %parallel_loop3A_648 = arith.addi %parallel_loop3A_632, %parallel_loop3A_647 : i32
          %parallel_loop3A_649 = arith.index_cast %parallel_loop3A_648 : i32 to index
          %parallel_loop3A_650 = tpu.vector_load %arg10[%parallel_loop3A_649] {strides = array<i32>} : memref<64512xf32, #tpu.memory_space<vmem>>, vector<16xf32>,
          %parallel_loop3A_651 = vector.shape_cast %parallel_loop3A_650 : vector<16xf32> to vector<16xf32>
          %parallel_loop3A_652 = vector.shape_cast %parallel_loop3A_646 : vector<16xf32> to vector<16xf32>
          tpu.vector_store %arg10[%parallel_loop3A_649], %parallel_loop3A_652 {add = true, strides = array<i32>} : memref<64512xf32, #tpu.memory_space<vmem>>, vector<16xf32>,
          %parallel_loop3A_653 = arith.index_cast %parallel_loop3A_630 : i32 to index
          %parallel_loop3A_654 = arith.constant 32 : index
          %parallel_loop3A_655 = tpu.vector_load %arg7[%parallel_loop3A_653, %parallel_loop3A_654] {strides = array<i32>} : memref<128x64xf32, #tpu.memory_space<vmem>>, vector<1x16xf32>,
          %parallel_loop3A_656 = vector.shape_cast %parallel_loop3A_655 : vector<1x16xf32> to vector<16xf32>
          %parallel_loop3A_657 = arith.constant 32 : i32
          %parallel_loop3A_658 = arith.addi %parallel_loop3A_632, %parallel_loop3A_657 : i32
          %parallel_loop3A_659 = arith.index_cast %parallel_loop3A_658 : i32 to index
          %parallel_loop3A_660 = tpu.vector_load %arg10[%parallel_loop3A_659] {strides = array<i32>} : memref<64512xf32, #tpu.memory_space<vmem>>, vector<16xf32>,
          %parallel_loop3A_661 = vector.shape_cast %parallel_loop3A_660 : vector<16xf32> to vector<16xf32>
          %parallel_loop3A_662 = vector.shape_cast %parallel_loop3A_656 : vector<16xf32> to vector<16xf32>
          tpu.vector_store %arg10[%parallel_loop3A_659], %parallel_loop3A_662 {add = true, strides = array<i32>} : memref<64512xf32, #tpu.memory_space<vmem>>, vector<16xf32>,
          %parallel_loop3A_663 = arith.index_cast %parallel_loop3A_630 : i32 to index
          %parallel_loop3A_664 = arith.constant 48 : index
          %parallel_loop3A_665 = tpu.vector_load %arg7[%parallel_loop3A_663, %parallel_loop3A_664] {strides = array<i32>} : memref<128x64xf32, #tpu.memory_space<vmem>>, vector<1x16xf32>,
          %parallel_loop3A_666 = vector.shape_cast %parallel_loop3A_665 : vector<1x16xf32> to vector<16xf32>
          %parallel_loop3A_667 = arith.constant 48 : i32
          %parallel_loop3A_668 = arith.addi %parallel_loop3A_632, %parallel_loop3A_667 : i32
          %parallel_loop3A_669 = arith.index_cast %parallel_loop3A_668 : i32 to index
          %parallel_loop3A_670 = tpu.vector_load %arg10[%parallel_loop3A_669] {strides = array<i32>} : memref<64512xf32, #tpu.memory_space<vmem>>, vector<16xf32>,
          %parallel_loop3A_671 = vector.shape_cast %parallel_loop3A_670 : vector<16xf32> to vector<16xf32>
          %parallel_loop3A_672 = vector.shape_cast %parallel_loop3A_666 : vector<16xf32> to vector<16xf32>
          tpu.vector_store %arg10[%parallel_loop3A_669], %parallel_loop3A_672 {add = true, strides = array<i32>} : memref<64512xf32, #tpu.memory_space<vmem>>, vector<16xf32>,
          %parallel_loop3A_673 = arith.constant 16 : i32
          %parallel_loop3A_674 = arith.muli %parallel_loop3A_626, %parallel_loop3A_673 : i32
          %parallel_loop3A_675 = arith.index_cast %parallel_loop3A_674 : i32 to index
          %parallel_loop3A_676 = tpu.vector_load %arg11[%parallel_loop3A_675] {strides = array<i32>} : memref<16384xf32, #tpu.memory_space<vmem>>, vector<16xf32>,
          %parallel_loop3A_677 = vector.shape_cast %parallel_loop3A_676 : vector<16xf32> to vector<16xf32>
          %parallel_loop3A_678 = vector.shape_cast %broadcast_in_dim3A_3 : vector<16xf32> to vector<16xf32>
          tpu.vector_store %arg11[%parallel_loop3A_675], %parallel_loop3A_678 {add = true, strides = array<i32>} : memref<16384xf32, #tpu.memory_space<vmem>>, vector<16xf32>,
          %parallel_loop3A_679 = vector.extract_strided_slice %parallel_loop3A_84 {offsets = [11], sizes = [1], strides = [1]} : vector<16xi32> to vector<1xi32>
          %parallel_loop3A_680 = vector.extract %parallel_loop3A_679[0] : i32 from vector<1xi32>
          %parallel_loop3A_681 = arith.constant 16 : i32
          %parallel_loop3A_682 = arith.muli %parallel_loop3A_79, %parallel_loop3A_681 : i32
          %parallel_loop3A_683 = arith.constant 11 : i32
          %parallel_loop3A_684 = arith.addi %parallel_loop3A_682, %parallel_loop3A_683 : i32
          %parallel_loop3A_685 = arith.constant 64 : i32
          %parallel_loop3A_686 = arith.muli %parallel_loop3A_680, %parallel_loop3A_685 : i32
          %parallel_loop3A_687 = arith.index_cast %parallel_loop3A_684 : i32 to index
          %parallel_loop3A_688 = arith.constant 0 : index
          %parallel_loop3A_689 = tpu.vector_load %arg7[%parallel_loop3A_687, %parallel_loop3A_688] {strides = array<i32>} : memref<128x64xf32, #tpu.memory_space<vmem>>, vector<1x16xf32>,
          %parallel_loop3A_690 = vector.shape_cast %parallel_loop3A_689 : vector<1x16xf32> to vector<16xf32>
          %parallel_loop3A_691 = arith.constant 0 : i32
          %parallel_loop3A_692 = arith.addi %parallel_loop3A_686, %parallel_loop3A_691 : i32
          %parallel_loop3A_693 = arith.index_cast %parallel_loop3A_692 : i32 to index
          %parallel_loop3A_694 = tpu.vector_load %arg10[%parallel_loop3A_693] {strides = array<i32>} : memref<64512xf32, #tpu.memory_space<vmem>>, vector<16xf32>,
          %parallel_loop3A_695 = vector.shape_cast %parallel_loop3A_694 : vector<16xf32> to vector<16xf32>
          %parallel_loop3A_696 = vector.shape_cast %parallel_loop3A_690 : vector<16xf32> to vector<16xf32>
          tpu.vector_store %arg10[%parallel_loop3A_693], %parallel_loop3A_696 {add = true, strides = array<i32>} : memref<64512xf32, #tpu.memory_space<vmem>>, vector<16xf32>,
          %parallel_loop3A_697 = arith.index_cast %parallel_loop3A_684 : i32 to index
          %parallel_loop3A_698 = arith.constant 16 : index
          %parallel_loop3A_699 = tpu.vector_load %arg7[%parallel_loop3A_697, %parallel_loop3A_698] {strides = array<i32>} : memref<128x64xf32, #tpu.memory_space<vmem>>, vector<1x16xf32>,
          %parallel_loop3A_700 = vector.shape_cast %parallel_loop3A_699 : vector<1x16xf32> to vector<16xf32>
          %parallel_loop3A_701 = arith.constant 16 : i32
          %parallel_loop3A_702 = arith.addi %parallel_loop3A_686, %parallel_loop3A_701 : i32
          %parallel_loop3A_703 = arith.index_cast %parallel_loop3A_702 : i32 to index
          %parallel_loop3A_704 = tpu.vector_load %arg10[%parallel_loop3A_703] {strides = array<i32>} : memref<64512xf32, #tpu.memory_space<vmem>>, vector<16xf32>,
          %parallel_loop3A_705 = vector.shape_cast %parallel_loop3A_704 : vector<16xf32> to vector<16xf32>
          %parallel_loop3A_706 = vector.shape_cast %parallel_loop3A_700 : vector<16xf32> to vector<16xf32>
          tpu.vector_store %arg10[%parallel_loop3A_703], %parallel_loop3A_706 {add = true, strides = array<i32>} : memref<64512xf32, #tpu.memory_space<vmem>>, vector<16xf32>,
          %parallel_loop3A_707 = arith.index_cast %parallel_loop3A_684 : i32 to index
          %parallel_loop3A_708 = arith.constant 32 : index
          %parallel_loop3A_709 = tpu.vector_load %arg7[%parallel_loop3A_707, %parallel_loop3A_708] {strides = array<i32>} : memref<128x64xf32, #tpu.memory_space<vmem>>, vector<1x16xf32>,
          %parallel_loop3A_710 = vector.shape_cast %parallel_loop3A_709 : vector<1x16xf32> to vector<16xf32>
          %parallel_loop3A_711 = arith.constant 32 : i32
          %parallel_loop3A_712 = arith.addi %parallel_loop3A_686, %parallel_loop3A_711 : i32
          %parallel_loop3A_713 = arith.index_cast %parallel_loop3A_712 : i32 to index
          %parallel_loop3A_714 = tpu.vector_load %arg10[%parallel_loop3A_713] {strides = array<i32>} : memref<64512xf32, #tpu.memory_space<vmem>>, vector<16xf32>,
          %parallel_loop3A_715 = vector.shape_cast %parallel_loop3A_714 : vector<16xf32> to vector<16xf32>
          %parallel_loop3A_716 = vector.shape_cast %parallel_loop3A_710 : vector<16xf32> to vector<16xf32>
          tpu.vector_store %arg10[%parallel_loop3A_713], %parallel_loop3A_716 {add = true, strides = array<i32>} : memref<64512xf32, #tpu.memory_space<vmem>>, vector<16xf32>,
          %parallel_loop3A_717 = arith.index_cast %parallel_loop3A_684 : i32 to index
          %parallel_loop3A_718 = arith.constant 48 : index
          %parallel_loop3A_719 = tpu.vector_load %arg7[%parallel_loop3A_717, %parallel_loop3A_718] {strides = array<i32>} : memref<128x64xf32, #tpu.memory_space<vmem>>, vector<1x16xf32>,
          %parallel_loop3A_720 = vector.shape_cast %parallel_loop3A_719 : vector<1x16xf32> to vector<16xf32>
          %parallel_loop3A_721 = arith.constant 48 : i32
          %parallel_loop3A_722 = arith.addi %parallel_loop3A_686, %parallel_loop3A_721 : i32
          %parallel_loop3A_723 = arith.index_cast %parallel_loop3A_722 : i32 to index
          %parallel_loop3A_724 = tpu.vector_load %arg10[%parallel_loop3A_723] {strides = array<i32>} : memref<64512xf32, #tpu.memory_space<vmem>>, vector<16xf32>,
          %parallel_loop3A_725 = vector.shape_cast %parallel_loop3A_724 : vector<16xf32> to vector<16xf32>
          %parallel_loop3A_726 = vector.shape_cast %parallel_loop3A_720 : vector<16xf32> to vector<16xf32>
          tpu.vector_store %arg10[%parallel_loop3A_723], %parallel_loop3A_726 {add = true, strides = array<i32>} : memref<64512xf32, #tpu.memory_space<vmem>>, vector<16xf32>,
          %parallel_loop3A_727 = arith.constant 16 : i32
          %parallel_loop3A_728 = arith.muli %parallel_loop3A_680, %parallel_loop3A_727 : i32
          %parallel_loop3A_729 = arith.index_cast %parallel_loop3A_728 : i32 to index
          %parallel_loop3A_730 = tpu.vector_load %arg11[%parallel_loop3A_729] {strides = array<i32>} : memref<16384xf32, #tpu.memory_space<vmem>>, vector<16xf32>,
          %parallel_loop3A_731 = vector.shape_cast %parallel_loop3A_730 : vector<16xf32> to vector<16xf32>
          %parallel_loop3A_732 = vector.shape_cast %broadcast_in_dim3A_3 : vector<16xf32> to vector<16xf32>
          tpu.vector_store %arg11[%parallel_loop3A_729], %parallel_loop3A_732 {add = true, strides = array<i32>} : memref<16384xf32, #tpu.memory_space<vmem>>, vector<16xf32>,
          %parallel_loop3A_733 = vector.extract_strided_slice %parallel_loop3A_84 {offsets = [12], sizes = [1], strides = [1]} : vector<16xi32> to vector<1xi32>
          %parallel_loop3A_734 = vector.extract %parallel_loop3A_733[0] : i32 from vector<1xi32>
          %parallel_loop3A_735 = arith.constant 16 : i32
          %parallel_loop3A_736 = arith.muli %parallel_loop3A_79, %parallel_loop3A_735 : i32
          %parallel_loop3A_737 = arith.constant 12 : i32
          %parallel_loop3A_738 = arith.addi %parallel_loop3A_736, %parallel_loop3A_737 : i32
          %parallel_loop3A_739 = arith.constant 64 : i32
          %parallel_loop3A_740 = arith.muli %parallel_loop3A_734, %parallel_loop3A_739 : i32
          %parallel_loop3A_741 = arith.index_cast %parallel_loop3A_738 : i32 to index
          %parallel_loop3A_742 = arith.constant 0 : index
          %parallel_loop3A_743 = tpu.vector_load %arg7[%parallel_loop3A_741, %parallel_loop3A_742] {strides = array<i32>} : memref<128x64xf32, #tpu.memory_space<vmem>>, vector<1x16xf32>,
          %parallel_loop3A_744 = vector.shape_cast %parallel_loop3A_743 : vector<1x16xf32> to vector<16xf32>
          %parallel_loop3A_745 = arith.constant 0 : i32
          %parallel_loop3A_746 = arith.addi %parallel_loop3A_740, %parallel_loop3A_745 : i32
          %parallel_loop3A_747 = arith.index_cast %parallel_loop3A_746 : i32 to index
          %parallel_loop3A_748 = tpu.vector_load %arg10[%parallel_loop3A_747] {strides = array<i32>} : memref<64512xf32, #tpu.memory_space<vmem>>, vector<16xf32>,
          %parallel_loop3A_749 = vector.shape_cast %parallel_loop3A_748 : vector<16xf32> to vector<16xf32>
          %parallel_loop3A_750 = vector.shape_cast %parallel_loop3A_744 : vector<16xf32> to vector<16xf32>
          tpu.vector_store %arg10[%parallel_loop3A_747], %parallel_loop3A_750 {add = true, strides = array<i32>} : memref<64512xf32, #tpu.memory_space<vmem>>, vector<16xf32>,
          %parallel_loop3A_751 = arith.index_cast %parallel_loop3A_738 : i32 to index
          %parallel_loop3A_752 = arith.constant 16 : index
          %parallel_loop3A_753 = tpu.vector_load %arg7[%parallel_loop3A_751, %parallel_loop3A_752] {strides = array<i32>} : memref<128x64xf32, #tpu.memory_space<vmem>>, vector<1x16xf32>,
          %parallel_loop3A_754 = vector.shape_cast %parallel_loop3A_753 : vector<1x16xf32> to vector<16xf32>
          %parallel_loop3A_755 = arith.constant 16 : i32
          %parallel_loop3A_756 = arith.addi %parallel_loop3A_740, %parallel_loop3A_755 : i32
          %parallel_loop3A_757 = arith.index_cast %parallel_loop3A_756 : i32 to index
          %parallel_loop3A_758 = tpu.vector_load %arg10[%parallel_loop3A_757] {strides = array<i32>} : memref<64512xf32, #tpu.memory_space<vmem>>, vector<16xf32>,
          %parallel_loop3A_759 = vector.shape_cast %parallel_loop3A_758 : vector<16xf32> to vector<16xf32>
          %parallel_loop3A_760 = vector.shape_cast %parallel_loop3A_754 : vector<16xf32> to vector<16xf32>
          tpu.vector_store %arg10[%parallel_loop3A_757], %parallel_loop3A_760 {add = true, strides = array<i32>} : memref<64512xf32, #tpu.memory_space<vmem>>, vector<16xf32>,
          %parallel_loop3A_761 = arith.index_cast %parallel_loop3A_738 : i32 to index
          %parallel_loop3A_762 = arith.constant 32 : index
          %parallel_loop3A_763 = tpu.vector_load %arg7[%parallel_loop3A_761, %parallel_loop3A_762] {strides = array<i32>} : memref<128x64xf32, #tpu.memory_space<vmem>>, vector<1x16xf32>,
          %parallel_loop3A_764 = vector.shape_cast %parallel_loop3A_763 : vector<1x16xf32> to vector<16xf32>
          %parallel_loop3A_765 = arith.constant 32 : i32
          %parallel_loop3A_766 = arith.addi %parallel_loop3A_740, %parallel_loop3A_765 : i32
          %parallel_loop3A_767 = arith.index_cast %parallel_loop3A_766 : i32 to index
          %parallel_loop3A_768 = tpu.vector_load %arg10[%parallel_loop3A_767] {strides = array<i32>} : memref<64512xf32, #tpu.memory_space<vmem>>, vector<16xf32>,
          %parallel_loop3A_769 = vector.shape_cast %parallel_loop3A_768 : vector<16xf32> to vector<16xf32>
          %parallel_loop3A_770 = vector.shape_cast %parallel_loop3A_764 : vector<16xf32> to vector<16xf32>
          tpu.vector_store %arg10[%parallel_loop3A_767], %parallel_loop3A_770 {add = true, strides = array<i32>} : memref<64512xf32, #tpu.memory_space<vmem>>, vector<16xf32>,
          %parallel_loop3A_771 = arith.index_cast %parallel_loop3A_738 : i32 to index
          %parallel_loop3A_772 = arith.constant 48 : index
          %parallel_loop3A_773 = tpu.vector_load %arg7[%parallel_loop3A_771, %parallel_loop3A_772] {strides = array<i32>} : memref<128x64xf32, #tpu.memory_space<vmem>>, vector<1x16xf32>,
          %parallel_loop3A_774 = vector.shape_cast %parallel_loop3A_773 : vector<1x16xf32> to vector<16xf32>
          %parallel_loop3A_775 = arith.constant 48 : i32
          %parallel_loop3A_776 = arith.addi %parallel_loop3A_740, %parallel_loop3A_775 : i32
          %parallel_loop3A_777 = arith.index_cast %parallel_loop3A_776 : i32 to index
          %parallel_loop3A_778 = tpu.vector_load %arg10[%parallel_loop3A_777] {strides = array<i32>} : memref<64512xf32, #tpu.memory_space<vmem>>, vector<16xf32>,
          %parallel_loop3A_779 = vector.shape_cast %parallel_loop3A_778 : vector<16xf32> to vector<16xf32>
          %parallel_loop3A_780 = vector.shape_cast %parallel_loop3A_774 : vector<16xf32> to vector<16xf32>
          tpu.vector_store %arg10[%parallel_loop3A_777], %parallel_loop3A_780 {add = true, strides = array<i32>} : memref<64512xf32, #tpu.memory_space<vmem>>, vector<16xf32>,
          %parallel_loop3A_781 = arith.constant 16 : i32
          %parallel_loop3A_782 = arith.muli %parallel_loop3A_734, %parallel_loop3A_781 : i32
          %parallel_loop3A_783 = arith.index_cast %parallel_loop3A_782 : i32 to index
          %parallel_loop3A_784 = tpu.vector_load %arg11[%parallel_loop3A_783] {strides = array<i32>} : memref<16384xf32, #tpu.memory_space<vmem>>, vector<16xf32>,
          %parallel_loop3A_785 = vector.shape_cast %parallel_loop3A_784 : vector<16xf32> to vector<16xf32>
          %parallel_loop3A_786 = vector.shape_cast %broadcast_in_dim3A_3 : vector<16xf32> to vector<16xf32>
          tpu.vector_store %arg11[%parallel_loop3A_783], %parallel_loop3A_786 {add = true, strides = array<i32>} : memref<16384xf32, #tpu.memory_space<vmem>>, vector<16xf32>,
          %parallel_loop3A_787 = vector.extract_strided_slice %parallel_loop3A_84 {offsets = [13], sizes = [1], strides = [1]} : vector<16xi32> to vector<1xi32>
          %parallel_loop3A_788 = vector.extract %parallel_loop3A_787[0] : i32 from vector<1xi32>
          %parallel_loop3A_789 = arith.constant 16 : i32
          %parallel_loop3A_790 = arith.muli %parallel_loop3A_79, %parallel_loop3A_789 : i32
          %parallel_loop3A_791 = arith.constant 13 : i32
          %parallel_loop3A_792 = arith.addi %parallel_loop3A_790, %parallel_loop3A_791 : i32
          %parallel_loop3A_793 = arith.constant 64 : i32
          %parallel_loop3A_794 = arith.muli %parallel_loop3A_788, %parallel_loop3A_793 : i32
          %parallel_loop3A_795 = arith.index_cast %parallel_loop3A_792 : i32 to index
          %parallel_loop3A_796 = arith.constant 0 : index
          %parallel_loop3A_797 = tpu.vector_load %arg7[%parallel_loop3A_795, %parallel_loop3A_796] {strides = array<i32>} : memref<128x64xf32, #tpu.memory_space<vmem>>, vector<1x16xf32>,
          %parallel_loop3A_798 = vector.shape_cast %parallel_loop3A_797 : vector<1x16xf32> to vector<16xf32>
          %parallel_loop3A_799 = arith.constant 0 : i32
          %parallel_loop3A_800 = arith.addi %parallel_loop3A_794, %parallel_loop3A_799 : i32
          %parallel_loop3A_801 = arith.index_cast %parallel_loop3A_800 : i32 to index
          %parallel_loop3A_802 = tpu.vector_load %arg10[%parallel_loop3A_801] {strides = array<i32>} : memref<64512xf32, #tpu.memory_space<vmem>>, vector<16xf32>,
          %parallel_loop3A_803 = vector.shape_cast %parallel_loop3A_802 : vector<16xf32> to vector<16xf32>
          %parallel_loop3A_804 = vector.shape_cast %parallel_loop3A_798 : vector<16xf32> to vector<16xf32>
          tpu.vector_store %arg10[%parallel_loop3A_801], %parallel_loop3A_804 {add = true, strides = array<i32>} : memref<64512xf32, #tpu.memory_space<vmem>>, vector<16xf32>,
          %parallel_loop3A_805 = arith.index_cast %parallel_loop3A_792 : i32 to index
          %parallel_loop3A_806 = arith.constant 16 : index
          %parallel_loop3A_807 = tpu.vector_load %arg7[%parallel_loop3A_805, %parallel_loop3A_806] {strides = array<i32>} : memref<128x64xf32, #tpu.memory_space<vmem>>, vector<1x16xf32>,
          %parallel_loop3A_808 = vector.shape_cast %parallel_loop3A_807 : vector<1x16xf32> to vector<16xf32>
          %parallel_loop3A_809 = arith.constant 16 : i32
          %parallel_loop3A_810 = arith.addi %parallel_loop3A_794, %parallel_loop3A_809 : i32
          %parallel_loop3A_811 = arith.index_cast %parallel_loop3A_810 : i32 to index
          %parallel_loop3A_812 = tpu.vector_load %arg10[%parallel_loop3A_811] {strides = array<i32>} : memref<64512xf32, #tpu.memory_space<vmem>>, vector<16xf32>,
          %parallel_loop3A_813 = vector.shape_cast %parallel_loop3A_812 : vector<16xf32> to vector<16xf32>
          %parallel_loop3A_814 = vector.shape_cast %parallel_loop3A_808 : vector<16xf32> to vector<16xf32>
          tpu.vector_store %arg10[%parallel_loop3A_811], %parallel_loop3A_814 {add = true, strides = array<i32>} : memref<64512xf32, #tpu.memory_space<vmem>>, vector<16xf32>,
          %parallel_loop3A_815 = arith.index_cast %parallel_loop3A_792 : i32 to index
          %parallel_loop3A_816 = arith.constant 32 : index
          %parallel_loop3A_817 = tpu.vector_load %arg7[%parallel_loop3A_815, %parallel_loop3A_816] {strides = array<i32>} : memref<128x64xf32, #tpu.memory_space<vmem>>, vector<1x16xf32>,
          %parallel_loop3A_818 = vector.shape_cast %parallel_loop3A_817 : vector<1x16xf32> to vector<16xf32>
          %parallel_loop3A_819 = arith.constant 32 : i32
          %parallel_loop3A_820 = arith.addi %parallel_loop3A_794, %parallel_loop3A_819 : i32
          %parallel_loop3A_821 = arith.index_cast %parallel_loop3A_820 : i32 to index
          %parallel_loop3A_822 = tpu.vector_load %arg10[%parallel_loop3A_821] {strides = array<i32>} : memref<64512xf32, #tpu.memory_space<vmem>>, vector<16xf32>,
          %parallel_loop3A_823 = vector.shape_cast %parallel_loop3A_822 : vector<16xf32> to vector<16xf32>
          %parallel_loop3A_824 = vector.shape_cast %parallel_loop3A_818 : vector<16xf32> to vector<16xf32>
          tpu.vector_store %arg10[%parallel_loop3A_821], %parallel_loop3A_824 {add = true, strides = array<i32>} : memref<64512xf32, #tpu.memory_space<vmem>>, vector<16xf32>,
          %parallel_loop3A_825 = arith.index_cast %parallel_loop3A_792 : i32 to index
          %parallel_loop3A_826 = arith.constant 48 : index
          %parallel_loop3A_827 = tpu.vector_load %arg7[%parallel_loop3A_825, %parallel_loop3A_826] {strides = array<i32>} : memref<128x64xf32, #tpu.memory_space<vmem>>, vector<1x16xf32>,
          %parallel_loop3A_828 = vector.shape_cast %parallel_loop3A_827 : vector<1x16xf32> to vector<16xf32>
          %parallel_loop3A_829 = arith.constant 48 : i32
          %parallel_loop3A_830 = arith.addi %parallel_loop3A_794, %parallel_loop3A_829 : i32
          %parallel_loop3A_831 = arith.index_cast %parallel_loop3A_830 : i32 to index
          %parallel_loop3A_832 = tpu.vector_load %arg10[%parallel_loop3A_831] {strides = array<i32>} : memref<64512xf32, #tpu.memory_space<vmem>>, vector<16xf32>,
          %parallel_loop3A_833 = vector.shape_cast %parallel_loop3A_832 : vector<16xf32> to vector<16xf32>
          %parallel_loop3A_834 = vector.shape_cast %parallel_loop3A_828 : vector<16xf32> to vector<16xf32>
          tpu.vector_store %arg10[%parallel_loop3A_831], %parallel_loop3A_834 {add = true, strides = array<i32>} : memref<64512xf32, #tpu.memory_space<vmem>>, vector<16xf32>,
          %parallel_loop3A_835 = arith.constant 16 : i32
          %parallel_loop3A_836 = arith.muli %parallel_loop3A_788, %parallel_loop3A_835 : i32
          %parallel_loop3A_837 = arith.index_cast %parallel_loop3A_836 : i32 to index
          %parallel_loop3A_838 = tpu.vector_load %arg11[%parallel_loop3A_837] {strides = array<i32>} : memref<16384xf32, #tpu.memory_space<vmem>>, vector<16xf32>,
          %parallel_loop3A_839 = vector.shape_cast %parallel_loop3A_838 : vector<16xf32> to vector<16xf32>
          %parallel_loop3A_840 = vector.shape_cast %broadcast_in_dim3A_3 : vector<16xf32> to vector<16xf32>
          tpu.vector_store %arg11[%parallel_loop3A_837], %parallel_loop3A_840 {add = true, strides = array<i32>} : memref<16384xf32, #tpu.memory_space<vmem>>, vector<16xf32>,
          %parallel_loop3A_841 = vector.extract_strided_slice %parallel_loop3A_84 {offsets = [14], sizes = [1], strides = [1]} : vector<16xi32> to vector<1xi32>
          %parallel_loop3A_842 = vector.extract %parallel_loop3A_841[0] : i32 from vector<1xi32>
          %parallel_loop3A_843 = arith.constant 16 : i32
          %parallel_loop3A_844 = arith.muli %parallel_loop3A_79, %parallel_loop3A_843 : i32
          %parallel_loop3A_845 = arith.constant 14 : i32
          %parallel_loop3A_846 = arith.addi %parallel_loop3A_844, %parallel_loop3A_845 : i32
          %parallel_loop3A_847 = arith.constant 64 : i32
          %parallel_loop3A_848 = arith.muli %parallel_loop3A_842, %parallel_loop3A_847 : i32
          %parallel_loop3A_849 = arith.index_cast %parallel_loop3A_846 : i32 to index
          %parallel_loop3A_850 = arith.constant 0 : index
          %parallel_loop3A_851 = tpu.vector_load %arg7[%parallel_loop3A_849, %parallel_loop3A_850] {strides = array<i32>} : memref<128x64xf32, #tpu.memory_space<vmem>>, vector<1x16xf32>,
          %parallel_loop3A_852 = vector.shape_cast %parallel_loop3A_851 : vector<1x16xf32> to vector<16xf32>
          %parallel_loop3A_853 = arith.constant 0 : i32
          %parallel_loop3A_854 = arith.addi %parallel_loop3A_848, %parallel_loop3A_853 : i32
          %parallel_loop3A_855 = arith.index_cast %parallel_loop3A_854 : i32 to index
          %parallel_loop3A_856 = tpu.vector_load %arg10[%parallel_loop3A_855] {strides = array<i32>} : memref<64512xf32, #tpu.memory_space<vmem>>, vector<16xf32>,
          %parallel_loop3A_857 = vector.shape_cast %parallel_loop3A_856 : vector<16xf32> to vector<16xf32>
          %parallel_loop3A_858 = vector.shape_cast %parallel_loop3A_852 : vector<16xf32> to vector<16xf32>
          tpu.vector_store %arg10[%parallel_loop3A_855], %parallel_loop3A_858 {add = true, strides = array<i32>} : memref<64512xf32, #tpu.memory_space<vmem>>, vector<16xf32>,
          %parallel_loop3A_859 = arith.index_cast %parallel_loop3A_846 : i32 to index
          %parallel_loop3A_860 = arith.constant 16 : index
          %parallel_loop3A_861 = tpu.vector_load %arg7[%parallel_loop3A_859, %parallel_loop3A_860] {strides = array<i32>} : memref<128x64xf32, #tpu.memory_space<vmem>>, vector<1x16xf32>,
          %parallel_loop3A_862 = vector.shape_cast %parallel_loop3A_861 : vector<1x16xf32> to vector<16xf32>
          %parallel_loop3A_863 = arith.constant 16 : i32
          %parallel_loop3A_864 = arith.addi %parallel_loop3A_848, %parallel_loop3A_863 : i32
          %parallel_loop3A_865 = arith.index_cast %parallel_loop3A_864 : i32 to index
          %parallel_loop3A_866 = tpu.vector_load %arg10[%parallel_loop3A_865] {strides = array<i32>} : memref<64512xf32, #tpu.memory_space<vmem>>, vector<16xf32>,
          %parallel_loop3A_867 = vector.shape_cast %parallel_loop3A_866 : vector<16xf32> to vector<16xf32>
          %parallel_loop3A_868 = vector.shape_cast %parallel_loop3A_862 : vector<16xf32> to vector<16xf32>
          tpu.vector_store %arg10[%parallel_loop3A_865], %parallel_loop3A_868 {add = true, strides = array<i32>} : memref<64512xf32, #tpu.memory_space<vmem>>, vector<16xf32>,
          %parallel_loop3A_869 = arith.index_cast %parallel_loop3A_846 : i32 to index
          %parallel_loop3A_870 = arith.constant 32 : index
          %parallel_loop3A_871 = tpu.vector_load %arg7[%parallel_loop3A_869, %parallel_loop3A_870] {strides = array<i32>} : memref<128x64xf32, #tpu.memory_space<vmem>>, vector<1x16xf32>,
          %parallel_loop3A_872 = vector.shape_cast %parallel_loop3A_871 : vector<1x16xf32> to vector<16xf32>
          %parallel_loop3A_873 = arith.constant 32 : i32
          %parallel_loop3A_874 = arith.addi %parallel_loop3A_848, %parallel_loop3A_873 : i32
          %parallel_loop3A_875 = arith.index_cast %parallel_loop3A_874 : i32 to index
          %parallel_loop3A_876 = tpu.vector_load %arg10[%parallel_loop3A_875] {strides = array<i32>} : memref<64512xf32, #tpu.memory_space<vmem>>, vector<16xf32>,
          %parallel_loop3A_877 = vector.shape_cast %parallel_loop3A_876 : vector<16xf32> to vector<16xf32>
          %parallel_loop3A_878 = vector.shape_cast %parallel_loop3A_872 : vector<16xf32> to vector<16xf32>
          tpu.vector_store %arg10[%parallel_loop3A_875], %parallel_loop3A_878 {add = true, strides = array<i32>} : memref<64512xf32, #tpu.memory_space<vmem>>, vector<16xf32>,
          %parallel_loop3A_879 = arith.index_cast %parallel_loop3A_846 : i32 to index
          %parallel_loop3A_880 = arith.constant 48 : index
          %parallel_loop3A_881 = tpu.vector_load %arg7[%parallel_loop3A_879, %parallel_loop3A_880] {strides = array<i32>} : memref<128x64xf32, #tpu.memory_space<vmem>>, vector<1x16xf32>,
          %parallel_loop3A_882 = vector.shape_cast %parallel_loop3A_881 : vector<1x16xf32> to vector<16xf32>
          %parallel_loop3A_883 = arith.constant 48 : i32
          %parallel_loop3A_884 = arith.addi %parallel_loop3A_848, %parallel_loop3A_883 : i32
          %parallel_loop3A_885 = arith.index_cast %parallel_loop3A_884 : i32 to index
          %parallel_loop3A_886 = tpu.vector_load %arg10[%parallel_loop3A_885] {strides = array<i32>} : memref<64512xf32, #tpu.memory_space<vmem>>, vector<16xf32>,
          %parallel_loop3A_887 = vector.shape_cast %parallel_loop3A_886 : vector<16xf32> to vector<16xf32>
          %parallel_loop3A_888 = vector.shape_cast %parallel_loop3A_882 : vector<16xf32> to vector<16xf32>
          tpu.vector_store %arg10[%parallel_loop3A_885], %parallel_loop3A_888 {add = true, strides = array<i32>} : memref<64512xf32, #tpu.memory_space<vmem>>, vector<16xf32>,
          %parallel_loop3A_889 = arith.constant 16 : i32
          %parallel_loop3A_890 = arith.muli %parallel_loop3A_842, %parallel_loop3A_889 : i32
          %parallel_loop3A_891 = arith.index_cast %parallel_loop3A_890 : i32 to index
          %parallel_loop3A_892 = tpu.vector_load %arg11[%parallel_loop3A_891] {strides = array<i32>} : memref<16384xf32, #tpu.memory_space<vmem>>, vector<16xf32>,
          %parallel_loop3A_893 = vector.shape_cast %parallel_loop3A_892 : vector<16xf32> to vector<16xf32>
          %parallel_loop3A_894 = vector.shape_cast %broadcast_in_dim3A_3 : vector<16xf32> to vector<16xf32>
          tpu.vector_store %arg11[%parallel_loop3A_891], %parallel_loop3A_894 {add = true, strides = array<i32>} : memref<16384xf32, #tpu.memory_space<vmem>>, vector<16xf32>,
          %parallel_loop3A_895 = vector.extract_strided_slice %parallel_loop3A_84 {offsets = [15], sizes = [1], strides = [1]} : vector<16xi32> to vector<1xi32>
          %parallel_loop3A_896 = vector.extract %parallel_loop3A_895[0] : i32 from vector<1xi32>
          %parallel_loop3A_897 = arith.constant 16 : i32
          %parallel_loop3A_898 = arith.muli %parallel_loop3A_79, %parallel_loop3A_897 : i32
          %parallel_loop3A_899 = arith.constant 15 : i32
          %parallel_loop3A_900 = arith.addi %parallel_loop3A_898, %parallel_loop3A_899 : i32
          %parallel_loop3A_901 = arith.constant 64 : i32
          %parallel_loop3A_902 = arith.muli %parallel_loop3A_896, %parallel_loop3A_901 : i32
          %parallel_loop3A_903 = arith.index_cast %parallel_loop3A_900 : i32 to index
          %parallel_loop3A_904 = arith.constant 0 : index
          %parallel_loop3A_905 = tpu.vector_load %arg7[%parallel_loop3A_903, %parallel_loop3A_904] {strides = array<i32>} : memref<128x64xf32, #tpu.memory_space<vmem>>, vector<1x16xf32>,
          %parallel_loop3A_906 = vector.shape_cast %parallel_loop3A_905 : vector<1x16xf32> to vector<16xf32>
          %parallel_loop3A_907 = arith.constant 0 : i32
          %parallel_loop3A_908 = arith.addi %parallel_loop3A_902, %parallel_loop3A_907 : i32
          %parallel_loop3A_909 = arith.index_cast %parallel_loop3A_908 : i32 to index
          %parallel_loop3A_910 = tpu.vector_load %arg10[%parallel_loop3A_909] {strides = array<i32>} : memref<64512xf32, #tpu.memory_space<vmem>>, vector<16xf32>,
          %parallel_loop3A_911 = vector.shape_cast %parallel_loop3A_910 : vector<16xf32> to vector<16xf32>
          %parallel_loop3A_912 = vector.shape_cast %parallel_loop3A_906 : vector<16xf32> to vector<16xf32>
          tpu.vector_store %arg10[%parallel_loop3A_909], %parallel_loop3A_912 {add = true, strides = array<i32>} : memref<64512xf32, #tpu.memory_space<vmem>>, vector<16xf32>,
          %parallel_loop3A_913 = arith.index_cast %parallel_loop3A_900 : i32 to index
          %parallel_loop3A_914 = arith.constant 16 : index
          %parallel_loop3A_915 = tpu.vector_load %arg7[%parallel_loop3A_913, %parallel_loop3A_914] {strides = array<i32>} : memref<128x64xf32, #tpu.memory_space<vmem>>, vector<1x16xf32>,
          %parallel_loop3A_916 = vector.shape_cast %parallel_loop3A_915 : vector<1x16xf32> to vector<16xf32>
          %parallel_loop3A_917 = arith.constant 16 : i32
          %parallel_loop3A_918 = arith.addi %parallel_loop3A_902, %parallel_loop3A_917 : i32
          %parallel_loop3A_919 = arith.index_cast %parallel_loop3A_918 : i32 to index
          %parallel_loop3A_920 = tpu.vector_load %arg10[%parallel_loop3A_919] {strides = array<i32>} : memref<64512xf32, #tpu.memory_space<vmem>>, vector<16xf32>,
          %parallel_loop3A_921 = vector.shape_cast %parallel_loop3A_920 : vector<16xf32> to vector<16xf32>
          %parallel_loop3A_922 = vector.shape_cast %parallel_loop3A_916 : vector<16xf32> to vector<16xf32>
          tpu.vector_store %arg10[%parallel_loop3A_919], %parallel_loop3A_922 {add = true, strides = array<i32>} : memref<64512xf32, #tpu.memory_space<vmem>>, vector<16xf32>,
          %parallel_loop3A_923 = arith.index_cast %parallel_loop3A_900 : i32 to index
          %parallel_loop3A_924 = arith.constant 32 : index
          %parallel_loop3A_925 = tpu.vector_load %arg7[%parallel_loop3A_923, %parallel_loop3A_924] {strides = array<i32>} : memref<128x64xf32, #tpu.memory_space<vmem>>, vector<1x16xf32>,
          %parallel_loop3A_926 = vector.shape_cast %parallel_loop3A_925 : vector<1x16xf32> to vector<16xf32>
          %parallel_loop3A_927 = arith.constant 32 : i32
          %parallel_loop3A_928 = arith.addi %parallel_loop3A_902, %parallel_loop3A_927 : i32
          %parallel_loop3A_929 = arith.index_cast %parallel_loop3A_928 : i32 to index
          %parallel_loop3A_930 = tpu.vector_load %arg10[%parallel_loop3A_929] {strides = array<i32>} : memref<64512xf32, #tpu.memory_space<vmem>>, vector<16xf32>,
          %parallel_loop3A_931 = vector.shape_cast %parallel_loop3A_930 : vector<16xf32> to vector<16xf32>
          %parallel_loop3A_932 = vector.shape_cast %parallel_loop3A_926 : vector<16xf32> to vector<16xf32>
          tpu.vector_store %arg10[%parallel_loop3A_929], %parallel_loop3A_932 {add = true, strides = array<i32>} : memref<64512xf32, #tpu.memory_space<vmem>>, vector<16xf32>,
          %parallel_loop3A_933 = arith.index_cast %parallel_loop3A_900 : i32 to index
          %parallel_loop3A_934 = arith.constant 48 : index
          %parallel_loop3A_935 = tpu.vector_load %arg7[%parallel_loop3A_933, %parallel_loop3A_934] {strides = array<i32>} : memref<128x64xf32, #tpu.memory_space<vmem>>, vector<1x16xf32>,
          %parallel_loop3A_936 = vector.shape_cast %parallel_loop3A_935 : vector<1x16xf32> to vector<16xf32>
          %parallel_loop3A_937 = arith.constant 48 : i32
          %parallel_loop3A_938 = arith.addi %parallel_loop3A_902, %parallel_loop3A_937 : i32
          %parallel_loop3A_939 = arith.index_cast %parallel_loop3A_938 : i32 to index
          %parallel_loop3A_940 = tpu.vector_load %arg10[%parallel_loop3A_939] {strides = array<i32>} : memref<64512xf32, #tpu.memory_space<vmem>>, vector<16xf32>,
          %parallel_loop3A_941 = vector.shape_cast %parallel_loop3A_940 : vector<16xf32> to vector<16xf32>
          %parallel_loop3A_942 = vector.shape_cast %parallel_loop3A_936 : vector<16xf32> to vector<16xf32>
          tpu.vector_store %arg10[%parallel_loop3A_939], %parallel_loop3A_942 {add = true, strides = array<i32>} : memref<64512xf32, #tpu.memory_space<vmem>>, vector<16xf32>,
          %parallel_loop3A_943 = arith.constant 16 : i32
          %parallel_loop3A_944 = arith.muli %parallel_loop3A_896, %parallel_loop3A_943 : i32
          %parallel_loop3A_945 = arith.index_cast %parallel_loop3A_944 : i32 to index
          %parallel_loop3A_946 = tpu.vector_load %arg11[%parallel_loop3A_945] {strides = array<i32>} : memref<16384xf32, #tpu.memory_space<vmem>>, vector<16xf32>,
          %parallel_loop3A_947 = vector.shape_cast %parallel_loop3A_946 : vector<16xf32> to vector<16xf32>
          %parallel_loop3A_948 = vector.shape_cast %broadcast_in_dim3A_3 : vector<16xf32> to vector<16xf32>
          tpu.vector_store %arg11[%parallel_loop3A_945], %parallel_loop3A_948 {add = true, strides = array<i32>} : memref<16384xf32, #tpu.memory_space<vmem>>, vector<16xf32>,
        } {sc.loop_unroll_factor = 4 : i64, sc.parallel_access}
      } else {
      }
      %scan3A_67 = arith.constant 0 : i32
      scf.yield %scan3A_67 : i32
    }
    %scan3A_36 = arith.constant 123 : i32
    %eq3A = arith.constant 31 : i32
    %eq3A_37 = arith.cmpi eq, %add3A, %eq3A : i32
    %convert_element_type3A = arith.extui %eq3A_37 : i1 to i32
    %cond3A = arith.constant 0 : i32
    %cond3A_38 = arith.cmpi ne, %convert_element_type3A, %cond3A : i32
    scf.if %cond3A_38 {
      "tpu.region"() ({
        %run_scoped3A = tpu.sem_alloc : memref<!tpu.dma_semaphore, #tpu.memory_space<semaphore_mem>>
        %dma_start3A_50 = arith.constant 0 : i32
        %dma_start3A_51 = tpu.memref_slice %arg8[%dma_start3A_50] : memref<128xi32, #tpu.memory_space<vmem>> -> memref<64xi32, #tpu.memory_space<vmem>>
        %dma_start3A_52 = arith.constant 999936 : i32
        %dma_start3A_53 = tpu.memref_slice %arg3[%dma_start3A_52] : memref<1000000xi32, #tpu.memory_space<hbm>> -> memref<64xi32, #tpu.memory_space<hbm>>
        %dma_start3A_54 = arith.constant 0 : i32
        %dma_start3A_55 = tpu.memref_slice %arg8[%dma_start3A_54] : memref<128xi32, #tpu.memory_space<vmem>> -> memref<64xi32, #tpu.memory_space<vmem>>
        %dma_start3A_56 = arith.constant 999936 : i32
        %dma_start3A_57 = tpu.memref_slice %arg3[%dma_start3A_56] : memref<1000000xi32, #tpu.memory_space<hbm>> -> memref<64xi32, #tpu.memory_space<hbm>>
        tpu.enqueue_dma source(%dma_start3A_57 : memref<64xi32, #tpu.memory_space<hbm>>) target(%dma_start3A_55 : memref<64xi32, #tpu.memory_space<vmem>>) target_semaphore(%run_scoped3A : memref<!tpu.dma_semaphore, #tpu.memory_space<semaphore_mem>>)
        %dma_wait3A = arith.constant 0 : i32
        %dma_wait3A_58 = tpu.memref_slice %arg8[%dma_wait3A] : memref<128xi32, #tpu.memory_space<vmem>> -> memref<64xi32, #tpu.memory_space<vmem>>
        %dma_wait3A_59 = arith.constant 999936 : i32
        %dma_wait3A_60 = tpu.memref_slice %arg3[%dma_wait3A_59] : memref<1000000xi32, #tpu.memory_space<hbm>> -> memref<64xi32, #tpu.memory_space<hbm>>
        %dma_wait3A_61 = arith.constant 0 : i32
        %dma_wait3A_62 = tpu.memref_slice %arg8[%dma_wait3A_61] : memref<128xi32, #tpu.memory_space<vmem>> -> memref<64xi32, #tpu.memory_space<vmem>>
        %dma_wait3A_63 = arith.constant 999936 : i32
        %dma_wait3A_64 = tpu.memref_slice %arg3[%dma_wait3A_63] : memref<1000000xi32, #tpu.memory_space<hbm>> -> memref<64xi32, #tpu.memory_space<hbm>>
        tpu.wait_dma2 semaphore(%run_scoped3A : memref<!tpu.dma_semaphore, #tpu.memory_space<semaphore_mem>>) src(%dma_wait3A_64 : memref<64xi32, #tpu.memory_space<hbm>>) dst(%dma_wait3A_62 : memref<64xi32, #tpu.memory_space<vmem>>)
        tpu.yield
      }) : () -> ()
      "tpu.region"() ({
        %run_scoped3A = tpu.sem_alloc : memref<!tpu.dma_semaphore, #tpu.memory_space<semaphore_mem>>
        %dma_start3A_50 = arith.constant 0 : i32
        %dma_start3A_51 = arith.constant 0 : i32
        %dma_start3A_52 = tpu.memref_slice %arg6[%dma_start3A_50, %dma_start3A_51] : memref<128x64xf32, #tpu.memory_space<vmem>> -> memref<64x64xf32, #tpu.memory_space<vmem>>
        %dma_start3A_53 = arith.constant 999936 : i32
        %dma_start3A_54 = arith.constant 0 : i32
        %dma_start3A_55 = tpu.memref_slice %arg2[%dma_start3A_53, %dma_start3A_54] : memref<1000000x64xf32, #tpu.memory_space<hbm>> -> memref<64x64xf32, #tpu.memory_space<hbm>>
        %dma_start3A_56 = arith.constant 0 : i32
        %dma_start3A_57 = arith.constant 0 : i32
        %dma_start3A_58 = tpu.memref_slice %arg6[%dma_start3A_56, %dma_start3A_57] : memref<128x64xf32, #tpu.memory_space<vmem>> -> memref<64x64xf32, #tpu.memory_space<vmem>>
        %dma_start3A_59 = arith.constant 999936 : i32
        %dma_start3A_60 = arith.constant 0 : i32
        %dma_start3A_61 = tpu.memref_slice %arg2[%dma_start3A_59, %dma_start3A_60] : memref<1000000x64xf32, #tpu.memory_space<hbm>> -> memref<64x64xf32, #tpu.memory_space<hbm>>
        tpu.enqueue_dma source(%dma_start3A_61 : memref<64x64xf32, #tpu.memory_space<hbm>>) target(%dma_start3A_58 : memref<64x64xf32, #tpu.memory_space<vmem>>) target_semaphore(%run_scoped3A : memref<!tpu.dma_semaphore, #tpu.memory_space<semaphore_mem>>)
        %dma_wait3A = arith.constant 0 : i32
        %dma_wait3A_62 = arith.constant 0 : i32
        %dma_wait3A_63 = tpu.memref_slice %arg6[%dma_wait3A, %dma_wait3A_62] : memref<128x64xf32, #tpu.memory_space<vmem>> -> memref<64x64xf32, #tpu.memory_space<vmem>>
        %dma_wait3A_64 = arith.constant 999936 : i32
        %dma_wait3A_65 = arith.constant 0 : i32
        %dma_wait3A_66 = tpu.memref_slice %arg2[%dma_wait3A_64, %dma_wait3A_65] : memref<1000000x64xf32, #tpu.memory_space<hbm>> -> memref<64x64xf32, #tpu.memory_space<hbm>>
        %dma_wait3A_67 = arith.constant 0 : i32
        %dma_wait3A_68 = arith.constant 0 : i32
        %dma_wait3A_69 = tpu.memref_slice %arg6[%dma_wait3A_67, %dma_wait3A_68] : memref<128x64xf32, #tpu.memory_space<vmem>> -> memref<64x64xf32, #tpu.memory_space<vmem>>
        %dma_wait3A_70 = arith.constant 999936 : i32
        %dma_wait3A_71 = arith.constant 0 : i32
        %dma_wait3A_72 = tpu.memref_slice %arg2[%dma_wait3A_70, %dma_wait3A_71] : memref<1000000x64xf32, #tpu.memory_space<hbm>> -> memref<64x64xf32, #tpu.memory_space<hbm>>
        tpu.wait_dma2 semaphore(%run_scoped3A : memref<!tpu.dma_semaphore, #tpu.memory_space<semaphore_mem>>) src(%dma_wait3A_72 : memref<64x64xf32, #tpu.memory_space<hbm>>) dst(%dma_wait3A_69 : memref<64x64xf32, #tpu.memory_space<vmem>>)
        tpu.yield
      }) : () -> ()
      %scan3A_43 = arith.constant 0 : i32
      %scan3A_44 = arith.constant 0 : i32
      %scan3A_45 = arith.constant 4 : i32
      %scan3A_46 = arith.addi %scan3A_44, %scan3A_45 : i32
      %scan3A_47 = arith.constant 1 : i32
      %scan3A_48 = scf.for %scan3A_50 = %scan3A_44 to %scan3A_46 step %scan3A_47 iter_args(%scan3A_51 = %scan3A_43) -> (i32)  : i32 {
        %mul3A_52 = arith.constant 16 : i32
        %mul3A_53 = arith.muli %scan3A_50, %mul3A_52 : i32
        %get3A = arith.index_cast %mul3A_53 : i32 to index
        %get3A_54 = tpu.vector_load %arg8[%get3A] {strides = array<i32>} : memref<128xi32, #tpu.memory_space<vmem>>, vector<16xi32>,
        %get3A_55 = vector.shape_cast %get3A_54 : vector<16xi32> to vector<16xi32>
        %slice3A = vector.extract_strided_slice %get3A_55 {offsets = [0], sizes = [1], strides = [1]} : vector<16xi32> to vector<1xi32>
        %squeeze3A = vector.extract %slice3A[0] : i32 from vector<1xi32>
        %mul3A_56 = arith.constant 16 : i32
        %mul3A_57 = arith.muli %scan3A_50, %mul3A_56 : i32
        %add3A_58 = arith.constant 0 : i32
        %add3A_59 = arith.addi %mul3A_57, %add3A_58 : i32
        %mul3A_60 = arith.constant 64 : i32
        %mul3A_61 = arith.muli %squeeze3A, %mul3A_60 : i32
        %get3A_62 = arith.index_cast %add3A_59 : i32 to index
        %get3A_63 = arith.constant 0 : index
        %get3A_64 = tpu.vector_load %arg6[%get3A_62, %get3A_63] {strides = array<i32>} : memref<128x64xf32, #tpu.memory_space<vmem>>, vector<1x16xf32>,
        %get3A_65 = vector.shape_cast %get3A_64 : vector<1x16xf32> to vector<16xf32>
        %add3A_66 = arith.constant 0 : i32
        %add3A_67 = arith.addi %mul3A_61, %add3A_66 : i32
        %swap3A = arith.index_cast %add3A_67 : i32 to index
        %swap3A_68 = tpu.vector_load %arg10[%swap3A] {strides = array<i32>} : memref<64512xf32, #tpu.memory_space<vmem>>, vector<16xf32>,
        %swap3A_69 = vector.shape_cast %swap3A_68 : vector<16xf32> to vector<16xf32>
        %swap3A_70 = vector.shape_cast %get3A_65 : vector<16xf32> to vector<16xf32>
        tpu.vector_store %arg10[%swap3A], %swap3A_70 {add = true, strides = array<i32>} : memref<64512xf32, #tpu.memory_space<vmem>>, vector<16xf32>,
        %get3A_71 = arith.index_cast %add3A_59 : i32 to index
        %get3A_72 = arith.constant 16 : index
        %get3A_73 = tpu.vector_load %arg6[%get3A_71, %get3A_72] {strides = array<i32>} : memref<128x64xf32, #tpu.memory_space<vmem>>, vector<1x16xf32>,
        %get3A_74 = vector.shape_cast %get3A_73 : vector<1x16xf32> to vector<16xf32>
        %add3A_75 = arith.constant 16 : i32
        %add3A_76 = arith.addi %mul3A_61, %add3A_75 : i32
        %swap3A_77 = arith.index_cast %add3A_76 : i32 to index
        %swap3A_78 = tpu.vector_load %arg10[%swap3A_77] {strides = array<i32>} : memref<64512xf32, #tpu.memory_space<vmem>>, vector<16xf32>,
        %swap3A_79 = vector.shape_cast %swap3A_78 : vector<16xf32> to vector<16xf32>
        %swap3A_80 = vector.shape_cast %get3A_74 : vector<16xf32> to vector<16xf32>
        tpu.vector_store %arg10[%swap3A_77], %swap3A_80 {add = true, strides = array<i32>} : memref<64512xf32, #tpu.memory_space<vmem>>, vector<16xf32>,
        %get3A_81 = arith.index_cast %add3A_59 : i32 to index
        %get3A_82 = arith.constant 32 : index
        %get3A_83 = tpu.vector_load %arg6[%get3A_81, %get3A_82] {strides = array<i32>} : memref<128x64xf32, #tpu.memory_space<vmem>>, vector<1x16xf32>,
        %get3A_84 = vector.shape_cast %get3A_83 : vector<1x16xf32> to vector<16xf32>
        %add3A_85 = arith.constant 32 : i32
        %add3A_86 = arith.addi %mul3A_61, %add3A_85 : i32
        %swap3A_87 = arith.index_cast %add3A_86 : i32 to index
        %swap3A_88 = tpu.vector_load %arg10[%swap3A_87] {strides = array<i32>} : memref<64512xf32, #tpu.memory_space<vmem>>, vector<16xf32>,
        %swap3A_89 = vector.shape_cast %swap3A_88 : vector<16xf32> to vector<16xf32>
        %swap3A_90 = vector.shape_cast %get3A_84 : vector<16xf32> to vector<16xf32>
        tpu.vector_store %arg10[%swap3A_87], %swap3A_90 {add = true, strides = array<i32>} : memref<64512xf32, #tpu.memory_space<vmem>>, vector<16xf32>,
        %get3A_91 = arith.index_cast %add3A_59 : i32 to index
        %get3A_92 = arith.constant 48 : index
        %get3A_93 = tpu.vector_load %arg6[%get3A_91, %get3A_92] {strides = array<i32>} : memref<128x64xf32, #tpu.memory_space<vmem>>, vector<1x16xf32>,
        %get3A_94 = vector.shape_cast %get3A_93 : vector<1x16xf32> to vector<16xf32>
        %add3A_95 = arith.constant 48 : i32
        %add3A_96 = arith.addi %mul3A_61, %add3A_95 : i32
        %swap3A_97 = arith.index_cast %add3A_96 : i32 to index
        %swap3A_98 = tpu.vector_load %arg10[%swap3A_97] {strides = array<i32>} : memref<64512xf32, #tpu.memory_space<vmem>>, vector<16xf32>,
        %swap3A_99 = vector.shape_cast %swap3A_98 : vector<16xf32> to vector<16xf32>
        %swap3A_100 = vector.shape_cast %get3A_94 : vector<16xf32> to vector<16xf32>
        tpu.vector_store %arg10[%swap3A_97], %swap3A_100 {add = true, strides = array<i32>} : memref<64512xf32, #tpu.memory_space<vmem>>, vector<16xf32>,
        %mul3A_101 = arith.constant 16 : i32
        %mul3A_102 = arith.muli %squeeze3A, %mul3A_101 : i32
        %swap3A_103 = arith.index_cast %mul3A_102 : i32 to index
        %swap3A_104 = tpu.vector_load %arg11[%swap3A_103] {strides = array<i32>} : memref<16384xf32, #tpu.memory_space<vmem>>, vector<16xf32>,
        %swap3A_105 = vector.shape_cast %swap3A_104 : vector<16xf32> to vector<16xf32>
        %swap3A_106 = vector.shape_cast %broadcast_in_dim3A_3 : vector<16xf32> to vector<16xf32>
        tpu.vector_store %arg11[%swap3A_103], %swap3A_106 {add = true, strides = array<i32>} : memref<16384xf32, #tpu.memory_space<vmem>>, vector<16xf32>,
        %slice3A_107 = vector.extract_strided_slice %get3A_55 {offsets = [1], sizes = [1], strides = [1]} : vector<16xi32> to vector<1xi32>
        %squeeze3A_108 = vector.extract %slice3A_107[0] : i32 from vector<1xi32>
        %mul3A_109 = arith.constant 16 : i32
        %mul3A_110 = arith.muli %scan3A_50, %mul3A_109 : i32
        %add3A_111 = arith.constant 1 : i32
        %add3A_112 = arith.addi %mul3A_110, %add3A_111 : i32
        %mul3A_113 = arith.constant 64 : i32
        %mul3A_114 = arith.muli %squeeze3A_108, %mul3A_113 : i32
        %get3A_115 = arith.index_cast %add3A_112 : i32 to index
        %get3A_116 = arith.constant 0 : index
        %get3A_117 = tpu.vector_load %arg6[%get3A_115, %get3A_116] {strides = array<i32>} : memref<128x64xf32, #tpu.memory_space<vmem>>, vector<1x16xf32>,
        %get3A_118 = vector.shape_cast %get3A_117 : vector<1x16xf32> to vector<16xf32>
        %add3A_119 = arith.constant 0 : i32
        %add3A_120 = arith.addi %mul3A_114, %add3A_119 : i32
        %swap3A_121 = arith.index_cast %add3A_120 : i32 to index
        %swap3A_122 = tpu.vector_load %arg10[%swap3A_121] {strides = array<i32>} : memref<64512xf32, #tpu.memory_space<vmem>>, vector<16xf32>,
        %swap3A_123 = vector.shape_cast %swap3A_122 : vector<16xf32> to vector<16xf32>
        %swap3A_124 = vector.shape_cast %get3A_118 : vector<16xf32> to vector<16xf32>
        tpu.vector_store %arg10[%swap3A_121], %swap3A_124 {add = true, strides = array<i32>} : memref<64512xf32, #tpu.memory_space<vmem>>, vector<16xf32>,
        %get3A_125 = arith.index_cast %add3A_112 : i32 to index
        %get3A_126 = arith.constant 16 : index
        %get3A_127 = tpu.vector_load %arg6[%get3A_125, %get3A_126] {strides = array<i32>} : memref<128x64xf32, #tpu.memory_space<vmem>>, vector<1x16xf32>,
        %get3A_128 = vector.shape_cast %get3A_127 : vector<1x16xf32> to vector<16xf32>
        %add3A_129 = arith.constant 16 : i32
        %add3A_130 = arith.addi %mul3A_114, %add3A_129 : i32
        %swap3A_131 = arith.index_cast %add3A_130 : i32 to index
        %swap3A_132 = tpu.vector_load %arg10[%swap3A_131] {strides = array<i32>} : memref<64512xf32, #tpu.memory_space<vmem>>, vector<16xf32>,
        %swap3A_133 = vector.shape_cast %swap3A_132 : vector<16xf32> to vector<16xf32>
        %swap3A_134 = vector.shape_cast %get3A_128 : vector<16xf32> to vector<16xf32>
        tpu.vector_store %arg10[%swap3A_131], %swap3A_134 {add = true, strides = array<i32>} : memref<64512xf32, #tpu.memory_space<vmem>>, vector<16xf32>,
        %get3A_135 = arith.index_cast %add3A_112 : i32 to index
        %get3A_136 = arith.constant 32 : index
        %get3A_137 = tpu.vector_load %arg6[%get3A_135, %get3A_136] {strides = array<i32>} : memref<128x64xf32, #tpu.memory_space<vmem>>, vector<1x16xf32>,
        %get3A_138 = vector.shape_cast %get3A_137 : vector<1x16xf32> to vector<16xf32>
        %add3A_139 = arith.constant 32 : i32
        %add3A_140 = arith.addi %mul3A_114, %add3A_139 : i32
        %swap3A_141 = arith.index_cast %add3A_140 : i32 to index
        %swap3A_142 = tpu.vector_load %arg10[%swap3A_141] {strides = array<i32>} : memref<64512xf32, #tpu.memory_space<vmem>>, vector<16xf32>,
        %swap3A_143 = vector.shape_cast %swap3A_142 : vector<16xf32> to vector<16xf32>
        %swap3A_144 = vector.shape_cast %get3A_138 : vector<16xf32> to vector<16xf32>
        tpu.vector_store %arg10[%swap3A_141], %swap3A_144 {add = true, strides = array<i32>} : memref<64512xf32, #tpu.memory_space<vmem>>, vector<16xf32>,
        %get3A_145 = arith.index_cast %add3A_112 : i32 to index
        %get3A_146 = arith.constant 48 : index
        %get3A_147 = tpu.vector_load %arg6[%get3A_145, %get3A_146] {strides = array<i32>} : memref<128x64xf32, #tpu.memory_space<vmem>>, vector<1x16xf32>,
        %get3A_148 = vector.shape_cast %get3A_147 : vector<1x16xf32> to vector<16xf32>
        %add3A_149 = arith.constant 48 : i32
        %add3A_150 = arith.addi %mul3A_114, %add3A_149 : i32
        %swap3A_151 = arith.index_cast %add3A_150 : i32 to index
        %swap3A_152 = tpu.vector_load %arg10[%swap3A_151] {strides = array<i32>} : memref<64512xf32, #tpu.memory_space<vmem>>, vector<16xf32>,
        %swap3A_153 = vector.shape_cast %swap3A_152 : vector<16xf32> to vector<16xf32>
        %swap3A_154 = vector.shape_cast %get3A_148 : vector<16xf32> to vector<16xf32>
        tpu.vector_store %arg10[%swap3A_151], %swap3A_154 {add = true, strides = array<i32>} : memref<64512xf32, #tpu.memory_space<vmem>>, vector<16xf32>,
        %mul3A_155 = arith.constant 16 : i32
        %mul3A_156 = arith.muli %squeeze3A_108, %mul3A_155 : i32
        %swap3A_157 = arith.index_cast %mul3A_156 : i32 to index
        %swap3A_158 = tpu.vector_load %arg11[%swap3A_157] {strides = array<i32>} : memref<16384xf32, #tpu.memory_space<vmem>>, vector<16xf32>,
        %swap3A_159 = vector.shape_cast %swap3A_158 : vector<16xf32> to vector<16xf32>
        %swap3A_160 = vector.shape_cast %broadcast_in_dim3A_3 : vector<16xf32> to vector<16xf32>
        tpu.vector_store %arg11[%swap3A_157], %swap3A_160 {add = true, strides = array<i32>} : memref<16384xf32, #tpu.memory_space<vmem>>, vector<16xf32>,
        %slice3A_161 = vector.extract_strided_slice %get3A_55 {offsets = [2], sizes = [1], strides = [1]} : vector<16xi32> to vector<1xi32>
        %squeeze3A_162 = vector.extract %slice3A_161[0] : i32 from vector<1xi32>
        %mul3A_163 = arith.constant 16 : i32
        %mul3A_164 = arith.muli %scan3A_50, %mul3A_163 : i32
        %add3A_165 = arith.constant 2 : i32
        %add3A_166 = arith.addi %mul3A_164, %add3A_165 : i32
        %mul3A_167 = arith.constant 64 : i32
        %mul3A_168 = arith.muli %squeeze3A_162, %mul3A_167 : i32
        %get3A_169 = arith.index_cast %add3A_166 : i32 to index
        %get3A_170 = arith.constant 0 : index
        %get3A_171 = tpu.vector_load %arg6[%get3A_169, %get3A_170] {strides = array<i32>} : memref<128x64xf32, #tpu.memory_space<vmem>>, vector<1x16xf32>,
        %get3A_172 = vector.shape_cast %get3A_171 : vector<1x16xf32> to vector<16xf32>
        %add3A_173 = arith.constant 0 : i32
        %add3A_174 = arith.addi %mul3A_168, %add3A_173 : i32
        %swap3A_175 = arith.index_cast %add3A_174 : i32 to index
        %swap3A_176 = tpu.vector_load %arg10[%swap3A_175] {strides = array<i32>} : memref<64512xf32, #tpu.memory_space<vmem>>, vector<16xf32>,
        %swap3A_177 = vector.shape_cast %swap3A_176 : vector<16xf32> to vector<16xf32>
        %swap3A_178 = vector.shape_cast %get3A_172 : vector<16xf32> to vector<16xf32>
        tpu.vector_store %arg10[%swap3A_175], %swap3A_178 {add = true, strides = array<i32>} : memref<64512xf32, #tpu.memory_space<vmem>>, vector<16xf32>,
        %get3A_179 = arith.index_cast %add3A_166 : i32 to index
        %get3A_180 = arith.constant 16 : index
        %get3A_181 = tpu.vector_load %arg6[%get3A_179, %get3A_180] {strides = array<i32>} : memref<128x64xf32, #tpu.memory_space<vmem>>, vector<1x16xf32>,
        %get3A_182 = vector.shape_cast %get3A_181 : vector<1x16xf32> to vector<16xf32>
        %add3A_183 = arith.constant 16 : i32
        %add3A_184 = arith.addi %mul3A_168, %add3A_183 : i32
        %swap3A_185 = arith.index_cast %add3A_184 : i32 to index
        %swap3A_186 = tpu.vector_load %arg10[%swap3A_185] {strides = array<i32>} : memref<64512xf32, #tpu.memory_space<vmem>>, vector<16xf32>,
        %swap3A_187 = vector.shape_cast %swap3A_186 : vector<16xf32> to vector<16xf32>
        %swap3A_188 = vector.shape_cast %get3A_182 : vector<16xf32> to vector<16xf32>
        tpu.vector_store %arg10[%swap3A_185], %swap3A_188 {add = true, strides = array<i32>} : memref<64512xf32, #tpu.memory_space<vmem>>, vector<16xf32>,
        %get3A_189 = arith.index_cast %add3A_166 : i32 to index
        %get3A_190 = arith.constant 32 : index
        %get3A_191 = tpu.vector_load %arg6[%get3A_189, %get3A_190] {strides = array<i32>} : memref<128x64xf32, #tpu.memory_space<vmem>>, vector<1x16xf32>,
        %get3A_192 = vector.shape_cast %get3A_191 : vector<1x16xf32> to vector<16xf32>
        %add3A_193 = arith.constant 32 : i32
        %add3A_194 = arith.addi %mul3A_168, %add3A_193 : i32
        %swap3A_195 = arith.index_cast %add3A_194 : i32 to index
        %swap3A_196 = tpu.vector_load %arg10[%swap3A_195] {strides = array<i32>} : memref<64512xf32, #tpu.memory_space<vmem>>, vector<16xf32>,
        %swap3A_197 = vector.shape_cast %swap3A_196 : vector<16xf32> to vector<16xf32>
        %swap3A_198 = vector.shape_cast %get3A_192 : vector<16xf32> to vector<16xf32>
        tpu.vector_store %arg10[%swap3A_195], %swap3A_198 {add = true, strides = array<i32>} : memref<64512xf32, #tpu.memory_space<vmem>>, vector<16xf32>,
        %get3A_199 = arith.index_cast %add3A_166 : i32 to index
        %get3A_200 = arith.constant 48 : index
        %get3A_201 = tpu.vector_load %arg6[%get3A_199, %get3A_200] {strides = array<i32>} : memref<128x64xf32, #tpu.memory_space<vmem>>, vector<1x16xf32>,
        %get3A_202 = vector.shape_cast %get3A_201 : vector<1x16xf32> to vector<16xf32>
        %add3A_203 = arith.constant 48 : i32
        %add3A_204 = arith.addi %mul3A_168, %add3A_203 : i32
        %swap3A_205 = arith.index_cast %add3A_204 : i32 to index
        %swap3A_206 = tpu.vector_load %arg10[%swap3A_205] {strides = array<i32>} : memref<64512xf32, #tpu.memory_space<vmem>>, vector<16xf32>,
        %swap3A_207 = vector.shape_cast %swap3A_206 : vector<16xf32> to vector<16xf32>
        %swap3A_208 = vector.shape_cast %get3A_202 : vector<16xf32> to vector<16xf32>
        tpu.vector_store %arg10[%swap3A_205], %swap3A_208 {add = true, strides = array<i32>} : memref<64512xf32, #tpu.memory_space<vmem>>, vector<16xf32>,
        %mul3A_209 = arith.constant 16 : i32
        %mul3A_210 = arith.muli %squeeze3A_162, %mul3A_209 : i32
        %swap3A_211 = arith.index_cast %mul3A_210 : i32 to index
        %swap3A_212 = tpu.vector_load %arg11[%swap3A_211] {strides = array<i32>} : memref<16384xf32, #tpu.memory_space<vmem>>, vector<16xf32>,
        %swap3A_213 = vector.shape_cast %swap3A_212 : vector<16xf32> to vector<16xf32>
        %swap3A_214 = vector.shape_cast %broadcast_in_dim3A_3 : vector<16xf32> to vector<16xf32>
        tpu.vector_store %arg11[%swap3A_211], %swap3A_214 {add = true, strides = array<i32>} : memref<16384xf32, #tpu.memory_space<vmem>>, vector<16xf32>,
        %slice3A_215 = vector.extract_strided_slice %get3A_55 {offsets = [3], sizes = [1], strides = [1]} : vector<16xi32> to vector<1xi32>
        %squeeze3A_216 = vector.extract %slice3A_215[0] : i32 from vector<1xi32>
        %mul3A_217 = arith.constant 16 : i32
        %mul3A_218 = arith.muli %scan3A_50, %mul3A_217 : i32
        %add3A_219 = arith.constant 3 : i32
        %add3A_220 = arith.addi %mul3A_218, %add3A_219 : i32
        %mul3A_221 = arith.constant 64 : i32
        %mul3A_222 = arith.muli %squeeze3A_216, %mul3A_221 : i32
        %get3A_223 = arith.index_cast %add3A_220 : i32 to index
        %get3A_224 = arith.constant 0 : index
        %get3A_225 = tpu.vector_load %arg6[%get3A_223, %get3A_224] {strides = array<i32>} : memref<128x64xf32, #tpu.memory_space<vmem>>, vector<1x16xf32>,
        %get3A_226 = vector.shape_cast %get3A_225 : vector<1x16xf32> to vector<16xf32>
        %add3A_227 = arith.constant 0 : i32
        %add3A_228 = arith.addi %mul3A_222, %add3A_227 : i32
        %swap3A_229 = arith.index_cast %add3A_228 : i32 to index
        %swap3A_230 = tpu.vector_load %arg10[%swap3A_229] {strides = array<i32>} : memref<64512xf32, #tpu.memory_space<vmem>>, vector<16xf32>,
        %swap3A_231 = vector.shape_cast %swap3A_230 : vector<16xf32> to vector<16xf32>
        %swap3A_232 = vector.shape_cast %get3A_226 : vector<16xf32> to vector<16xf32>
        tpu.vector_store %arg10[%swap3A_229], %swap3A_232 {add = true, strides = array<i32>} : memref<64512xf32, #tpu.memory_space<vmem>>, vector<16xf32>,
        %get3A_233 = arith.index_cast %add3A_220 : i32 to index
        %get3A_234 = arith.constant 16 : index
        %get3A_235 = tpu.vector_load %arg6[%get3A_233, %get3A_234] {strides = array<i32>} : memref<128x64xf32, #tpu.memory_space<vmem>>, vector<1x16xf32>,
        %get3A_236 = vector.shape_cast %get3A_235 : vector<1x16xf32> to vector<16xf32>
        %add3A_237 = arith.constant 16 : i32
        %add3A_238 = arith.addi %mul3A_222, %add3A_237 : i32
        %swap3A_239 = arith.index_cast %add3A_238 : i32 to index
        %swap3A_240 = tpu.vector_load %arg10[%swap3A_239] {strides = array<i32>} : memref<64512xf32, #tpu.memory_space<vmem>>, vector<16xf32>,
        %swap3A_241 = vector.shape_cast %swap3A_240 : vector<16xf32> to vector<16xf32>
        %swap3A_242 = vector.shape_cast %get3A_236 : vector<16xf32> to vector<16xf32>
        tpu.vector_store %arg10[%swap3A_239], %swap3A_242 {add = true, strides = array<i32>} : memref<64512xf32, #tpu.memory_space<vmem>>, vector<16xf32>,
        %get3A_243 = arith.index_cast %add3A_220 : i32 to index
        %get3A_244 = arith.constant 32 : index
        %get3A_245 = tpu.vector_load %arg6[%get3A_243, %get3A_244] {strides = array<i32>} : memref<128x64xf32, #tpu.memory_space<vmem>>, vector<1x16xf32>,
        %get3A_246 = vector.shape_cast %get3A_245 : vector<1x16xf32> to vector<16xf32>
        %add3A_247 = arith.constant 32 : i32
        %add3A_248 = arith.addi %mul3A_222, %add3A_247 : i32
        %swap3A_249 = arith.index_cast %add3A_248 : i32 to index
        %swap3A_250 = tpu.vector_load %arg10[%swap3A_249] {strides = array<i32>} : memref<64512xf32, #tpu.memory_space<vmem>>, vector<16xf32>,
        %swap3A_251 = vector.shape_cast %swap3A_250 : vector<16xf32> to vector<16xf32>
        %swap3A_252 = vector.shape_cast %get3A_246 : vector<16xf32> to vector<16xf32>
        tpu.vector_store %arg10[%swap3A_249], %swap3A_252 {add = true, strides = array<i32>} : memref<64512xf32, #tpu.memory_space<vmem>>, vector<16xf32>,
        %get3A_253 = arith.index_cast %add3A_220 : i32 to index
        %get3A_254 = arith.constant 48 : index
        %get3A_255 = tpu.vector_load %arg6[%get3A_253, %get3A_254] {strides = array<i32>} : memref<128x64xf32, #tpu.memory_space<vmem>>, vector<1x16xf32>,
        %get3A_256 = vector.shape_cast %get3A_255 : vector<1x16xf32> to vector<16xf32>
        %add3A_257 = arith.constant 48 : i32
        %add3A_258 = arith.addi %mul3A_222, %add3A_257 : i32
        %swap3A_259 = arith.index_cast %add3A_258 : i32 to index
        %swap3A_260 = tpu.vector_load %arg10[%swap3A_259] {strides = array<i32>} : memref<64512xf32, #tpu.memory_space<vmem>>, vector<16xf32>,
        %swap3A_261 = vector.shape_cast %swap3A_260 : vector<16xf32> to vector<16xf32>
        %swap3A_262 = vector.shape_cast %get3A_256 : vector<16xf32> to vector<16xf32>
        tpu.vector_store %arg10[%swap3A_259], %swap3A_262 {add = true, strides = array<i32>} : memref<64512xf32, #tpu.memory_space<vmem>>, vector<16xf32>,
        %mul3A_263 = arith.constant 16 : i32
        %mul3A_264 = arith.muli %squeeze3A_216, %mul3A_263 : i32
        %swap3A_265 = arith.index_cast %mul3A_264 : i32 to index
        %swap3A_266 = tpu.vector_load %arg11[%swap3A_265] {strides = array<i32>} : memref<16384xf32, #tpu.memory_space<vmem>>, vector<16xf32>,
        %swap3A_267 = vector.shape_cast %swap3A_266 : vector<16xf32> to vector<16xf32>
        %swap3A_268 = vector.shape_cast %broadcast_in_dim3A_3 : vector<16xf32> to vector<16xf32>
        tpu.vector_store %arg11[%swap3A_265], %swap3A_268 {add = true, strides = array<i32>} : memref<16384xf32, #tpu.memory_space<vmem>>, vector<16xf32>,
        %slice3A_269 = vector.extract_strided_slice %get3A_55 {offsets = [4], sizes = [1], strides = [1]} : vector<16xi32> to vector<1xi32>
        %squeeze3A_270 = vector.extract %slice3A_269[0] : i32 from vector<1xi32>
        %mul3A_271 = arith.constant 16 : i32
        %mul3A_272 = arith.muli %scan3A_50, %mul3A_271 : i32
        %add3A_273 = arith.constant 4 : i32
        %add3A_274 = arith.addi %mul3A_272, %add3A_273 : i32
        %mul3A_275 = arith.constant 64 : i32
        %mul3A_276 = arith.muli %squeeze3A_270, %mul3A_275 : i32
        %get3A_277 = arith.index_cast %add3A_274 : i32 to index
        %get3A_278 = arith.constant 0 : index
        %get3A_279 = tpu.vector_load %arg6[%get3A_277, %get3A_278] {strides = array<i32>} : memref<128x64xf32, #tpu.memory_space<vmem>>, vector<1x16xf32>,
        %get3A_280 = vector.shape_cast %get3A_279 : vector<1x16xf32> to vector<16xf32>
        %add3A_281 = arith.constant 0 : i32
        %add3A_282 = arith.addi %mul3A_276, %add3A_281 : i32
        %swap3A_283 = arith.index_cast %add3A_282 : i32 to index
        %swap3A_284 = tpu.vector_load %arg10[%swap3A_283] {strides = array<i32>} : memref<64512xf32, #tpu.memory_space<vmem>>, vector<16xf32>,
        %swap3A_285 = vector.shape_cast %swap3A_284 : vector<16xf32> to vector<16xf32>
        %swap3A_286 = vector.shape_cast %get3A_280 : vector<16xf32> to vector<16xf32>
        tpu.vector_store %arg10[%swap3A_283], %swap3A_286 {add = true, strides = array<i32>} : memref<64512xf32, #tpu.memory_space<vmem>>, vector<16xf32>,
        %get3A_287 = arith.index_cast %add3A_274 : i32 to index
        %get3A_288 = arith.constant 16 : index
        %get3A_289 = tpu.vector_load %arg6[%get3A_287, %get3A_288] {strides = array<i32>} : memref<128x64xf32, #tpu.memory_space<vmem>>, vector<1x16xf32>,
        %get3A_290 = vector.shape_cast %get3A_289 : vector<1x16xf32> to vector<16xf32>
        %add3A_291 = arith.constant 16 : i32
        %add3A_292 = arith.addi %mul3A_276, %add3A_291 : i32
        %swap3A_293 = arith.index_cast %add3A_292 : i32 to index
        %swap3A_294 = tpu.vector_load %arg10[%swap3A_293] {strides = array<i32>} : memref<64512xf32, #tpu.memory_space<vmem>>, vector<16xf32>,
        %swap3A_295 = vector.shape_cast %swap3A_294 : vector<16xf32> to vector<16xf32>
        %swap3A_296 = vector.shape_cast %get3A_290 : vector<16xf32> to vector<16xf32>
        tpu.vector_store %arg10[%swap3A_293], %swap3A_296 {add = true, strides = array<i32>} : memref<64512xf32, #tpu.memory_space<vmem>>, vector<16xf32>,
        %get3A_297 = arith.index_cast %add3A_274 : i32 to index
        %get3A_298 = arith.constant 32 : index
        %get3A_299 = tpu.vector_load %arg6[%get3A_297, %get3A_298] {strides = array<i32>} : memref<128x64xf32, #tpu.memory_space<vmem>>, vector<1x16xf32>,
        %get3A_300 = vector.shape_cast %get3A_299 : vector<1x16xf32> to vector<16xf32>
        %add3A_301 = arith.constant 32 : i32
        %add3A_302 = arith.addi %mul3A_276, %add3A_301 : i32
        %swap3A_303 = arith.index_cast %add3A_302 : i32 to index
        %swap3A_304 = tpu.vector_load %arg10[%swap3A_303] {strides = array<i32>} : memref<64512xf32, #tpu.memory_space<vmem>>, vector<16xf32>,
        %swap3A_305 = vector.shape_cast %swap3A_304 : vector<16xf32> to vector<16xf32>
        %swap3A_306 = vector.shape_cast %get3A_300 : vector<16xf32> to vector<16xf32>
        tpu.vector_store %arg10[%swap3A_303], %swap3A_306 {add = true, strides = array<i32>} : memref<64512xf32, #tpu.memory_space<vmem>>, vector<16xf32>,
        %get3A_307 = arith.index_cast %add3A_274 : i32 to index
        %get3A_308 = arith.constant 48 : index
        %get3A_309 = tpu.vector_load %arg6[%get3A_307, %get3A_308] {strides = array<i32>} : memref<128x64xf32, #tpu.memory_space<vmem>>, vector<1x16xf32>,
        %get3A_310 = vector.shape_cast %get3A_309 : vector<1x16xf32> to vector<16xf32>
        %add3A_311 = arith.constant 48 : i32
        %add3A_312 = arith.addi %mul3A_276, %add3A_311 : i32
        %swap3A_313 = arith.index_cast %add3A_312 : i32 to index
        %swap3A_314 = tpu.vector_load %arg10[%swap3A_313] {strides = array<i32>} : memref<64512xf32, #tpu.memory_space<vmem>>, vector<16xf32>,
        %swap3A_315 = vector.shape_cast %swap3A_314 : vector<16xf32> to vector<16xf32>
        %swap3A_316 = vector.shape_cast %get3A_310 : vector<16xf32> to vector<16xf32>
        tpu.vector_store %arg10[%swap3A_313], %swap3A_316 {add = true, strides = array<i32>} : memref<64512xf32, #tpu.memory_space<vmem>>, vector<16xf32>,
        %mul3A_317 = arith.constant 16 : i32
        %mul3A_318 = arith.muli %squeeze3A_270, %mul3A_317 : i32
        %swap3A_319 = arith.index_cast %mul3A_318 : i32 to index
        %swap3A_320 = tpu.vector_load %arg11[%swap3A_319] {strides = array<i32>} : memref<16384xf32, #tpu.memory_space<vmem>>, vector<16xf32>,
        %swap3A_321 = vector.shape_cast %swap3A_320 : vector<16xf32> to vector<16xf32>
        %swap3A_322 = vector.shape_cast %broadcast_in_dim3A_3 : vector<16xf32> to vector<16xf32>
        tpu.vector_store %arg11[%swap3A_319], %swap3A_322 {add = true, strides = array<i32>} : memref<16384xf32, #tpu.memory_space<vmem>>, vector<16xf32>,
        %slice3A_323 = vector.extract_strided_slice %get3A_55 {offsets = [5], sizes = [1], strides = [1]} : vector<16xi32> to vector<1xi32>
        %squeeze3A_324 = vector.extract %slice3A_323[0] : i32 from vector<1xi32>
        %mul3A_325 = arith.constant 16 : i32
        %mul3A_326 = arith.muli %scan3A_50, %mul3A_325 : i32
        %add3A_327 = arith.constant 5 : i32
        %add3A_328 = arith.addi %mul3A_326, %add3A_327 : i32
        %mul3A_329 = arith.constant 64 : i32
        %mul3A_330 = arith.muli %squeeze3A_324, %mul3A_329 : i32
        %get3A_331 = arith.index_cast %add3A_328 : i32 to index
        %get3A_332 = arith.constant 0 : index
        %get3A_333 = tpu.vector_load %arg6[%get3A_331, %get3A_332] {strides = array<i32>} : memref<128x64xf32, #tpu.memory_space<vmem>>, vector<1x16xf32>,
        %get3A_334 = vector.shape_cast %get3A_333 : vector<1x16xf32> to vector<16xf32>
        %add3A_335 = arith.constant 0 : i32
        %add3A_336 = arith.addi %mul3A_330, %add3A_335 : i32
        %swap3A_337 = arith.index_cast %add3A_336 : i32 to index
        %swap3A_338 = tpu.vector_load %arg10[%swap3A_337] {strides = array<i32>} : memref<64512xf32, #tpu.memory_space<vmem>>, vector<16xf32>,
        %swap3A_339 = vector.shape_cast %swap3A_338 : vector<16xf32> to vector<16xf32>
        %swap3A_340 = vector.shape_cast %get3A_334 : vector<16xf32> to vector<16xf32>
        tpu.vector_store %arg10[%swap3A_337], %swap3A_340 {add = true, strides = array<i32>} : memref<64512xf32, #tpu.memory_space<vmem>>, vector<16xf32>,
        %get3A_341 = arith.index_cast %add3A_328 : i32 to index
        %get3A_342 = arith.constant 16 : index
        %get3A_343 = tpu.vector_load %arg6[%get3A_341, %get3A_342] {strides = array<i32>} : memref<128x64xf32, #tpu.memory_space<vmem>>, vector<1x16xf32>,
        %get3A_344 = vector.shape_cast %get3A_343 : vector<1x16xf32> to vector<16xf32>
        %add3A_345 = arith.constant 16 : i32
        %add3A_346 = arith.addi %mul3A_330, %add3A_345 : i32
        %swap3A_347 = arith.index_cast %add3A_346 : i32 to index
        %swap3A_348 = tpu.vector_load %arg10[%swap3A_347] {strides = array<i32>} : memref<64512xf32, #tpu.memory_space<vmem>>, vector<16xf32>,
        %swap3A_349 = vector.shape_cast %swap3A_348 : vector<16xf32> to vector<16xf32>
        %swap3A_350 = vector.shape_cast %get3A_344 : vector<16xf32> to vector<16xf32>
        tpu.vector_store %arg10[%swap3A_347], %swap3A_350 {add = true, strides = array<i32>} : memref<64512xf32, #tpu.memory_space<vmem>>, vector<16xf32>,
        %get3A_351 = arith.index_cast %add3A_328 : i32 to index
        %get3A_352 = arith.constant 32 : index
        %get3A_353 = tpu.vector_load %arg6[%get3A_351, %get3A_352] {strides = array<i32>} : memref<128x64xf32, #tpu.memory_space<vmem>>, vector<1x16xf32>,
        %get3A_354 = vector.shape_cast %get3A_353 : vector<1x16xf32> to vector<16xf32>
        %add3A_355 = arith.constant 32 : i32
        %add3A_356 = arith.addi %mul3A_330, %add3A_355 : i32
        %swap3A_357 = arith.index_cast %add3A_356 : i32 to index
        %swap3A_358 = tpu.vector_load %arg10[%swap3A_357] {strides = array<i32>} : memref<64512xf32, #tpu.memory_space<vmem>>, vector<16xf32>,
        %swap3A_359 = vector.shape_cast %swap3A_358 : vector<16xf32> to vector<16xf32>
        %swap3A_360 = vector.shape_cast %get3A_354 : vector<16xf32> to vector<16xf32>
        tpu.vector_store %arg10[%swap3A_357], %swap3A_360 {add = true, strides = array<i32>} : memref<64512xf32, #tpu.memory_space<vmem>>, vector<16xf32>,
        %get3A_361 = arith.index_cast %add3A_328 : i32 to index
        %get3A_362 = arith.constant 48 : index
        %get3A_363 = tpu.vector_load %arg6[%get3A_361, %get3A_362] {strides = array<i32>} : memref<128x64xf32, #tpu.memory_space<vmem>>, vector<1x16xf32>,
        %get3A_364 = vector.shape_cast %get3A_363 : vector<1x16xf32> to vector<16xf32>
        %add3A_365 = arith.constant 48 : i32
        %add3A_366 = arith.addi %mul3A_330, %add3A_365 : i32
        %swap3A_367 = arith.index_cast %add3A_366 : i32 to index
        %swap3A_368 = tpu.vector_load %arg10[%swap3A_367] {strides = array<i32>} : memref<64512xf32, #tpu.memory_space<vmem>>, vector<16xf32>,
        %swap3A_369 = vector.shape_cast %swap3A_368 : vector<16xf32> to vector<16xf32>
        %swap3A_370 = vector.shape_cast %get3A_364 : vector<16xf32> to vector<16xf32>
        tpu.vector_store %arg10[%swap3A_367], %swap3A_370 {add = true, strides = array<i32>} : memref<64512xf32, #tpu.memory_space<vmem>>, vector<16xf32>,
        %mul3A_371 = arith.constant 16 : i32
        %mul3A_372 = arith.muli %squeeze3A_324, %mul3A_371 : i32
        %swap3A_373 = arith.index_cast %mul3A_372 : i32 to index
        %swap3A_374 = tpu.vector_load %arg11[%swap3A_373] {strides = array<i32>} : memref<16384xf32, #tpu.memory_space<vmem>>, vector<16xf32>,
        %swap3A_375 = vector.shape_cast %swap3A_374 : vector<16xf32> to vector<16xf32>
        %swap3A_376 = vector.shape_cast %broadcast_in_dim3A_3 : vector<16xf32> to vector<16xf32>
        tpu.vector_store %arg11[%swap3A_373], %swap3A_376 {add = true, strides = array<i32>} : memref<16384xf32, #tpu.memory_space<vmem>>, vector<16xf32>,
        %slice3A_377 = vector.extract_strided_slice %get3A_55 {offsets = [6], sizes = [1], strides = [1]} : vector<16xi32> to vector<1xi32>
        %squeeze3A_378 = vector.extract %slice3A_377[0] : i32 from vector<1xi32>
        %mul3A_379 = arith.constant 16 : i32
        %mul3A_380 = arith.muli %scan3A_50, %mul3A_379 : i32
        %add3A_381 = arith.constant 6 : i32
        %add3A_382 = arith.addi %mul3A_380, %add3A_381 : i32
        %mul3A_383 = arith.constant 64 : i32
        %mul3A_384 = arith.muli %squeeze3A_378, %mul3A_383 : i32
        %get3A_385 = arith.index_cast %add3A_382 : i32 to index
        %get3A_386 = arith.constant 0 : index
        %get3A_387 = tpu.vector_load %arg6[%get3A_385, %get3A_386] {strides = array<i32>} : memref<128x64xf32, #tpu.memory_space<vmem>>, vector<1x16xf32>,
        %get3A_388 = vector.shape_cast %get3A_387 : vector<1x16xf32> to vector<16xf32>
        %add3A_389 = arith.constant 0 : i32
        %add3A_390 = arith.addi %mul3A_384, %add3A_389 : i32
        %swap3A_391 = arith.index_cast %add3A_390 : i32 to index
        %swap3A_392 = tpu.vector_load %arg10[%swap3A_391] {strides = array<i32>} : memref<64512xf32, #tpu.memory_space<vmem>>, vector<16xf32>,
        %swap3A_393 = vector.shape_cast %swap3A_392 : vector<16xf32> to vector<16xf32>
        %swap3A_394 = vector.shape_cast %get3A_388 : vector<16xf32> to vector<16xf32>
        tpu.vector_store %arg10[%swap3A_391], %swap3A_394 {add = true, strides = array<i32>} : memref<64512xf32, #tpu.memory_space<vmem>>, vector<16xf32>,
        %get3A_395 = arith.index_cast %add3A_382 : i32 to index
        %get3A_396 = arith.constant 16 : index
        %get3A_397 = tpu.vector_load %arg6[%get3A_395, %get3A_396] {strides = array<i32>} : memref<128x64xf32, #tpu.memory_space<vmem>>, vector<1x16xf32>,
        %get3A_398 = vector.shape_cast %get3A_397 : vector<1x16xf32> to vector<16xf32>
        %add3A_399 = arith.constant 16 : i32
        %add3A_400 = arith.addi %mul3A_384, %add3A_399 : i32
        %swap3A_401 = arith.index_cast %add3A_400 : i32 to index
        %swap3A_402 = tpu.vector_load %arg10[%swap3A_401] {strides = array<i32>} : memref<64512xf32, #tpu.memory_space<vmem>>, vector<16xf32>,
        %swap3A_403 = vector.shape_cast %swap3A_402 : vector<16xf32> to vector<16xf32>
        %swap3A_404 = vector.shape_cast %get3A_398 : vector<16xf32> to vector<16xf32>
        tpu.vector_store %arg10[%swap3A_401], %swap3A_404 {add = true, strides = array<i32>} : memref<64512xf32, #tpu.memory_space<vmem>>, vector<16xf32>,
        %get3A_405 = arith.index_cast %add3A_382 : i32 to index
        %get3A_406 = arith.constant 32 : index
        %get3A_407 = tpu.vector_load %arg6[%get3A_405, %get3A_406] {strides = array<i32>} : memref<128x64xf32, #tpu.memory_space<vmem>>, vector<1x16xf32>,
        %get3A_408 = vector.shape_cast %get3A_407 : vector<1x16xf32> to vector<16xf32>
        %add3A_409 = arith.constant 32 : i32
        %add3A_410 = arith.addi %mul3A_384, %add3A_409 : i32
        %swap3A_411 = arith.index_cast %add3A_410 : i32 to index
        %swap3A_412 = tpu.vector_load %arg10[%swap3A_411] {strides = array<i32>} : memref<64512xf32, #tpu.memory_space<vmem>>, vector<16xf32>,
        %swap3A_413 = vector.shape_cast %swap3A_412 : vector<16xf32> to vector<16xf32>
        %swap3A_414 = vector.shape_cast %get3A_408 : vector<16xf32> to vector<16xf32>
        tpu.vector_store %arg10[%swap3A_411], %swap3A_414 {add = true, strides = array<i32>} : memref<64512xf32, #tpu.memory_space<vmem>>, vector<16xf32>,
        %get3A_415 = arith.index_cast %add3A_382 : i32 to index
        %get3A_416 = arith.constant 48 : index
        %get3A_417 = tpu.vector_load %arg6[%get3A_415, %get3A_416] {strides = array<i32>} : memref<128x64xf32, #tpu.memory_space<vmem>>, vector<1x16xf32>,
        %get3A_418 = vector.shape_cast %get3A_417 : vector<1x16xf32> to vector<16xf32>
        %add3A_419 = arith.constant 48 : i32
        %add3A_420 = arith.addi %mul3A_384, %add3A_419 : i32
        %swap3A_421 = arith.index_cast %add3A_420 : i32 to index
        %swap3A_422 = tpu.vector_load %arg10[%swap3A_421] {strides = array<i32>} : memref<64512xf32, #tpu.memory_space<vmem>>, vector<16xf32>,
        %swap3A_423 = vector.shape_cast %swap3A_422 : vector<16xf32> to vector<16xf32>
        %swap3A_424 = vector.shape_cast %get3A_418 : vector<16xf32> to vector<16xf32>
        tpu.vector_store %arg10[%swap3A_421], %swap3A_424 {add = true, strides = array<i32>} : memref<64512xf32, #tpu.memory_space<vmem>>, vector<16xf32>,
        %mul3A_425 = arith.constant 16 : i32
        %mul3A_426 = arith.muli %squeeze3A_378, %mul3A_425 : i32
        %swap3A_427 = arith.index_cast %mul3A_426 : i32 to index
        %swap3A_428 = tpu.vector_load %arg11[%swap3A_427] {strides = array<i32>} : memref<16384xf32, #tpu.memory_space<vmem>>, vector<16xf32>,
        %swap3A_429 = vector.shape_cast %swap3A_428 : vector<16xf32> to vector<16xf32>
        %swap3A_430 = vector.shape_cast %broadcast_in_dim3A_3 : vector<16xf32> to vector<16xf32>
        tpu.vector_store %arg11[%swap3A_427], %swap3A_430 {add = true, strides = array<i32>} : memref<16384xf32, #tpu.memory_space<vmem>>, vector<16xf32>,
        %slice3A_431 = vector.extract_strided_slice %get3A_55 {offsets = [7], sizes = [1], strides = [1]} : vector<16xi32> to vector<1xi32>
        %squeeze3A_432 = vector.extract %slice3A_431[0] : i32 from vector<1xi32>
        %mul3A_433 = arith.constant 16 : i32
        %mul3A_434 = arith.muli %scan3A_50, %mul3A_433 : i32
        %add3A_435 = arith.constant 7 : i32
        %add3A_436 = arith.addi %mul3A_434, %add3A_435 : i32
        %mul3A_437 = arith.constant 64 : i32
        %mul3A_438 = arith.muli %squeeze3A_432, %mul3A_437 : i32
        %get3A_439 = arith.index_cast %add3A_436 : i32 to index
        %get3A_440 = arith.constant 0 : index
        %get3A_441 = tpu.vector_load %arg6[%get3A_439, %get3A_440] {strides = array<i32>} : memref<128x64xf32, #tpu.memory_space<vmem>>, vector<1x16xf32>,
        %get3A_442 = vector.shape_cast %get3A_441 : vector<1x16xf32> to vector<16xf32>
        %add3A_443 = arith.constant 0 : i32
        %add3A_444 = arith.addi %mul3A_438, %add3A_443 : i32
        %swap3A_445 = arith.index_cast %add3A_444 : i32 to index
        %swap3A_446 = tpu.vector_load %arg10[%swap3A_445] {strides = array<i32>} : memref<64512xf32, #tpu.memory_space<vmem>>, vector<16xf32>,
        %swap3A_447 = vector.shape_cast %swap3A_446 : vector<16xf32> to vector<16xf32>
        %swap3A_448 = vector.shape_cast %get3A_442 : vector<16xf32> to vector<16xf32>
        tpu.vector_store %arg10[%swap3A_445], %swap3A_448 {add = true, strides = array<i32>} : memref<64512xf32, #tpu.memory_space<vmem>>, vector<16xf32>,
        %get3A_449 = arith.index_cast %add3A_436 : i32 to index
        %get3A_450 = arith.constant 16 : index
        %get3A_451 = tpu.vector_load %arg6[%get3A_449, %get3A_450] {strides = array<i32>} : memref<128x64xf32, #tpu.memory_space<vmem>>, vector<1x16xf32>,
        %get3A_452 = vector.shape_cast %get3A_451 : vector<1x16xf32> to vector<16xf32>
        %add3A_453 = arith.constant 16 : i32
        %add3A_454 = arith.addi %mul3A_438, %add3A_453 : i32
        %swap3A_455 = arith.index_cast %add3A_454 : i32 to index
        %swap3A_456 = tpu.vector_load %arg10[%swap3A_455] {strides = array<i32>} : memref<64512xf32, #tpu.memory_space<vmem>>, vector<16xf32>,
        %swap3A_457 = vector.shape_cast %swap3A_456 : vector<16xf32> to vector<16xf32>
        %swap3A_458 = vector.shape_cast %get3A_452 : vector<16xf32> to vector<16xf32>
        tpu.vector_store %arg10[%swap3A_455], %swap3A_458 {add = true, strides = array<i32>} : memref<64512xf32, #tpu.memory_space<vmem>>, vector<16xf32>,
        %get3A_459 = arith.index_cast %add3A_436 : i32 to index
        %get3A_460 = arith.constant 32 : index
        %get3A_461 = tpu.vector_load %arg6[%get3A_459, %get3A_460] {strides = array<i32>} : memref<128x64xf32, #tpu.memory_space<vmem>>, vector<1x16xf32>,
        %get3A_462 = vector.shape_cast %get3A_461 : vector<1x16xf32> to vector<16xf32>
        %add3A_463 = arith.constant 32 : i32
        %add3A_464 = arith.addi %mul3A_438, %add3A_463 : i32
        %swap3A_465 = arith.index_cast %add3A_464 : i32 to index
        %swap3A_466 = tpu.vector_load %arg10[%swap3A_465] {strides = array<i32>} : memref<64512xf32, #tpu.memory_space<vmem>>, vector<16xf32>,
        %swap3A_467 = vector.shape_cast %swap3A_466 : vector<16xf32> to vector<16xf32>
        %swap3A_468 = vector.shape_cast %get3A_462 : vector<16xf32> to vector<16xf32>
        tpu.vector_store %arg10[%swap3A_465], %swap3A_468 {add = true, strides = array<i32>} : memref<64512xf32, #tpu.memory_space<vmem>>, vector<16xf32>,
        %get3A_469 = arith.index_cast %add3A_436 : i32 to index
        %get3A_470 = arith.constant 48 : index
        %get3A_471 = tpu.vector_load %arg6[%get3A_469, %get3A_470] {strides = array<i32>} : memref<128x64xf32, #tpu.memory_space<vmem>>, vector<1x16xf32>,
        %get3A_472 = vector.shape_cast %get3A_471 : vector<1x16xf32> to vector<16xf32>
        %add3A_473 = arith.constant 48 : i32
        %add3A_474 = arith.addi %mul3A_438, %add3A_473 : i32
        %swap3A_475 = arith.index_cast %add3A_474 : i32 to index
        %swap3A_476 = tpu.vector_load %arg10[%swap3A_475] {strides = array<i32>} : memref<64512xf32, #tpu.memory_space<vmem>>, vector<16xf32>,
        %swap3A_477 = vector.shape_cast %swap3A_476 : vector<16xf32> to vector<16xf32>
        %swap3A_478 = vector.shape_cast %get3A_472 : vector<16xf32> to vector<16xf32>
        tpu.vector_store %arg10[%swap3A_475], %swap3A_478 {add = true, strides = array<i32>} : memref<64512xf32, #tpu.memory_space<vmem>>, vector<16xf32>,
        %mul3A_479 = arith.constant 16 : i32
        %mul3A_480 = arith.muli %squeeze3A_432, %mul3A_479 : i32
        %swap3A_481 = arith.index_cast %mul3A_480 : i32 to index
        %swap3A_482 = tpu.vector_load %arg11[%swap3A_481] {strides = array<i32>} : memref<16384xf32, #tpu.memory_space<vmem>>, vector<16xf32>,
        %swap3A_483 = vector.shape_cast %swap3A_482 : vector<16xf32> to vector<16xf32>
        %swap3A_484 = vector.shape_cast %broadcast_in_dim3A_3 : vector<16xf32> to vector<16xf32>
        tpu.vector_store %arg11[%swap3A_481], %swap3A_484 {add = true, strides = array<i32>} : memref<16384xf32, #tpu.memory_space<vmem>>, vector<16xf32>,
        %slice3A_485 = vector.extract_strided_slice %get3A_55 {offsets = [8], sizes = [1], strides = [1]} : vector<16xi32> to vector<1xi32>
        %squeeze3A_486 = vector.extract %slice3A_485[0] : i32 from vector<1xi32>
        %mul3A_487 = arith.constant 16 : i32
        %mul3A_488 = arith.muli %scan3A_50, %mul3A_487 : i32
        %add3A_489 = arith.constant 8 : i32
        %add3A_490 = arith.addi %mul3A_488, %add3A_489 : i32
        %mul3A_491 = arith.constant 64 : i32
        %mul3A_492 = arith.muli %squeeze3A_486, %mul3A_491 : i32
        %get3A_493 = arith.index_cast %add3A_490 : i32 to index
        %get3A_494 = arith.constant 0 : index
        %get3A_495 = tpu.vector_load %arg6[%get3A_493, %get3A_494] {strides = array<i32>} : memref<128x64xf32, #tpu.memory_space<vmem>>, vector<1x16xf32>,
        %get3A_496 = vector.shape_cast %get3A_495 : vector<1x16xf32> to vector<16xf32>
        %add3A_497 = arith.constant 0 : i32
        %add3A_498 = arith.addi %mul3A_492, %add3A_497 : i32
        %swap3A_499 = arith.index_cast %add3A_498 : i32 to index
        %swap3A_500 = tpu.vector_load %arg10[%swap3A_499] {strides = array<i32>} : memref<64512xf32, #tpu.memory_space<vmem>>, vector<16xf32>,
        %swap3A_501 = vector.shape_cast %swap3A_500 : vector<16xf32> to vector<16xf32>
        %swap3A_502 = vector.shape_cast %get3A_496 : vector<16xf32> to vector<16xf32>
        tpu.vector_store %arg10[%swap3A_499], %swap3A_502 {add = true, strides = array<i32>} : memref<64512xf32, #tpu.memory_space<vmem>>, vector<16xf32>,
        %get3A_503 = arith.index_cast %add3A_490 : i32 to index
        %get3A_504 = arith.constant 16 : index
        %get3A_505 = tpu.vector_load %arg6[%get3A_503, %get3A_504] {strides = array<i32>} : memref<128x64xf32, #tpu.memory_space<vmem>>, vector<1x16xf32>,
        %get3A_506 = vector.shape_cast %get3A_505 : vector<1x16xf32> to vector<16xf32>
        %add3A_507 = arith.constant 16 : i32
        %add3A_508 = arith.addi %mul3A_492, %add3A_507 : i32
        %swap3A_509 = arith.index_cast %add3A_508 : i32 to index
        %swap3A_510 = tpu.vector_load %arg10[%swap3A_509] {strides = array<i32>} : memref<64512xf32, #tpu.memory_space<vmem>>, vector<16xf32>,
        %swap3A_511 = vector.shape_cast %swap3A_510 : vector<16xf32> to vector<16xf32>
        %swap3A_512 = vector.shape_cast %get3A_506 : vector<16xf32> to vector<16xf32>
        tpu.vector_store %arg10[%swap3A_509], %swap3A_512 {add = true, strides = array<i32>} : memref<64512xf32, #tpu.memory_space<vmem>>, vector<16xf32>,
        %get3A_513 = arith.index_cast %add3A_490 : i32 to index
        %get3A_514 = arith.constant 32 : index
        %get3A_515 = tpu.vector_load %arg6[%get3A_513, %get3A_514] {strides = array<i32>} : memref<128x64xf32, #tpu.memory_space<vmem>>, vector<1x16xf32>,
        %get3A_516 = vector.shape_cast %get3A_515 : vector<1x16xf32> to vector<16xf32>
        %add3A_517 = arith.constant 32 : i32
        %add3A_518 = arith.addi %mul3A_492, %add3A_517 : i32
        %swap3A_519 = arith.index_cast %add3A_518 : i32 to index
        %swap3A_520 = tpu.vector_load %arg10[%swap3A_519] {strides = array<i32>} : memref<64512xf32, #tpu.memory_space<vmem>>, vector<16xf32>,
        %swap3A_521 = vector.shape_cast %swap3A_520 : vector<16xf32> to vector<16xf32>
        %swap3A_522 = vector.shape_cast %get3A_516 : vector<16xf32> to vector<16xf32>
        tpu.vector_store %arg10[%swap3A_519], %swap3A_522 {add = true, strides = array<i32>} : memref<64512xf32, #tpu.memory_space<vmem>>, vector<16xf32>,
        %get3A_523 = arith.index_cast %add3A_490 : i32 to index
        %get3A_524 = arith.constant 48 : index
        %get3A_525 = tpu.vector_load %arg6[%get3A_523, %get3A_524] {strides = array<i32>} : memref<128x64xf32, #tpu.memory_space<vmem>>, vector<1x16xf32>,
        %get3A_526 = vector.shape_cast %get3A_525 : vector<1x16xf32> to vector<16xf32>
        %add3A_527 = arith.constant 48 : i32
        %add3A_528 = arith.addi %mul3A_492, %add3A_527 : i32
        %swap3A_529 = arith.index_cast %add3A_528 : i32 to index
        %swap3A_530 = tpu.vector_load %arg10[%swap3A_529] {strides = array<i32>} : memref<64512xf32, #tpu.memory_space<vmem>>, vector<16xf32>,
        %swap3A_531 = vector.shape_cast %swap3A_530 : vector<16xf32> to vector<16xf32>
        %swap3A_532 = vector.shape_cast %get3A_526 : vector<16xf32> to vector<16xf32>
        tpu.vector_store %arg10[%swap3A_529], %swap3A_532 {add = true, strides = array<i32>} : memref<64512xf32, #tpu.memory_space<vmem>>, vector<16xf32>,
        %mul3A_533 = arith.constant 16 : i32
        %mul3A_534 = arith.muli %squeeze3A_486, %mul3A_533 : i32
        %swap3A_535 = arith.index_cast %mul3A_534 : i32 to index
        %swap3A_536 = tpu.vector_load %arg11[%swap3A_535] {strides = array<i32>} : memref<16384xf32, #tpu.memory_space<vmem>>, vector<16xf32>,
        %swap3A_537 = vector.shape_cast %swap3A_536 : vector<16xf32> to vector<16xf32>
        %swap3A_538 = vector.shape_cast %broadcast_in_dim3A_3 : vector<16xf32> to vector<16xf32>
        tpu.vector_store %arg11[%swap3A_535], %swap3A_538 {add = true, strides = array<i32>} : memref<16384xf32, #tpu.memory_space<vmem>>, vector<16xf32>,
        %slice3A_539 = vector.extract_strided_slice %get3A_55 {offsets = [9], sizes = [1], strides = [1]} : vector<16xi32> to vector<1xi32>
        %squeeze3A_540 = vector.extract %slice3A_539[0] : i32 from vector<1xi32>
        %mul3A_541 = arith.constant 16 : i32
        %mul3A_542 = arith.muli %scan3A_50, %mul3A_541 : i32
        %add3A_543 = arith.constant 9 : i32
        %add3A_544 = arith.addi %mul3A_542, %add3A_543 : i32
        %mul3A_545 = arith.constant 64 : i32
        %mul3A_546 = arith.muli %squeeze3A_540, %mul3A_545 : i32
        %get3A_547 = arith.index_cast %add3A_544 : i32 to index
        %get3A_548 = arith.constant 0 : index
        %get3A_549 = tpu.vector_load %arg6[%get3A_547, %get3A_548] {strides = array<i32>} : memref<128x64xf32, #tpu.memory_space<vmem>>, vector<1x16xf32>,
        %get3A_550 = vector.shape_cast %get3A_549 : vector<1x16xf32> to vector<16xf32>
        %add3A_551 = arith.constant 0 : i32
        %add3A_552 = arith.addi %mul3A_546, %add3A_551 : i32
        %swap3A_553 = arith.index_cast %add3A_552 : i32 to index
        %swap3A_554 = tpu.vector_load %arg10[%swap3A_553] {strides = array<i32>} : memref<64512xf32, #tpu.memory_space<vmem>>, vector<16xf32>,
        %swap3A_555 = vector.shape_cast %swap3A_554 : vector<16xf32> to vector<16xf32>
        %swap3A_556 = vector.shape_cast %get3A_550 : vector<16xf32> to vector<16xf32>
        tpu.vector_store %arg10[%swap3A_553], %swap3A_556 {add = true, strides = array<i32>} : memref<64512xf32, #tpu.memory_space<vmem>>, vector<16xf32>,
        %get3A_557 = arith.index_cast %add3A_544 : i32 to index
        %get3A_558 = arith.constant 16 : index
        %get3A_559 = tpu.vector_load %arg6[%get3A_557, %get3A_558] {strides = array<i32>} : memref<128x64xf32, #tpu.memory_space<vmem>>, vector<1x16xf32>,
        %get3A_560 = vector.shape_cast %get3A_559 : vector<1x16xf32> to vector<16xf32>
        %add3A_561 = arith.constant 16 : i32
        %add3A_562 = arith.addi %mul3A_546, %add3A_561 : i32
        %swap3A_563 = arith.index_cast %add3A_562 : i32 to index
        %swap3A_564 = tpu.vector_load %arg10[%swap3A_563] {strides = array<i32>} : memref<64512xf32, #tpu.memory_space<vmem>>, vector<16xf32>,
        %swap3A_565 = vector.shape_cast %swap3A_564 : vector<16xf32> to vector<16xf32>
        %swap3A_566 = vector.shape_cast %get3A_560 : vector<16xf32> to vector<16xf32>
        tpu.vector_store %arg10[%swap3A_563], %swap3A_566 {add = true, strides = array<i32>} : memref<64512xf32, #tpu.memory_space<vmem>>, vector<16xf32>,
        %get3A_567 = arith.index_cast %add3A_544 : i32 to index
        %get3A_568 = arith.constant 32 : index
        %get3A_569 = tpu.vector_load %arg6[%get3A_567, %get3A_568] {strides = array<i32>} : memref<128x64xf32, #tpu.memory_space<vmem>>, vector<1x16xf32>,
        %get3A_570 = vector.shape_cast %get3A_569 : vector<1x16xf32> to vector<16xf32>
        %add3A_571 = arith.constant 32 : i32
        %add3A_572 = arith.addi %mul3A_546, %add3A_571 : i32
        %swap3A_573 = arith.index_cast %add3A_572 : i32 to index
        %swap3A_574 = tpu.vector_load %arg10[%swap3A_573] {strides = array<i32>} : memref<64512xf32, #tpu.memory_space<vmem>>, vector<16xf32>,
        %swap3A_575 = vector.shape_cast %swap3A_574 : vector<16xf32> to vector<16xf32>
        %swap3A_576 = vector.shape_cast %get3A_570 : vector<16xf32> to vector<16xf32>
        tpu.vector_store %arg10[%swap3A_573], %swap3A_576 {add = true, strides = array<i32>} : memref<64512xf32, #tpu.memory_space<vmem>>, vector<16xf32>,
        %get3A_577 = arith.index_cast %add3A_544 : i32 to index
        %get3A_578 = arith.constant 48 : index
        %get3A_579 = tpu.vector_load %arg6[%get3A_577, %get3A_578] {strides = array<i32>} : memref<128x64xf32, #tpu.memory_space<vmem>>, vector<1x16xf32>,
        %get3A_580 = vector.shape_cast %get3A_579 : vector<1x16xf32> to vector<16xf32>
        %add3A_581 = arith.constant 48 : i32
        %add3A_582 = arith.addi %mul3A_546, %add3A_581 : i32
        %swap3A_583 = arith.index_cast %add3A_582 : i32 to index
        %swap3A_584 = tpu.vector_load %arg10[%swap3A_583] {strides = array<i32>} : memref<64512xf32, #tpu.memory_space<vmem>>, vector<16xf32>,
        %swap3A_585 = vector.shape_cast %swap3A_584 : vector<16xf32> to vector<16xf32>
        %swap3A_586 = vector.shape_cast %get3A_580 : vector<16xf32> to vector<16xf32>
        tpu.vector_store %arg10[%swap3A_583], %swap3A_586 {add = true, strides = array<i32>} : memref<64512xf32, #tpu.memory_space<vmem>>, vector<16xf32>,
        %mul3A_587 = arith.constant 16 : i32
        %mul3A_588 = arith.muli %squeeze3A_540, %mul3A_587 : i32
        %swap3A_589 = arith.index_cast %mul3A_588 : i32 to index
        %swap3A_590 = tpu.vector_load %arg11[%swap3A_589] {strides = array<i32>} : memref<16384xf32, #tpu.memory_space<vmem>>, vector<16xf32>,
        %swap3A_591 = vector.shape_cast %swap3A_590 : vector<16xf32> to vector<16xf32>
        %swap3A_592 = vector.shape_cast %broadcast_in_dim3A_3 : vector<16xf32> to vector<16xf32>
        tpu.vector_store %arg11[%swap3A_589], %swap3A_592 {add = true, strides = array<i32>} : memref<16384xf32, #tpu.memory_space<vmem>>, vector<16xf32>,
        %slice3A_593 = vector.extract_strided_slice %get3A_55 {offsets = [10], sizes = [1], strides = [1]} : vector<16xi32> to vector<1xi32>
        %squeeze3A_594 = vector.extract %slice3A_593[0] : i32 from vector<1xi32>
        %mul3A_595 = arith.constant 16 : i32
        %mul3A_596 = arith.muli %scan3A_50, %mul3A_595 : i32
        %add3A_597 = arith.constant 10 : i32
        %add3A_598 = arith.addi %mul3A_596, %add3A_597 : i32
        %mul3A_599 = arith.constant 64 : i32
        %mul3A_600 = arith.muli %squeeze3A_594, %mul3A_599 : i32
        %get3A_601 = arith.index_cast %add3A_598 : i32 to index
        %get3A_602 = arith.constant 0 : index
        %get3A_603 = tpu.vector_load %arg6[%get3A_601, %get3A_602] {strides = array<i32>} : memref<128x64xf32, #tpu.memory_space<vmem>>, vector<1x16xf32>,
        %get3A_604 = vector.shape_cast %get3A_603 : vector<1x16xf32> to vector<16xf32>
        %add3A_605 = arith.constant 0 : i32
        %add3A_606 = arith.addi %mul3A_600, %add3A_605 : i32
        %swap3A_607 = arith.index_cast %add3A_606 : i32 to index
        %swap3A_608 = tpu.vector_load %arg10[%swap3A_607] {strides = array<i32>} : memref<64512xf32, #tpu.memory_space<vmem>>, vector<16xf32>,
        %swap3A_609 = vector.shape_cast %swap3A_608 : vector<16xf32> to vector<16xf32>
        %swap3A_610 = vector.shape_cast %get3A_604 : vector<16xf32> to vector<16xf32>
        tpu.vector_store %arg10[%swap3A_607], %swap3A_610 {add = true, strides = array<i32>} : memref<64512xf32, #tpu.memory_space<vmem>>, vector<16xf32>,
        %get3A_611 = arith.index_cast %add3A_598 : i32 to index
        %get3A_612 = arith.constant 16 : index
        %get3A_613 = tpu.vector_load %arg6[%get3A_611, %get3A_612] {strides = array<i32>} : memref<128x64xf32, #tpu.memory_space<vmem>>, vector<1x16xf32>,
        %get3A_614 = vector.shape_cast %get3A_613 : vector<1x16xf32> to vector<16xf32>
        %add3A_615 = arith.constant 16 : i32
        %add3A_616 = arith.addi %mul3A_600, %add3A_615 : i32
        %swap3A_617 = arith.index_cast %add3A_616 : i32 to index
        %swap3A_618 = tpu.vector_load %arg10[%swap3A_617] {strides = array<i32>} : memref<64512xf32, #tpu.memory_space<vmem>>, vector<16xf32>,
        %swap3A_619 = vector.shape_cast %swap3A_618 : vector<16xf32> to vector<16xf32>
        %swap3A_620 = vector.shape_cast %get3A_614 : vector<16xf32> to vector<16xf32>
        tpu.vector_store %arg10[%swap3A_617], %swap3A_620 {add = true, strides = array<i32>} : memref<64512xf32, #tpu.memory_space<vmem>>, vector<16xf32>,
        %get3A_621 = arith.index_cast %add3A_598 : i32 to index
        %get3A_622 = arith.constant 32 : index
        %get3A_623 = tpu.vector_load %arg6[%get3A_621, %get3A_622] {strides = array<i32>} : memref<128x64xf32, #tpu.memory_space<vmem>>, vector<1x16xf32>,
        %get3A_624 = vector.shape_cast %get3A_623 : vector<1x16xf32> to vector<16xf32>
        %add3A_625 = arith.constant 32 : i32
        %add3A_626 = arith.addi %mul3A_600, %add3A_625 : i32
        %swap3A_627 = arith.index_cast %add3A_626 : i32 to index
        %swap3A_628 = tpu.vector_load %arg10[%swap3A_627] {strides = array<i32>} : memref<64512xf32, #tpu.memory_space<vmem>>, vector<16xf32>,
        %swap3A_629 = vector.shape_cast %swap3A_628 : vector<16xf32> to vector<16xf32>
        %swap3A_630 = vector.shape_cast %get3A_624 : vector<16xf32> to vector<16xf32>
        tpu.vector_store %arg10[%swap3A_627], %swap3A_630 {add = true, strides = array<i32>} : memref<64512xf32, #tpu.memory_space<vmem>>, vector<16xf32>,
        %get3A_631 = arith.index_cast %add3A_598 : i32 to index
        %get3A_632 = arith.constant 48 : index
        %get3A_633 = tpu.vector_load %arg6[%get3A_631, %get3A_632] {strides = array<i32>} : memref<128x64xf32, #tpu.memory_space<vmem>>, vector<1x16xf32>,
        %get3A_634 = vector.shape_cast %get3A_633 : vector<1x16xf32> to vector<16xf32>
        %add3A_635 = arith.constant 48 : i32
        %add3A_636 = arith.addi %mul3A_600, %add3A_635 : i32
        %swap3A_637 = arith.index_cast %add3A_636 : i32 to index
        %swap3A_638 = tpu.vector_load %arg10[%swap3A_637] {strides = array<i32>} : memref<64512xf32, #tpu.memory_space<vmem>>, vector<16xf32>,
        %swap3A_639 = vector.shape_cast %swap3A_638 : vector<16xf32> to vector<16xf32>
        %swap3A_640 = vector.shape_cast %get3A_634 : vector<16xf32> to vector<16xf32>
        tpu.vector_store %arg10[%swap3A_637], %swap3A_640 {add = true, strides = array<i32>} : memref<64512xf32, #tpu.memory_space<vmem>>, vector<16xf32>,
        %mul3A_641 = arith.constant 16 : i32
        %mul3A_642 = arith.muli %squeeze3A_594, %mul3A_641 : i32
        %swap3A_643 = arith.index_cast %mul3A_642 : i32 to index
        %swap3A_644 = tpu.vector_load %arg11[%swap3A_643] {strides = array<i32>} : memref<16384xf32, #tpu.memory_space<vmem>>, vector<16xf32>,
        %swap3A_645 = vector.shape_cast %swap3A_644 : vector<16xf32> to vector<16xf32>
        %swap3A_646 = vector.shape_cast %broadcast_in_dim3A_3 : vector<16xf32> to vector<16xf32>
        tpu.vector_store %arg11[%swap3A_643], %swap3A_646 {add = true, strides = array<i32>} : memref<16384xf32, #tpu.memory_space<vmem>>, vector<16xf32>,
        %slice3A_647 = vector.extract_strided_slice %get3A_55 {offsets = [11], sizes = [1], strides = [1]} : vector<16xi32> to vector<1xi32>
        %squeeze3A_648 = vector.extract %slice3A_647[0] : i32 from vector<1xi32>
        %mul3A_649 = arith.constant 16 : i32
        %mul3A_650 = arith.muli %scan3A_50, %mul3A_649 : i32
        %add3A_651 = arith.constant 11 : i32
        %add3A_652 = arith.addi %mul3A_650, %add3A_651 : i32
        %mul3A_653 = arith.constant 64 : i32
        %mul3A_654 = arith.muli %squeeze3A_648, %mul3A_653 : i32
        %get3A_655 = arith.index_cast %add3A_652 : i32 to index
        %get3A_656 = arith.constant 0 : index
        %get3A_657 = tpu.vector_load %arg6[%get3A_655, %get3A_656] {strides = array<i32>} : memref<128x64xf32, #tpu.memory_space<vmem>>, vector<1x16xf32>,
        %get3A_658 = vector.shape_cast %get3A_657 : vector<1x16xf32> to vector<16xf32>
        %add3A_659 = arith.constant 0 : i32
        %add3A_660 = arith.addi %mul3A_654, %add3A_659 : i32
        %swap3A_661 = arith.index_cast %add3A_660 : i32 to index
        %swap3A_662 = tpu.vector_load %arg10[%swap3A_661] {strides = array<i32>} : memref<64512xf32, #tpu.memory_space<vmem>>, vector<16xf32>,
        %swap3A_663 = vector.shape_cast %swap3A_662 : vector<16xf32> to vector<16xf32>
        %swap3A_664 = vector.shape_cast %get3A_658 : vector<16xf32> to vector<16xf32>
        tpu.vector_store %arg10[%swap3A_661], %swap3A_664 {add = true, strides = array<i32>} : memref<64512xf32, #tpu.memory_space<vmem>>, vector<16xf32>,
        %get3A_665 = arith.index_cast %add3A_652 : i32 to index
        %get3A_666 = arith.constant 16 : index
        %get3A_667 = tpu.vector_load %arg6[%get3A_665, %get3A_666] {strides = array<i32>} : memref<128x64xf32, #tpu.memory_space<vmem>>, vector<1x16xf32>,
        %get3A_668 = vector.shape_cast %get3A_667 : vector<1x16xf32> to vector<16xf32>
        %add3A_669 = arith.constant 16 : i32
        %add3A_670 = arith.addi %mul3A_654, %add3A_669 : i32
        %swap3A_671 = arith.index_cast %add3A_670 : i32 to index
        %swap3A_672 = tpu.vector_load %arg10[%swap3A_671] {strides = array<i32>} : memref<64512xf32, #tpu.memory_space<vmem>>, vector<16xf32>,
        %swap3A_673 = vector.shape_cast %swap3A_672 : vector<16xf32> to vector<16xf32>
        %swap3A_674 = vector.shape_cast %get3A_668 : vector<16xf32> to vector<16xf32>
        tpu.vector_store %arg10[%swap3A_671], %swap3A_674 {add = true, strides = array<i32>} : memref<64512xf32, #tpu.memory_space<vmem>>, vector<16xf32>,
        %get3A_675 = arith.index_cast %add3A_652 : i32 to index
        %get3A_676 = arith.constant 32 : index
        %get3A_677 = tpu.vector_load %arg6[%get3A_675, %get3A_676] {strides = array<i32>} : memref<128x64xf32, #tpu.memory_space<vmem>>, vector<1x16xf32>,
        %get3A_678 = vector.shape_cast %get3A_677 : vector<1x16xf32> to vector<16xf32>
        %add3A_679 = arith.constant 32 : i32
        %add3A_680 = arith.addi %mul3A_654, %add3A_679 : i32
        %swap3A_681 = arith.index_cast %add3A_680 : i32 to index
        %swap3A_682 = tpu.vector_load %arg10[%swap3A_681] {strides = array<i32>} : memref<64512xf32, #tpu.memory_space<vmem>>, vector<16xf32>,
        %swap3A_683 = vector.shape_cast %swap3A_682 : vector<16xf32> to vector<16xf32>
        %swap3A_684 = vector.shape_cast %get3A_678 : vector<16xf32> to vector<16xf32>
        tpu.vector_store %arg10[%swap3A_681], %swap3A_684 {add = true, strides = array<i32>} : memref<64512xf32, #tpu.memory_space<vmem>>, vector<16xf32>,
        %get3A_685 = arith.index_cast %add3A_652 : i32 to index
        %get3A_686 = arith.constant 48 : index
        %get3A_687 = tpu.vector_load %arg6[%get3A_685, %get3A_686] {strides = array<i32>} : memref<128x64xf32, #tpu.memory_space<vmem>>, vector<1x16xf32>,
        %get3A_688 = vector.shape_cast %get3A_687 : vector<1x16xf32> to vector<16xf32>
        %add3A_689 = arith.constant 48 : i32
        %add3A_690 = arith.addi %mul3A_654, %add3A_689 : i32
        %swap3A_691 = arith.index_cast %add3A_690 : i32 to index
        %swap3A_692 = tpu.vector_load %arg10[%swap3A_691] {strides = array<i32>} : memref<64512xf32, #tpu.memory_space<vmem>>, vector<16xf32>,
        %swap3A_693 = vector.shape_cast %swap3A_692 : vector<16xf32> to vector<16xf32>
        %swap3A_694 = vector.shape_cast %get3A_688 : vector<16xf32> to vector<16xf32>
        tpu.vector_store %arg10[%swap3A_691], %swap3A_694 {add = true, strides = array<i32>} : memref<64512xf32, #tpu.memory_space<vmem>>, vector<16xf32>,
        %mul3A_695 = arith.constant 16 : i32
        %mul3A_696 = arith.muli %squeeze3A_648, %mul3A_695 : i32
        %swap3A_697 = arith.index_cast %mul3A_696 : i32 to index
        %swap3A_698 = tpu.vector_load %arg11[%swap3A_697] {strides = array<i32>} : memref<16384xf32, #tpu.memory_space<vmem>>, vector<16xf32>,
        %swap3A_699 = vector.shape_cast %swap3A_698 : vector<16xf32> to vector<16xf32>
        %swap3A_700 = vector.shape_cast %broadcast_in_dim3A_3 : vector<16xf32> to vector<16xf32>
        tpu.vector_store %arg11[%swap3A_697], %swap3A_700 {add = true, strides = array<i32>} : memref<16384xf32, #tpu.memory_space<vmem>>, vector<16xf32>,
        %slice3A_701 = vector.extract_strided_slice %get3A_55 {offsets = [12], sizes = [1], strides = [1]} : vector<16xi32> to vector<1xi32>
        %squeeze3A_702 = vector.extract %slice3A_701[0] : i32 from vector<1xi32>
        %mul3A_703 = arith.constant 16 : i32
        %mul3A_704 = arith.muli %scan3A_50, %mul3A_703 : i32
        %add3A_705 = arith.constant 12 : i32
        %add3A_706 = arith.addi %mul3A_704, %add3A_705 : i32
        %mul3A_707 = arith.constant 64 : i32
        %mul3A_708 = arith.muli %squeeze3A_702, %mul3A_707 : i32
        %get3A_709 = arith.index_cast %add3A_706 : i32 to index
        %get3A_710 = arith.constant 0 : index
        %get3A_711 = tpu.vector_load %arg6[%get3A_709, %get3A_710] {strides = array<i32>} : memref<128x64xf32, #tpu.memory_space<vmem>>, vector<1x16xf32>,
        %get3A_712 = vector.shape_cast %get3A_711 : vector<1x16xf32> to vector<16xf32>
        %add3A_713 = arith.constant 0 : i32
        %add3A_714 = arith.addi %mul3A_708, %add3A_713 : i32
        %swap3A_715 = arith.index_cast %add3A_714 : i32 to index
        %swap3A_716 = tpu.vector_load %arg10[%swap3A_715] {strides = array<i32>} : memref<64512xf32, #tpu.memory_space<vmem>>, vector<16xf32>,
        %swap3A_717 = vector.shape_cast %swap3A_716 : vector<16xf32> to vector<16xf32>
        %swap3A_718 = vector.shape_cast %get3A_712 : vector<16xf32> to vector<16xf32>
        tpu.vector_store %arg10[%swap3A_715], %swap3A_718 {add = true, strides = array<i32>} : memref<64512xf32, #tpu.memory_space<vmem>>, vector<16xf32>,
        %get3A_719 = arith.index_cast %add3A_706 : i32 to index
        %get3A_720 = arith.constant 16 : index
        %get3A_721 = tpu.vector_load %arg6[%get3A_719, %get3A_720] {strides = array<i32>} : memref<128x64xf32, #tpu.memory_space<vmem>>, vector<1x16xf32>,
        %get3A_722 = vector.shape_cast %get3A_721 : vector<1x16xf32> to vector<16xf32>
        %add3A_723 = arith.constant 16 : i32
        %add3A_724 = arith.addi %mul3A_708, %add3A_723 : i32
        %swap3A_725 = arith.index_cast %add3A_724 : i32 to index
        %swap3A_726 = tpu.vector_load %arg10[%swap3A_725] {strides = array<i32>} : memref<64512xf32, #tpu.memory_space<vmem>>, vector<16xf32>,
        %swap3A_727 = vector.shape_cast %swap3A_726 : vector<16xf32> to vector<16xf32>
        %swap3A_728 = vector.shape_cast %get3A_722 : vector<16xf32> to vector<16xf32>
        tpu.vector_store %arg10[%swap3A_725], %swap3A_728 {add = true, strides = array<i32>} : memref<64512xf32, #tpu.memory_space<vmem>>, vector<16xf32>,
        %get3A_729 = arith.index_cast %add3A_706 : i32 to index
        %get3A_730 = arith.constant 32 : index
        %get3A_731 = tpu.vector_load %arg6[%get3A_729, %get3A_730] {strides = array<i32>} : memref<128x64xf32, #tpu.memory_space<vmem>>, vector<1x16xf32>,
        %get3A_732 = vector.shape_cast %get3A_731 : vector<1x16xf32> to vector<16xf32>
        %add3A_733 = arith.constant 32 : i32
        %add3A_734 = arith.addi %mul3A_708, %add3A_733 : i32
        %swap3A_735 = arith.index_cast %add3A_734 : i32 to index
        %swap3A_736 = tpu.vector_load %arg10[%swap3A_735] {strides = array<i32>} : memref<64512xf32, #tpu.memory_space<vmem>>, vector<16xf32>,
        %swap3A_737 = vector.shape_cast %swap3A_736 : vector<16xf32> to vector<16xf32>
        %swap3A_738 = vector.shape_cast %get3A_732 : vector<16xf32> to vector<16xf32>
        tpu.vector_store %arg10[%swap3A_735], %swap3A_738 {add = true, strides = array<i32>} : memref<64512xf32, #tpu.memory_space<vmem>>, vector<16xf32>,
        %get3A_739 = arith.index_cast %add3A_706 : i32 to index
        %get3A_740 = arith.constant 48 : index
        %get3A_741 = tpu.vector_load %arg6[%get3A_739, %get3A_740] {strides = array<i32>} : memref<128x64xf32, #tpu.memory_space<vmem>>, vector<1x16xf32>,
        %get3A_742 = vector.shape_cast %get3A_741 : vector<1x16xf32> to vector<16xf32>
        %add3A_743 = arith.constant 48 : i32
        %add3A_744 = arith.addi %mul3A_708, %add3A_743 : i32
        %swap3A_745 = arith.index_cast %add3A_744 : i32 to index
        %swap3A_746 = tpu.vector_load %arg10[%swap3A_745] {strides = array<i32>} : memref<64512xf32, #tpu.memory_space<vmem>>, vector<16xf32>,
        %swap3A_747 = vector.shape_cast %swap3A_746 : vector<16xf32> to vector<16xf32>
        %swap3A_748 = vector.shape_cast %get3A_742 : vector<16xf32> to vector<16xf32>
        tpu.vector_store %arg10[%swap3A_745], %swap3A_748 {add = true, strides = array<i32>} : memref<64512xf32, #tpu.memory_space<vmem>>, vector<16xf32>,
        %mul3A_749 = arith.constant 16 : i32
        %mul3A_750 = arith.muli %squeeze3A_702, %mul3A_749 : i32
        %swap3A_751 = arith.index_cast %mul3A_750 : i32 to index
        %swap3A_752 = tpu.vector_load %arg11[%swap3A_751] {strides = array<i32>} : memref<16384xf32, #tpu.memory_space<vmem>>, vector<16xf32>,
        %swap3A_753 = vector.shape_cast %swap3A_752 : vector<16xf32> to vector<16xf32>
        %swap3A_754 = vector.shape_cast %broadcast_in_dim3A_3 : vector<16xf32> to vector<16xf32>
        tpu.vector_store %arg11[%swap3A_751], %swap3A_754 {add = true, strides = array<i32>} : memref<16384xf32, #tpu.memory_space<vmem>>, vector<16xf32>,
        %slice3A_755 = vector.extract_strided_slice %get3A_55 {offsets = [13], sizes = [1], strides = [1]} : vector<16xi32> to vector<1xi32>
        %squeeze3A_756 = vector.extract %slice3A_755[0] : i32 from vector<1xi32>
        %mul3A_757 = arith.constant 16 : i32
        %mul3A_758 = arith.muli %scan3A_50, %mul3A_757 : i32
        %add3A_759 = arith.constant 13 : i32
        %add3A_760 = arith.addi %mul3A_758, %add3A_759 : i32
        %mul3A_761 = arith.constant 64 : i32
        %mul3A_762 = arith.muli %squeeze3A_756, %mul3A_761 : i32
        %get3A_763 = arith.index_cast %add3A_760 : i32 to index
        %get3A_764 = arith.constant 0 : index
        %get3A_765 = tpu.vector_load %arg6[%get3A_763, %get3A_764] {strides = array<i32>} : memref<128x64xf32, #tpu.memory_space<vmem>>, vector<1x16xf32>,
        %get3A_766 = vector.shape_cast %get3A_765 : vector<1x16xf32> to vector<16xf32>
        %add3A_767 = arith.constant 0 : i32
        %add3A_768 = arith.addi %mul3A_762, %add3A_767 : i32
        %swap3A_769 = arith.index_cast %add3A_768 : i32 to index
        %swap3A_770 = tpu.vector_load %arg10[%swap3A_769] {strides = array<i32>} : memref<64512xf32, #tpu.memory_space<vmem>>, vector<16xf32>,
        %swap3A_771 = vector.shape_cast %swap3A_770 : vector<16xf32> to vector<16xf32>
        %swap3A_772 = vector.shape_cast %get3A_766 : vector<16xf32> to vector<16xf32>
        tpu.vector_store %arg10[%swap3A_769], %swap3A_772 {add = true, strides = array<i32>} : memref<64512xf32, #tpu.memory_space<vmem>>, vector<16xf32>,
        %get3A_773 = arith.index_cast %add3A_760 : i32 to index
        %get3A_774 = arith.constant 16 : index
        %get3A_775 = tpu.vector_load %arg6[%get3A_773, %get3A_774] {strides = array<i32>} : memref<128x64xf32, #tpu.memory_space<vmem>>, vector<1x16xf32>,
        %get3A_776 = vector.shape_cast %get3A_775 : vector<1x16xf32> to vector<16xf32>
        %add3A_777 = arith.constant 16 : i32
        %add3A_778 = arith.addi %mul3A_762, %add3A_777 : i32
        %swap3A_779 = arith.index_cast %add3A_778 : i32 to index
        %swap3A_780 = tpu.vector_load %arg10[%swap3A_779] {strides = array<i32>} : memref<64512xf32, #tpu.memory_space<vmem>>, vector<16xf32>,
        %swap3A_781 = vector.shape_cast %swap3A_780 : vector<16xf32> to vector<16xf32>
        %swap3A_782 = vector.shape_cast %get3A_776 : vector<16xf32> to vector<16xf32>
        tpu.vector_store %arg10[%swap3A_779], %swap3A_782 {add = true, strides = array<i32>} : memref<64512xf32, #tpu.memory_space<vmem>>, vector<16xf32>,
        %get3A_783 = arith.index_cast %add3A_760 : i32 to index
        %get3A_784 = arith.constant 32 : index
        %get3A_785 = tpu.vector_load %arg6[%get3A_783, %get3A_784] {strides = array<i32>} : memref<128x64xf32, #tpu.memory_space<vmem>>, vector<1x16xf32>,
        %get3A_786 = vector.shape_cast %get3A_785 : vector<1x16xf32> to vector<16xf32>
        %add3A_787 = arith.constant 32 : i32
        %add3A_788 = arith.addi %mul3A_762, %add3A_787 : i32
        %swap3A_789 = arith.index_cast %add3A_788 : i32 to index
        %swap3A_790 = tpu.vector_load %arg10[%swap3A_789] {strides = array<i32>} : memref<64512xf32, #tpu.memory_space<vmem>>, vector<16xf32>,
        %swap3A_791 = vector.shape_cast %swap3A_790 : vector<16xf32> to vector<16xf32>
        %swap3A_792 = vector.shape_cast %get3A_786 : vector<16xf32> to vector<16xf32>
        tpu.vector_store %arg10[%swap3A_789], %swap3A_792 {add = true, strides = array<i32>} : memref<64512xf32, #tpu.memory_space<vmem>>, vector<16xf32>,
        %get3A_793 = arith.index_cast %add3A_760 : i32 to index
        %get3A_794 = arith.constant 48 : index
        %get3A_795 = tpu.vector_load %arg6[%get3A_793, %get3A_794] {strides = array<i32>} : memref<128x64xf32, #tpu.memory_space<vmem>>, vector<1x16xf32>,
        %get3A_796 = vector.shape_cast %get3A_795 : vector<1x16xf32> to vector<16xf32>
        %add3A_797 = arith.constant 48 : i32
        %add3A_798 = arith.addi %mul3A_762, %add3A_797 : i32
        %swap3A_799 = arith.index_cast %add3A_798 : i32 to index
        %swap3A_800 = tpu.vector_load %arg10[%swap3A_799] {strides = array<i32>} : memref<64512xf32, #tpu.memory_space<vmem>>, vector<16xf32>,
        %swap3A_801 = vector.shape_cast %swap3A_800 : vector<16xf32> to vector<16xf32>
        %swap3A_802 = vector.shape_cast %get3A_796 : vector<16xf32> to vector<16xf32>
        tpu.vector_store %arg10[%swap3A_799], %swap3A_802 {add = true, strides = array<i32>} : memref<64512xf32, #tpu.memory_space<vmem>>, vector<16xf32>,
        %mul3A_803 = arith.constant 16 : i32
        %mul3A_804 = arith.muli %squeeze3A_756, %mul3A_803 : i32
        %swap3A_805 = arith.index_cast %mul3A_804 : i32 to index
        %swap3A_806 = tpu.vector_load %arg11[%swap3A_805] {strides = array<i32>} : memref<16384xf32, #tpu.memory_space<vmem>>, vector<16xf32>,
        %swap3A_807 = vector.shape_cast %swap3A_806 : vector<16xf32> to vector<16xf32>
        %swap3A_808 = vector.shape_cast %broadcast_in_dim3A_3 : vector<16xf32> to vector<16xf32>
        tpu.vector_store %arg11[%swap3A_805], %swap3A_808 {add = true, strides = array<i32>} : memref<16384xf32, #tpu.memory_space<vmem>>, vector<16xf32>,
        %slice3A_809 = vector.extract_strided_slice %get3A_55 {offsets = [14], sizes = [1], strides = [1]} : vector<16xi32> to vector<1xi32>
        %squeeze3A_810 = vector.extract %slice3A_809[0] : i32 from vector<1xi32>
        %mul3A_811 = arith.constant 16 : i32
        %mul3A_812 = arith.muli %scan3A_50, %mul3A_811 : i32
        %add3A_813 = arith.constant 14 : i32
        %add3A_814 = arith.addi %mul3A_812, %add3A_813 : i32
        %mul3A_815 = arith.constant 64 : i32
        %mul3A_816 = arith.muli %squeeze3A_810, %mul3A_815 : i32
        %get3A_817 = arith.index_cast %add3A_814 : i32 to index
        %get3A_818 = arith.constant 0 : index
        %get3A_819 = tpu.vector_load %arg6[%get3A_817, %get3A_818] {strides = array<i32>} : memref<128x64xf32, #tpu.memory_space<vmem>>, vector<1x16xf32>,
        %get3A_820 = vector.shape_cast %get3A_819 : vector<1x16xf32> to vector<16xf32>
        %add3A_821 = arith.constant 0 : i32
        %add3A_822 = arith.addi %mul3A_816, %add3A_821 : i32
        %swap3A_823 = arith.index_cast %add3A_822 : i32 to index
        %swap3A_824 = tpu.vector_load %arg10[%swap3A_823] {strides = array<i32>} : memref<64512xf32, #tpu.memory_space<vmem>>, vector<16xf32>,
        %swap3A_825 = vector.shape_cast %swap3A_824 : vector<16xf32> to vector<16xf32>
        %swap3A_826 = vector.shape_cast %get3A_820 : vector<16xf32> to vector<16xf32>
        tpu.vector_store %arg10[%swap3A_823], %swap3A_826 {add = true, strides = array<i32>} : memref<64512xf32, #tpu.memory_space<vmem>>, vector<16xf32>,
        %get3A_827 = arith.index_cast %add3A_814 : i32 to index
        %get3A_828 = arith.constant 16 : index
        %get3A_829 = tpu.vector_load %arg6[%get3A_827, %get3A_828] {strides = array<i32>} : memref<128x64xf32, #tpu.memory_space<vmem>>, vector<1x16xf32>,
        %get3A_830 = vector.shape_cast %get3A_829 : vector<1x16xf32> to vector<16xf32>
        %add3A_831 = arith.constant 16 : i32
        %add3A_832 = arith.addi %mul3A_816, %add3A_831 : i32
        %swap3A_833 = arith.index_cast %add3A_832 : i32 to index
        %swap3A_834 = tpu.vector_load %arg10[%swap3A_833] {strides = array<i32>} : memref<64512xf32, #tpu.memory_space<vmem>>, vector<16xf32>,
        %swap3A_835 = vector.shape_cast %swap3A_834 : vector<16xf32> to vector<16xf32>
        %swap3A_836 = vector.shape_cast %get3A_830 : vector<16xf32> to vector<16xf32>
        tpu.vector_store %arg10[%swap3A_833], %swap3A_836 {add = true, strides = array<i32>} : memref<64512xf32, #tpu.memory_space<vmem>>, vector<16xf32>,
        %get3A_837 = arith.index_cast %add3A_814 : i32 to index
        %get3A_838 = arith.constant 32 : index
        %get3A_839 = tpu.vector_load %arg6[%get3A_837, %get3A_838] {strides = array<i32>} : memref<128x64xf32, #tpu.memory_space<vmem>>, vector<1x16xf32>,
        %get3A_840 = vector.shape_cast %get3A_839 : vector<1x16xf32> to vector<16xf32>
        %add3A_841 = arith.constant 32 : i32
        %add3A_842 = arith.addi %mul3A_816, %add3A_841 : i32
        %swap3A_843 = arith.index_cast %add3A_842 : i32 to index
        %swap3A_844 = tpu.vector_load %arg10[%swap3A_843] {strides = array<i32>} : memref<64512xf32, #tpu.memory_space<vmem>>, vector<16xf32>,
        %swap3A_845 = vector.shape_cast %swap3A_844 : vector<16xf32> to vector<16xf32>
        %swap3A_846 = vector.shape_cast %get3A_840 : vector<16xf32> to vector<16xf32>
        tpu.vector_store %arg10[%swap3A_843], %swap3A_846 {add = true, strides = array<i32>} : memref<64512xf32, #tpu.memory_space<vmem>>, vector<16xf32>,
        %get3A_847 = arith.index_cast %add3A_814 : i32 to index
        %get3A_848 = arith.constant 48 : index
        %get3A_849 = tpu.vector_load %arg6[%get3A_847, %get3A_848] {strides = array<i32>} : memref<128x64xf32, #tpu.memory_space<vmem>>, vector<1x16xf32>,
        %get3A_850 = vector.shape_cast %get3A_849 : vector<1x16xf32> to vector<16xf32>
        %add3A_851 = arith.constant 48 : i32
        %add3A_852 = arith.addi %mul3A_816, %add3A_851 : i32
        %swap3A_853 = arith.index_cast %add3A_852 : i32 to index
        %swap3A_854 = tpu.vector_load %arg10[%swap3A_853] {strides = array<i32>} : memref<64512xf32, #tpu.memory_space<vmem>>, vector<16xf32>,
        %swap3A_855 = vector.shape_cast %swap3A_854 : vector<16xf32> to vector<16xf32>
        %swap3A_856 = vector.shape_cast %get3A_850 : vector<16xf32> to vector<16xf32>
        tpu.vector_store %arg10[%swap3A_853], %swap3A_856 {add = true, strides = array<i32>} : memref<64512xf32, #tpu.memory_space<vmem>>, vector<16xf32>,
        %mul3A_857 = arith.constant 16 : i32
        %mul3A_858 = arith.muli %squeeze3A_810, %mul3A_857 : i32
        %swap3A_859 = arith.index_cast %mul3A_858 : i32 to index
        %swap3A_860 = tpu.vector_load %arg11[%swap3A_859] {strides = array<i32>} : memref<16384xf32, #tpu.memory_space<vmem>>, vector<16xf32>,
        %swap3A_861 = vector.shape_cast %swap3A_860 : vector<16xf32> to vector<16xf32>
        %swap3A_862 = vector.shape_cast %broadcast_in_dim3A_3 : vector<16xf32> to vector<16xf32>
        tpu.vector_store %arg11[%swap3A_859], %swap3A_862 {add = true, strides = array<i32>} : memref<16384xf32, #tpu.memory_space<vmem>>, vector<16xf32>,
        %slice3A_863 = vector.extract_strided_slice %get3A_55 {offsets = [15], sizes = [1], strides = [1]} : vector<16xi32> to vector<1xi32>
        %squeeze3A_864 = vector.extract %slice3A_863[0] : i32 from vector<1xi32>
        %mul3A_865 = arith.constant 16 : i32
        %mul3A_866 = arith.muli %scan3A_50, %mul3A_865 : i32
        %add3A_867 = arith.constant 15 : i32
        %add3A_868 = arith.addi %mul3A_866, %add3A_867 : i32
        %mul3A_869 = arith.constant 64 : i32
        %mul3A_870 = arith.muli %squeeze3A_864, %mul3A_869 : i32
        %get3A_871 = arith.index_cast %add3A_868 : i32 to index
        %get3A_872 = arith.constant 0 : index
        %get3A_873 = tpu.vector_load %arg6[%get3A_871, %get3A_872] {strides = array<i32>} : memref<128x64xf32, #tpu.memory_space<vmem>>, vector<1x16xf32>,
        %get3A_874 = vector.shape_cast %get3A_873 : vector<1x16xf32> to vector<16xf32>
        %add3A_875 = arith.constant 0 : i32
        %add3A_876 = arith.addi %mul3A_870, %add3A_875 : i32
        %swap3A_877 = arith.index_cast %add3A_876 : i32 to index
        %swap3A_878 = tpu.vector_load %arg10[%swap3A_877] {strides = array<i32>} : memref<64512xf32, #tpu.memory_space<vmem>>, vector<16xf32>,
        %swap3A_879 = vector.shape_cast %swap3A_878 : vector<16xf32> to vector<16xf32>
        %swap3A_880 = vector.shape_cast %get3A_874 : vector<16xf32> to vector<16xf32>
        tpu.vector_store %arg10[%swap3A_877], %swap3A_880 {add = true, strides = array<i32>} : memref<64512xf32, #tpu.memory_space<vmem>>, vector<16xf32>,
        %get3A_881 = arith.index_cast %add3A_868 : i32 to index
        %get3A_882 = arith.constant 16 : index
        %get3A_883 = tpu.vector_load %arg6[%get3A_881, %get3A_882] {strides = array<i32>} : memref<128x64xf32, #tpu.memory_space<vmem>>, vector<1x16xf32>,
        %get3A_884 = vector.shape_cast %get3A_883 : vector<1x16xf32> to vector<16xf32>
        %add3A_885 = arith.constant 16 : i32
        %add3A_886 = arith.addi %mul3A_870, %add3A_885 : i32
        %swap3A_887 = arith.index_cast %add3A_886 : i32 to index
        %swap3A_888 = tpu.vector_load %arg10[%swap3A_887] {strides = array<i32>} : memref<64512xf32, #tpu.memory_space<vmem>>, vector<16xf32>,
        %swap3A_889 = vector.shape_cast %swap3A_888 : vector<16xf32> to vector<16xf32>
        %swap3A_890 = vector.shape_cast %get3A_884 : vector<16xf32> to vector<16xf32>
        tpu.vector_store %arg10[%swap3A_887], %swap3A_890 {add = true, strides = array<i32>} : memref<64512xf32, #tpu.memory_space<vmem>>, vector<16xf32>,
        %get3A_891 = arith.index_cast %add3A_868 : i32 to index
        %get3A_892 = arith.constant 32 : index
        %get3A_893 = tpu.vector_load %arg6[%get3A_891, %get3A_892] {strides = array<i32>} : memref<128x64xf32, #tpu.memory_space<vmem>>, vector<1x16xf32>,
        %get3A_894 = vector.shape_cast %get3A_893 : vector<1x16xf32> to vector<16xf32>
        %add3A_895 = arith.constant 32 : i32
        %add3A_896 = arith.addi %mul3A_870, %add3A_895 : i32
        %swap3A_897 = arith.index_cast %add3A_896 : i32 to index
        %swap3A_898 = tpu.vector_load %arg10[%swap3A_897] {strides = array<i32>} : memref<64512xf32, #tpu.memory_space<vmem>>, vector<16xf32>,
        %swap3A_899 = vector.shape_cast %swap3A_898 : vector<16xf32> to vector<16xf32>
        %swap3A_900 = vector.shape_cast %get3A_894 : vector<16xf32> to vector<16xf32>
        tpu.vector_store %arg10[%swap3A_897], %swap3A_900 {add = true, strides = array<i32>} : memref<64512xf32, #tpu.memory_space<vmem>>, vector<16xf32>,
        %get3A_901 = arith.index_cast %add3A_868 : i32 to index
        %get3A_902 = arith.constant 48 : index
        %get3A_903 = tpu.vector_load %arg6[%get3A_901, %get3A_902] {strides = array<i32>} : memref<128x64xf32, #tpu.memory_space<vmem>>, vector<1x16xf32>,
        %get3A_904 = vector.shape_cast %get3A_903 : vector<1x16xf32> to vector<16xf32>
        %add3A_905 = arith.constant 48 : i32
        %add3A_906 = arith.addi %mul3A_870, %add3A_905 : i32
        %swap3A_907 = arith.index_cast %add3A_906 : i32 to index
        %swap3A_908 = tpu.vector_load %arg10[%swap3A_907] {strides = array<i32>} : memref<64512xf32, #tpu.memory_space<vmem>>, vector<16xf32>,
        %swap3A_909 = vector.shape_cast %swap3A_908 : vector<16xf32> to vector<16xf32>
        %swap3A_910 = vector.shape_cast %get3A_904 : vector<16xf32> to vector<16xf32>
        tpu.vector_store %arg10[%swap3A_907], %swap3A_910 {add = true, strides = array<i32>} : memref<64512xf32, #tpu.memory_space<vmem>>, vector<16xf32>,
        %mul3A_911 = arith.constant 16 : i32
        %mul3A_912 = arith.muli %squeeze3A_864, %mul3A_911 : i32
        %swap3A_913 = arith.index_cast %mul3A_912 : i32 to index
        %swap3A_914 = tpu.vector_load %arg11[%swap3A_913] {strides = array<i32>} : memref<16384xf32, #tpu.memory_space<vmem>>, vector<16xf32>,
        %swap3A_915 = vector.shape_cast %swap3A_914 : vector<16xf32> to vector<16xf32>
        %swap3A_916 = vector.shape_cast %broadcast_in_dim3A_3 : vector<16xf32> to vector<16xf32>
        tpu.vector_store %arg11[%swap3A_913], %swap3A_916 {add = true, strides = array<i32>} : memref<16384xf32, #tpu.memory_space<vmem>>, vector<16xf32>,
        %scan3A_917 = arith.constant 0 : i32
        scf.yield %scan3A_917 : i32
      }
      %scan3A_49 = arith.constant 4 : i32
    } else {
    }
    %mul3A_39 = arith.constant 64512 : i32
    %mul3A_40 = arith.muli %add3A, %mul3A_39 : i32
    "tpu.region"() ({
      %run_scoped3A = tpu.sem_alloc : memref<!tpu.dma_semaphore, #tpu.memory_space<semaphore_mem>>
      %dma_start3A_43 = tpu.memref_slice %arg4[%mul3A_40] : memref<2064384xf32, #tpu.memory_space<hbm>> -> memref<64512xf32, #tpu.memory_space<hbm>>
      %dma_start3A_44 = tpu.memref_slice %arg4[%mul3A_40] : memref<2064384xf32, #tpu.memory_space<hbm>> -> memref<64512xf32, #tpu.memory_space<hbm>>
      tpu.enqueue_dma source(%arg10 : memref<64512xf32, #tpu.memory_space<vmem>>) target(%dma_start3A_44 : memref<64512xf32, #tpu.memory_space<hbm>>) target_semaphore(%run_scoped3A : memref<!tpu.dma_semaphore, #tpu.memory_space<semaphore_mem>>)
      %dma_wait3A = tpu.memref_slice %arg4[%mul3A_40] : memref<2064384xf32, #tpu.memory_space<hbm>> -> memref<64512xf32, #tpu.memory_space<hbm>>
      %dma_wait3A_45 = tpu.memref_slice %arg4[%mul3A_40] : memref<2064384xf32, #tpu.memory_space<hbm>> -> memref<64512xf32, #tpu.memory_space<hbm>>
      tpu.wait_dma2 semaphore(%run_scoped3A : memref<!tpu.dma_semaphore, #tpu.memory_space<semaphore_mem>>) src(%arg10 : memref<64512xf32, #tpu.memory_space<vmem>>) dst(%dma_wait3A_45 : memref<64512xf32, #tpu.memory_space<hbm>>)
      tpu.yield
    }) : () -> ()
    %mul3A_41 = arith.constant 16384 : i32
    %mul3A_42 = arith.muli %add3A, %mul3A_41 : i32
    "tpu.region"() ({
      %run_scoped3A = tpu.sem_alloc : memref<!tpu.dma_semaphore, #tpu.memory_space<semaphore_mem>>
      %dma_start3A_43 = tpu.memref_slice %arg5[%mul3A_42] : memref<524288xf32, #tpu.memory_space<hbm>> -> memref<16384xf32, #tpu.memory_space<hbm>>
      %dma_start3A_44 = tpu.memref_slice %arg5[%mul3A_42] : memref<524288xf32, #tpu.memory_space<hbm>> -> memref<16384xf32, #tpu.memory_space<hbm>>
      tpu.enqueue_dma source(%arg11 : memref<16384xf32, #tpu.memory_space<vmem>>) target(%dma_start3A_44 : memref<16384xf32, #tpu.memory_space<hbm>>) target_semaphore(%run_scoped3A : memref<!tpu.dma_semaphore, #tpu.memory_space<semaphore_mem>>)
      %dma_wait3A = tpu.memref_slice %arg5[%mul3A_42] : memref<524288xf32, #tpu.memory_space<hbm>> -> memref<16384xf32, #tpu.memory_space<hbm>>
      %dma_wait3A_45 = tpu.memref_slice %arg5[%mul3A_42] : memref<524288xf32, #tpu.memory_space<hbm>> -> memref<16384xf32, #tpu.memory_space<hbm>>
      tpu.wait_dma2 semaphore(%run_scoped3A : memref<!tpu.dma_semaphore, #tpu.memory_space<semaphore_mem>>) src(%arg11 : memref<16384xf32, #tpu.memory_space<vmem>>) dst(%dma_wait3A_45 : memref<16384xf32, #tpu.memory_space<hbm>>)
      tpu.yield
    }) : () -> ()
    return
  }
}

module attributes {stable_mosaic.version = 14 : i64} {
  func.func @_combine_body(%arg0: memref<32x1008x64xf32, #tpu.memory_space<vmem>>, %arg1: memref<32x1024x16xf32, #tpu.memory_space<vmem>>, %arg2: memref<1000x64xf32, #tpu.memory_space<vmem>>) attributes {dimension_semantics = [], scalar_prefetch = 0 : i64, scratch_operands = 0 : i64, tpu.core_type = #tpu.core_type<tc>} {
    %get3A = arith.constant 0 : index
    %get3A_0 = arith.constant 0 : index
    %get3A_1 = arith.constant 0 : index
    %get3A_2 = vector.load %arg0[%get3A, %get3A_0, %get3A_1] : memref<32x1008x64xf32, #tpu.memory_space<vmem>>, vector<32x1008x64xf32>
    %reduce_sum3A = arith.constant dense<0.000000e+00> : vector<1008x64xf32>
    %reduce_sum3A_3 = vector.multi_reduction <add>, %get3A_2, %reduce_sum3A [0] : vector<32x1008x64xf32> to vector<1008x64xf32>
    %get3A_4 = arith.constant 0 : index
    %get3A_5 = arith.constant 0 : index
    %get3A_6 = arith.constant 0 : index
    %get3A_7 = vector.load %arg1[%get3A_4, %get3A_5, %get3A_6] : memref<32x1024x16xf32, #tpu.memory_space<vmem>>, vector<32x1024x16xf32>
    %reduce_sum3A_8 = arith.constant dense<0.000000e+00> : vector<1024x16xf32>
    %reduce_sum3A_9 = vector.multi_reduction <add>, %get3A_7, %reduce_sum3A_8 [0] : vector<32x1024x16xf32> to vector<1024x16xf32>
    %slice3A = vector.extract_strided_slice %reduce_sum3A_3 {offsets = [0, 0], sizes = [1000, 64], strides = [1, 1]} : vector<1008x64xf32> to vector<1000x64xf32>
    %slice3A_10 = vector.extract_strided_slice %reduce_sum3A_9 {offsets = [0, 0], sizes = [1000, 1], strides = [1, 1]} : vector<1024x16xf32> to vector<1000x1xf32>
    %max3A = arith.constant 1.000000e+00 : f32
    %max3A_11 = vector.broadcast %max3A : f32 to vector<1000x1xf32>
    %max3A_12 = arith.maximumf %slice3A_10, %max3A_11 : vector<1000x1xf32>
    %div3A = vector.broadcast %max3A_12 : vector<1000x1xf32> to vector<1000x64xf32>
    %div3A_13 = arith.divf %slice3A, %div3A : vector<1000x64xf32>
    %swap3A = arith.constant 0 : index
    %swap3A_14 = arith.constant 0 : index
    %swap3A_15 = vector.load %arg2[%swap3A, %swap3A_14] : memref<1000x64xf32, #tpu.memory_space<vmem>>, vector<1000x64xf32>
    tpu.vector_store %arg2[%swap3A, %swap3A_14], %div3A_13 {strides = array<i32>} : memref<1000x64xf32, #tpu.memory_space<vmem>>, vector<1000x64xf32>,
    return
  }
}

module attributes {stable_mosaic.version = 14 : i64} {
  func.func @_tc_body(%arg0: i32, %arg1: memref<1000x64xf32, #tpu.memory_space<vmem>>, %arg2: memref<64x1024xf32, #tpu.memory_space<vmem>>, %arg3: memref<1000x1024xf32, #tpu.memory_space<vmem>>) attributes {dimension_semantics = [#tpu.dimension_semantics<arbitrary>], iteration_bounds = array<i64: 16>, scalar_prefetch = 0 : i64, scratch_operands = 0 : i64, tpu.core_type = #tpu.core_type<tc>, window_params = [{pipeline_mode = #tpu.pipeline_mode<synchronous>, transform_indices = @transform_0, window_bounds = array<i64: 1000, 64>}, {transform_indices = @transform_1, window_bounds = array<i64: 64, 1024>}, {transform_indices = @transform_2, window_bounds = array<i64: 1000, 1024>}]} {
    %get3A = arith.constant 0 : index
    %get3A_0 = arith.constant 0 : index
    %get3A_1 = vector.load %arg1[%get3A, %get3A_0] : memref<1000x64xf32, #tpu.memory_space<vmem>>, vector<1000x64xf32>
    %get3A_2 = arith.constant 0 : index
    %get3A_3 = arith.constant 0 : index
    %get3A_4 = vector.load %arg2[%get3A_2, %get3A_3] : memref<64x1024xf32, #tpu.memory_space<vmem>>, vector<64x1024xf32>
    %mul3A = arith.mulf %get3A_4, %get3A_4 : vector<64x1024xf32>
    %reduce_sum3A = arith.constant dense<0.000000e+00> : vector<1024xf32>
    %reduce_sum3A_5 = vector.multi_reduction <add>, %mul3A, %reduce_sum3A [0] : vector<64x1024xf32> to vector<1024xf32>
    %broadcast_in_dim3A = vector.shape_cast %reduce_sum3A_5 : vector<1024xf32> to vector<1x1024xf32>
    %mul3A_6 = arith.mulf %get3A_1, %get3A_1 : vector<1000x64xf32>
    %reduce_sum3A_7 = arith.constant dense<0.000000e+00> : vector<1000xf32>
    %reduce_sum3A_8 = vector.multi_reduction <add>, %mul3A_6, %reduce_sum3A_7 [1] : vector<1000x64xf32> to vector<1000xf32>
    %broadcast_in_dim3A_9 = vector.shape_cast %reduce_sum3A_8 : vector<1000xf32> to vector<1000x1xf32>
    %dot_general3A = arith.constant dense<0.000000e+00> : vector<1000x1024xf32>
    %dot_general3A_10 = tpu.matmul %get3A_1, %get3A_4, %dot_general3A {dimension_numbers = #tpu.dot_dimension_numbers<[1], [0], [0], [1], [0, 0, 1, 1], [], []>, precision = #tpu.contract_precision<fp32>, transpose_lhs_hint = false} : vector<1000x64xf32>, vector<64x1024xf32>, vector<1000x1024xf32> -> vector<1000x1024xf32>
    %add3A = vector.broadcast %broadcast_in_dim3A_9 : vector<1000x1xf32> to vector<1000x1024xf32>
    %add3A_11 = vector.broadcast %broadcast_in_dim3A : vector<1x1024xf32> to vector<1000x1024xf32>
    %add3A_12 = arith.addf %add3A, %add3A_11 : vector<1000x1024xf32>
    %mul3A_13 = arith.constant 2.000000e+00 : f32
    %mul3A_14 = vector.broadcast %mul3A_13 : f32 to vector<1000x1024xf32>
    %mul3A_15 = arith.mulf %mul3A_14, %dot_general3A_10 : vector<1000x1024xf32>
    %sub3A = arith.subf %add3A_12, %mul3A_15 : vector<1000x1024xf32>
    %max3A = arith.constant 9.99999996E-13 : f32
    %max3A_16 = vector.broadcast %max3A : f32 to vector<1000x1024xf32>
    %max3A_17 = arith.maximumf %sub3A, %max3A_16 : vector<1000x1024xf32>
    %sqrt3A = math.sqrt %max3A_17 : vector<1000x1024xf32>
    %reduce_min3A = arith.constant dense<0x7F800000> : vector<1024xf32>
    %reduce_min3A_18 = vector.multi_reduction <minimumf>, %sqrt3A, %reduce_min3A [0] : vector<1000x1024xf32> to vector<1024xf32>
    %broadcast_in_dim3A_19 = vector.shape_cast %reduce_min3A_18 : vector<1024xf32> to vector<1x1024xf32>
    %sub3A_20 = vector.broadcast %broadcast_in_dim3A_19 : vector<1x1024xf32> to vector<1000x1024xf32>
    %sub3A_21 = arith.subf %sub3A_20, %sqrt3A : vector<1000x1024xf32>
    %exp3A = math.exp %sub3A_21 : vector<1000x1024xf32>
    %reduce_sum3A_22 = arith.constant dense<0.000000e+00> : vector<1024xf32>
    %reduce_sum3A_23 = vector.multi_reduction <add>, %exp3A, %reduce_sum3A_22 [0] : vector<1000x1024xf32> to vector<1024xf32>
    %broadcast_in_dim3A_24 = vector.shape_cast %reduce_sum3A_23 : vector<1024xf32> to vector<1x1024xf32>
    %div3A = vector.broadcast %broadcast_in_dim3A_24 : vector<1x1024xf32> to vector<1000x1024xf32>
    %div3A_25 = arith.divf %exp3A, %div3A : vector<1000x1024xf32>
    %swap3A = arith.constant 0 : index
    %swap3A_26 = arith.constant 0 : index
    %swap3A_27 = vector.load %arg3[%swap3A, %swap3A_26] : memref<1000x1024xf32, #tpu.memory_space<vmem>>, vector<1000x1024xf32>
    tpu.vector_store %arg3[%swap3A, %swap3A_26], %div3A_25 {strides = array<i32>} : memref<1000x1024xf32, #tpu.memory_space<vmem>>, vector<1000x1024xf32>,
    return
  }
  func.func @transform_0(%arg0: i32) -> (i32, i32) {
    %c0_i32 = arith.constant 0 : i32
    %c0_i32_0 = arith.constant 0 : i32
    %c0_i32_1 = arith.constant 0 : i32
    return %c0_i32, %c0_i32_0 : i32, i32
  }
  func.func @transform_1(%arg0: i32) -> (i32, i32) {
    %c0_i32 = arith.constant 0 : i32
    %c0_i32_0 = arith.constant 0 : i32
    return %c0_i32, %arg0 : i32, i32
  }
  func.func @transform_2(%arg0: i32) -> (i32, i32) {
    %c0_i32 = arith.constant 0 : i32
    %c0_i32_0 = arith.constant 0 : i32
    return %c0_i32, %arg0 : i32, i32
  }
}

</mosaic_0001>

<sc_bundles>
// kernel: kernel.5.cloned.1.call-start
scs
__scs_entry_jumppad:
0x0: {  	(pc) =	sbr.rel $0x88, $3  }
0x1: {  	(tag) =	ssettag $0x0;
	lr =	simm.s32 $0x1  }
0x2: {  	[smem:$0x3F9E] =	sst lr;
	_ =	strace $0xD0000000  }
0x3: {  	_ = 	snop  }
0x4: {  	_ = 	snop  }
0x5: {  	_ = 	snop  }
0x6: {  	_ = 	snop  }
0x7: {  	_ = 	snop  }
__scs_overlays_trampoline_lowered:
0x8: {  	[smem:$0x3FAD] =	sst s0  }
0x9: {  	[smem:$0x3FAE] =	sst s1  }
0xa: {  	[smem:$0x3FAF] =	sst s2  }
0xb: {  	[smem:$0x3FB0] =	sst s3  }
0xc: {  	[smem:$0x3FB1] =	sst s4  }
0xd: {  	[smem:$0x3FB2] =	sst s5  }
0xe: {  	[smem:$0x3FB3] =	sst s6  }
0xf: {  	[smem:$0x3FB4] =	sst s7  }
0x10: {  	[smem:$0x3FB5] =	sst s8  }
0x11: {  	[smem:$0x3FB6] =	sst s9;
	s0 =	simm.s32 @!p0 $0x0  }
0x12: {  	s1 =	sld [smem:$0x3F9C];
	s0 =	simm.s32 @p0 $0x1  }
0x13: {  	[smem:$0x3FB7] =	sst s0;
	s0 =	simm.s32 @!p1 $0x0  }
0x14: {  	s2 =	sld [smem:$0x3F9B];
	s0 =	simm.s32 @p1 $0x1  }
0x15: {  	[smem:$0x3FB8] =	sst s0;
	s0 =	simm.s32 @!p2 $0x0  }
0x16: {  	s3 =	sld [smem:$0x3FDB];
	s0 =	simm.s32 @p2 $0x1  }
0x17: {  	s4 =	simm.s32 $0x1BF5;
	[smem:$0x3FBA] =	sst s0  }
0x18: {  	s0 =	sld [smem:$0x3F9D];
	_ =	swait.ge [sflag:s4], $0x0  }
0x19: {  	s7 =	sld [smem:$0x3F9E]  }
0x1a: {  	s8 =	sadd.s32 $0xFFFFE003, lr  }
0x1b: {  	s9 =	sadd.s32 $0xFFFFFEF7, lr;
	s5 =	simm.s32 $0xFFFFFFFF;
	p2 =	slt.u32 s8, $0xFFFFF086  }
0x1c: {  	p1 =	slt.u32 s9, $0xF7A;
	s5 =	simm.s32 @!p2 $0x0  }
0x1d: {  	s5 =	simm.s32 @p1 $0x1;
	p0 =	seq.s32 s7, s2  }
0x1e: {  	s7 =	smul.u32 @!p0 $0xF7A, s2;
	p2 =	seq.s32 @!p0 s5, $0x0  }
0x1f: {  	s9 =	smul.u32 $0xF7A, s1;
	s8 =	simm.s32 @!p0 $0x1BF5;
	p2 =	por !p2, p0  }
0x20: {  	[sflag:s8] =	ssyncset.s32 @!p0 $0xFFFFF086;
	s6 =	sadd.s32 @!p0 s3, s7;
	s7 =	simm.s32 @!p0 $0x108  }
0x21: {  	s3 =	sadd.s32 s3, s9;
	s6 =	sadd.s32 @!p0 $0x88, s6;
	s7 =	simm.s32 @p2 $0x1082  }
0x22: {  	[simem:s7], [sflag:s8] =	dma.local @!p0 [hbm:s6], $0xF7A  }
0x23: {  	s9 =	sor.u32 $0xD0000000, s2;
	s6 =	simm.s32 $0x108;
	_ =	swait.ge @!p0 [sflag:s8], $0x0  }
0x24: {  	s3 =	sadd.s32 $0x88, s3;
	s6 =	simm.s32 @!p1 $0x1082;
	[sflag:s4] =	ssyncset.s32 $0xFFFFF086  }
0x25: {  	[simem:s6], [sflag:s4] =	dma.local [hbm:s3], $0xF7A  }
0x26: {  	[smem:$0x3F9E] =	sst s1;
	(tag) =	ssettag s2;
	_ =	strace s9  }
0x27: {  	s1 =	sld [smem:$0x3FAE]  }
0x28: {  	s2 =	sld [smem:$0x3FAF]  }
0x29: {  	s4 =	sld [smem:$0x3FB1]  }
0x2a: {  	p0 =	seq.s32 s5, $0x0;
	s5 =	sld [smem:$0x3FB2]  }
0x2b: {  	s6 =	sld [smem:$0x3FB3]  }
0x2c: {  	s7 =	sld [smem:$0x3FB4]  }
0x2d: {  	s3 =	simm.s32 $0x108;
	s8 =	sld [smem:$0x3FB5]  }
0x2e: {  	s3 =	simm.s32 @!p0 $0x1082;
	s9 =	sld [smem:$0x3FB6]  }
0x2f: {  	lr =	sadd.s32 s0, s3;
	s0 =	sld [smem:$0x3FAD]  }
0x30: {  	s3 =	sld [smem:$0x3FB0]  }
0x31: {  	[smem:$0x3FB9] =	sst s10  }
0x32: {  	s10 =	sld [smem:$0x3FB7];
	_ =	sdelay $0x3  }
0x33: {  	p0 =	seq.s32 s10, $0x1;
	s10 =	sld [smem:$0x3FB9];
	_ =	sdelay $0x3  }
0x34: {  	[smem:$0x3FB9] =	sst s10  }
0x35: {  	s10 =	sld [smem:$0x3FB8];
	_ =	sdelay $0x3  }
0x36: {  	p1 =	seq.s32 s10, $0x1;
	s10 =	sld [smem:$0x3FB9];
	_ =	sdelay $0x3  }
0x37: {  	[smem:$0x3FB9] =	sst s10  }
0x38: {  	s10 =	sld [smem:$0x3FBA]  }
0x39: {  	_ = 	snop;
	(pc) =	sbr.ind lr, $3  }
0x3a: {  	_ = 	snop  }
0x3b: {  	_ = 	snop  }
0x3c: {  	p2 =	seq.s32 s10, $0x1;
	s10 =	sld [smem:$0x3FB9]  }
0x3d: {  	_ =	shalt  }
0x3e: {  	_ =	shalt  }
0x3f: {  	_ =	shalt  }
0x40: {  	_ =	shalt  }
0x41: {  	_ =	shalt  }
0x42: {  	_ =	shalt  }
0x43: {  	_ =	shalt  }
0x44: {  	_ =	shalt  }
0x45: {  	_ =	shalt  }
0x46: {  	_ =	shalt  }
0x47: {  	_ =	shalt  }
0x48: {  	_ =	shalt  }
0x49: {  	_ =	shalt  }
0x4a: {  	_ =	shalt  }
0x4b: {  	_ =	shalt  }
0x4c: {  	_ =	shalt  }
0x4d: {  	_ =	shalt  }
0x4e: {  	_ =	shalt  }
0x4f: {  	_ =	shalt  }
0x50: {  	_ =	shalt  }
0x51: {  	_ =	shalt  }
0x52: {  	_ =	shalt  }
0x53: {  	_ =	shalt  }
0x54: {  	_ =	shalt  }
0x55: {  	_ =	shalt  }
0x56: {  	_ =	shalt  }
0x57: {  	_ =	shalt  }
0x58: {  	_ =	shalt  }
0x59: {  	_ =	shalt  }
0x5a: {  	_ =	shalt  }
0x5b: {  	_ =	shalt  }
0x5c: {  	_ =	shalt  }
0x5d: {  	_ =	shalt  }
0x5e: {  	_ =	shalt  }
0x5f: {  	_ =	shalt  }
0x60: {  	_ =	shalt  }
0x61: {  	_ =	shalt  }
0x62: {  	_ =	shalt  }
0x63: {  	_ =	shalt  }
0x64: {  	_ =	shalt  }
0x65: {  	_ =	shalt  }
0x66: {  	_ =	shalt  }
0x67: {  	_ =	shalt  }
0x68: {  	_ =	shalt  }
0x69: {  	_ =	shalt  }
0x6a: {  	_ =	shalt  }
0x6b: {  	_ =	shalt  }
0x6c: {  	_ =	shalt  }
0x6d: {  	_ =	shalt  }
0x6e: {  	_ =	shalt  }
0x6f: {  	_ =	shalt  }
0x70: {  	_ =	shalt  }
0x71: {  	_ =	shalt  }
0x72: {  	_ =	shalt  }
0x73: {  	_ =	shalt  }
0x74: {  	_ =	shalt  }
0x75: {  	_ =	shalt  }
0x76: {  	_ =	shalt  }
0x77: {  	_ =	shalt  }
0x78: {  	_ =	shalt  }
0x79: {  	_ =	shalt  }
0x7a: {  	_ =	shalt  }
0x7b: {  	_ =	shalt  }
0x7c: {  	_ =	shalt  }
0x7d: {  	_ =	shalt  }
0x7e: {  	_ =	shalt  }
0x7f: {  	_ =	shalt  }
0x80: {  	_ =	shalt  }
0x81: {  	_ =	shalt  }
0x82: {  	_ =	shalt  }
0x83: {  	_ =	shalt  }
0x84: {  	_ =	shalt  }
0x85: {  	_ =	shalt  }
0x86: {  	_ =	shalt  }
0x87: {  	_ =	shalt  }
.Lfunc_end0:
.L_simem_size_0:
called_computation_lowered:
.L_overlay_start_0:
0x88: {  	s2 =	sld [smem:$0x3FD9]  }
0x89: {  	s3 =	sld [smem:$0x3FFE];
	_ =	sdelay $0x1  }
0x8a: {  	s1 =	srdreg.scid  }
0x8b: {  	s0 =	sand.u32 $0x1, s1  }
0x8c: {  	s17 =	sshll.u32 s0, $0xA;
	s2 =	sadd.s32 s3, s2  }
0x8d: {  	s2 =	sadd.s32 s2, s17  }
0x8e: {  	[smem:$0x3FC5] =	sst s2  }
0x8f: {  	_ = 	snop  }
0x90: {  	s2 =	sld [smem:$0x3FC8]  }
0x91: {  	s18 =	sld [smem:$0x3FD0];
	(tm) =	ssettm $0x1  }
0x92: {  	s4 =	sld [smem:$0x3FFB];
	_ =	sdelay $0x3  }
0x93: {  	_ =	strace s4  }
0x94: {  	s4 =	sld [smem:$0x3FFC];
	_ =	sdelay $0x3  }
0x95: {  	_ =	strace s4  }
0x96: {  	s4 =	sld [smem:$0x3FFD];
	_ =	sdelay $0x3  }
0x97: {  	_ =	strace s4  }
0x98: {  	_ =	strace $0x8FFFFFFF  }
0x99: {  	s19 =	sld [smem:$0x3FDB];
	_ =	sdelay $0x1  }
0x9a: {  	s5 =	simm.s32 $_scs_section_size  }
0x9b: {  	s6 =	simm.s32 $_size__tile_overlayer_lowered;
	s7 =	simm.s32 $_tile_overlayer_lowered  }
0x9c: {  	s22 =	simm.s32 $0x1BFF;
	s21 =	sshll.u32 s7, $0x1;
	s4 =	sadd.s32 s5, s19  }
0x9d: {  	s8 =	simm.s32 $0x0;
	s20 =	sshll.u32 s6, $0x1;
	s6 =	sadd.s32 s21, s4  }
0x9e: {  	[timem:s8], [sflag:s22] =	dma.local [hbm:s6], s20  }
0x9f: {  	_ =	swait.ge [sflag:s22], s20  }
0xa0: {  	s5 =	ssub.s32 $0x0, s20;
	[sflag:s22] =	ssyncset.done $0x0  }
0xa1: {  	[sflag:s22] =	ssyncadd.s32 s5;
	_ =	sdelay $0x1  }
0xa2: {  	s23 =	simm.s32 $0x1B8B  }
0xa3: {  	_ =	swait.ge [sflag:s23], $0x1  }
0xa4: {  	[sflag:s23] =	ssyncset.done $0x0  }
0xa5: {  	s25 =	simm.s32 $0x1B8E;
	s24 =	sld [smem:$0x3FFE];
	[sflag:s23] =	ssyncadd.s32 $0xFFFFFFFF  }
0xa6: {  	s26 =	simm.s32 $execute0_lowered;
	[smem:$0x3FD2] =	sst s25  }
0xa7: {  	s6 =	sshll.u32 s26, $0x1;
	_ =	strace $0x80000046;
	[dreg:$0x1] =	wrdreg $0xFFFFFFFF  }
0xa8: {  	s28 =	simm.s32 $_size_execute0_lowered;
	s4 =	sadd.s32 s4, s6;
	[dreg:$0x0] =	wrdreg $0x0  }
0xa9: {  	s6 =	sshll.u32 s28, $0x1;
	[dreg:$0x2] =	wrdreg s4  }
0xaa: {  	[dreg:$0x3] =	wrdreg s6  }
0xab: {  	[dreg:$0x4] =	wrdreg $0xC0  }
0xac: {  	_ =	task [dreg:s8], $0x5FFFF  }
0xad: {  	[dreg:$0x1] =	wrdreg $0xFFFFFFFF  }
0xae: {  	[dreg:$0x0] =	wrdreg $0x60  }
0xaf: {  	[dreg:$0x2] =	wrdreg s24  }
0xb0: {  	[dreg:$0x3] =	wrdreg s2  }
0xb1: {  	[dreg:$0x4] =	wrdreg s18  }
0xb2: {  	[dreg:$0x5] =	wrdreg $0x9  }
0xb3: {  	_ =	task.clear_ibuf [dreg:s8], $0x6FFFF;
	_ =	strace $0x90000046  }
0xb4: {  	s29 =	simm.s32 $0x9;
	_ =	strace $0x80000048  }
0xb5: {  	_ =	swait.ge [sflag:s29], $0x1  }
0xb6: {  	[sflag:s29] =	ssyncadd.s32 $0xFFFFFFFF  }
0xb7: {  	_ =	strace $0x90000048  }
0xb8: {  	_ =	sfence  }
0xb9: {  	s30 =	sld [smem:$0x0];
	_ =	sdelay $0x2  }
0xba: {  	s31 =	sshll.u32 s1, $0xD;
	s1 =	sshrl.u32 s1, $0x2  }
0xbb: {  	s3 =	sand.u32 $0x4000, s31;
	s1 =	sadd.s32 s1, s30  }
0xbc: {  	s0 =	sor.u32 s3, s0;
	s1 =	sshll.u32 s1, $0x11  }
0xbd: {  	s0 =	sor.u32 s1, s0  }
0xbe: {  	s0 =	sadd.s32 $0x8F2B, s0  }
0xbf: {  	[sflag:s0] =	ssyncadd.remote.s32 $0x1  }
0xc0: {  	_ =	sfence.sel $0xFFFF  }
0xc1: {  	[dreg:$0x0] =	wrdreg $0xFFFFFFFF;
	(pc) =	sbr.abs _section_cstart, $3  }
0xc2: {  	[dreg:$0x1] =	wrdreg $0xFFFFFFFF  }
0xc3: {  	_ =	task.clear_ibuf [dreg:s8], $0x2FFFF;
	_ =	strace $0x9FFFFFFF  }
0xc4: {  	(tm) =	ssettm $0x7FFFFFFF  }
0xc5: {  	_ =	shalt  }
tec
execute0_lowered:
.L_overlay_start_1:
0x0: {  	(tag) =	ssettag $0x1  }
0x1: {  	s0 =	rddreg [dreg:$0x0]  }
0x2: {  	s9 =	rddreg [dreg:$0x1]  }
0x3: {  	s1 =	rddreg [dreg:$0x2];
	s2 =	srdreg.scid  }
0x4: {  	s7 =	stileid.u32;
	s4 =	simm.s32 $0x0;
	s2 =	sand.u32 $0x1, s2  }
0x5: {  	s3 =	sshll.u32 s7, $0x1;
	[smem:$0x7FF] =	sst s4;
	s10 =	sadd.s32 $0xC00, s0  }
0x6: {  	p0 =	slt.u32 s7, $0x2;
	s28 =	sadd.s32 $0x1E840, s9;
	s3 =	sor.u32 s2, s3  }
0x7: {  	_ =	strace $0x80000047;
	s2 =	ssub.s32 $0x2, s2;
	[dreg:$0x4] =	wrdreg s10  }
0x8: {  	[dreg:$0x9] =	wrdreg s28;
	s23 =	sshll.u32 s3, $0xB;
	s5 =	sshrl.u32 s2, $0x1  }
0x9: {  	s24 =	sshll.u32 s3, $0x4;
	s8 =	smul.u32 $0x1F80, s3;
	s26 =	sshll.u32 s3, $0x7  }
0xa: {  	s6 =	sadd.s32 s23, s0;
	s25 =	sadd.s32 s9, s24;
	[dreg:$0x8] =	wrdreg s26  }
0xb: {  	s2 =	ssub.s32 s2, s5;
	s4 =	sadd.s32 s10, s23;
	[dreg:$0x6] =	wrdreg s25  }
0xc: {  	s5 =	simm.s32 $0xF5;
	s0 =	sadd.s32 $0xF42C00, s0;
	[dreg:$0x7] =	wrdreg s4  }
.Ltmp0:
0xd: {  	s5 =	simm.s32 @!p0 $0xF4;
	[dreg:$0xa] =	wrdreg s0;
	(pc) =	sbr.rel .LBB2_1-.Ltmp0, $4  }
0xe: {  	s29 =	sadd.s32 s1, s8;
	[dreg:$0x5] =	wrdreg s5  }
0xf: {  	s30 =	sadd.s32 $0xF43000, s6;
	[dreg:$0xb] =	wrdreg s29  }
0x10: {  	s31 =	smax.u32 s2, $0x1;
	[dreg:$0xc] =	wrdreg s30  }
0x11: {  	v0 =	vimm.f32 $0.0e+00;
	v1 =	vimm.f32 $1.000000000e+00;
	p0 =	sne.s32 s3, $0x1F;
	s1 =	simm.s32 $0x0;
	[dreg:$0xd] =	wrdreg s31  }
.LBB2_16:
0x12: {  	s0 =	simm.s32 $0x0  }
0x13: {  	s1 =	rddreg [dreg:$0xb];
	s2 =	simm.s32 $0x8100;
	s28 =	simm.s32 $0x5  }
0x14: {  	[hbm4b:s1+s0] =	stream.linear.scatter [tilespmem:s2], [sflag:$0x5], $0xFC00, $0x38;
	[tilespmem:$0x1BD00] =	vst v63  }
0x15: {  	_ =	swait.ge [sflag:s28], $0xFC00  }
0x16: {  	[sflag:s28] =	ssyncset.done $0x0  }
0x17: {  	s3 =	simm.s32 $0x17D00;
	s29 =	rddreg [dreg:$0xc];
	[sflag:s28] =	ssyncadd.s32 $0xFFFF0400  }
0x18: {  	[hbm4b:s29+s0] =	stream.linear.scatter [tilespmem:s3], [sflag:$0x5], $0x4000, $0x38;
	[tilespmem:$0x1BD00] =	vst v63  }
0x19: {  	_ =	swait.ge [sflag:s28], $0x4000  }
0x1a: {  	s30 =	rddreg [dreg:$0xe]  }
0x1b: {  	s31 =	rddreg [dreg:$0xd];
	s1 =	sadd.s32 $0x1, s30  }
0x1c: {  	p1 =	sne.s32 s1, s31  }
.Ltmp1:
0x1d: {  	_ = 	snop;
	(pc) =	sbr.rel @!p1 .LBB2_17-.Ltmp1, $3  }
0x1e: {  	_ =	sdelay $0x1  }
0x1f: {  	[sflag:s28] =	ssyncset.done $0x0  }
0x20: {  	[sflag:s28] =	ssyncadd.s32 $0xFFFFC000  }
.LBB2_1:
0x21: {  	[dreg:$0xe] =	wrdreg s1;
	s0 =	simm.s32 $0x0  }
.LBB2_2:
0x22: {  	p1 =	sne.s32 s0, $0x3EFC0  }
.Ltmp2:
0x23: {  	_ = 	snop;
	(pc) =	sbr.rel @p1 .LBB2_2-.Ltmp2, $3  }
0x24: {  	_ =	sdelay $0x1  }
0x25: {  	s1 =	sshra.s32 s0, $0x2  }
0x26: {  	s0 =	sadd.s32 $0x40, s0;
	[tilespmem:s1+$0x8100] =	vst v0  }
0x27: {  	s0 =	simm.s32 $0x40;
	s1 =	simm.s32 $0x0  }
.LBB2_4:
0x28: {  	p1 =	sne.s32 s0, $0xFFC0;
	[tilespmem:s1+$0x17D00] =	vst v0;
	s1 =	smov.u32 s0;
	s0 =	sadd.s32 $0x40, s0  }
.Ltmp3:
0x29: {  	(pc) =	sbr.rel @p1 .LBB2_4-.Ltmp3, $2  }
0x2a: {  	_ =	sdelay $0x2  }
0x2b: {  	s1 =	sshra.s32 s1, $0x2  }
.Ltmp4:
0x2c: {  	(pc) =	sbr.rel .LBB2_6-.Ltmp4, $4  }
0x2d: {  	[tilespmem:s1+$0x17D00] =	vst v0;
	s5 =	simm.s32 $0x0;
	s0 =	rddreg [dreg:$0x6];
	s30 =	simm.s32 $0x8000  }
0x2e: {  	[tilespmem:s30], [sflag:$0x3] =	stream.linear.gather [hbm4b:s0+s5], $0x80, $0x38;
	[tilespmem:$0x1BD00] =	vst v63  }
0x2f: {  	s31 =	rddreg [dreg:$0x7]  }
0x30: {  	[tilespmem:s5], [sflag:$0x1] =	stream.linear.gather [hbm4b:s31+s5], $0x4000, $0x38;
	[tilespmem:$0x1BD00] =	vst v63  }
.LBB2_12:
0x31: {  	s5 =	rddreg [dreg:$0xf]  }
0x32: {  	s5 =	sadd.s32 $0x1, s5  }
0x33: {  	p1 =	sne.s32 s5, $0x7B  }
.Ltmp5:
0x34: {  	_ = 	snop;
	(pc) =	sbr.rel @!p1 .LBB2_13-.Ltmp5, $1  }
0x35: {  	_ =	sdelay $0x3  }
.LBB2_6:
0x36: {  	s0 =	sshllo.u32 s5, $0x1;
	s4 =	rddreg [dreg:$0x5]  }
0x37: {  	s1 =	rddreg [dreg:$0x8];
	p1 =	sge.u32 s0, s4  }
0x38: {  	s2 =	rddreg [dreg:$0x1];
	s0 =	sshll.u32 @!p1 s0, $0xC  }
0x39: {  	[dreg:$0xf] =	wrdreg s5;
	s31 =	sshll.u32 s5, $0x1;
	s0 =	sor.u32 @!p1 s1, s0  }
0x3a: {  	p2 =	sge.u32 s31, s4;
	s3 =	simm.s32 @!p1 $0x8080;
	s1 =	sshrl.u32 @!p1 s0, $0x3  }
.Ltmp6:
0x3b: {  	s1 =	sadd.s32 @!p1 s2, s1;
	s2 =	simm.s32 @!p1 $0x0;
	(pc) =	sbr.rel @p2 .LBB2_9-.Ltmp6, $4  }
0x3c: {  	[tilespmem:s3], [sflag:$0x4] =	stream.linear.gather @!p1 [hbm4b:s1+s2], $0x80, $0x38;
	[tilespmem:$0x1BD00] =	vst v63  }
0x3d: {  	s0 =	sshll.u32 @!p1 s0, $0x4;
	s1 =	rddreg [dreg:$0x4]  }
0x3e: {  	[dreg:$0x10] =	wrdreg s31;
	s0 =	sadd.s32 @!p1 s1, s0;
	s1 =	simm.s32 @!p1 $0x4000  }
0x3f: {  	[tilespmem:s1], [sflag:$0x2] =	stream.linear.gather @!p1 [hbm4b:s0+s2], $0x4000, $0x38;
	[tilespmem:$0x1BD00] =	vst v63  }
0x40: {  	s0 =	simm.s32 $0x3  }
0x41: {  	_ =	swait.ge [sflag:s0], $0x80  }
0x42: {  	[sflag:s0] =	ssyncset.done $0x0  }
0x43: {  	s31 =	simm.s32 $0x1;
	[sflag:s0] =	ssyncadd.s32 $0xFFFFFF80  }
0x44: {  	_ =	swait.ge [sflag:s31], $0x4000  }
0x45: {  	[sflag:s31] =	ssyncset.done $0x0  }
0x46: {  	p2 =	por $0x1, $0x1;
	s0 =	simm.s32 $0x0;
	[sflag:s31] =	ssyncadd.s32 $0xFFFFC000  }
.LBB2_8:
0x47: {  	s6 =	sshll.u32 s0, $0x4  }
0x48: {  	s1 =	sand.u32 $0x3FFFFFF0, s6  }
0x49: {  	v2 =	vld [tilespmem:s1+$0x8000];
	_ =	sdelay $0x4  }
0x4a: {  	v2 =	vshll.u32 v2, $0x6  }
0x4b: {  	(v2sf) =	vpush v2, $0x0;
	_ =	sdelay $0x8  }
0x4c: {  	s24 =	sshll.u32 s0, $0xB  }
0x4d: {  	s25 =	sand.u32 $0x3FFFF800, s24  }
0x4e: {  	v3 =	vld [tilespmem:s25+$0x0];
	_ =	sdelay $0x3  }
0x4f: {  	s29 =	spop (v2sf)  }
0x50: {  	[tilespmem:s29+$0x8100] =	vst.add.f32.msk $0xffff, v3  }
0x51: {  	v3 =	vld [tilespmem:s25+$0x10];
	_ =	sdelay $0x4  }
0x52: {  	[tilespmem:s29+$0x8110] =	vst.add.f32.msk $0xffff, v3  }
0x53: {  	v3 =	vld [tilespmem:s25+$0x20];
	_ =	sdelay $0x1  }
0x54: {  	(v2sf) =	vpush v2, $0x1;
	_ =	sdelay $0x2  }
0x55: {  	[tilespmem:s29+$0x8120] =	vst.add.f32.msk $0xffff, v3  }
0x56: {  	v3 =	vld [tilespmem:s25+$0x30];
	_ =	sdelay $0x4  }
0x57: {  	s0 =	sshra.s32 s29, $0x2;
	[tilespmem:s29+$0x8130] =	vst.add.f32.msk $0xffff, v3  }
0x58: {  	[tilespmem:s0+$0x17D00] =	vst.add.f32.msk $0xffff, v1  }
0x59: {  	v3 =	vld [tilespmem:s25+$0x80];
	_ =	sdelay $0x3  }
0x5a: {  	s30 =	spop (v2sf)  }
0x5b: {  	[tilespmem:s30+$0x8100] =	vst.add.f32.msk $0xffff, v3  }
0x5c: {  	v3 =	vld [tilespmem:s25+$0x90];
	_ =	sdelay $0x4  }
0x5d: {  	[tilespmem:s30+$0x8110] =	vst.add.f32.msk $0xffff, v3  }
0x5e: {  	v3 =	vld [tilespmem:s25+$0xA0];
	_ =	sdelay $0x1  }
0x5f: {  	(v2sf) =	vpush v2, $0x2;
	_ =	sdelay $0x2  }
0x60: {  	[tilespmem:s30+$0x8120] =	vst.add.f32.msk $0xffff, v3  }
0x61: {  	v3 =	vld [tilespmem:s25+$0xB0];
	_ =	sdelay $0x4  }
0x62: {  	s0 =	sshra.s32 s30, $0x2;
	[tilespmem:s30+$0x8130] =	vst.add.f32.msk $0xffff, v3  }
0x63: {  	[tilespmem:s0+$0x17D00] =	vst.add.f32.msk $0xffff, v1  }
0x64: {  	v3 =	vld [tilespmem:s25+$0x100];
	_ =	sdelay $0x3  }
0x65: {  	s31 =	spop (v2sf)  }
0x66: {  	[tilespmem:s31+$0x8100] =	vst.add.f32.msk $0xffff, v3  }
0x67: {  	v3 =	vld [tilespmem:s25+$0x110];
	_ =	sdelay $0x4  }
0x68: {  	[tilespmem:s31+$0x8110] =	vst.add.f32.msk $0xffff, v3  }
0x69: {  	v3 =	vld [tilespmem:s25+$0x120];
	_ =	sdelay $0x1  }
0x6a: {  	(v2sf) =	vpush v2, $0x3;
	_ =	sdelay $0x2  }
0x6b: {  	[tilespmem:s31+$0x8120] =	vst.add.f32.msk $0xffff, v3  }
0x6c: {  	v3 =	vld [tilespmem:s25+$0x130];
	_ =	sdelay $0x4  }
0x6d: {  	s0 =	sshra.s32 s31, $0x2;
	[tilespmem:s31+$0x8130] =	vst.add.f32.msk $0xffff, v3  }
0x6e: {  	[tilespmem:s0+$0x17D00] =	vst.add.f32.msk $0xffff, v1  }
0x6f: {  	v3 =	vld [tilespmem:s25+$0x180];
	_ =	sdelay $0x3  }
0x70: {  	s2 =	spop (v2sf)  }
0x71: {  	[tilespmem:s2+$0x8100] =	vst.add.f32.msk $0xffff, v3  }
0x72: {  	v3 =	vld [tilespmem:s25+$0x190];
	_ =	sdelay $0x4  }
0x73: {  	[tilespmem:s2+$0x8110] =	vst.add.f32.msk $0xffff, v3  }
0x74: {  	v3 =	vld [tilespmem:s25+$0x1A0];
	_ =	sdelay $0x1  }
0x75: {  	(v2sf) =	vpush v2, $0x4;
	_ =	sdelay $0x2  }
0x76: {  	[tilespmem:s2+$0x8120] =	vst.add.f32.msk $0xffff, v3  }
0x77: {  	v3 =	vld [tilespmem:s25+$0x1B0];
	_ =	sdelay $0x4  }
0x78: {  	s0 =	sshra.s32 s2, $0x2;
	[tilespmem:s2+$0x8130] =	vst.add.f32.msk $0xffff, v3  }
0x79: {  	[tilespmem:s0+$0x17D00] =	vst.add.f32.msk $0xffff, v1  }
0x7a: {  	v3 =	vld [tilespmem:s25+$0x200];
	_ =	sdelay $0x3  }
0x7b: {  	s3 =	spop (v2sf)  }
0x7c: {  	[tilespmem:s3+$0x8100] =	vst.add.f32.msk $0xffff, v3  }
0x7d: {  	v3 =	vld [tilespmem:s25+$0x210];
	_ =	sdelay $0x4  }
0x7e: {  	[tilespmem:s3+$0x8110] =	vst.add.f32.msk $0xffff, v3  }
0x7f: {  	v3 =	vld [tilespmem:s25+$0x220];
	_ =	sdelay $0x1  }
0x80: {  	(v2sf) =	vpush v2, $0x5;
	_ =	sdelay $0x2  }
0x81: {  	[tilespmem:s3+$0x8120] =	vst.add.f32.msk $0xffff, v3  }
0x82: {  	v3 =	vld [tilespmem:s25+$0x230];
	_ =	sdelay $0x4  }
0x83: {  	s0 =	sshra.s32 s3, $0x2;
	[tilespmem:s3+$0x8130] =	vst.add.f32.msk $0xffff, v3  }
0x84: {  	[tilespmem:s0+$0x17D00] =	vst.add.f32.msk $0xffff, v1  }
0x85: {  	v3 =	vld [tilespmem:s25+$0x280];
	_ =	sdelay $0x3  }
0x86: {  	s4 =	spop (v2sf)  }
0x87: {  	[tilespmem:s4+$0x8100] =	vst.add.f32.msk $0xffff, v3  }
0x88: {  	v3 =	vld [tilespmem:s25+$0x290];
	_ =	sdelay $0x4  }
0x89: {  	[tilespmem:s4+$0x8110] =	vst.add.f32.msk $0xffff, v3  }
0x8a: {  	v3 =	vld [tilespmem:s25+$0x2A0];
	_ =	sdelay $0x1  }
0x8b: {  	(v2sf) =	vpush v2, $0x6;
	_ =	sdelay $0x2  }
0x8c: {  	[tilespmem:s4+$0x8120] =	vst.add.f32.msk $0xffff, v3  }
0x8d: {  	v3 =	vld [tilespmem:s25+$0x2B0];
	_ =	sdelay $0x4  }
0x8e: {  	s0 =	sshra.s32 s4, $0x2;
	[tilespmem:s4+$0x8130] =	vst.add.f32.msk $0xffff, v3  }
0x8f: {  	[tilespmem:s0+$0x17D00] =	vst.add.f32.msk $0xffff, v1  }
0x90: {  	v3 =	vld [tilespmem:s25+$0x300];
	_ =	sdelay $0x3  }
0x91: {  	s5 =	spop (v2sf)  }
0x92: {  	[tilespmem:s5+$0x8100] =	vst.add.f32.msk $0xffff, v3  }
0x93: {  	v3 =	vld [tilespmem:s25+$0x310];
	_ =	sdelay $0x4  }
0x94: {  	[tilespmem:s5+$0x8110] =	vst.add.f32.msk $0xffff, v3  }
0x95: {  	v3 =	vld [tilespmem:s25+$0x320];
	_ =	sdelay $0x1  }
0x96: {  	(v2sf) =	vpush v2, $0x7;
	_ =	sdelay $0x2  }
0x97: {  	[tilespmem:s5+$0x8120] =	vst.add.f32.msk $0xffff, v3  }
0x98: {  	v3 =	vld [tilespmem:s25+$0x330];
	_ =	sdelay $0x4  }
0x99: {  	s0 =	sshra.s32 s5, $0x2;
	[tilespmem:s5+$0x8130] =	vst.add.f32.msk $0xffff, v3  }
0x9a: {  	[tilespmem:s0+$0x17D00] =	vst.add.f32.msk $0xffff, v1  }
0x9b: {  	v3 =	vld [tilespmem:s25+$0x380];
	_ =	sdelay $0x3  }
0x9c: {  	s7 =	spop (v2sf)  }
0x9d: {  	[tilespmem:s7+$0x8100] =	vst.add.f32.msk $0xffff, v3  }
0x9e: {  	v3 =	vld [tilespmem:s25+$0x390];
	_ =	sdelay $0x4  }
0x9f: {  	[tilespmem:s7+$0x8110] =	vst.add.f32.msk $0xffff, v3  }
0xa0: {  	v3 =	vld [tilespmem:s25+$0x3A0];
	_ =	sdelay $0x1  }
0xa1: {  	(v2sf) =	vpush v2, $0x8;
	_ =	sdelay $0x2  }
0xa2: {  	[tilespmem:s7+$0x8120] =	vst.add.f32.msk $0xffff, v3  }
0xa3: {  	v3 =	vld [tilespmem:s25+$0x3B0];
	_ =	sdelay $0x4  }
0xa4: {  	s0 =	sshra.s32 s7, $0x2;
	[tilespmem:s7+$0x8130] =	vst.add.f32.msk $0xffff, v3  }
0xa5: {  	[tilespmem:s0+$0x17D00] =	vst.add.f32.msk $0xffff, v1  }
0xa6: {  	v3 =	vld [tilespmem:s25+$0x400];
	_ =	sdelay $0x3  }
0xa7: {  	s8 =	spop (v2sf)  }
0xa8: {  	[tilespmem:s8+$0x8100] =	vst.add.f32.msk $0xffff, v3  }
0xa9: {  	v3 =	vld [tilespmem:s25+$0x410];
	_ =	sdelay $0x4  }
0xaa: {  	[tilespmem:s8+$0x8110] =	vst.add.f32.msk $0xffff, v3  }
0xab: {  	v3 =	vld [tilespmem:s25+$0x420];
	_ =	sdelay $0x1  }
0xac: {  	(v2sf) =	vpush v2, $0x9;
	_ =	sdelay $0x2  }
0xad: {  	[tilespmem:s8+$0x8120] =	vst.add.f32.msk $0xffff, v3  }
0xae: {  	v3 =	vld [tilespmem:s25+$0x430];
	_ =	sdelay $0x4  }
0xaf: {  	s0 =	sshra.s32 s8, $0x2;
	[tilespmem:s8+$0x8130] =	vst.add.f32.msk $0xffff, v3  }
0xb0: {  	[tilespmem:s0+$0x17D00] =	vst.add.f32.msk $0xffff, v1  }
0xb1: {  	v3 =	vld [tilespmem:s25+$0x480];
	_ =	sdelay $0x3  }
0xb2: {  	s9 =	spop (v2sf)  }
0xb3: {  	[tilespmem:s9+$0x8100] =	vst.add.f32.msk $0xffff, v3  }
0xb4: {  	v3 =	vld [tilespmem:s25+$0x490];
	_ =	sdelay $0x4  }
0xb5: {  	[tilespmem:s9+$0x8110] =	vst.add.f32.msk $0xffff, v3  }
0xb6: {  	v3 =	vld [tilespmem:s25+$0x4A0];
	_ =	sdelay $0x1  }
0xb7: {  	(v2sf) =	vpush v2, $0xA;
	_ =	sdelay $0x2  }
0xb8: {  	[tilespmem:s9+$0x8120] =	vst.add.f32.msk $0xffff, v3  }
0xb9: {  	v3 =	vld [tilespmem:s25+$0x4B0];
	_ =	sdelay $0x4  }
0xba: {  	s0 =	sshra.s32 s9, $0x2;
	[tilespmem:s9+$0x8130] =	vst.add.f32.msk $0xffff, v3  }
0xbb: {  	[tilespmem:s0+$0x17D00] =	vst.add.f32.msk $0xffff, v1  }
0xbc: {  	v3 =	vld [tilespmem:s25+$0x500];
	_ =	sdelay $0x3  }
0xbd: {  	s10 =	spop (v2sf)  }
0xbe: {  	[tilespmem:s10+$0x8100] =	vst.add.f32.msk $0xffff, v3  }
0xbf: {  	v3 =	vld [tilespmem:s25+$0x510];
	_ =	sdelay $0x4  }
0xc0: {  	[tilespmem:s10+$0x8110] =	vst.add.f32.msk $0xffff, v3  }
0xc1: {  	v3 =	vld [tilespmem:s25+$0x520];
	_ =	sdelay $0x1  }
0xc2: {  	(v2sf) =	vpush v2, $0xB;
	_ =	sdelay $0x2  }
0xc3: {  	[tilespmem:s10+$0x8120] =	vst.add.f32.msk $0xffff, v3  }
0xc4: {  	v3 =	vld [tilespmem:s25+$0x530];
	_ =	sdelay $0x4  }
0xc5: {  	s0 =	sshra.s32 s10, $0x2;
	[tilespmem:s10+$0x8130] =	vst.add.f32.msk $0xffff, v3  }
0xc6: {  	[tilespmem:s0+$0x17D00] =	vst.add.f32.msk $0xffff, v1  }
0xc7: {  	v3 =	vld [tilespmem:s25+$0x580];
	_ =	sdelay $0x3  }
0xc8: {  	s11 =	spop (v2sf)  }
0xc9: {  	[tilespmem:s11+$0x8100] =	vst.add.f32.msk $0xffff, v3  }
0xca: {  	v3 =	vld [tilespmem:s25+$0x590];
	_ =	sdelay $0x4  }
0xcb: {  	[tilespmem:s11+$0x8110] =	vst.add.f32.msk $0xffff, v3  }
0xcc: {  	v3 =	vld [tilespmem:s25+$0x5A0];
	_ =	sdelay $0x1  }
0xcd: {  	(v2sf) =	vpush v2, $0xC;
	_ =	sdelay $0x2  }
0xce: {  	[tilespmem:s11+$0x8120] =	vst.add.f32.msk $0xffff, v3  }
0xcf: {  	v3 =	vld [tilespmem:s25+$0x5B0];
	_ =	sdelay $0x4  }
0xd0: {  	s0 =	sshra.s32 s11, $0x2;
	[tilespmem:s11+$0x8130] =	vst.add.f32.msk $0xffff, v3  }
0xd1: {  	[tilespmem:s0+$0x17D00] =	vst.add.f32.msk $0xffff, v1  }
0xd2: {  	v3 =	vld [tilespmem:s25+$0x600];
	_ =	sdelay $0x3  }
0xd3: {  	s12 =	spop (v2sf)  }
0xd4: {  	[tilespmem:s12+$0x8100] =	vst.add.f32.msk $0xffff, v3  }
0xd5: {  	v3 =	vld [tilespmem:s25+$0x610];
	_ =	sdelay $0x4  }
0xd6: {  	[tilespmem:s12+$0x8110] =	vst.add.f32.msk $0xffff, v3  }
0xd7: {  	v3 =	vld [tilespmem:s25+$0x620];
	_ =	sdelay $0x2  }
0xd8: {  	(v2sf) =	vpush v2, $0xD;
	_ =	sdelay $0x1  }
0xd9: {  	[tilespmem:s12+$0x8120] =	vst.add.f32.msk $0xffff, v3  }
0xda: {  	v3 =	vld [tilespmem:s6+$0x8010]  }
0xdb: {  	v4 =	vld [tilespmem:s25+$0x630];
	_ =	sdelay $0x2  }
0xdc: {  	(v2sf) =	vpush v2, $0xE  }
0xdd: {  	(v2sf) =	vpush v2, $0xF;
	v2 =	vshll.u32 v3, $0x6  }
0xde: {  	s0 =	sshra.s32 s12, $0x2;
	[tilespmem:s12+$0x8130] =	vst.add.f32.msk $0xffff, v4;
	(v2sf) =	vpush v2, $0x0  }
0xdf: {  	[tilespmem:s0+$0x17D00] =	vst.add.f32.msk $0xffff, v1  }
0xe0: {  	v3 =	vld [tilespmem:s25+$0x680];
	_ =	sdelay $0x3  }
0xe1: {  	s13 =	spop (v2sf)  }
0xe2: {  	[tilespmem:s13+$0x8100] =	vst.add.f32.msk $0xffff, v3  }
0xe3: {  	v3 =	vld [tilespmem:s25+$0x690]  }
0xe4: {  	s2 =	sor.u32 $0x800, s24  }
0xe5: {  	s2 =	sand.u32 $0x3FFFF800, s2  }
0xe6: {  	v43 =	vld [tilespmem:s2+$0x0];
	_ =	sdelay $0x1  }
0xe7: {  	s3 =	spop (v2sf);
	[tilespmem:s13+$0x8110] =	vst.add.f32.msk $0xffff, v3  }
0xe8: {  	s4 =	spop (v2sf);
	v3 =	vld [tilespmem:s25+$0x6A0]  }
0xe9: {  	s7 =	spop (v2sf)  }
0xea: {  	[tilespmem:s7+$0x8100] =	vst.add.f32.msk $0xffff, v43  }
0xeb: {  	v4 =	vld [tilespmem:s2+$0x10];
	_ =	sdelay $0x1  }
0xec: {  	[tilespmem:s13+$0x8120] =	vst.add.f32.msk $0xffff, v3  }
0xed: {  	v3 =	vld [tilespmem:s25+$0x6B0];
	_ =	sdelay $0x1  }
0xee: {  	[tilespmem:s7+$0x8110] =	vst.add.f32.msk $0xffff, v4  }
0xef: {  	v4 =	vld [tilespmem:s2+$0x20];
	_ =	sdelay $0x1  }
0xf0: {  	s0 =	sshra.s32 s13, $0x2;
	(v2sf) =	vpush v2, $0x1;
	[tilespmem:s13+$0x8130] =	vst.add.f32.msk $0xffff, v3  }
0xf1: {  	[tilespmem:s0+$0x17D00] =	vst.add.f32.msk $0xffff, v1  }
0xf2: {  	v3 =	vld [tilespmem:s25+$0x700]  }
0xf3: {  	[tilespmem:s7+$0x8120] =	vst.add.f32.msk $0xffff, v4  }
0xf4: {  	v4 =	vld [tilespmem:s2+$0x30];
	_ =	sdelay $0x2  }
0xf5: {  	[tilespmem:s3+$0x8100] =	vst.add.f32.msk $0xffff, v3  }
0xf6: {  	v3 =	vld [tilespmem:s25+$0x710]  }
0xf7: {  	s14 =	sshra.s32 s7, $0x2;
	[tilespmem:s7+$0x8130] =	vst.add.f32.msk $0xffff, v4  }
0xf8: {  	[tilespmem:s14+$0x17D00] =	vst.add.f32.msk $0xffff, v1  }
0xf9: {  	v4 =	vld [tilespmem:s25+$0x880];
	_ =	sdelay $0x1  }
0xfa: {  	[tilespmem:s3+$0x8110] =	vst.add.f32.msk $0xffff, v3  }
0xfb: {  	v3 =	vld [tilespmem:s25+$0x720]  }
0xfc: {  	s15 =	spop (v2sf)  }
0xfd: {  	[tilespmem:s15+$0x8100] =	vst.add.f32.msk $0xffff, v4  }
0xfe: {  	v4 =	vld [tilespmem:s25+$0x890];
	_ =	sdelay $0x1  }
0xff: {  	[tilespmem:s3+$0x8120] =	vst.add.f32.msk $0xffff, v3  }
0x100: {  	v3 =	vld [tilespmem:s25+$0x730];
	_ =	sdelay $0x1  }
0x101: {  	[tilespmem:s15+$0x8110] =	vst.add.f32.msk $0xffff, v4  }
0x102: {  	v4 =	vld [tilespmem:s25+$0x8A0];
	_ =	sdelay $0x1  }
0x103: {  	s16 =	sshra.s32 s3, $0x2;
	(v2sf) =	vpush v2, $0x2;
	[tilespmem:s3+$0x8130] =	vst.add.f32.msk $0xffff, v3  }
0x104: {  	[tilespmem:s16+$0x17D00] =	vst.add.f32.msk $0xffff, v1  }
0x105: {  	v3 =	vld [tilespmem:s25+$0x780]  }
0x106: {  	[tilespmem:s15+$0x8120] =	vst.add.f32.msk $0xffff, v4  }
0x107: {  	v4 =	vld [tilespmem:s25+$0x8B0];
	_ =	sdelay $0x2  }
0x108: {  	[tilespmem:s4+$0x8100] =	vst.add.f32.msk $0xffff, v3  }
0x109: {  	v3 =	vld [tilespmem:s25+$0x790]  }
0x10a: {  	s0 =	sshra.s32 s15, $0x2;
	[tilespmem:s15+$0x8130] =	vst.add.f32.msk $0xffff, v4  }
0x10b: {  	[tilespmem:s0+$0x17D00] =	vst.add.f32.msk $0xffff, v1  }
0x10c: {  	v4 =	vld [tilespmem:s25+$0x900];
	_ =	sdelay $0x2  }
0x10d: {  	[tilespmem:s4+$0x8110] =	vst.add.f32.msk $0xffff, v3  }
0x10e: {  	s17 =	spop (v2sf);
	v3 =	vld [tilespmem:s25+$0x7A0]  }
0x10f: {  	[tilespmem:s17+$0x8100] =	vst.add.f32.msk $0xffff, v4  }
0x110: {  	v4 =	vld [tilespmem:s25+$0x910];
	_ =	sdelay $0x2  }
0x111: {  	[tilespmem:s4+$0x8120] =	vst.add.f32.msk $0xffff, v3  }
0x112: {  	v3 =	vld [tilespmem:s25+$0x7B0]  }
0x113: {  	[tilespmem:s17+$0x8110] =	vst.add.f32.msk $0xffff, v4  }
0x114: {  	v4 =	vld [tilespmem:s25+$0x920];
	_ =	sdelay $0x2  }
0x115: {  	s18 =	sshra.s32 s4, $0x2;
	[tilespmem:s4+$0x8130] =	vst.add.f32.msk $0xffff, v3  }
0x116: {  	[tilespmem:s18+$0x17D00] =	vst.add.f32.msk $0xffff, v1  }
0x117: {  	[tilespmem:s17+$0x8120] =	vst.add.f32.msk $0xffff, v4  }
0x118: {  	v3 =	vld [tilespmem:s25+$0x930];
	(v2sf) =	vpush v2, $0x3  }
0x119: {  	(v2sf) =	vpush v2, $0x4  }
0x11a: {  	(v2sf) =	vpush v2, $0x5  }
0x11b: {  	(v2sf) =	vpush v2, $0x6  }
0x11c: {  	(v2sf) =	vpush v2, $0x7  }
0x11d: {  	(v2sf) =	vpush v2, $0x8  }
0x11e: {  	(v2sf) =	vpush v2, $0x9  }
0x11f: {  	v44 =	vld [tilespmem:s6+$0x8020];
	(v2sf) =	vpush v2, $0xA  }
0x120: {  	(v2sf) =	vpush v2, $0xB  }
0x121: {  	s20 =	sshra.s32 s17, $0x2;
	[tilespmem:s17+$0x8130] =	vst.add.f32.msk $0xffff, v3;
	(v2sf) =	vpush v2, $0xC  }
0x122: {  	[tilespmem:s20+$0x17D00] =	vst.add.f32.msk $0xffff, v1;
	(v2sf) =	vpush v2, $0xD  }
0x123: {  	v3 =	vld [tilespmem:s25+$0x980];
	(v2sf) =	vpush v2, $0xE  }
0x124: {  	(v2sf) =	vpush v2, $0xF;
	v2 =	vshll.u32 v44, $0x6  }
0x125: {  	(v2sf) =	vpush v2, $0x0;
	_ =	sdelay $0x1  }
0x126: {  	s8 =	spop (v2sf)  }
0x127: {  	s2 =	spop (v2sf);
	[tilespmem:s8+$0x8100] =	vst.add.f32.msk $0xffff, v3  }
0x128: {  	s16 =	spop (v2sf);
	v3 =	vld [tilespmem:s25+$0x990]  }
0x129: {  	s22 =	spop (v2sf)  }
0x12a: {  	s13 =	spop (v2sf)  }
0x12b: {  	s11 =	spop (v2sf)  }
0x12c: {  	s3 =	spop (v2sf)  }
0x12d: {  	s19 =	sor.u32 $0x1000, s24;
	s10 =	spop (v2sf);
	[tilespmem:s8+$0x8110] =	vst.add.f32.msk $0xffff, v3  }
0x12e: {  	s9 =	sand.u32 $0x3FFFF800, s19;
	s21 =	spop (v2sf);
	v3 =	vld [tilespmem:s25+$0x9A0]  }
0x12f: {  	v45 =	vld [tilespmem:s9+$0x0];
	s0 =	spop (v2sf)  }
0x130: {  	(v2sf) =	vpush v2, $0x1;
	s30 =	spop (v2sf)  }
0x131: {  	(v2sf) =	vpush v2, $0x2;
	s28 =	spop (v2sf)  }
0x132: {  	(v2sf) =	vpush v2, $0x3;
	s26 =	spop (v2sf)  }
0x133: {  	(v2sf) =	vpush v2, $0x4;
	s20 =	spop (v2sf);
	[tilespmem:s8+$0x8120] =	vst.add.f32.msk $0xffff, v3  }
0x134: {  	(v2sf) =	vpush v2, $0x5;
	[tilespmem:s20+$0x8100] =	vst.add.f32.msk $0xffff, v45  }
0x135: {  	(v2sf) =	vpush v2, $0x6;
	v3 =	vld [tilespmem:s25+$0x9B0]  }
0x136: {  	(v2sf) =	vpush v2, $0x7;
	v4 =	vld [tilespmem:s9+$0x10]  }
0x137: {  	(v2sf) =	vpush v2, $0x8  }
0x138: {  	(v2sf) =	vpush v2, $0x9  }
0x139: {  	v5 =	vld [tilespmem:s6+$0x8030];
	(v2sf) =	vpush v2, $0xA  }
0x13a: {  	(v2sf) =	vpush v2, $0xB;
	[tilespmem:s8+$0x8130] =	vst.add.f32.msk $0xffff, v3  }
0x13b: {  	(v2sf) =	vpush v2, $0xC;
	s8 =	sshra.s32 s8, $0x2;
	[tilespmem:s20+$0x8110] =	vst.add.f32.msk $0xffff, v4  }
0x13c: {  	(v2sf) =	vpush v2, $0xD;
	[tilespmem:s8+$0x17D00] =	vst.add.f32.msk $0xffff, v1  }
0x13d: {  	(v2sf) =	vpush v2, $0xE;
	v4 =	vld [tilespmem:s9+$0x20]  }
0x13e: {  	(v2sf) =	vpush v2, $0xF;
	v2 =	vshll.u32 v5, $0x6;
	v49 =	vld [tilespmem:s25+$0xA00]  }
0x13f: {  	s5 =	spop (v2sf);
	(v2sf) =	vpush v2, $0x0  }
0x140: {  	s4 =	spop (v2sf)  }
0x141: {  	s18 =	spop (v2sf)  }
0x142: {  	s17 =	spop (v2sf);
	[tilespmem:s20+$0x8120] =	vst.add.f32.msk $0xffff, v4  }
0x143: {  	s15 =	spop (v2sf);
	[tilespmem:s2+$0x8100] =	vst.add.f32.msk $0xffff, v49  }
0x144: {  	s19 =	spop (v2sf);
	v4 =	vld [tilespmem:s9+$0x30]  }
0x145: {  	s12 =	spop (v2sf);
	v5 =	vld [tilespmem:s25+$0xA10]  }
0x146: {  	s1 =	sor.u32 $0x1800, s24;
	s7 =	spop (v2sf)  }
0x147: {  	s24 =	sand.u32 $0x3FFFF800, s1;
	s6 =	spop (v2sf)  }
0x148: {  	v46 =	vld [tilespmem:s24+$0x0];
	s14 =	spop (v2sf)  }
0x149: {  	s9 =	spop (v2sf);
	[tilespmem:s20+$0x8130] =	vst.add.f32.msk $0xffff, v4  }
0x14a: {  	s23 =	sshra.s32 s20, $0x2;
	s20 =	spop (v2sf);
	[tilespmem:s2+$0x8110] =	vst.add.f32.msk $0xffff, v5  }
0x14b: {  	[tilespmem:s23+$0x17D00] =	vst.add.f32.msk $0xffff, v1;
	s1 =	spop (v2sf)  }
0x14c: {  	v5 =	vld [tilespmem:s25+$0xA20];
	s31 =	spop (v2sf)  }
0x14d: {  	v47 =	vld [tilespmem:s25+$0x1080];
	s29 =	spop (v2sf)  }
0x14e: {  	s23 =	spop (v2sf)  }
0x14f: {  	[tilespmem:s23+$0x8100] =	vst.add.f32.msk $0xffff, v46  }
0x150: {  	v3 =	vld [tilespmem:s24+$0x10]  }
0x151: {  	[tilespmem:s2+$0x8120] =	vst.add.f32.msk $0xffff, v5  }
0x152: {  	[tilespmem:s5+$0x8100] =	vst.add.f32.msk $0xffff, v47  }
0x153: {  	v50 =	vld [tilespmem:s25+$0xA30]  }
0x154: {  	v48 =	vld [tilespmem:s25+$0x1090];
	_ =	sdelay $0x1  }
0x155: {  	[tilespmem:s23+$0x8110] =	vst.add.f32.msk $0xffff, v3  }
0x156: {  	v3 =	vld [tilespmem:s24+$0x20]  }
0x157: {  	[tilespmem:s2+$0x8130] =	vst.add.f32.msk $0xffff, v50  }
0x158: {  	[tilespmem:s5+$0x8110] =	vst.add.f32.msk $0xffff, v48  }
0x159: {  	s2 =	sshra.s32 s2, $0x2;
	v4 =	vld [tilespmem:s25+$0x10A0]  }
0x15a: {  	[tilespmem:s2+$0x17D00] =	vst.add.f32.msk $0xffff, v1  }
0x15b: {  	(v2sf) =	vpush v2, $0x1;
	v53 =	vld [tilespmem:s25+$0xA80]  }
0x15c: {  	[tilespmem:s23+$0x8120] =	vst.add.f32.msk $0xffff, v3  }
0x15d: {  	v3 =	vld [tilespmem:s24+$0x30]  }
0x15e: {  	[tilespmem:s5+$0x8120] =	vst.add.f32.msk $0xffff, v4  }
0x15f: {  	v4 =	vld [tilespmem:s25+$0x10B0]  }
0x160: {  	[tilespmem:s16+$0x8100] =	vst.add.f32.msk $0xffff, v53  }
0x161: {  	v5 =	vld [tilespmem:s25+$0xA90]  }
0x162: {  	s24 =	sshra.s32 s23, $0x2;
	[tilespmem:s23+$0x8130] =	vst.add.f32.msk $0xffff, v3  }
0x163: {  	[tilespmem:s24+$0x17D00] =	vst.add.f32.msk $0xffff, v1  }
0x164: {  	[tilespmem:s5+$0x8130] =	vst.add.f32.msk $0xffff, v4  }
0x165: {  	v3 =	vld [tilespmem:s25+$0x1880]  }
0x166: {  	s5 =	sshra.s32 s5, $0x2;
	[tilespmem:s16+$0x8110] =	vst.add.f32.msk $0xffff, v5  }
0x167: {  	[tilespmem:s5+$0x17D00] =	vst.add.f32.msk $0xffff, v1  }
0x168: {  	v5 =	vld [tilespmem:s25+$0xAA0]  }
0x169: {  	v51 =	vld [tilespmem:s25+$0x1100]  }
0x16a: {  	s23 =	spop (v2sf)  }
0x16b: {  	[tilespmem:s23+$0x8100] =	vst.add.f32.msk $0xffff, v3  }
0x16c: {  	v3 =	vld [tilespmem:s25+$0x1890]  }
0x16d: {  	[tilespmem:s16+$0x8120] =	vst.add.f32.msk $0xffff, v5  }
0x16e: {  	[tilespmem:s4+$0x8100] =	vst.add.f32.msk $0xffff, v51  }
0x16f: {  	v5 =	vld [tilespmem:s25+$0xAB0]  }
0x170: {  	v52 =	vld [tilespmem:s25+$0x1110];
	_ =	sdelay $0x1  }
0x171: {  	[tilespmem:s23+$0x8110] =	vst.add.f32.msk $0xffff, v3  }
0x172: {  	v3 =	vld [tilespmem:s25+$0x18A0]  }
0x173: {  	[tilespmem:s16+$0x8130] =	vst.add.f32.msk $0xffff, v5  }
0x174: {  	s16 =	sshra.s32 s16, $0x2;
	[tilespmem:s4+$0x8110] =	vst.add.f32.msk $0xffff, v52  }
0x175: {  	[tilespmem:s16+$0x17D00] =	vst.add.f32.msk $0xffff, v1  }
0x176: {  	v4 =	vld [tilespmem:s25+$0x1120]  }
0x177: {  	v5 =	vld [tilespmem:s25+$0xB00]  }
0x178: {  	(v2sf) =	vpush v2, $0x2  }
0x179: {  	[tilespmem:s23+$0x8120] =	vst.add.f32.msk $0xffff, v3  }
0x17a: {  	v3 =	vld [tilespmem:s25+$0x18B0]  }
0x17b: {  	[tilespmem:s4+$0x8120] =	vst.add.f32.msk $0xffff, v4  }
0x17c: {  	[tilespmem:s22+$0x8100] =	vst.add.f32.msk $0xffff, v5  }
0x17d: {  	v4 =	vld [tilespmem:s25+$0x1130]  }
0x17e: {  	v5 =	vld [tilespmem:s25+$0xB10]  }
0x17f: {  	s24 =	sshra.s32 s23, $0x2;
	[tilespmem:s23+$0x8130] =	vst.add.f32.msk $0xffff, v3  }
0x180: {  	[tilespmem:s24+$0x17D00] =	vst.add.f32.msk $0xffff, v1  }
0x181: {  	v3 =	vld [tilespmem:s25+$0x1900]  }
0x182: {  	[tilespmem:s4+$0x8130] =	vst.add.f32.msk $0xffff, v4  }
0x183: {  	s5 =	sshra.s32 s4, $0x2;
	[tilespmem:s22+$0x8110] =	vst.add.f32.msk $0xffff, v5  }
0x184: {  	[tilespmem:s5+$0x17D00] =	vst.add.f32.msk $0xffff, v1  }
0x185: {  	v5 =	vld [tilespmem:s25+$0xB20]  }
0x186: {  	v4 =	vld [tilespmem:s25+$0x1180]  }
0x187: {  	s8 =	spop (v2sf)  }
0x188: {  	[tilespmem:s8+$0x8100] =	vst.add.f32.msk $0xffff, v3  }
0x189: {  	v3 =	vld [tilespmem:s25+$0x1910]  }
0x18a: {  	[tilespmem:s22+$0x8120] =	vst.add.f32.msk $0xffff, v5  }
0x18b: {  	[tilespmem:s18+$0x8100] =	vst.add.f32.msk $0xffff, v4  }
0x18c: {  	v5 =	vld [tilespmem:s25+$0xB30]  }
0x18d: {  	v4 =	vld [tilespmem:s25+$0x1190];
	_ =	sdelay $0x1  }
0x18e: {  	[tilespmem:s8+$0x8110] =	vst.add.f32.msk $0xffff, v3  }
0x18f: {  	v3 =	vld [tilespmem:s25+$0x1920]  }
0x190: {  	[tilespmem:s22+$0x8130] =	vst.add.f32.msk $0xffff, v5  }
0x191: {  	s24 =	sshra.s32 s22, $0x2;
	[tilespmem:s18+$0x8110] =	vst.add.f32.msk $0xffff, v4  }
0x192: {  	[tilespmem:s24+$0x17D00] =	vst.add.f32.msk $0xffff, v1  }
0x193: {  	(v2sf) =	vpush v2, $0x3;
	v4 =	vld [tilespmem:s25+$0x11A0]  }
0x194: {  	v5 =	vld [tilespmem:s25+$0xB80];
	_ =	sdelay $0x1  }
0x195: {  	[tilespmem:s8+$0x8120] =	vst.add.f32.msk $0xffff, v3  }
0x196: {  	v3 =	vld [tilespmem:s25+$0x1930]  }
0x197: {  	[tilespmem:s18+$0x8120] =	vst.add.f32.msk $0xffff, v4  }
0x198: {  	[tilespmem:s13+$0x8100] =	vst.add.f32.msk $0xffff, v5  }
0x199: {  	v4 =	vld [tilespmem:s25+$0x11B0]  }
0x19a: {  	v5 =	vld [tilespmem:s25+$0xB90]  }
0x19b: {  	s2 =	sshra.s32 s8, $0x2;
	[tilespmem:s8+$0x8130] =	vst.add.f32.msk $0xffff, v3  }
0x19c: {  	[tilespmem:s2+$0x17D00] =	vst.add.f32.msk $0xffff, v1  }
0x19d: {  	v3 =	vld [tilespmem:s25+$0x1980]  }
0x19e: {  	[tilespmem:s18+$0x8130] =	vst.add.f32.msk $0xffff, v4;
	s18 =	sshra.s32 s18, $0x2  }
0x19f: {  	[tilespmem:s18+$0x17D00] =	vst.add.f32.msk $0xffff, v1  }
0x1a0: {  	v4 =	vld [tilespmem:s25+$0x1200]  }
0x1a1: {  	s23 =	spop (v2sf);
	[tilespmem:s13+$0x8110] =	vst.add.f32.msk $0xffff, v5  }
0x1a2: {  	[tilespmem:s23+$0x8100] =	vst.add.f32.msk $0xffff, v3  }
0x1a3: {  	v3 =	vld [tilespmem:s25+$0x1990]  }
0x1a4: {  	v5 =	vld [tilespmem:s25+$0xBA0]  }
0x1a5: {  	[tilespmem:s17+$0x8100] =	vst.add.f32.msk $0xffff, v4  }
0x1a6: {  	v4 =	vld [tilespmem:s25+$0x1210];
	_ =	sdelay $0x1  }
0x1a7: {  	[tilespmem:s23+$0x8110] =	vst.add.f32.msk $0xffff, v3  }
0x1a8: {  	v3 =	vld [tilespmem:s25+$0x19A0]  }
0x1a9: {  	[tilespmem:s13+$0x8120] =	vst.add.f32.msk $0xffff, v5  }
0x1aa: {  	[tilespmem:s17+$0x8110] =	vst.add.f32.msk $0xffff, v4  }
0x1ab: {  	v4 =	vld [tilespmem:s25+$0x1220]  }
0x1ac: {  	(v2sf) =	vpush v2, $0x4;
	v5 =	vld [tilespmem:s25+$0xBB0]  }
0x1ad: {  	[tilespmem:s23+$0x8120] =	vst.add.f32.msk $0xffff, v3  }
0x1ae: {  	v3 =	vld [tilespmem:s25+$0x19B0];
	_ =	sdelay $0x1  }
0x1af: {  	[tilespmem:s17+$0x8120] =	vst.add.f32.msk $0xffff, v4  }
0x1b0: {  	v4 =	vld [tilespmem:s25+$0x1230]  }
0x1b1: {  	[tilespmem:s13+$0x8130] =	vst.add.f32.msk $0xffff, v5  }
0x1b2: {  	s2 =	sshra.s32 s23, $0x2;
	[tilespmem:s23+$0x8130] =	vst.add.f32.msk $0xffff, v3  }
0x1b3: {  	[tilespmem:s2+$0x17D00] =	vst.add.f32.msk $0xffff, v1  }
0x1b4: {  	v3 =	vld [tilespmem:s25+$0x1A00]  }
0x1b5: {  	s5 =	sshra.s32 s17, $0x2;
	[tilespmem:s17+$0x8130] =	vst.add.f32.msk $0xffff, v4  }
0x1b6: {  	s17 =	sshra.s32 s13, $0x2;
	[tilespmem:s5+$0x17D00] =	vst.add.f32.msk $0xffff, v1  }
0x1b7: {  	[tilespmem:s17+$0x17D00] =	vst.add.f32.msk $0xffff, v1  }
0x1b8: {  	v4 =	vld [tilespmem:s25+$0x1280]  }
0x1b9: {  	v5 =	vld [tilespmem:s25+$0xC00]  }
0x1ba: {  	s8 =	spop (v2sf)  }
0x1bb: {  	[tilespmem:s8+$0x8100] =	vst.add.f32.msk $0xffff, v3  }
0x1bc: {  	v3 =	vld [tilespmem:s25+$0x1A10]  }
0x1bd: {  	[tilespmem:s15+$0x8100] =	vst.add.f32.msk $0xffff, v4  }
0x1be: {  	[tilespmem:s11+$0x8100] =	vst.add.f32.msk $0xffff, v5  }
0x1bf: {  	v4 =	vld [tilespmem:s25+$0x1290]  }
0x1c0: {  	v5 =	vld [tilespmem:s25+$0xC10];
	_ =	sdelay $0x1  }
0x1c1: {  	[tilespmem:s8+$0x8110] =	vst.add.f32.msk $0xffff, v3  }
0x1c2: {  	v3 =	vld [tilespmem:s25+$0x1A20]  }
0x1c3: {  	[tilespmem:s15+$0x8110] =	vst.add.f32.msk $0xffff, v4  }
0x1c4: {  	[tilespmem:s11+$0x8110] =	vst.add.f32.msk $0xffff, v5  }
0x1c5: {  	(v2sf) =	vpush v2, $0x5;
	v4 =	vld [tilespmem:s25+$0x12A0]  }
0x1c6: {  	v5 =	vld [tilespmem:s25+$0xC20];
	_ =	sdelay $0x1  }
0x1c7: {  	[tilespmem:s8+$0x8120] =	vst.add.f32.msk $0xffff, v3  }
0x1c8: {  	v3 =	vld [tilespmem:s25+$0x1A30]  }
0x1c9: {  	[tilespmem:s15+$0x8120] =	vst.add.f32.msk $0xffff, v4  }
0x1ca: {  	[tilespmem:s11+$0x8120] =	vst.add.f32.msk $0xffff, v5  }
0x1cb: {  	v4 =	vld [tilespmem:s25+$0x12B0]  }
0x1cc: {  	v5 =	vld [tilespmem:s25+$0xC30]  }
0x1cd: {  	s2 =	sshra.s32 s8, $0x2;
	[tilespmem:s8+$0x8130] =	vst.add.f32.msk $0xffff, v3  }
0x1ce: {  	[tilespmem:s2+$0x17D00] =	vst.add.f32.msk $0xffff, v1  }
0x1cf: {  	v3 =	vld [tilespmem:s25+$0x1A80]  }
0x1d0: {  	[tilespmem:s15+$0x8130] =	vst.add.f32.msk $0xffff, v4  }
0x1d1: {  	s15 =	sshra.s32 s15, $0x2;
	[tilespmem:s11+$0x8130] =	vst.add.f32.msk $0xffff, v5  }
0x1d2: {  	[tilespmem:s15+$0x17D00] =	vst.add.f32.msk $0xffff, v1  }
0x1d3: {  	s16 =	spop (v2sf);
	v4 =	vld [tilespmem:s25+$0x1300]  }
0x1d4: {  	[tilespmem:s16+$0x8100] =	vst.add.f32.msk $0xffff, v3  }
0x1d5: {  	s22 =	sshra.s32 s11, $0x2;
	v3 =	vld [tilespmem:s25+$0x1A90]  }
0x1d6: {  	[tilespmem:s22+$0x17D00] =	vst.add.f32.msk $0xffff, v1  }
0x1d7: {  	v5 =	vld [tilespmem:s25+$0xC80]  }
0x1d8: {  	[tilespmem:s19+$0x8100] =	vst.add.f32.msk $0xffff, v4  }
0x1d9: {  	v4 =	vld [tilespmem:s25+$0x1310]  }
0x1da: {  	[tilespmem:s16+$0x8110] =	vst.add.f32.msk $0xffff, v3  }
0x1db: {  	v3 =	vld [tilespmem:s25+$0x1AA0]  }
0x1dc: {  	[tilespmem:s3+$0x8100] =	vst.add.f32.msk $0xffff, v5  }
0x1dd: {  	(v2sf) =	vpush v2, $0x6;
	v5 =	vld [tilespmem:s25+$0xC90]  }
0x1de: {  	[tilespmem:s19+$0x8110] =	vst.add.f32.msk $0xffff, v4  }
0x1df: {  	v4 =	vld [tilespmem:s25+$0x1320]  }
0x1e0: {  	[tilespmem:s16+$0x8120] =	vst.add.f32.msk $0xffff, v3  }
0x1e1: {  	v3 =	vld [tilespmem:s25+$0x1AB0]  }
0x1e2: {  	[tilespmem:s3+$0x8110] =	vst.add.f32.msk $0xffff, v5  }
0x1e3: {  	v5 =	vld [tilespmem:s25+$0xCA0]  }
0x1e4: {  	[tilespmem:s19+$0x8120] =	vst.add.f32.msk $0xffff, v4  }
0x1e5: {  	v4 =	vld [tilespmem:s25+$0x1330]  }
0x1e6: {  	s2 =	sshra.s32 s16, $0x2;
	[tilespmem:s16+$0x8130] =	vst.add.f32.msk $0xffff, v3  }
0x1e7: {  	[tilespmem:s2+$0x17D00] =	vst.add.f32.msk $0xffff, v1  }
0x1e8: {  	v3 =	vld [tilespmem:s25+$0x1B00];
	_ =	sdelay $0x1  }
0x1e9: {  	[tilespmem:s3+$0x8120] =	vst.add.f32.msk $0xffff, v5  }
0x1ea: {  	v54 =	vld [tilespmem:s25+$0xCB0]  }
0x1eb: {  	s18 =	sshra.s32 s19, $0x2;
	[tilespmem:s19+$0x8130] =	vst.add.f32.msk $0xffff, v4;
	s19 =	spop (v2sf)  }
0x1ec: {  	[tilespmem:s19+$0x8100] =	vst.add.f32.msk $0xffff, v3  }
0x1ed: {  	v3 =	vld [tilespmem:s25+$0x1B10];
	_ =	sdelay $0x2  }
0x1ee: {  	[tilespmem:s3+$0x8130] =	vst.add.f32.msk $0xffff, v54  }
0x1ef: {  	[tilespmem:s18+$0x17D00] =	vst.add.f32.msk $0xffff, v1  }
0x1f0: {  	[tilespmem:s19+$0x8110] =	vst.add.f32.msk $0xffff, v3  }
0x1f1: {  	s3 =	sshra.s32 s3, $0x2;
	v3 =	vld [tilespmem:s25+$0x1B20]  }
0x1f2: {  	[tilespmem:s3+$0x17D00] =	vst.add.f32.msk $0xffff, v1  }
0x1f3: {  	(v2sf) =	vpush v2, $0x7;
	v4 =	vld [tilespmem:s25+$0x1380]  }
0x1f4: {  	v57 =	vld [tilespmem:s25+$0xD00];
	_ =	sdelay $0x1  }
0x1f5: {  	[tilespmem:s19+$0x8120] =	vst.add.f32.msk $0xffff, v3  }
0x1f6: {  	v3 =	vld [tilespmem:s25+$0x1B30]  }
0x1f7: {  	[tilespmem:s12+$0x8100] =	vst.add.f32.msk $0xffff, v4  }
0x1f8: {  	[tilespmem:s10+$0x8100] =	vst.add.f32.msk $0xffff, v57  }
0x1f9: {  	v4 =	vld [tilespmem:s25+$0x1390]  }
0x1fa: {  	v5 =	vld [tilespmem:s25+$0xD10]  }
0x1fb: {  	s2 =	sshra.s32 s19, $0x2;
	[tilespmem:s19+$0x8130] =	vst.add.f32.msk $0xffff, v3  }
0x1fc: {  	[tilespmem:s2+$0x17D00] =	vst.add.f32.msk $0xffff, v1  }
0x1fd: {  	v3 =	vld [tilespmem:s25+$0x1B80]  }
0x1fe: {  	[tilespmem:s12+$0x8110] =	vst.add.f32.msk $0xffff, v4  }
0x1ff: {  	[tilespmem:s10+$0x8110] =	vst.add.f32.msk $0xffff, v5  }
0x200: {  	v4 =	vld [tilespmem:s25+$0x13A0]  }
0x201: {  	v5 =	vld [tilespmem:s25+$0xD20];
	s23 =	spop (v2sf)  }
0x202: {  	[tilespmem:s23+$0x8100] =	vst.add.f32.msk $0xffff, v3  }
0x203: {  	v3 =	vld [tilespmem:s25+$0x1B90];
	_ =	sdelay $0x1  }
0x204: {  	[tilespmem:s12+$0x8120] =	vst.add.f32.msk $0xffff, v4  }
0x205: {  	v4 =	vld [tilespmem:s25+$0x13B0]  }
0x206: {  	[tilespmem:s10+$0x8120] =	vst.add.f32.msk $0xffff, v5  }
0x207: {  	[tilespmem:s23+$0x8110] =	vst.add.f32.msk $0xffff, v3  }
0x208: {  	v3 =	vld [tilespmem:s25+$0x1BA0]  }
0x209: {  	v5 =	vld [tilespmem:s25+$0xD30]  }
0x20a: {  	s24 =	sshra.s32 s12, $0x2;
	(v2sf) =	vpush v2, $0x8;
	[tilespmem:s12+$0x8130] =	vst.add.f32.msk $0xffff, v4  }
0x20b: {  	[tilespmem:s24+$0x17D00] =	vst.add.f32.msk $0xffff, v1  }
0x20c: {  	v55 =	vld [tilespmem:s25+$0x1400]  }
0x20d: {  	[tilespmem:s23+$0x8120] =	vst.add.f32.msk $0xffff, v3  }
0x20e: {  	v3 =	vld [tilespmem:s25+$0x1BB0]  }
0x20f: {  	s8 =	sshra.s32 s10, $0x2;
	[tilespmem:s10+$0x8130] =	vst.add.f32.msk $0xffff, v5  }
0x210: {  	[tilespmem:s8+$0x17D00] =	vst.add.f32.msk $0xffff, v1  }
0x211: {  	v5 =	vld [tilespmem:s25+$0xD80]  }
0x212: {  	[tilespmem:s7+$0x8100] =	vst.add.f32.msk $0xffff, v55  }
0x213: {  	s2 =	sshra.s32 s23, $0x2;
	[tilespmem:s23+$0x8130] =	vst.add.f32.msk $0xffff, v3  }
0x214: {  	[tilespmem:s2+$0x17D00] =	vst.add.f32.msk $0xffff, v1  }
0x215: {  	v3 =	vld [tilespmem:s25+$0x1C00]  }
0x216: {  	[tilespmem:s21+$0x8100] =	vst.add.f32.msk $0xffff, v5  }
0x217: {  	v56 =	vld [tilespmem:s25+$0x1410]  }
0x218: {  	v5 =	vld [tilespmem:s25+$0xD90]  }
0x219: {  	s5 =	spop (v2sf)  }
0x21a: {  	[tilespmem:s5+$0x8100] =	vst.add.f32.msk $0xffff, v3  }
0x21b: {  	v3 =	vld [tilespmem:s25+$0x1C10]  }
0x21c: {  	[tilespmem:s7+$0x8110] =	vst.add.f32.msk $0xffff, v56  }
0x21d: {  	[tilespmem:s21+$0x8110] =	vst.add.f32.msk $0xffff, v5  }
0x21e: {  	v4 =	vld [tilespmem:s25+$0x1420]  }
0x21f: {  	v5 =	vld [tilespmem:s25+$0xDA0]  }
0x220: {  	[tilespmem:s5+$0x8110] =	vst.add.f32.msk $0xffff, v3  }
0x221: {  	v3 =	vld [tilespmem:s25+$0x1C20];
	_ =	sdelay $0x1  }
0x222: {  	(v2sf) =	vpush v2, $0x9;
	[tilespmem:s7+$0x8120] =	vst.add.f32.msk $0xffff, v4  }
0x223: {  	v4 =	vld [tilespmem:s25+$0x1430]  }
0x224: {  	[tilespmem:s21+$0x8120] =	vst.add.f32.msk $0xffff, v5  }
0x225: {  	[tilespmem:s5+$0x8120] =	vst.add.f32.msk $0xffff, v3  }
0x226: {  	v3 =	vld [tilespmem:s25+$0x1C30]  }
0x227: {  	v5 =	vld [tilespmem:s25+$0xDB0]  }
0x228: {  	[tilespmem:s7+$0x8130] =	vst.add.f32.msk $0xffff, v4;
	s7 =	sshra.s32 s7, $0x2  }
0x229: {  	[tilespmem:s7+$0x17D00] =	vst.add.f32.msk $0xffff, v1  }
0x22a: {  	v4 =	vld [tilespmem:s25+$0x1480]  }
0x22b: {  	s2 =	sshra.s32 s5, $0x2;
	[tilespmem:s5+$0x8130] =	vst.add.f32.msk $0xffff, v3  }
0x22c: {  	[tilespmem:s2+$0x17D00] =	vst.add.f32.msk $0xffff, v1  }
0x22d: {  	v3 =	vld [tilespmem:s25+$0x1C80];
	_ =	sdelay $0x1  }
0x22e: {  	[tilespmem:s6+$0x8100] =	vst.add.f32.msk $0xffff, v4  }
0x22f: {  	v4 =	vld [tilespmem:s25+$0x1490]  }
0x230: {  	s10 =	spop (v2sf);
	[tilespmem:s21+$0x8130] =	vst.add.f32.msk $0xffff, v5  }
0x231: {  	[tilespmem:s10+$0x8100] =	vst.add.f32.msk $0xffff, v3  }
0x232: {  	s13 =	sshra.s32 s21, $0x2;
	v3 =	vld [tilespmem:s25+$0x1C90]  }
0x233: {  	[tilespmem:s13+$0x17D00] =	vst.add.f32.msk $0xffff, v1  }
0x234: {  	[tilespmem:s6+$0x8110] =	vst.add.f32.msk $0xffff, v4  }
0x235: {  	v4 =	vld [tilespmem:s25+$0x14A0]  }
0x236: {  	v58 =	vld [tilespmem:s25+$0xE00]  }
0x237: {  	[tilespmem:s10+$0x8110] =	vst.add.f32.msk $0xffff, v3  }
0x238: {  	v3 =	vld [tilespmem:s25+$0x1CA0];
	_ =	sdelay $0x1  }
0x239: {  	(v2sf) =	vpush v2, $0xA;
	[tilespmem:s6+$0x8120] =	vst.add.f32.msk $0xffff, v4  }
0x23a: {  	v4 =	vld [tilespmem:s25+$0x14B0]  }
0x23b: {  	[tilespmem:s0+$0x8100] =	vst.add.f32.msk $0xffff, v58  }
0x23c: {  	[tilespmem:s10+$0x8120] =	vst.add.f32.msk $0xffff, v3  }
0x23d: {  	v3 =	vld [tilespmem:s25+$0x1CB0]  }
0x23e: {  	v61 =	vld [tilespmem:s25+$0xE10]  }
0x23f: {  	s11 =	sshra.s32 s6, $0x2;
	[tilespmem:s6+$0x8130] =	vst.add.f32.msk $0xffff, v4  }
0x240: {  	[tilespmem:s11+$0x17D00] =	vst.add.f32.msk $0xffff, v1  }
0x241: {  	v4 =	vld [tilespmem:s25+$0x1500]  }
0x242: {  	s2 =	sshra.s32 s10, $0x2;
	[tilespmem:s10+$0x8130] =	vst.add.f32.msk $0xffff, v3  }
0x243: {  	[tilespmem:s2+$0x17D00] =	vst.add.f32.msk $0xffff, v1  }
0x244: {  	v3 =	vld [tilespmem:s25+$0x1D00]  }
0x245: {  	[tilespmem:s0+$0x8110] =	vst.add.f32.msk $0xffff, v61  }
0x246: {  	[tilespmem:s14+$0x8100] =	vst.add.f32.msk $0xffff, v4  }
0x247: {  	v4 =	vld [tilespmem:s25+$0x1510]  }
0x248: {  	s12 =	spop (v2sf);
	v5 =	vld [tilespmem:s25+$0xE20]  }
0x249: {  	[tilespmem:s12+$0x8100] =	vst.add.f32.msk $0xffff, v3  }
0x24a: {  	v3 =	vld [tilespmem:s25+$0x1D10];
	_ =	sdelay $0x1  }
0x24b: {  	[tilespmem:s14+$0x8110] =	vst.add.f32.msk $0xffff, v4  }
0x24c: {  	v4 =	vld [tilespmem:s25+$0x1520]  }
0x24d: {  	[tilespmem:s0+$0x8120] =	vst.add.f32.msk $0xffff, v5  }
0x24e: {  	[tilespmem:s12+$0x8110] =	vst.add.f32.msk $0xffff, v3  }
0x24f: {  	v3 =	vld [tilespmem:s25+$0x1D20]  }
0x250: {  	v5 =	vld [tilespmem:s25+$0xE30]  }
0x251: {  	(v2sf) =	vpush v2, $0xB;
	[tilespmem:s14+$0x8120] =	vst.add.f32.msk $0xffff, v4  }
0x252: {  	v4 =	vld [tilespmem:s25+$0x1530];
	_ =	sdelay $0x1  }
0x253: {  	[tilespmem:s12+$0x8120] =	vst.add.f32.msk $0xffff, v3  }
0x254: {  	v3 =	vld [tilespmem:s25+$0x1D30]  }
0x255: {  	[tilespmem:s0+$0x8130] =	vst.add.f32.msk $0xffff, v5  }
0x256: {  	[tilespmem:s14+$0x8130] =	vst.add.f32.msk $0xffff, v4;
	s14 =	sshra.s32 s14, $0x2  }
0x257: {  	[tilespmem:s14+$0x17D00] =	vst.add.f32.msk $0xffff, v1  }
0x258: {  	v59 =	vld [tilespmem:s25+$0x1580]  }
0x259: {  	s2 =	sshra.s32 s12, $0x2;
	[tilespmem:s12+$0x8130] =	vst.add.f32.msk $0xffff, v3  }
0x25a: {  	[tilespmem:s2+$0x17D00] =	vst.add.f32.msk $0xffff, v1  }
0x25b: {  	s0 =	sshra.s32 s0, $0x2;
	v3 =	vld [tilespmem:s25+$0x1D80]  }
0x25c: {  	[tilespmem:s0+$0x17D00] =	vst.add.f32.msk $0xffff, v1  }
0x25d: {  	[tilespmem:s9+$0x8100] =	vst.add.f32.msk $0xffff, v59  }
0x25e: {  	v60 =	vld [tilespmem:s25+$0x1590]  }
0x25f: {  	s15 =	spop (v2sf);
	v5 =	vld [tilespmem:s25+$0xE80]  }
0x260: {  	[tilespmem:s15+$0x8100] =	vst.add.f32.msk $0xffff, v3  }
0x261: {  	v3 =	vld [tilespmem:s25+$0x1D90];
	_ =	sdelay $0x1  }
0x262: {  	[tilespmem:s9+$0x8110] =	vst.add.f32.msk $0xffff, v60  }
0x263: {  	v4 =	vld [tilespmem:s25+$0x15A0]  }
0x264: {  	[tilespmem:s30+$0x8100] =	vst.add.f32.msk $0xffff, v5  }
0x265: {  	[tilespmem:s15+$0x8110] =	vst.add.f32.msk $0xffff, v3  }
0x266: {  	v3 =	vld [tilespmem:s25+$0x1DA0]  }
0x267: {  	v5 =	vld [tilespmem:s25+$0xE90]  }
0x268: {  	(v2sf) =	vpush v2, $0xC;
	[tilespmem:s9+$0x8120] =	vst.add.f32.msk $0xffff, v4  }
0x269: {  	v4 =	vld [tilespmem:s25+$0x15B0];
	_ =	sdelay $0x1  }
0x26a: {  	[tilespmem:s15+$0x8120] =	vst.add.f32.msk $0xffff, v3  }
0x26b: {  	v3 =	vld [tilespmem:s25+$0x1DB0]  }
0x26c: {  	[tilespmem:s30+$0x8110] =	vst.add.f32.msk $0xffff, v5  }
0x26d: {  	s16 =	sshra.s32 s9, $0x2;
	[tilespmem:s9+$0x8130] =	vst.add.f32.msk $0xffff, v4  }
0x26e: {  	[tilespmem:s16+$0x17D00] =	vst.add.f32.msk $0xffff, v1  }
0x26f: {  	v4 =	vld [tilespmem:s25+$0x1600]  }
0x270: {  	s17 =	sshra.s32 s15, $0x2;
	[tilespmem:s15+$0x8130] =	vst.add.f32.msk $0xffff, v3  }
0x271: {  	[tilespmem:s17+$0x17D00] =	vst.add.f32.msk $0xffff, v1  }
0x272: {  	v3 =	vld [tilespmem:s25+$0x1E00]  }
0x273: {  	v5 =	vld [tilespmem:s25+$0xEA0]  }
0x274: {  	[tilespmem:s20+$0x8100] =	vst.add.f32.msk $0xffff, v4  }
0x275: {  	v4 =	vld [tilespmem:s25+$0x1610]  }
0x276: {  	s18 =	spop (v2sf)  }
0x277: {  	[tilespmem:s18+$0x8100] =	vst.add.f32.msk $0xffff, v3  }
0x278: {  	v3 =	vld [tilespmem:s25+$0x1E10]  }
0x279: {  	[tilespmem:s30+$0x8120] =	vst.add.f32.msk $0xffff, v5  }
0x27a: {  	[tilespmem:s20+$0x8110] =	vst.add.f32.msk $0xffff, v4  }
0x27b: {  	v4 =	vld [tilespmem:s25+$0x1620]  }
0x27c: {  	v5 =	vld [tilespmem:s25+$0xEB0]  }
0x27d: {  	[tilespmem:s18+$0x8110] =	vst.add.f32.msk $0xffff, v3  }
0x27e: {  	v3 =	vld [tilespmem:s25+$0x1E20];
	_ =	sdelay $0x1  }
0x27f: {  	(v2sf) =	vpush v2, $0xD;
	[tilespmem:s20+$0x8120] =	vst.add.f32.msk $0xffff, v4  }
0x280: {  	v4 =	vld [tilespmem:s25+$0x1630]  }
0x281: {  	[tilespmem:s30+$0x8130] =	vst.add.f32.msk $0xffff, v5  }
0x282: {  	[tilespmem:s18+$0x8120] =	vst.add.f32.msk $0xffff, v3  }
0x283: {  	s21 =	sshra.s32 s30, $0x2;
	v3 =	vld [tilespmem:s25+$0x1E30]  }
0x284: {  	[tilespmem:s21+$0x17D00] =	vst.add.f32.msk $0xffff, v1  }
0x285: {  	s19 =	sshra.s32 s20, $0x2;
	[tilespmem:s20+$0x8130] =	vst.add.f32.msk $0xffff, v4  }
0x286: {  	[tilespmem:s19+$0x17D00] =	vst.add.f32.msk $0xffff, v1  }
0x287: {  	v4 =	vld [tilespmem:s25+$0x1680]  }
0x288: {  	s0 =	sshra.s32 s18, $0x2;
	[tilespmem:s18+$0x8130] =	vst.add.f32.msk $0xffff, v3  }
0x289: {  	[tilespmem:s0+$0x17D00] =	vst.add.f32.msk $0xffff, v1  }
0x28a: {  	v3 =	vld [tilespmem:s25+$0x1E80]  }
0x28b: {  	v5 =	vld [tilespmem:s25+$0xF00]  }
0x28c: {  	[tilespmem:s1+$0x8100] =	vst.add.f32.msk $0xffff, v4  }
0x28d: {  	v4 =	vld [tilespmem:s25+$0x1690]  }
0x28e: {  	s20 =	spop (v2sf)  }
0x28f: {  	[tilespmem:s20+$0x8100] =	vst.add.f32.msk $0xffff, v3  }
0x290: {  	v3 =	vld [tilespmem:s25+$0x1E90]  }
0x291: {  	[tilespmem:s28+$0x8100] =	vst.add.f32.msk $0xffff, v5  }
0x292: {  	[tilespmem:s1+$0x8110] =	vst.add.f32.msk $0xffff, v4  }
0x293: {  	v4 =	vld [tilespmem:s25+$0x16A0]  }
0x294: {  	v5 =	vld [tilespmem:s25+$0xF10]  }
0x295: {  	[tilespmem:s20+$0x8110] =	vst.add.f32.msk $0xffff, v3  }
0x296: {  	v3 =	vld [tilespmem:s25+$0x1EA0];
	_ =	sdelay $0x1  }
0x297: {  	(v2sf) =	vpush v2, $0xE;
	[tilespmem:s1+$0x8120] =	vst.add.f32.msk $0xffff, v4  }
0x298: {  	v4 =	vld [tilespmem:s25+$0x16B0]  }
0x299: {  	[tilespmem:s28+$0x8110] =	vst.add.f32.msk $0xffff, v5  }
0x29a: {  	[tilespmem:s20+$0x8120] =	vst.add.f32.msk $0xffff, v3  }
0x29b: {  	v3 =	vld [tilespmem:s25+$0x1EB0]  }
0x29c: {  	v62 =	vld [tilespmem:s25+$0xF20]  }
0x29d: {  	[tilespmem:s1+$0x8130] =	vst.add.f32.msk $0xffff, v4;
	s1 =	sshra.s32 s1, $0x2  }
0x29e: {  	[tilespmem:s1+$0x17D00] =	vst.add.f32.msk $0xffff, v1  }
0x29f: {  	v63 =	vld [tilespmem:s25+$0x1700]  }
0x2a0: {  	s0 =	sshra.s32 s20, $0x2;
	[tilespmem:s20+$0x8130] =	vst.add.f32.msk $0xffff, v3  }
0x2a1: {  	[tilespmem:s0+$0x17D00] =	vst.add.f32.msk $0xffff, v1  }
0x2a2: {  	v3 =	vld [tilespmem:s25+$0x1F00];
	_ =	sdelay $0x1  }
0x2a3: {  	[tilespmem:s31+$0x8100] =	vst.add.f32.msk $0xffff, v63  }
0x2a4: {  	v5 =	vld [tilespmem:s25+$0x1710]  }
0x2a5: {  	[tilespmem:s28+$0x8120] =	vst.add.f32.msk $0xffff, v62;
	s22 =	spop (v2sf)  }
0x2a6: {  	[tilespmem:s22+$0x8100] =	vst.add.f32.msk $0xffff, v3  }
0x2a7: {  	v3 =	vld [tilespmem:s25+$0x1F10]  }
0x2a8: {  	v4 =	vld [tilespmem:s25+$0xF30]  }
0x2a9: {  	[tilespmem:s31+$0x8110] =	vst.add.f32.msk $0xffff, v5  }
0x2aa: {  	v5 =	vld [tilespmem:s25+$0x1720];
	_ =	sdelay $0x1  }
0x2ab: {  	[tilespmem:s22+$0x8110] =	vst.add.f32.msk $0xffff, v3  }
0x2ac: {  	v3 =	vld [tilespmem:s25+$0x1F20]  }
0x2ad: {  	[tilespmem:s28+$0x8130] =	vst.add.f32.msk $0xffff, v4  }
0x2ae: {  	(v2sf) =	vpush v2, $0xF;
	[tilespmem:s31+$0x8120] =	vst.add.f32.msk $0xffff, v5  }
0x2af: {  	s23 =	sshra.s32 s28, $0x2;
	v2 =	vld [tilespmem:s25+$0x1730]  }
0x2b0: {  	[tilespmem:s23+$0x17D00] =	vst.add.f32.msk $0xffff, v1  }
0x2b1: {  	[tilespmem:s22+$0x8120] =	vst.add.f32.msk $0xffff, v3  }
0x2b2: {  	v3 =	vld [tilespmem:s25+$0x1F30]  }
0x2b3: {  	v4 =	vld [tilespmem:s25+$0xF80]  }
0x2b4: {  	s24 =	sshra.s32 s31, $0x2;
	[tilespmem:s31+$0x8130] =	vst.add.f32.msk $0xffff, v2  }
0x2b5: {  	[tilespmem:s24+$0x17D00] =	vst.add.f32.msk $0xffff, v1  }
0x2b6: {  	v2 =	vld [tilespmem:s25+$0x1780]  }
0x2b7: {  	s0 =	sshra.s32 s22, $0x2;
	[tilespmem:s22+$0x8130] =	vst.add.f32.msk $0xffff, v3  }
0x2b8: {  	[tilespmem:s0+$0x17D00] =	vst.add.f32.msk $0xffff, v1  }
0x2b9: {  	v3 =	vld [tilespmem:s25+$0x1F80]  }
0x2ba: {  	[tilespmem:s26+$0x8100] =	vst.add.f32.msk $0xffff, v4  }
0x2bb: {  	v4 =	vld [tilespmem:s25+$0xF90]  }
0x2bc: {  	[tilespmem:s29+$0x8100] =	vst.add.f32.msk $0xffff, v2  }
0x2bd: {  	s28 =	spop (v2sf);
	v2 =	vld [tilespmem:s25+$0x1790]  }
0x2be: {  	[tilespmem:s28+$0x8100] =	vst.add.f32.msk $0xffff, v3  }
0x2bf: {  	v3 =	vld [tilespmem:s25+$0x1F90]  }
0x2c0: {  	[tilespmem:s26+$0x8110] =	vst.add.f32.msk $0xffff, v4  }
0x2c1: {  	v4 =	vld [tilespmem:s25+$0xFA0]  }
0x2c2: {  	[tilespmem:s29+$0x8110] =	vst.add.f32.msk $0xffff, v2  }
0x2c3: {  	v2 =	vld [tilespmem:s25+$0x17A0]  }
0x2c4: {  	[tilespmem:s28+$0x8110] =	vst.add.f32.msk $0xffff, v3  }
0x2c5: {  	v3 =	vld [tilespmem:s25+$0x1FA0]  }
0x2c6: {  	[tilespmem:s26+$0x8120] =	vst.add.f32.msk $0xffff, v4  }
0x2c7: {  	v4 =	vld [tilespmem:s25+$0xFB0]  }
0x2c8: {  	[tilespmem:s29+$0x8120] =	vst.add.f32.msk $0xffff, v2  }
0x2c9: {  	v2 =	vld [tilespmem:s25+$0x17B0]  }
0x2ca: {  	[tilespmem:s28+$0x8120] =	vst.add.f32.msk $0xffff, v3  }
0x2cb: {  	v3 =	vld [tilespmem:s25+$0x1FB0]  }
0x2cc: {  	p3 =	por p2, p2;
	s30 =	sshra.s32 s26, $0x2;
	[tilespmem:s26+$0x8130] =	vst.add.f32.msk $0xffff, v4  }
.Ltmp7:
0x2cd: {  	[tilespmem:s30+$0x17D00] =	vst.add.f32.msk $0xffff, v1;
	(pc) =	sbr.rel @p3 .LBB2_8-.Ltmp7, $4  }
0x2ce: {  	s31 =	sshra.s32 s29, $0x2;
	[tilespmem:s29+$0x8130] =	vst.add.f32.msk $0xffff, v2  }
0x2cf: {  	[tilespmem:s31+$0x17D00] =	vst.add.f32.msk $0xffff, v1  }
0x2d0: {  	s0 =	sshra.s32 s28, $0x2;
	[tilespmem:s28+$0x8130] =	vst.add.f32.msk $0xffff, v3  }
0x2d1: {  	p2 =	por $0x0, $0x0;
	[tilespmem:s0+$0x17D00] =	vst.add.f32.msk $0xffff, v1;
	s0 =	simm.s32 $0x4  }
.LBB2_9:
0x2d2: {  	s0 =	rddreg [dreg:$0x10]  }
0x2d3: {  	s1 =	rddreg [dreg:$0x5];
	s0 =	sadd.s32 $0x2, s0  }
0x2d4: {  	p2 =	sge.u32 s0, s1  }
0x2d5: {  	s1 =	rddreg [dreg:$0x8];
	s0 =	sshll.u32 @!p2 s0, $0xC  }
0x2d6: {  	s0 =	sor.u32 @!p2 s1, s0  }
0x2d7: {  	s2 =	rddreg [dreg:$0x1];
	s3 =	simm.s32 @!p2 $0x8000;
	s1 =	sshrl.u32 @!p2 s0, $0x3  }
.Ltmp8:
0x2d8: {  	s1 =	sadd.s32 @!p2 s2, s1;
	s2 =	simm.s32 @!p2 $0x0;
	(pc) =	sbr.rel @p1 .LBB2_12-.Ltmp8, $4  }
0x2d9: {  	[tilespmem:s3], [sflag:$0x3] =	stream.linear.gather @!p2 [hbm4b:s1+s2], $0x80, $0x38;
	[tilespmem:$0x1BD00] =	vst v63  }
0x2da: {  	s0 =	sshll.u32 @!p2 s0, $0x4;
	s1 =	rddreg [dreg:$0x4]  }
0x2db: {  	s0 =	sadd.s32 @!p2 s1, s0  }
0x2dc: {  	[tilespmem:s2], [sflag:$0x1] =	stream.linear.gather @!p2 [hbm4b:s0+s2], $0x4000, $0x38;
	[tilespmem:$0x1BD00] =	vst v63  }
0x2dd: {  	s0 =	simm.s32 $0x4  }
0x2de: {  	_ =	swait.ge [sflag:s0], $0x80  }
0x2df: {  	[sflag:s0] =	ssyncset.done $0x0  }
0x2e0: {  	s31 =	simm.s32 $0x2;
	[sflag:s0] =	ssyncadd.s32 $0xFFFFFF80  }
0x2e1: {  	_ =	swait.ge [sflag:s31], $0x4000  }
0x2e2: {  	[sflag:s31] =	ssyncset.done $0x0  }
0x2e3: {  	p1 =	por $0x1, $0x1;
	s0 =	simm.s32 $0x0;
	[sflag:s31] =	ssyncadd.s32 $0xFFFFC000  }
.LBB2_11:
0x2e4: {  	s6 =	sshll.u32 s0, $0x4  }
0x2e5: {  	s1 =	sand.u32 $0x3FFFFFF0, s6  }
0x2e6: {  	v2 =	vld [tilespmem:s1+$0x8080];
	_ =	sdelay $0x4  }
0x2e7: {  	v2 =	vshll.u32 v2, $0x6  }
0x2e8: {  	(v2sf) =	vpush v2, $0x0;
	_ =	sdelay $0x8  }
0x2e9: {  	s31 =	sshll.u32 s0, $0xB  }
0x2ea: {  	s24 =	sand.u32 $0x3FFFF800, s31  }
0x2eb: {  	v3 =	vld [tilespmem:s24+$0x4000];
	_ =	sdelay $0x3  }
0x2ec: {  	s5 =	spop (v2sf)  }
0x2ed: {  	[tilespmem:s5+$0x8100] =	vst.add.f32.msk $0xffff, v3  }
0x2ee: {  	v3 =	vld [tilespmem:s24+$0x4010];
	_ =	sdelay $0x4  }
0x2ef: {  	[tilespmem:s5+$0x8110] =	vst.add.f32.msk $0xffff, v3  }
0x2f0: {  	v3 =	vld [tilespmem:s24+$0x4020];
	_ =	sdelay $0x1  }
0x2f1: {  	(v2sf) =	vpush v2, $0x1;
	_ =	sdelay $0x2  }
0x2f2: {  	[tilespmem:s5+$0x8120] =	vst.add.f32.msk $0xffff, v3  }
0x2f3: {  	v3 =	vld [tilespmem:s24+$0x4030];
	_ =	sdelay $0x4  }
0x2f4: {  	s0 =	sshra.s32 s5, $0x2;
	[tilespmem:s5+$0x8130] =	vst.add.f32.msk $0xffff, v3  }
0x2f5: {  	[tilespmem:s0+$0x17D00] =	vst.add.f32.msk $0xffff, v1  }
0x2f6: {  	v3 =	vld [tilespmem:s24+$0x4080];
	_ =	sdelay $0x3  }
0x2f7: {  	s7 =	spop (v2sf)  }
0x2f8: {  	[tilespmem:s7+$0x8100] =	vst.add.f32.msk $0xffff, v3  }
0x2f9: {  	v3 =	vld [tilespmem:s24+$0x4090];
	_ =	sdelay $0x4  }
0x2fa: {  	[tilespmem:s7+$0x8110] =	vst.add.f32.msk $0xffff, v3  }
0x2fb: {  	v3 =	vld [tilespmem:s24+$0x40A0];
	_ =	sdelay $0x1  }
0x2fc: {  	(v2sf) =	vpush v2, $0x2;
	_ =	sdelay $0x2  }
0x2fd: {  	[tilespmem:s7+$0x8120] =	vst.add.f32.msk $0xffff, v3  }
0x2fe: {  	v3 =	vld [tilespmem:s24+$0x40B0];
	_ =	sdelay $0x4  }
0x2ff: {  	s0 =	sshra.s32 s7, $0x2;
	[tilespmem:s7+$0x8130] =	vst.add.f32.msk $0xffff, v3  }
0x300: {  	[tilespmem:s0+$0x17D00] =	vst.add.f32.msk $0xffff, v1  }
0x301: {  	v3 =	vld [tilespmem:s24+$0x4100];
	_ =	sdelay $0x3  }
0x302: {  	s8 =	spop (v2sf)  }
0x303: {  	[tilespmem:s8+$0x8100] =	vst.add.f32.msk $0xffff, v3  }
0x304: {  	v3 =	vld [tilespmem:s24+$0x4110];
	_ =	sdelay $0x4  }
0x305: {  	[tilespmem:s8+$0x8110] =	vst.add.f32.msk $0xffff, v3  }
0x306: {  	v3 =	vld [tilespmem:s24+$0x4120];
	_ =	sdelay $0x1  }
0x307: {  	(v2sf) =	vpush v2, $0x3;
	_ =	sdelay $0x2  }
0x308: {  	[tilespmem:s8+$0x8120] =	vst.add.f32.msk $0xffff, v3  }
0x309: {  	v3 =	vld [tilespmem:s24+$0x4130];
	_ =	sdelay $0x4  }
0x30a: {  	s0 =	sshra.s32 s8, $0x2;
	[tilespmem:s8+$0x8130] =	vst.add.f32.msk $0xffff, v3  }
0x30b: {  	[tilespmem:s0+$0x17D00] =	vst.add.f32.msk $0xffff, v1  }
0x30c: {  	v3 =	vld [tilespmem:s24+$0x4180];
	_ =	sdelay $0x3  }
0x30d: {  	s9 =	spop (v2sf)  }
0x30e: {  	[tilespmem:s9+$0x8100] =	vst.add.f32.msk $0xffff, v3  }
0x30f: {  	v3 =	vld [tilespmem:s24+$0x4190];
	_ =	sdelay $0x4  }
0x310: {  	[tilespmem:s9+$0x8110] =	vst.add.f32.msk $0xffff, v3  }
0x311: {  	v3 =	vld [tilespmem:s24+$0x41A0];
	_ =	sdelay $0x1  }
0x312: {  	(v2sf) =	vpush v2, $0x4;
	_ =	sdelay $0x2  }
0x313: {  	[tilespmem:s9+$0x8120] =	vst.add.f32.msk $0xffff, v3  }
0x314: {  	v3 =	vld [tilespmem:s24+$0x41B0];
	_ =	sdelay $0x4  }
0x315: {  	s0 =	sshra.s32 s9, $0x2;
	[tilespmem:s9+$0x8130] =	vst.add.f32.msk $0xffff, v3  }
0x316: {  	[tilespmem:s0+$0x17D00] =	vst.add.f32.msk $0xffff, v1  }
0x317: {  	v3 =	vld [tilespmem:s24+$0x4200];
	_ =	sdelay $0x3  }
0x318: {  	s10 =	spop (v2sf)  }
0x319: {  	[tilespmem:s10+$0x8100] =	vst.add.f32.msk $0xffff, v3  }
0x31a: {  	v3 =	vld [tilespmem:s24+$0x4210];
	_ =	sdelay $0x4  }
0x31b: {  	[tilespmem:s10+$0x8110] =	vst.add.f32.msk $0xffff, v3  }
0x31c: {  	v3 =	vld [tilespmem:s24+$0x4220];
	_ =	sdelay $0x1  }
0x31d: {  	(v2sf) =	vpush v2, $0x5;
	_ =	sdelay $0x2  }
0x31e: {  	[tilespmem:s10+$0x8120] =	vst.add.f32.msk $0xffff, v3  }
0x31f: {  	v3 =	vld [tilespmem:s24+$0x4230];
	_ =	sdelay $0x4  }
0x320: {  	s0 =	sshra.s32 s10, $0x2;
	[tilespmem:s10+$0x8130] =	vst.add.f32.msk $0xffff, v3  }
0x321: {  	[tilespmem:s0+$0x17D00] =	vst.add.f32.msk $0xffff, v1  }
0x322: {  	v3 =	vld [tilespmem:s24+$0x4280];
	_ =	sdelay $0x3  }
0x323: {  	s11 =	spop (v2sf)  }
0x324: {  	[tilespmem:s11+$0x8100] =	vst.add.f32.msk $0xffff, v3  }
0x325: {  	v3 =	vld [tilespmem:s24+$0x4290];
	_ =	sdelay $0x4  }
0x326: {  	[tilespmem:s11+$0x8110] =	vst.add.f32.msk $0xffff, v3  }
0x327: {  	v3 =	vld [tilespmem:s24+$0x42A0];
	_ =	sdelay $0x1  }
0x328: {  	(v2sf) =	vpush v2, $0x6;
	_ =	sdelay $0x2  }
0x329: {  	[tilespmem:s11+$0x8120] =	vst.add.f32.msk $0xffff, v3  }
0x32a: {  	v3 =	vld [tilespmem:s24+$0x42B0];
	_ =	sdelay $0x4  }
0x32b: {  	s0 =	sshra.s32 s11, $0x2;
	[tilespmem:s11+$0x8130] =	vst.add.f32.msk $0xffff, v3  }
0x32c: {  	[tilespmem:s0+$0x17D00] =	vst.add.f32.msk $0xffff, v1  }
0x32d: {  	v3 =	vld [tilespmem:s24+$0x4300];
	_ =	sdelay $0x3  }
0x32e: {  	s12 =	spop (v2sf)  }
0x32f: {  	[tilespmem:s12+$0x8100] =	vst.add.f32.msk $0xffff, v3  }
0x330: {  	v3 =	vld [tilespmem:s24+$0x4310];
	_ =	sdelay $0x4  }
0x331: {  	[tilespmem:s12+$0x8110] =	vst.add.f32.msk $0xffff, v3  }
0x332: {  	v3 =	vld [tilespmem:s24+$0x4320];
	_ =	sdelay $0x1  }
0x333: {  	(v2sf) =	vpush v2, $0x7;
	_ =	sdelay $0x2  }
0x334: {  	[tilespmem:s12+$0x8120] =	vst.add.f32.msk $0xffff, v3  }
0x335: {  	v3 =	vld [tilespmem:s24+$0x4330];
	_ =	sdelay $0x4  }
0x336: {  	s0 =	sshra.s32 s12, $0x2;
	[tilespmem:s12+$0x8130] =	vst.add.f32.msk $0xffff, v3  }
0x337: {  	[tilespmem:s0+$0x17D00] =	vst.add.f32.msk $0xffff, v1  }
0x338: {  	v3 =	vld [tilespmem:s24+$0x4380];
	_ =	sdelay $0x3  }
0x339: {  	s13 =	spop (v2sf)  }
0x33a: {  	[tilespmem:s13+$0x8100] =	vst.add.f32.msk $0xffff, v3  }
0x33b: {  	v3 =	vld [tilespmem:s24+$0x4390];
	_ =	sdelay $0x4  }
0x33c: {  	[tilespmem:s13+$0x8110] =	vst.add.f32.msk $0xffff, v3  }
0x33d: {  	v3 =	vld [tilespmem:s24+$0x43A0];
	_ =	sdelay $0x1  }
0x33e: {  	(v2sf) =	vpush v2, $0x8;
	_ =	sdelay $0x2  }
0x33f: {  	[tilespmem:s13+$0x8120] =	vst.add.f32.msk $0xffff, v3  }
0x340: {  	v3 =	vld [tilespmem:s24+$0x43B0];
	_ =	sdelay $0x4  }
0x341: {  	s0 =	sshra.s32 s13, $0x2;
	[tilespmem:s13+$0x8130] =	vst.add.f32.msk $0xffff, v3  }
0x342: {  	[tilespmem:s0+$0x17D00] =	vst.add.f32.msk $0xffff, v1  }
0x343: {  	v3 =	vld [tilespmem:s24+$0x4400];
	_ =	sdelay $0x3  }
0x344: {  	s14 =	spop (v2sf)  }
0x345: {  	[tilespmem:s14+$0x8100] =	vst.add.f32.msk $0xffff, v3  }
0x346: {  	v3 =	vld [tilespmem:s24+$0x4410];
	_ =	sdelay $0x4  }
0x347: {  	[tilespmem:s14+$0x8110] =	vst.add.f32.msk $0xffff, v3  }
0x348: {  	v3 =	vld [tilespmem:s24+$0x4420];
	_ =	sdelay $0x1  }
0x349: {  	(v2sf) =	vpush v2, $0x9;
	_ =	sdelay $0x2  }
0x34a: {  	[tilespmem:s14+$0x8120] =	vst.add.f32.msk $0xffff, v3  }
0x34b: {  	v3 =	vld [tilespmem:s24+$0x4430];
	_ =	sdelay $0x4  }
0x34c: {  	s0 =	sshra.s32 s14, $0x2;
	[tilespmem:s14+$0x8130] =	vst.add.f32.msk $0xffff, v3  }
0x34d: {  	[tilespmem:s0+$0x17D00] =	vst.add.f32.msk $0xffff, v1  }
0x34e: {  	v3 =	vld [tilespmem:s24+$0x4480];
	_ =	sdelay $0x3  }
0x34f: {  	s15 =	spop (v2sf)  }
0x350: {  	[tilespmem:s15+$0x8100] =	vst.add.f32.msk $0xffff, v3  }
0x351: {  	v3 =	vld [tilespmem:s24+$0x4490];
	_ =	sdelay $0x4  }
0x352: {  	[tilespmem:s15+$0x8110] =	vst.add.f32.msk $0xffff, v3  }
0x353: {  	v3 =	vld [tilespmem:s24+$0x44A0];
	_ =	sdelay $0x1  }
0x354: {  	(v2sf) =	vpush v2, $0xA;
	_ =	sdelay $0x2  }
0x355: {  	[tilespmem:s15+$0x8120] =	vst.add.f32.msk $0xffff, v3  }
0x356: {  	v3 =	vld [tilespmem:s24+$0x44B0];
	_ =	sdelay $0x4  }
0x357: {  	s0 =	sshra.s32 s15, $0x2;
	[tilespmem:s15+$0x8130] =	vst.add.f32.msk $0xffff, v3  }
0x358: {  	[tilespmem:s0+$0x17D00] =	vst.add.f32.msk $0xffff, v1  }
0x359: {  	v3 =	vld [tilespmem:s24+$0x4500];
	_ =	sdelay $0x3  }
0x35a: {  	s16 =	spop (v2sf)  }
0x35b: {  	[tilespmem:s16+$0x8100] =	vst.add.f32.msk $0xffff, v3  }
0x35c: {  	v3 =	vld [tilespmem:s24+$0x4510];
	_ =	sdelay $0x4  }
0x35d: {  	[tilespmem:s16+$0x8110] =	vst.add.f32.msk $0xffff, v3  }
0x35e: {  	v3 =	vld [tilespmem:s24+$0x4520];
	_ =	sdelay $0x1  }
0x35f: {  	(v2sf) =	vpush v2, $0xB;
	_ =	sdelay $0x2  }
0x360: {  	[tilespmem:s16+$0x8120] =	vst.add.f32.msk $0xffff, v3  }
0x361: {  	v3 =	vld [tilespmem:s24+$0x4530];
	_ =	sdelay $0x4  }
0x362: {  	s0 =	sshra.s32 s16, $0x2;
	[tilespmem:s16+$0x8130] =	vst.add.f32.msk $0xffff, v3  }
0x363: {  	[tilespmem:s0+$0x17D00] =	vst.add.f32.msk $0xffff, v1  }
0x364: {  	v3 =	vld [tilespmem:s24+$0x4580];
	_ =	sdelay $0x3  }
0x365: {  	s17 =	spop (v2sf)  }
0x366: {  	[tilespmem:s17+$0x8100] =	vst.add.f32.msk $0xffff, v3  }
0x367: {  	v3 =	vld [tilespmem:s24+$0x4590];
	_ =	sdelay $0x4  }
0x368: {  	[tilespmem:s17+$0x8110] =	vst.add.f32.msk $0xffff, v3  }
0x369: {  	v3 =	vld [tilespmem:s24+$0x45A0];
	_ =	sdelay $0x1  }
0x36a: {  	(v2sf) =	vpush v2, $0xC;
	_ =	sdelay $0x2  }
0x36b: {  	[tilespmem:s17+$0x8120] =	vst.add.f32.msk $0xffff, v3  }
0x36c: {  	v3 =	vld [tilespmem:s24+$0x45B0];
	_ =	sdelay $0x4  }
0x36d: {  	s0 =	sshra.s32 s17, $0x2;
	[tilespmem:s17+$0x8130] =	vst.add.f32.msk $0xffff, v3  }
0x36e: {  	[tilespmem:s0+$0x17D00] =	vst.add.f32.msk $0xffff, v1  }
0x36f: {  	v3 =	vld [tilespmem:s24+$0x4600];
	_ =	sdelay $0x3  }
0x370: {  	s18 =	spop (v2sf)  }
0x371: {  	[tilespmem:s18+$0x8100] =	vst.add.f32.msk $0xffff, v3  }
0x372: {  	v3 =	vld [tilespmem:s24+$0x4610];
	_ =	sdelay $0x4  }
0x373: {  	[tilespmem:s18+$0x8110] =	vst.add.f32.msk $0xffff, v3  }
0x374: {  	v3 =	vld [tilespmem:s24+$0x4620];
	_ =	sdelay $0x2  }
0x375: {  	(v2sf) =	vpush v2, $0xD;
	_ =	sdelay $0x1  }
0x376: {  	[tilespmem:s18+$0x8120] =	vst.add.f32.msk $0xffff, v3  }
0x377: {  	v3 =	vld [tilespmem:s6+$0x8090]  }
0x378: {  	v4 =	vld [tilespmem:s24+$0x4630];
	_ =	sdelay $0x2  }
0x379: {  	(v2sf) =	vpush v2, $0xE  }
0x37a: {  	(v2sf) =	vpush v2, $0xF;
	v2 =	vshll.u32 v3, $0x6  }
0x37b: {  	s0 =	sshra.s32 s18, $0x2;
	[tilespmem:s18+$0x8130] =	vst.add.f32.msk $0xffff, v4;
	(v2sf) =	vpush v2, $0x0  }
0x37c: {  	[tilespmem:s0+$0x17D00] =	vst.add.f32.msk $0xffff, v1  }
0x37d: {  	v3 =	vld [tilespmem:s24+$0x4680];
	_ =	sdelay $0x3  }
0x37e: {  	s19 =	spop (v2sf)  }
0x37f: {  	[tilespmem:s19+$0x8100] =	vst.add.f32.msk $0xffff, v3  }
0x380: {  	v3 =	vld [tilespmem:s24+$0x4690]  }
0x381: {  	s2 =	sor.u32 $0x800, s31  }
0x382: {  	s2 =	sand.u32 $0x3FFFF800, s2  }
0x383: {  	v43 =	vld [tilespmem:s2+$0x4000];
	_ =	sdelay $0x1  }
0x384: {  	s3 =	spop (v2sf);
	[tilespmem:s19+$0x8110] =	vst.add.f32.msk $0xffff, v3  }
0x385: {  	s4 =	spop (v2sf);
	v3 =	vld [tilespmem:s24+$0x46A0]  }
0x386: {  	s5 =	spop (v2sf)  }
0x387: {  	[tilespmem:s5+$0x8100] =	vst.add.f32.msk $0xffff, v43  }
0x388: {  	v4 =	vld [tilespmem:s2+$0x4010];
	_ =	sdelay $0x1  }
0x389: {  	[tilespmem:s19+$0x8120] =	vst.add.f32.msk $0xffff, v3  }
0x38a: {  	v3 =	vld [tilespmem:s24+$0x46B0];
	_ =	sdelay $0x1  }
0x38b: {  	[tilespmem:s5+$0x8110] =	vst.add.f32.msk $0xffff, v4  }
0x38c: {  	v4 =	vld [tilespmem:s2+$0x4020];
	_ =	sdelay $0x1  }
0x38d: {  	s0 =	sshra.s32 s19, $0x2;
	(v2sf) =	vpush v2, $0x1;
	[tilespmem:s19+$0x8130] =	vst.add.f32.msk $0xffff, v3  }
0x38e: {  	[tilespmem:s0+$0x17D00] =	vst.add.f32.msk $0xffff, v1  }
0x38f: {  	v3 =	vld [tilespmem:s24+$0x4700]  }
0x390: {  	[tilespmem:s5+$0x8120] =	vst.add.f32.msk $0xffff, v4  }
0x391: {  	v4 =	vld [tilespmem:s2+$0x4030];
	_ =	sdelay $0x2  }
0x392: {  	[tilespmem:s3+$0x8100] =	vst.add.f32.msk $0xffff, v3  }
0x393: {  	v3 =	vld [tilespmem:s24+$0x4710]  }
0x394: {  	s20 =	sshra.s32 s5, $0x2;
	[tilespmem:s5+$0x8130] =	vst.add.f32.msk $0xffff, v4  }
0x395: {  	[tilespmem:s20+$0x17D00] =	vst.add.f32.msk $0xffff, v1  }
0x396: {  	v4 =	vld [tilespmem:s24+$0x4880];
	_ =	sdelay $0x1  }
0x397: {  	[tilespmem:s3+$0x8110] =	vst.add.f32.msk $0xffff, v3  }
0x398: {  	v3 =	vld [tilespmem:s24+$0x4720]  }
0x399: {  	s21 =	spop (v2sf)  }
0x39a: {  	[tilespmem:s21+$0x8100] =	vst.add.f32.msk $0xffff, v4  }
0x39b: {  	v4 =	vld [tilespmem:s24+$0x4890];
	_ =	sdelay $0x1  }
0x39c: {  	[tilespmem:s3+$0x8120] =	vst.add.f32.msk $0xffff, v3  }
0x39d: {  	v3 =	vld [tilespmem:s24+$0x4730];
	_ =	sdelay $0x1  }
0x39e: {  	[tilespmem:s21+$0x8110] =	vst.add.f32.msk $0xffff, v4  }
0x39f: {  	v4 =	vld [tilespmem:s24+$0x48A0];
	_ =	sdelay $0x1  }
0x3a0: {  	s22 =	sshra.s32 s3, $0x2;
	(v2sf) =	vpush v2, $0x2;
	[tilespmem:s3+$0x8130] =	vst.add.f32.msk $0xffff, v3  }
0x3a1: {  	[tilespmem:s22+$0x17D00] =	vst.add.f32.msk $0xffff, v1  }
0x3a2: {  	v3 =	vld [tilespmem:s24+$0x4780]  }
0x3a3: {  	[tilespmem:s21+$0x8120] =	vst.add.f32.msk $0xffff, v4  }
0x3a4: {  	v4 =	vld [tilespmem:s24+$0x48B0];
	_ =	sdelay $0x2  }
0x3a5: {  	[tilespmem:s4+$0x8100] =	vst.add.f32.msk $0xffff, v3  }
0x3a6: {  	v3 =	vld [tilespmem:s24+$0x4790]  }
0x3a7: {  	s0 =	sshra.s32 s21, $0x2;
	[tilespmem:s21+$0x8130] =	vst.add.f32.msk $0xffff, v4  }
0x3a8: {  	[tilespmem:s0+$0x17D00] =	vst.add.f32.msk $0xffff, v1  }
0x3a9: {  	v4 =	vld [tilespmem:s24+$0x4900];
	_ =	sdelay $0x2  }
0x3aa: {  	[tilespmem:s4+$0x8110] =	vst.add.f32.msk $0xffff, v3  }
0x3ab: {  	s23 =	spop (v2sf);
	v3 =	vld [tilespmem:s24+$0x47A0]  }
0x3ac: {  	[tilespmem:s23+$0x8100] =	vst.add.f32.msk $0xffff, v4  }
0x3ad: {  	v4 =	vld [tilespmem:s24+$0x4910];
	_ =	sdelay $0x2  }
0x3ae: {  	[tilespmem:s4+$0x8120] =	vst.add.f32.msk $0xffff, v3  }
0x3af: {  	v3 =	vld [tilespmem:s24+$0x47B0]  }
0x3b0: {  	[tilespmem:s23+$0x8110] =	vst.add.f32.msk $0xffff, v4  }
0x3b1: {  	v4 =	vld [tilespmem:s24+$0x4920];
	_ =	sdelay $0x2  }
0x3b2: {  	s25 =	sshra.s32 s4, $0x2;
	[tilespmem:s4+$0x8130] =	vst.add.f32.msk $0xffff, v3  }
0x3b3: {  	[tilespmem:s25+$0x17D00] =	vst.add.f32.msk $0xffff, v1  }
0x3b4: {  	[tilespmem:s23+$0x8120] =	vst.add.f32.msk $0xffff, v4  }
0x3b5: {  	v3 =	vld [tilespmem:s24+$0x4930];
	(v2sf) =	vpush v2, $0x3  }
0x3b6: {  	(v2sf) =	vpush v2, $0x4  }
0x3b7: {  	(v2sf) =	vpush v2, $0x5  }
0x3b8: {  	(v2sf) =	vpush v2, $0x6  }
0x3b9: {  	(v2sf) =	vpush v2, $0x7  }
0x3ba: {  	(v2sf) =	vpush v2, $0x8  }
0x3bb: {  	(v2sf) =	vpush v2, $0x9  }
0x3bc: {  	v44 =	vld [tilespmem:s6+$0x80A0];
	(v2sf) =	vpush v2, $0xA  }
0x3bd: {  	(v2sf) =	vpush v2, $0xB  }
0x3be: {  	s28 =	sshra.s32 s23, $0x2;
	[tilespmem:s23+$0x8130] =	vst.add.f32.msk $0xffff, v3;
	(v2sf) =	vpush v2, $0xC  }
0x3bf: {  	[tilespmem:s28+$0x17D00] =	vst.add.f32.msk $0xffff, v1;
	(v2sf) =	vpush v2, $0xD  }
0x3c0: {  	v3 =	vld [tilespmem:s24+$0x4980];
	(v2sf) =	vpush v2, $0xE  }
0x3c1: {  	(v2sf) =	vpush v2, $0xF;
	v2 =	vshll.u32 v44, $0x6  }
0x3c2: {  	(v2sf) =	vpush v2, $0x0;
	_ =	sdelay $0x1  }
0x3c3: {  	s8 =	spop (v2sf)  }
0x3c4: {  	s2 =	spop (v2sf);
	[tilespmem:s8+$0x8100] =	vst.add.f32.msk $0xffff, v3  }
0x3c5: {  	s16 =	spop (v2sf);
	v3 =	vld [tilespmem:s24+$0x4990]  }
0x3c6: {  	s22 =	spop (v2sf)  }
0x3c7: {  	s13 =	spop (v2sf)  }
0x3c8: {  	s11 =	spop (v2sf)  }
0x3c9: {  	s3 =	spop (v2sf)  }
0x3ca: {  	s26 =	sor.u32 $0x1000, s31;
	s10 =	spop (v2sf);
	[tilespmem:s8+$0x8110] =	vst.add.f32.msk $0xffff, v3  }
0x3cb: {  	s7 =	sand.u32 $0x3FFFF800, s26;
	s21 =	spop (v2sf);
	v3 =	vld [tilespmem:s24+$0x49A0]  }
0x3cc: {  	v45 =	vld [tilespmem:s7+$0x4000];
	s0 =	spop (v2sf)  }
0x3cd: {  	(v2sf) =	vpush v2, $0x1;
	s29 =	spop (v2sf)  }
0x3ce: {  	(v2sf) =	vpush v2, $0x2;
	s26 =	spop (v2sf)  }
0x3cf: {  	(v2sf) =	vpush v2, $0x3;
	s25 =	spop (v2sf)  }
0x3d0: {  	(v2sf) =	vpush v2, $0x4;
	s30 =	spop (v2sf);
	[tilespmem:s8+$0x8120] =	vst.add.f32.msk $0xffff, v3  }
0x3d1: {  	(v2sf) =	vpush v2, $0x5;
	[tilespmem:s30+$0x8100] =	vst.add.f32.msk $0xffff, v45  }
0x3d2: {  	(v2sf) =	vpush v2, $0x6;
	v3 =	vld [tilespmem:s24+$0x49B0]  }
0x3d3: {  	(v2sf) =	vpush v2, $0x7;
	v4 =	vld [tilespmem:s7+$0x4010]  }
0x3d4: {  	(v2sf) =	vpush v2, $0x8  }
0x3d5: {  	(v2sf) =	vpush v2, $0x9  }
0x3d6: {  	v5 =	vld [tilespmem:s6+$0x80B0];
	(v2sf) =	vpush v2, $0xA  }
0x3d7: {  	(v2sf) =	vpush v2, $0xB;
	[tilespmem:s8+$0x8130] =	vst.add.f32.msk $0xffff, v3  }
0x3d8: {  	(v2sf) =	vpush v2, $0xC;
	s8 =	sshra.s32 s8, $0x2;
	[tilespmem:s30+$0x8110] =	vst.add.f32.msk $0xffff, v4  }
0x3d9: {  	(v2sf) =	vpush v2, $0xD;
	[tilespmem:s8+$0x17D00] =	vst.add.f32.msk $0xffff, v1  }
0x3da: {  	(v2sf) =	vpush v2, $0xE;
	v4 =	vld [tilespmem:s7+$0x4020]  }
0x3db: {  	(v2sf) =	vpush v2, $0xF;
	v2 =	vshll.u32 v5, $0x6;
	v49 =	vld [tilespmem:s24+$0x4A00]  }
0x3dc: {  	s23 =	spop (v2sf);
	(v2sf) =	vpush v2, $0x0  }
0x3dd: {  	s4 =	spop (v2sf)  }
0x3de: {  	s18 =	spop (v2sf)  }
0x3df: {  	s17 =	spop (v2sf);
	[tilespmem:s30+$0x8120] =	vst.add.f32.msk $0xffff, v4  }
0x3e0: {  	s15 =	spop (v2sf);
	[tilespmem:s2+$0x8100] =	vst.add.f32.msk $0xffff, v49  }
0x3e1: {  	s19 =	spop (v2sf);
	v4 =	vld [tilespmem:s7+$0x4030]  }
0x3e2: {  	s12 =	spop (v2sf);
	v5 =	vld [tilespmem:s24+$0x4A10]  }
0x3e3: {  	s1 =	sor.u32 $0x1800, s31;
	s7 =	spop (v2sf)  }
0x3e4: {  	s31 =	sand.u32 $0x3FFFF800, s1;
	s6 =	spop (v2sf)  }
0x3e5: {  	v46 =	vld [tilespmem:s31+$0x4000];
	s14 =	spop (v2sf)  }
0x3e6: {  	s9 =	spop (v2sf);
	[tilespmem:s30+$0x8130] =	vst.add.f32.msk $0xffff, v4  }
0x3e7: {  	s5 =	sshra.s32 s30, $0x2;
	s20 =	spop (v2sf);
	[tilespmem:s2+$0x8110] =	vst.add.f32.msk $0xffff, v5  }
0x3e8: {  	s1 =	spop (v2sf);
	[tilespmem:s5+$0x17D00] =	vst.add.f32.msk $0xffff, v1  }
0x3e9: {  	s30 =	spop (v2sf);
	v5 =	vld [tilespmem:s24+$0x4A20]  }
0x3ea: {  	v47 =	vld [tilespmem:s24+$0x5080];
	s28 =	spop (v2sf)  }
0x3eb: {  	s5 =	spop (v2sf)  }
0x3ec: {  	[tilespmem:s5+$0x8100] =	vst.add.f32.msk $0xffff, v46  }
0x3ed: {  	v3 =	vld [tilespmem:s31+$0x4010]  }
0x3ee: {  	[tilespmem:s2+$0x8120] =	vst.add.f32.msk $0xffff, v5  }
0x3ef: {  	[tilespmem:s23+$0x8100] =	vst.add.f32.msk $0xffff, v47  }
0x3f0: {  	v50 =	vld [tilespmem:s24+$0x4A30]  }
0x3f1: {  	v48 =	vld [tilespmem:s24+$0x5090];
	_ =	sdelay $0x1  }
0x3f2: {  	[tilespmem:s5+$0x8110] =	vst.add.f32.msk $0xffff, v3  }
0x3f3: {  	v3 =	vld [tilespmem:s31+$0x4020]  }
0x3f4: {  	[tilespmem:s2+$0x8130] =	vst.add.f32.msk $0xffff, v50  }
0x3f5: {  	s2 =	sshra.s32 s2, $0x2;
	[tilespmem:s23+$0x8110] =	vst.add.f32.msk $0xffff, v48  }
0x3f6: {  	[tilespmem:s2+$0x17D00] =	vst.add.f32.msk $0xffff, v1  }
0x3f7: {  	v4 =	vld [tilespmem:s24+$0x50A0]  }
0x3f8: {  	v53 =	vld [tilespmem:s24+$0x4A80]  }
0x3f9: {  	(v2sf) =	vpush v2, $0x1  }
0x3fa: {  	[tilespmem:s5+$0x8120] =	vst.add.f32.msk $0xffff, v3  }
0x3fb: {  	v3 =	vld [tilespmem:s31+$0x4030]  }
0x3fc: {  	[tilespmem:s23+$0x8120] =	vst.add.f32.msk $0xffff, v4  }
0x3fd: {  	[tilespmem:s16+$0x8100] =	vst.add.f32.msk $0xffff, v53  }
0x3fe: {  	v4 =	vld [tilespmem:s24+$0x50B0]  }
0x3ff: {  	v5 =	vld [tilespmem:s24+$0x4A90]  }
0x400: {  	[tilespmem:s5+$0x8130] =	vst.add.f32.msk $0xffff, v3;
	s5 =	sshra.s32 s5, $0x2  }
0x401: {  	[tilespmem:s5+$0x17D00] =	vst.add.f32.msk $0xffff, v1  }
0x402: {  	v3 =	vld [tilespmem:s24+$0x5880]  }
0x403: {  	[tilespmem:s23+$0x8130] =	vst.add.f32.msk $0xffff, v4  }
0x404: {  	s8 =	sshra.s32 s23, $0x2;
	[tilespmem:s16+$0x8110] =	vst.add.f32.msk $0xffff, v5  }
0x405: {  	[tilespmem:s8+$0x17D00] =	vst.add.f32.msk $0xffff, v1  }
0x406: {  	v5 =	vld [tilespmem:s24+$0x4AA0]  }
0x407: {  	v51 =	vld [tilespmem:s24+$0x5100]  }
0x408: {  	s23 =	spop (v2sf)  }
0x409: {  	[tilespmem:s23+$0x8100] =	vst.add.f32.msk $0xffff, v3  }
0x40a: {  	v3 =	vld [tilespmem:s24+$0x5890]  }
0x40b: {  	[tilespmem:s16+$0x8120] =	vst.add.f32.msk $0xffff, v5  }
0x40c: {  	[tilespmem:s4+$0x8100] =	vst.add.f32.msk $0xffff, v51  }
0x40d: {  	v5 =	vld [tilespmem:s24+$0x4AB0]  }
0x40e: {  	v52 =	vld [tilespmem:s24+$0x5110];
	_ =	sdelay $0x1  }
0x40f: {  	[tilespmem:s23+$0x8110] =	vst.add.f32.msk $0xffff, v3  }
0x410: {  	v3 =	vld [tilespmem:s24+$0x58A0]  }
0x411: {  	[tilespmem:s16+$0x8130] =	vst.add.f32.msk $0xffff, v5  }
0x412: {  	s16 =	sshra.s32 s16, $0x2;
	[tilespmem:s4+$0x8110] =	vst.add.f32.msk $0xffff, v52  }
0x413: {  	[tilespmem:s16+$0x17D00] =	vst.add.f32.msk $0xffff, v1  }
0x414: {  	v4 =	vld [tilespmem:s24+$0x5120]  }
0x415: {  	v5 =	vld [tilespmem:s24+$0x4B00]  }
0x416: {  	(v2sf) =	vpush v2, $0x2  }
0x417: {  	[tilespmem:s23+$0x8120] =	vst.add.f32.msk $0xffff, v3  }
0x418: {  	v3 =	vld [tilespmem:s24+$0x58B0]  }
0x419: {  	[tilespmem:s4+$0x8120] =	vst.add.f32.msk $0xffff, v4  }
0x41a: {  	[tilespmem:s22+$0x8100] =	vst.add.f32.msk $0xffff, v5  }
0x41b: {  	v4 =	vld [tilespmem:s24+$0x5130]  }
0x41c: {  	v5 =	vld [tilespmem:s24+$0x4B10]  }
0x41d: {  	s31 =	sshra.s32 s23, $0x2;
	[tilespmem:s23+$0x8130] =	vst.add.f32.msk $0xffff, v3  }
0x41e: {  	[tilespmem:s31+$0x17D00] =	vst.add.f32.msk $0xffff, v1  }
0x41f: {  	v3 =	vld [tilespmem:s24+$0x5900]  }
0x420: {  	[tilespmem:s4+$0x8130] =	vst.add.f32.msk $0xffff, v4  }
0x421: {  	s5 =	sshra.s32 s4, $0x2;
	[tilespmem:s22+$0x8110] =	vst.add.f32.msk $0xffff, v5  }
0x422: {  	[tilespmem:s5+$0x17D00] =	vst.add.f32.msk $0xffff, v1  }
0x423: {  	v5 =	vld [tilespmem:s24+$0x4B20]  }
0x424: {  	v4 =	vld [tilespmem:s24+$0x5180]  }
0x425: {  	s8 =	spop (v2sf)  }
0x426: {  	[tilespmem:s8+$0x8100] =	vst.add.f32.msk $0xffff, v3  }
0x427: {  	v3 =	vld [tilespmem:s24+$0x5910]  }
0x428: {  	[tilespmem:s22+$0x8120] =	vst.add.f32.msk $0xffff, v5  }
0x429: {  	[tilespmem:s18+$0x8100] =	vst.add.f32.msk $0xffff, v4  }
0x42a: {  	v5 =	vld [tilespmem:s24+$0x4B30]  }
0x42b: {  	v4 =	vld [tilespmem:s24+$0x5190];
	_ =	sdelay $0x1  }
0x42c: {  	[tilespmem:s8+$0x8110] =	vst.add.f32.msk $0xffff, v3  }
0x42d: {  	v3 =	vld [tilespmem:s24+$0x5920]  }
0x42e: {  	[tilespmem:s22+$0x8130] =	vst.add.f32.msk $0xffff, v5  }
0x42f: {  	s31 =	sshra.s32 s22, $0x2;
	[tilespmem:s18+$0x8110] =	vst.add.f32.msk $0xffff, v4  }
0x430: {  	[tilespmem:s31+$0x17D00] =	vst.add.f32.msk $0xffff, v1  }
0x431: {  	(v2sf) =	vpush v2, $0x3;
	v4 =	vld [tilespmem:s24+$0x51A0]  }
0x432: {  	v5 =	vld [tilespmem:s24+$0x4B80];
	_ =	sdelay $0x1  }
0x433: {  	[tilespmem:s8+$0x8120] =	vst.add.f32.msk $0xffff, v3  }
0x434: {  	v3 =	vld [tilespmem:s24+$0x5930]  }
0x435: {  	[tilespmem:s18+$0x8120] =	vst.add.f32.msk $0xffff, v4  }
0x436: {  	[tilespmem:s13+$0x8100] =	vst.add.f32.msk $0xffff, v5  }
0x437: {  	v4 =	vld [tilespmem:s24+$0x51B0]  }
0x438: {  	v5 =	vld [tilespmem:s24+$0x4B90]  }
0x439: {  	s2 =	sshra.s32 s8, $0x2;
	[tilespmem:s8+$0x8130] =	vst.add.f32.msk $0xffff, v3  }
0x43a: {  	[tilespmem:s2+$0x17D00] =	vst.add.f32.msk $0xffff, v1  }
0x43b: {  	v3 =	vld [tilespmem:s24+$0x5980]  }
0x43c: {  	[tilespmem:s18+$0x8130] =	vst.add.f32.msk $0xffff, v4;
	s18 =	sshra.s32 s18, $0x2  }
0x43d: {  	[tilespmem:s18+$0x17D00] =	vst.add.f32.msk $0xffff, v1  }
0x43e: {  	v4 =	vld [tilespmem:s24+$0x5200]  }
0x43f: {  	s23 =	spop (v2sf);
	[tilespmem:s13+$0x8110] =	vst.add.f32.msk $0xffff, v5  }
0x440: {  	[tilespmem:s23+$0x8100] =	vst.add.f32.msk $0xffff, v3  }
0x441: {  	v3 =	vld [tilespmem:s24+$0x5990]  }
0x442: {  	v5 =	vld [tilespmem:s24+$0x4BA0]  }
0x443: {  	[tilespmem:s17+$0x8100] =	vst.add.f32.msk $0xffff, v4  }
0x444: {  	v4 =	vld [tilespmem:s24+$0x5210];
	_ =	sdelay $0x1  }
0x445: {  	[tilespmem:s23+$0x8110] =	vst.add.f32.msk $0xffff, v3  }
0x446: {  	v3 =	vld [tilespmem:s24+$0x59A0]  }
0x447: {  	[tilespmem:s13+$0x8120] =	vst.add.f32.msk $0xffff, v5  }
0x448: {  	[tilespmem:s17+$0x8110] =	vst.add.f32.msk $0xffff, v4  }
0x449: {  	v4 =	vld [tilespmem:s24+$0x5220]  }
0x44a: {  	(v2sf) =	vpush v2, $0x4;
	v5 =	vld [tilespmem:s24+$0x4BB0]  }
0x44b: {  	[tilespmem:s23+$0x8120] =	vst.add.f32.msk $0xffff, v3  }
0x44c: {  	v3 =	vld [tilespmem:s24+$0x59B0];
	_ =	sdelay $0x1  }
0x44d: {  	[tilespmem:s17+$0x8120] =	vst.add.f32.msk $0xffff, v4  }
0x44e: {  	v4 =	vld [tilespmem:s24+$0x5230]  }
0x44f: {  	[tilespmem:s13+$0x8130] =	vst.add.f32.msk $0xffff, v5  }
0x450: {  	s2 =	sshra.s32 s23, $0x2;
	[tilespmem:s23+$0x8130] =	vst.add.f32.msk $0xffff, v3  }
0x451: {  	[tilespmem:s2+$0x17D00] =	vst.add.f32.msk $0xffff, v1  }
0x452: {  	v3 =	vld [tilespmem:s24+$0x5A00]  }
0x453: {  	s5 =	sshra.s32 s17, $0x2;
	[tilespmem:s17+$0x8130] =	vst.add.f32.msk $0xffff, v4  }
0x454: {  	s17 =	sshra.s32 s13, $0x2;
	[tilespmem:s5+$0x17D00] =	vst.add.f32.msk $0xffff, v1  }
0x455: {  	[tilespmem:s17+$0x17D00] =	vst.add.f32.msk $0xffff, v1  }
0x456: {  	v4 =	vld [tilespmem:s24+$0x5280]  }
0x457: {  	v5 =	vld [tilespmem:s24+$0x4C00]  }
0x458: {  	s8 =	spop (v2sf)  }
0x459: {  	[tilespmem:s8+$0x8100] =	vst.add.f32.msk $0xffff, v3  }
0x45a: {  	v3 =	vld [tilespmem:s24+$0x5A10]  }
0x45b: {  	[tilespmem:s15+$0x8100] =	vst.add.f32.msk $0xffff, v4  }
0x45c: {  	[tilespmem:s11+$0x8100] =	vst.add.f32.msk $0xffff, v5  }
0x45d: {  	v4 =	vld [tilespmem:s24+$0x5290]  }
0x45e: {  	v5 =	vld [tilespmem:s24+$0x4C10];
	_ =	sdelay $0x1  }
0x45f: {  	[tilespmem:s8+$0x8110] =	vst.add.f32.msk $0xffff, v3  }
0x460: {  	v3 =	vld [tilespmem:s24+$0x5A20]  }
0x461: {  	[tilespmem:s15+$0x8110] =	vst.add.f32.msk $0xffff, v4  }
0x462: {  	[tilespmem:s11+$0x8110] =	vst.add.f32.msk $0xffff, v5  }
0x463: {  	(v2sf) =	vpush v2, $0x5;
	v4 =	vld [tilespmem:s24+$0x52A0]  }
0x464: {  	v5 =	vld [tilespmem:s24+$0x4C20];
	_ =	sdelay $0x1  }
0x465: {  	[tilespmem:s8+$0x8120] =	vst.add.f32.msk $0xffff, v3  }
0x466: {  	v3 =	vld [tilespmem:s24+$0x5A30]  }
0x467: {  	[tilespmem:s15+$0x8120] =	vst.add.f32.msk $0xffff, v4  }
0x468: {  	[tilespmem:s11+$0x8120] =	vst.add.f32.msk $0xffff, v5  }
0x469: {  	v4 =	vld [tilespmem:s24+$0x52B0]  }
0x46a: {  	v5 =	vld [tilespmem:s24+$0x4C30]  }
0x46b: {  	s2 =	sshra.s32 s8, $0x2;
	[tilespmem:s8+$0x8130] =	vst.add.f32.msk $0xffff, v3  }
0x46c: {  	[tilespmem:s2+$0x17D00] =	vst.add.f32.msk $0xffff, v1  }
0x46d: {  	v3 =	vld [tilespmem:s24+$0x5A80]  }
0x46e: {  	[tilespmem:s15+$0x8130] =	vst.add.f32.msk $0xffff, v4  }
0x46f: {  	s15 =	sshra.s32 s15, $0x2;
	[tilespmem:s11+$0x8130] =	vst.add.f32.msk $0xffff, v5  }
0x470: {  	[tilespmem:s15+$0x17D00] =	vst.add.f32.msk $0xffff, v1  }
0x471: {  	s16 =	spop (v2sf);
	v4 =	vld [tilespmem:s24+$0x5300]  }
0x472: {  	[tilespmem:s16+$0x8100] =	vst.add.f32.msk $0xffff, v3  }
0x473: {  	s22 =	sshra.s32 s11, $0x2;
	v3 =	vld [tilespmem:s24+$0x5A90]  }
0x474: {  	[tilespmem:s22+$0x17D00] =	vst.add.f32.msk $0xffff, v1  }
0x475: {  	v5 =	vld [tilespmem:s24+$0x4C80]  }
0x476: {  	[tilespmem:s19+$0x8100] =	vst.add.f32.msk $0xffff, v4  }
0x477: {  	v4 =	vld [tilespmem:s24+$0x5310]  }
0x478: {  	[tilespmem:s16+$0x8110] =	vst.add.f32.msk $0xffff, v3  }
0x479: {  	v3 =	vld [tilespmem:s24+$0x5AA0]  }
0x47a: {  	[tilespmem:s3+$0x8100] =	vst.add.f32.msk $0xffff, v5  }
0x47b: {  	(v2sf) =	vpush v2, $0x6;
	v5 =	vld [tilespmem:s24+$0x4C90]  }
0x47c: {  	[tilespmem:s19+$0x8110] =	vst.add.f32.msk $0xffff, v4  }
0x47d: {  	v4 =	vld [tilespmem:s24+$0x5320]  }
0x47e: {  	[tilespmem:s16+$0x8120] =	vst.add.f32.msk $0xffff, v3  }
0x47f: {  	v3 =	vld [tilespmem:s24+$0x5AB0]  }
0x480: {  	[tilespmem:s3+$0x8110] =	vst.add.f32.msk $0xffff, v5  }
0x481: {  	v5 =	vld [tilespmem:s24+$0x4CA0]  }
0x482: {  	[tilespmem:s19+$0x8120] =	vst.add.f32.msk $0xffff, v4  }
0x483: {  	v4 =	vld [tilespmem:s24+$0x5330]  }
0x484: {  	s2 =	sshra.s32 s16, $0x2;
	[tilespmem:s16+$0x8130] =	vst.add.f32.msk $0xffff, v3  }
0x485: {  	[tilespmem:s2+$0x17D00] =	vst.add.f32.msk $0xffff, v1  }
0x486: {  	v3 =	vld [tilespmem:s24+$0x5B00];
	_ =	sdelay $0x1  }
0x487: {  	[tilespmem:s3+$0x8120] =	vst.add.f32.msk $0xffff, v5  }
0x488: {  	v54 =	vld [tilespmem:s24+$0x4CB0]  }
0x489: {  	s18 =	sshra.s32 s19, $0x2;
	[tilespmem:s19+$0x8130] =	vst.add.f32.msk $0xffff, v4;
	s19 =	spop (v2sf)  }
0x48a: {  	[tilespmem:s19+$0x8100] =	vst.add.f32.msk $0xffff, v3  }
0x48b: {  	v3 =	vld [tilespmem:s24+$0x5B10];
	_ =	sdelay $0x2  }
0x48c: {  	[tilespmem:s3+$0x8130] =	vst.add.f32.msk $0xffff, v54  }
0x48d: {  	[tilespmem:s18+$0x17D00] =	vst.add.f32.msk $0xffff, v1  }
0x48e: {  	[tilespmem:s19+$0x8110] =	vst.add.f32.msk $0xffff, v3  }
0x48f: {  	s3 =	sshra.s32 s3, $0x2;
	v3 =	vld [tilespmem:s24+$0x5B20]  }
0x490: {  	[tilespmem:s3+$0x17D00] =	vst.add.f32.msk $0xffff, v1  }
0x491: {  	(v2sf) =	vpush v2, $0x7;
	v4 =	vld [tilespmem:s24+$0x5380]  }
0x492: {  	v57 =	vld [tilespmem:s24+$0x4D00];
	_ =	sdelay $0x1  }
0x493: {  	[tilespmem:s19+$0x8120] =	vst.add.f32.msk $0xffff, v3  }
0x494: {  	v3 =	vld [tilespmem:s24+$0x5B30]  }
0x495: {  	[tilespmem:s12+$0x8100] =	vst.add.f32.msk $0xffff, v4  }
0x496: {  	[tilespmem:s10+$0x8100] =	vst.add.f32.msk $0xffff, v57  }
0x497: {  	v4 =	vld [tilespmem:s24+$0x5390]  }
0x498: {  	v5 =	vld [tilespmem:s24+$0x4D10]  }
0x499: {  	s2 =	sshra.s32 s19, $0x2;
	[tilespmem:s19+$0x8130] =	vst.add.f32.msk $0xffff, v3  }
0x49a: {  	[tilespmem:s2+$0x17D00] =	vst.add.f32.msk $0xffff, v1  }
0x49b: {  	v3 =	vld [tilespmem:s24+$0x5B80]  }
0x49c: {  	[tilespmem:s12+$0x8110] =	vst.add.f32.msk $0xffff, v4  }
0x49d: {  	[tilespmem:s10+$0x8110] =	vst.add.f32.msk $0xffff, v5  }
0x49e: {  	v4 =	vld [tilespmem:s24+$0x53A0]  }
0x49f: {  	v5 =	vld [tilespmem:s24+$0x4D20];
	s23 =	spop (v2sf)  }
0x4a0: {  	[tilespmem:s23+$0x8100] =	vst.add.f32.msk $0xffff, v3  }
0x4a1: {  	v3 =	vld [tilespmem:s24+$0x5B90];
	_ =	sdelay $0x1  }
0x4a2: {  	[tilespmem:s12+$0x8120] =	vst.add.f32.msk $0xffff, v4  }
0x4a3: {  	v4 =	vld [tilespmem:s24+$0x53B0]  }
0x4a4: {  	[tilespmem:s10+$0x8120] =	vst.add.f32.msk $0xffff, v5  }
0x4a5: {  	[tilespmem:s23+$0x8110] =	vst.add.f32.msk $0xffff, v3  }
0x4a6: {  	v3 =	vld [tilespmem:s24+$0x5BA0]  }
0x4a7: {  	v5 =	vld [tilespmem:s24+$0x4D30]  }
0x4a8: {  	s31 =	sshra.s32 s12, $0x2;
	(v2sf) =	vpush v2, $0x8;
	[tilespmem:s12+$0x8130] =	vst.add.f32.msk $0xffff, v4  }
0x4a9: {  	[tilespmem:s31+$0x17D00] =	vst.add.f32.msk $0xffff, v1  }
0x4aa: {  	v55 =	vld [tilespmem:s24+$0x5400]  }
0x4ab: {  	[tilespmem:s23+$0x8120] =	vst.add.f32.msk $0xffff, v3  }
0x4ac: {  	v3 =	vld [tilespmem:s24+$0x5BB0]  }
0x4ad: {  	s8 =	sshra.s32 s10, $0x2;
	[tilespmem:s10+$0x8130] =	vst.add.f32.msk $0xffff, v5  }
0x4ae: {  	[tilespmem:s8+$0x17D00] =	vst.add.f32.msk $0xffff, v1  }
0x4af: {  	v5 =	vld [tilespmem:s24+$0x4D80]  }
0x4b0: {  	[tilespmem:s7+$0x8100] =	vst.add.f32.msk $0xffff, v55  }
0x4b1: {  	s2 =	sshra.s32 s23, $0x2;
	[tilespmem:s23+$0x8130] =	vst.add.f32.msk $0xffff, v3  }
0x4b2: {  	[tilespmem:s2+$0x17D00] =	vst.add.f32.msk $0xffff, v1  }
0x4b3: {  	v3 =	vld [tilespmem:s24+$0x5C00]  }
0x4b4: {  	[tilespmem:s21+$0x8100] =	vst.add.f32.msk $0xffff, v5  }
0x4b5: {  	v56 =	vld [tilespmem:s24+$0x5410]  }
0x4b6: {  	v5 =	vld [tilespmem:s24+$0x4D90]  }
0x4b7: {  	s5 =	spop (v2sf)  }
0x4b8: {  	[tilespmem:s5+$0x8100] =	vst.add.f32.msk $0xffff, v3  }
0x4b9: {  	v3 =	vld [tilespmem:s24+$0x5C10]  }
0x4ba: {  	[tilespmem:s7+$0x8110] =	vst.add.f32.msk $0xffff, v56  }
0x4bb: {  	[tilespmem:s21+$0x8110] =	vst.add.f32.msk $0xffff, v5  }
0x4bc: {  	v4 =	vld [tilespmem:s24+$0x5420]  }
0x4bd: {  	v5 =	vld [tilespmem:s24+$0x4DA0]  }
0x4be: {  	[tilespmem:s5+$0x8110] =	vst.add.f32.msk $0xffff, v3  }
0x4bf: {  	v3 =	vld [tilespmem:s24+$0x5C20];
	_ =	sdelay $0x1  }
0x4c0: {  	(v2sf) =	vpush v2, $0x9;
	[tilespmem:s7+$0x8120] =	vst.add.f32.msk $0xffff, v4  }
0x4c1: {  	v4 =	vld [tilespmem:s24+$0x5430]  }
0x4c2: {  	[tilespmem:s21+$0x8120] =	vst.add.f32.msk $0xffff, v5  }
0x4c3: {  	[tilespmem:s5+$0x8120] =	vst.add.f32.msk $0xffff, v3  }
0x4c4: {  	v3 =	vld [tilespmem:s24+$0x5C30]  }
0x4c5: {  	v5 =	vld [tilespmem:s24+$0x4DB0]  }
0x4c6: {  	[tilespmem:s7+$0x8130] =	vst.add.f32.msk $0xffff, v4;
	s7 =	sshra.s32 s7, $0x2  }
0x4c7: {  	[tilespmem:s7+$0x17D00] =	vst.add.f32.msk $0xffff, v1  }
0x4c8: {  	v4 =	vld [tilespmem:s24+$0x5480]  }
0x4c9: {  	s2 =	sshra.s32 s5, $0x2;
	[tilespmem:s5+$0x8130] =	vst.add.f32.msk $0xffff, v3  }
0x4ca: {  	[tilespmem:s2+$0x17D00] =	vst.add.f32.msk $0xffff, v1  }
0x4cb: {  	v3 =	vld [tilespmem:s24+$0x5C80];
	_ =	sdelay $0x1  }
0x4cc: {  	[tilespmem:s6+$0x8100] =	vst.add.f32.msk $0xffff, v4  }
0x4cd: {  	v4 =	vld [tilespmem:s24+$0x5490]  }
0x4ce: {  	s10 =	spop (v2sf);
	[tilespmem:s21+$0x8130] =	vst.add.f32.msk $0xffff, v5  }
0x4cf: {  	[tilespmem:s10+$0x8100] =	vst.add.f32.msk $0xffff, v3  }
0x4d0: {  	s13 =	sshra.s32 s21, $0x2;
	v3 =	vld [tilespmem:s24+$0x5C90]  }
0x4d1: {  	[tilespmem:s13+$0x17D00] =	vst.add.f32.msk $0xffff, v1  }
0x4d2: {  	[tilespmem:s6+$0x8110] =	vst.add.f32.msk $0xffff, v4  }
0x4d3: {  	v4 =	vld [tilespmem:s24+$0x54A0]  }
0x4d4: {  	v58 =	vld [tilespmem:s24+$0x4E00]  }
0x4d5: {  	[tilespmem:s10+$0x8110] =	vst.add.f32.msk $0xffff, v3  }
0x4d6: {  	v3 =	vld [tilespmem:s24+$0x5CA0];
	_ =	sdelay $0x1  }
0x4d7: {  	(v2sf) =	vpush v2, $0xA;
	[tilespmem:s6+$0x8120] =	vst.add.f32.msk $0xffff, v4  }
0x4d8: {  	v4 =	vld [tilespmem:s24+$0x54B0]  }
0x4d9: {  	[tilespmem:s0+$0x8100] =	vst.add.f32.msk $0xffff, v58  }
0x4da: {  	[tilespmem:s10+$0x8120] =	vst.add.f32.msk $0xffff, v3  }
0x4db: {  	v3 =	vld [tilespmem:s24+$0x5CB0]  }
0x4dc: {  	v61 =	vld [tilespmem:s24+$0x4E10]  }
0x4dd: {  	s11 =	sshra.s32 s6, $0x2;
	[tilespmem:s6+$0x8130] =	vst.add.f32.msk $0xffff, v4  }
0x4de: {  	[tilespmem:s11+$0x17D00] =	vst.add.f32.msk $0xffff, v1  }
0x4df: {  	v4 =	vld [tilespmem:s24+$0x5500]  }
0x4e0: {  	s2 =	sshra.s32 s10, $0x2;
	[tilespmem:s10+$0x8130] =	vst.add.f32.msk $0xffff, v3  }
0x4e1: {  	[tilespmem:s2+$0x17D00] =	vst.add.f32.msk $0xffff, v1  }
0x4e2: {  	v3 =	vld [tilespmem:s24+$0x5D00]  }
0x4e3: {  	[tilespmem:s0+$0x8110] =	vst.add.f32.msk $0xffff, v61  }
0x4e4: {  	[tilespmem:s14+$0x8100] =	vst.add.f32.msk $0xffff, v4  }
0x4e5: {  	v4 =	vld [tilespmem:s24+$0x5510]  }
0x4e6: {  	s12 =	spop (v2sf);
	v5 =	vld [tilespmem:s24+$0x4E20]  }
0x4e7: {  	[tilespmem:s12+$0x8100] =	vst.add.f32.msk $0xffff, v3  }
0x4e8: {  	v3 =	vld [tilespmem:s24+$0x5D10];
	_ =	sdelay $0x1  }
0x4e9: {  	[tilespmem:s14+$0x8110] =	vst.add.f32.msk $0xffff, v4  }
0x4ea: {  	v4 =	vld [tilespmem:s24+$0x5520]  }
0x4eb: {  	[tilespmem:s0+$0x8120] =	vst.add.f32.msk $0xffff, v5  }
0x4ec: {  	[tilespmem:s12+$0x8110] =	vst.add.f32.msk $0xffff, v3  }
0x4ed: {  	v3 =	vld [tilespmem:s24+$0x5D20]  }
0x4ee: {  	v5 =	vld [tilespmem:s24+$0x4E30]  }
0x4ef: {  	(v2sf) =	vpush v2, $0xB;
	[tilespmem:s14+$0x8120] =	vst.add.f32.msk $0xffff, v4  }
0x4f0: {  	v4 =	vld [tilespmem:s24+$0x5530];
	_ =	sdelay $0x1  }
0x4f1: {  	[tilespmem:s12+$0x8120] =	vst.add.f32.msk $0xffff, v3  }
0x4f2: {  	v3 =	vld [tilespmem:s24+$0x5D30]  }
0x4f3: {  	[tilespmem:s0+$0x8130] =	vst.add.f32.msk $0xffff, v5  }
0x4f4: {  	[tilespmem:s14+$0x8130] =	vst.add.f32.msk $0xffff, v4;
	s14 =	sshra.s32 s14, $0x2  }
0x4f5: {  	[tilespmem:s14+$0x17D00] =	vst.add.f32.msk $0xffff, v1  }
0x4f6: {  	v59 =	vld [tilespmem:s24+$0x5580]  }
0x4f7: {  	s2 =	sshra.s32 s12, $0x2;
	[tilespmem:s12+$0x8130] =	vst.add.f32.msk $0xffff, v3  }
0x4f8: {  	[tilespmem:s2+$0x17D00] =	vst.add.f32.msk $0xffff, v1  }
0x4f9: {  	s0 =	sshra.s32 s0, $0x2;
	v3 =	vld [tilespmem:s24+$0x5D80]  }
0x4fa: {  	[tilespmem:s0+$0x17D00] =	vst.add.f32.msk $0xffff, v1  }
0x4fb: {  	[tilespmem:s9+$0x8100] =	vst.add.f32.msk $0xffff, v59  }
0x4fc: {  	v60 =	vld [tilespmem:s24+$0x5590]  }
0x4fd: {  	s15 =	spop (v2sf);
	v5 =	vld [tilespmem:s24+$0x4E80]  }
0x4fe: {  	[tilespmem:s15+$0x8100] =	vst.add.f32.msk $0xffff, v3  }
0x4ff: {  	v3 =	vld [tilespmem:s24+$0x5D90];
	_ =	sdelay $0x1  }
0x500: {  	[tilespmem:s9+$0x8110] =	vst.add.f32.msk $0xffff, v60  }
0x501: {  	v4 =	vld [tilespmem:s24+$0x55A0]  }
0x502: {  	[tilespmem:s29+$0x8100] =	vst.add.f32.msk $0xffff, v5  }
0x503: {  	[tilespmem:s15+$0x8110] =	vst.add.f32.msk $0xffff, v3  }
0x504: {  	v3 =	vld [tilespmem:s24+$0x5DA0]  }
0x505: {  	v5 =	vld [tilespmem:s24+$0x4E90]  }
0x506: {  	(v2sf) =	vpush v2, $0xC;
	[tilespmem:s9+$0x8120] =	vst.add.f32.msk $0xffff, v4  }
0x507: {  	v4 =	vld [tilespmem:s24+$0x55B0];
	_ =	sdelay $0x1  }
0x508: {  	[tilespmem:s15+$0x8120] =	vst.add.f32.msk $0xffff, v3  }
0x509: {  	v3 =	vld [tilespmem:s24+$0x5DB0]  }
0x50a: {  	[tilespmem:s29+$0x8110] =	vst.add.f32.msk $0xffff, v5  }
0x50b: {  	s16 =	sshra.s32 s9, $0x2;
	[tilespmem:s9+$0x8130] =	vst.add.f32.msk $0xffff, v4  }
0x50c: {  	[tilespmem:s16+$0x17D00] =	vst.add.f32.msk $0xffff, v1  }
0x50d: {  	v4 =	vld [tilespmem:s24+$0x5600]  }
0x50e: {  	s17 =	sshra.s32 s15, $0x2;
	[tilespmem:s15+$0x8130] =	vst.add.f32.msk $0xffff, v3  }
0x50f: {  	[tilespmem:s17+$0x17D00] =	vst.add.f32.msk $0xffff, v1  }
0x510: {  	v3 =	vld [tilespmem:s24+$0x5E00]  }
0x511: {  	v5 =	vld [tilespmem:s24+$0x4EA0]  }
0x512: {  	[tilespmem:s20+$0x8100] =	vst.add.f32.msk $0xffff, v4  }
0x513: {  	v4 =	vld [tilespmem:s24+$0x5610]  }
0x514: {  	s18 =	spop (v2sf)  }
0x515: {  	[tilespmem:s18+$0x8100] =	vst.add.f32.msk $0xffff, v3  }
0x516: {  	v3 =	vld [tilespmem:s24+$0x5E10]  }
0x517: {  	[tilespmem:s29+$0x8120] =	vst.add.f32.msk $0xffff, v5  }
0x518: {  	[tilespmem:s20+$0x8110] =	vst.add.f32.msk $0xffff, v4  }
0x519: {  	v4 =	vld [tilespmem:s24+$0x5620]  }
0x51a: {  	v5 =	vld [tilespmem:s24+$0x4EB0]  }
0x51b: {  	[tilespmem:s18+$0x8110] =	vst.add.f32.msk $0xffff, v3  }
0x51c: {  	v3 =	vld [tilespmem:s24+$0x5E20];
	_ =	sdelay $0x1  }
0x51d: {  	(v2sf) =	vpush v2, $0xD;
	[tilespmem:s20+$0x8120] =	vst.add.f32.msk $0xffff, v4  }
0x51e: {  	v4 =	vld [tilespmem:s24+$0x5630]  }
0x51f: {  	[tilespmem:s29+$0x8130] =	vst.add.f32.msk $0xffff, v5  }
0x520: {  	[tilespmem:s18+$0x8120] =	vst.add.f32.msk $0xffff, v3  }
0x521: {  	s21 =	sshra.s32 s29, $0x2;
	v3 =	vld [tilespmem:s24+$0x5E30]  }
0x522: {  	[tilespmem:s21+$0x17D00] =	vst.add.f32.msk $0xffff, v1  }
0x523: {  	s19 =	sshra.s32 s20, $0x2;
	[tilespmem:s20+$0x8130] =	vst.add.f32.msk $0xffff, v4  }
0x524: {  	[tilespmem:s19+$0x17D00] =	vst.add.f32.msk $0xffff, v1  }
0x525: {  	v4 =	vld [tilespmem:s24+$0x5680]  }
0x526: {  	s0 =	sshra.s32 s18, $0x2;
	[tilespmem:s18+$0x8130] =	vst.add.f32.msk $0xffff, v3  }
0x527: {  	[tilespmem:s0+$0x17D00] =	vst.add.f32.msk $0xffff, v1  }
0x528: {  	v3 =	vld [tilespmem:s24+$0x5E80]  }
0x529: {  	v5 =	vld [tilespmem:s24+$0x4F00]  }
0x52a: {  	[tilespmem:s1+$0x8100] =	vst.add.f32.msk $0xffff, v4  }
0x52b: {  	v4 =	vld [tilespmem:s24+$0x5690]  }
0x52c: {  	s20 =	spop (v2sf)  }
0x52d: {  	[tilespmem:s20+$0x8100] =	vst.add.f32.msk $0xffff, v3  }
0x52e: {  	v3 =	vld [tilespmem:s24+$0x5E90]  }
0x52f: {  	[tilespmem:s26+$0x8100] =	vst.add.f32.msk $0xffff, v5  }
0x530: {  	[tilespmem:s1+$0x8110] =	vst.add.f32.msk $0xffff, v4  }
0x531: {  	v4 =	vld [tilespmem:s24+$0x56A0]  }
0x532: {  	v5 =	vld [tilespmem:s24+$0x4F10]  }
0x533: {  	[tilespmem:s20+$0x8110] =	vst.add.f32.msk $0xffff, v3  }
0x534: {  	v3 =	vld [tilespmem:s24+$0x5EA0];
	_ =	sdelay $0x1  }
0x535: {  	(v2sf) =	vpush v2, $0xE;
	[tilespmem:s1+$0x8120] =	vst.add.f32.msk $0xffff, v4  }
0x536: {  	v4 =	vld [tilespmem:s24+$0x56B0]  }
0x537: {  	[tilespmem:s26+$0x8110] =	vst.add.f32.msk $0xffff, v5  }
0x538: {  	[tilespmem:s20+$0x8120] =	vst.add.f32.msk $0xffff, v3  }
0x539: {  	v3 =	vld [tilespmem:s24+$0x5EB0]  }
0x53a: {  	v62 =	vld [tilespmem:s24+$0x4F20]  }
0x53b: {  	[tilespmem:s1+$0x8130] =	vst.add.f32.msk $0xffff, v4;
	s1 =	sshra.s32 s1, $0x2  }
0x53c: {  	[tilespmem:s1+$0x17D00] =	vst.add.f32.msk $0xffff, v1  }
0x53d: {  	v63 =	vld [tilespmem:s24+$0x5700]  }
0x53e: {  	s0 =	sshra.s32 s20, $0x2;
	[tilespmem:s20+$0x8130] =	vst.add.f32.msk $0xffff, v3  }
0x53f: {  	[tilespmem:s0+$0x17D00] =	vst.add.f32.msk $0xffff, v1  }
0x540: {  	v3 =	vld [tilespmem:s24+$0x5F00];
	_ =	sdelay $0x1  }
0x541: {  	[tilespmem:s30+$0x8100] =	vst.add.f32.msk $0xffff, v63  }
0x542: {  	v5 =	vld [tilespmem:s24+$0x5710]  }
0x543: {  	[tilespmem:s26+$0x8120] =	vst.add.f32.msk $0xffff, v62;
	s22 =	spop (v2sf)  }
0x544: {  	[tilespmem:s22+$0x8100] =	vst.add.f32.msk $0xffff, v3  }
0x545: {  	v3 =	vld [tilespmem:s24+$0x5F10]  }
0x546: {  	v4 =	vld [tilespmem:s24+$0x4F30]  }
0x547: {  	[tilespmem:s30+$0x8110] =	vst.add.f32.msk $0xffff, v5  }
0x548: {  	v5 =	vld [tilespmem:s24+$0x5720];
	_ =	sdelay $0x1  }
0x549: {  	[tilespmem:s22+$0x8110] =	vst.add.f32.msk $0xffff, v3  }
0x54a: {  	v3 =	vld [tilespmem:s24+$0x5F20]  }
0x54b: {  	[tilespmem:s26+$0x8130] =	vst.add.f32.msk $0xffff, v4  }
0x54c: {  	(v2sf) =	vpush v2, $0xF;
	[tilespmem:s30+$0x8120] =	vst.add.f32.msk $0xffff, v5  }
0x54d: {  	s23 =	sshra.s32 s26, $0x2;
	v2 =	vld [tilespmem:s24+$0x5730]  }
0x54e: {  	[tilespmem:s23+$0x17D00] =	vst.add.f32.msk $0xffff, v1  }
0x54f: {  	[tilespmem:s22+$0x8120] =	vst.add.f32.msk $0xffff, v3  }
0x550: {  	v3 =	vld [tilespmem:s24+$0x5F30]  }
0x551: {  	v4 =	vld [tilespmem:s24+$0x4F80]  }
0x552: {  	s26 =	sshra.s32 s30, $0x2;
	[tilespmem:s30+$0x8130] =	vst.add.f32.msk $0xffff, v2  }
0x553: {  	[tilespmem:s26+$0x17D00] =	vst.add.f32.msk $0xffff, v1  }
0x554: {  	v2 =	vld [tilespmem:s24+$0x5780]  }
0x555: {  	s0 =	sshra.s32 s22, $0x2;
	[tilespmem:s22+$0x8130] =	vst.add.f32.msk $0xffff, v3  }
0x556: {  	[tilespmem:s0+$0x17D00] =	vst.add.f32.msk $0xffff, v1  }
0x557: {  	v3 =	vld [tilespmem:s24+$0x5F80]  }
0x558: {  	[tilespmem:s25+$0x8100] =	vst.add.f32.msk $0xffff, v4  }
0x559: {  	v4 =	vld [tilespmem:s24+$0x4F90]  }
0x55a: {  	[tilespmem:s28+$0x8100] =	vst.add.f32.msk $0xffff, v2  }
0x55b: {  	s29 =	spop (v2sf);
	v2 =	vld [tilespmem:s24+$0x5790]  }
0x55c: {  	[tilespmem:s29+$0x8100] =	vst.add.f32.msk $0xffff, v3  }
0x55d: {  	v3 =	vld [tilespmem:s24+$0x5F90]  }
0x55e: {  	[tilespmem:s25+$0x8110] =	vst.add.f32.msk $0xffff, v4  }
0x55f: {  	v4 =	vld [tilespmem:s24+$0x4FA0]  }
0x560: {  	[tilespmem:s28+$0x8110] =	vst.add.f32.msk $0xffff, v2  }
0x561: {  	v2 =	vld [tilespmem:s24+$0x57A0]  }
0x562: {  	[tilespmem:s29+$0x8110] =	vst.add.f32.msk $0xffff, v3  }
0x563: {  	v3 =	vld [tilespmem:s24+$0x5FA0]  }
0x564: {  	[tilespmem:s25+$0x8120] =	vst.add.f32.msk $0xffff, v4  }
0x565: {  	v4 =	vld [tilespmem:s24+$0x4FB0]  }
0x566: {  	[tilespmem:s28+$0x8120] =	vst.add.f32.msk $0xffff, v2  }
0x567: {  	v2 =	vld [tilespmem:s24+$0x57B0]  }
0x568: {  	[tilespmem:s29+$0x8120] =	vst.add.f32.msk $0xffff, v3  }
0x569: {  	v3 =	vld [tilespmem:s24+$0x5FB0]  }
0x56a: {  	p2 =	por p1, p1;
	s30 =	sshra.s32 s25, $0x2;
	[tilespmem:s25+$0x8130] =	vst.add.f32.msk $0xffff, v4  }
.Ltmp9:
0x56b: {  	[tilespmem:s30+$0x17D00] =	vst.add.f32.msk $0xffff, v1;
	(pc) =	sbr.rel @p2 .LBB2_11-.Ltmp9, $4  }
0x56c: {  	s31 =	sshra.s32 s28, $0x2;
	[tilespmem:s28+$0x8130] =	vst.add.f32.msk $0xffff, v2  }
0x56d: {  	[tilespmem:s31+$0x17D00] =	vst.add.f32.msk $0xffff, v1  }
0x56e: {  	s0 =	sshra.s32 s29, $0x2;
	[tilespmem:s29+$0x8130] =	vst.add.f32.msk $0xffff, v3  }
0x56f: {  	p1 =	por $0x0, $0x0;
	[tilespmem:s0+$0x17D00] =	vst.add.f32.msk $0xffff, v1;
	s0 =	simm.s32 $0x4  }
.Ltmp10:
0x570: {  	_ = 	snop;
	(pc) =	sbr.rel .LBB2_12-.Ltmp10, $1  }
0x571: {  	_ =	sdelay $0x3  }
.LBB2_13:
.Ltmp11:
0x572: {  	(pc) =	sbr.rel @p0 .LBB2_16-.Ltmp11, $1  }
0x573: {  	_ =	sdelay $0x3  }
0x574: {  	s0 =	simm.s32 $0x0  }
0x575: {  	s1 =	rddreg [dreg:$0x9];
	s2 =	simm.s32 $0x8000;
	s30 =	simm.s32 $0x5  }
0x576: {  	[tilespmem:s2], [sflag:$0x5] =	stream.linear.gather [hbm4b:s1+s0], $0x40, $0x38;
	[tilespmem:$0x1BD00] =	vst v63  }
0x577: {  	_ =	swait.ge [sflag:s30], $0x40  }
0x578: {  	[sflag:s30] =	ssyncset.done $0x0  }
0x579: {  	s31 =	rddreg [dreg:$0xa];
	[sflag:s30] =	ssyncadd.s32 $0xFFFFFFC0  }
0x57a: {  	[tilespmem:s0], [sflag:$0x5] =	stream.linear.gather [hbm4b:s31+s0], $0x2000, $0x38;
	[tilespmem:$0x1BD00] =	vst v63  }
0x57b: {  	_ =	swait.ge [sflag:s30], $0x2000  }
0x57c: {  	[sflag:s30] =	ssyncset.done $0x0  }
0x57d: {  	s1 =	simm.s32 $0x400;
	[sflag:s30] =	ssyncadd.s32 $0xFFFFE000  }
.LBB2_15:
0x57e: {  	s2 =	sshra.s32 s0, $0x2  }
0x57f: {  	v2 =	vld [tilespmem:s2+$0x8000];
	_ =	sdelay $0x4  }
0x580: {  	v2 =	vshll.u32 v2, $0x6  }
0x581: {  	(v2sf) =	vpush v2, $0x0;
	_ =	sdelay $0xa  }
0x582: {  	v3 =	vld [tilespmem:s1+$0xFFFFFC00];
	_ =	sdelay $0x3  }
0x583: {  	s15 =	spop (v2sf)  }
0x584: {  	[tilespmem:s15+$0x8100] =	vst.add.f32.msk $0xffff, v3  }
0x585: {  	v3 =	vld [tilespmem:s1+$0xFFFFFC10];
	_ =	sdelay $0x4  }
0x586: {  	[tilespmem:s15+$0x8110] =	vst.add.f32.msk $0xffff, v3  }
0x587: {  	v3 =	vld [tilespmem:s1+$0xFFFFFC20];
	_ =	sdelay $0x1  }
0x588: {  	(v2sf) =	vpush v2, $0x1;
	_ =	sdelay $0x2  }
0x589: {  	[tilespmem:s15+$0x8120] =	vst.add.f32.msk $0xffff, v3  }
0x58a: {  	v3 =	vld [tilespmem:s1+$0xFFFFFC30];
	_ =	sdelay $0x4  }
0x58b: {  	s2 =	sshra.s32 s15, $0x2;
	[tilespmem:s15+$0x8130] =	vst.add.f32.msk $0xffff, v3  }
0x58c: {  	[tilespmem:s2+$0x17D00] =	vst.add.f32.msk $0xffff, v1  }
0x58d: {  	v3 =	vld [tilespmem:s1+$0xFFFFFC80];
	_ =	sdelay $0x3  }
0x58e: {  	s16 =	spop (v2sf)  }
0x58f: {  	[tilespmem:s16+$0x8100] =	vst.add.f32.msk $0xffff, v3  }
0x590: {  	v3 =	vld [tilespmem:s1+$0xFFFFFC90];
	_ =	sdelay $0x4  }
0x591: {  	[tilespmem:s16+$0x8110] =	vst.add.f32.msk $0xffff, v3  }
0x592: {  	v3 =	vld [tilespmem:s1+$0xFFFFFCA0];
	_ =	sdelay $0x1  }
0x593: {  	(v2sf) =	vpush v2, $0x2;
	_ =	sdelay $0x2  }
0x594: {  	[tilespmem:s16+$0x8120] =	vst.add.f32.msk $0xffff, v3  }
0x595: {  	v3 =	vld [tilespmem:s1+$0xFFFFFCB0];
	_ =	sdelay $0x4  }
0x596: {  	s2 =	sshra.s32 s16, $0x2;
	[tilespmem:s16+$0x8130] =	vst.add.f32.msk $0xffff, v3  }
0x597: {  	[tilespmem:s2+$0x17D00] =	vst.add.f32.msk $0xffff, v1  }
0x598: {  	v3 =	vld [tilespmem:s1+$0xFFFFFD00];
	_ =	sdelay $0x3  }
0x599: {  	s17 =	spop (v2sf)  }
0x59a: {  	[tilespmem:s17+$0x8100] =	vst.add.f32.msk $0xffff, v3  }
0x59b: {  	v3 =	vld [tilespmem:s1+$0xFFFFFD10];
	_ =	sdelay $0x4  }
0x59c: {  	[tilespmem:s17+$0x8110] =	vst.add.f32.msk $0xffff, v3  }
0x59d: {  	v3 =	vld [tilespmem:s1+$0xFFFFFD20];
	_ =	sdelay $0x1  }
0x59e: {  	(v2sf) =	vpush v2, $0x3;
	_ =	sdelay $0x2  }
0x59f: {  	[tilespmem:s17+$0x8120] =	vst.add.f32.msk $0xffff, v3  }
0x5a0: {  	v3 =	vld [tilespmem:s1+$0xFFFFFD30];
	_ =	sdelay $0x4  }
0x5a1: {  	s2 =	sshra.s32 s17, $0x2;
	[tilespmem:s17+$0x8130] =	vst.add.f32.msk $0xffff, v3  }
0x5a2: {  	[tilespmem:s2+$0x17D00] =	vst.add.f32.msk $0xffff, v1  }
0x5a3: {  	v3 =	vld [tilespmem:s1+$0xFFFFFD80];
	_ =	sdelay $0x3  }
0x5a4: {  	s18 =	spop (v2sf)  }
0x5a5: {  	[tilespmem:s18+$0x8100] =	vst.add.f32.msk $0xffff, v3  }
0x5a6: {  	v3 =	vld [tilespmem:s1+$0xFFFFFD90];
	_ =	sdelay $0x4  }
0x5a7: {  	[tilespmem:s18+$0x8110] =	vst.add.f32.msk $0xffff, v3  }
0x5a8: {  	v3 =	vld [tilespmem:s1+$0xFFFFFDA0];
	_ =	sdelay $0x1  }
0x5a9: {  	(v2sf) =	vpush v2, $0x4;
	_ =	sdelay $0x2  }
0x5aa: {  	[tilespmem:s18+$0x8120] =	vst.add.f32.msk $0xffff, v3  }
0x5ab: {  	v3 =	vld [tilespmem:s1+$0xFFFFFDB0];
	_ =	sdelay $0x4  }
0x5ac: {  	s2 =	sshra.s32 s18, $0x2;
	[tilespmem:s18+$0x8130] =	vst.add.f32.msk $0xffff, v3  }
0x5ad: {  	[tilespmem:s2+$0x17D00] =	vst.add.f32.msk $0xffff, v1  }
0x5ae: {  	v3 =	vld [tilespmem:s1+$0xFFFFFE00];
	_ =	sdelay $0x3  }
0x5af: {  	s19 =	spop (v2sf)  }
0x5b0: {  	[tilespmem:s19+$0x8100] =	vst.add.f32.msk $0xffff, v3  }
0x5b1: {  	v3 =	vld [tilespmem:s1+$0xFFFFFE10];
	_ =	sdelay $0x4  }
0x5b2: {  	[tilespmem:s19+$0x8110] =	vst.add.f32.msk $0xffff, v3  }
0x5b3: {  	v3 =	vld [tilespmem:s1+$0xFFFFFE20];
	_ =	sdelay $0x1  }
0x5b4: {  	(v2sf) =	vpush v2, $0x5;
	_ =	sdelay $0x2  }
0x5b5: {  	[tilespmem:s19+$0x8120] =	vst.add.f32.msk $0xffff, v3  }
0x5b6: {  	v3 =	vld [tilespmem:s1+$0xFFFFFE30];
	_ =	sdelay $0x4  }
0x5b7: {  	s2 =	sshra.s32 s19, $0x2;
	[tilespmem:s19+$0x8130] =	vst.add.f32.msk $0xffff, v3  }
0x5b8: {  	[tilespmem:s2+$0x17D00] =	vst.add.f32.msk $0xffff, v1  }
0x5b9: {  	v3 =	vld [tilespmem:s1+$0xFFFFFE80];
	_ =	sdelay $0x3  }
0x5ba: {  	s20 =	spop (v2sf)  }
0x5bb: {  	[tilespmem:s20+$0x8100] =	vst.add.f32.msk $0xffff, v3  }
0x5bc: {  	v3 =	vld [tilespmem:s1+$0xFFFFFE90];
	_ =	sdelay $0x4  }
0x5bd: {  	[tilespmem:s20+$0x8110] =	vst.add.f32.msk $0xffff, v3  }
0x5be: {  	v3 =	vld [tilespmem:s1+$0xFFFFFEA0];
	_ =	sdelay $0x1  }
0x5bf: {  	(v2sf) =	vpush v2, $0x6;
	_ =	sdelay $0x2  }
0x5c0: {  	[tilespmem:s20+$0x8120] =	vst.add.f32.msk $0xffff, v3  }
0x5c1: {  	v3 =	vld [tilespmem:s1+$0xFFFFFEB0];
	_ =	sdelay $0x4  }
0x5c2: {  	s2 =	sshra.s32 s20, $0x2;
	[tilespmem:s20+$0x8130] =	vst.add.f32.msk $0xffff, v3  }
0x5c3: {  	[tilespmem:s2+$0x17D00] =	vst.add.f32.msk $0xffff, v1  }
0x5c4: {  	v3 =	vld [tilespmem:s1+$0xFFFFFF00];
	_ =	sdelay $0x3  }
0x5c5: {  	s21 =	spop (v2sf)  }
0x5c6: {  	[tilespmem:s21+$0x8100] =	vst.add.f32.msk $0xffff, v3  }
0x5c7: {  	v3 =	vld [tilespmem:s1+$0xFFFFFF10];
	_ =	sdelay $0x4  }
0x5c8: {  	[tilespmem:s21+$0x8110] =	vst.add.f32.msk $0xffff, v3  }
0x5c9: {  	v3 =	vld [tilespmem:s1+$0xFFFFFF20];
	_ =	sdelay $0x1  }
0x5ca: {  	(v2sf) =	vpush v2, $0x7;
	_ =	sdelay $0x2  }
0x5cb: {  	[tilespmem:s21+$0x8120] =	vst.add.f32.msk $0xffff, v3  }
0x5cc: {  	v3 =	vld [tilespmem:s1+$0xFFFFFF30];
	_ =	sdelay $0x4  }
0x5cd: {  	s2 =	sshra.s32 s21, $0x2;
	[tilespmem:s21+$0x8130] =	vst.add.f32.msk $0xffff, v3  }
0x5ce: {  	[tilespmem:s2+$0x17D00] =	vst.add.f32.msk $0xffff, v1  }
0x5cf: {  	v3 =	vld [tilespmem:s1+$0xFFFFFF80];
	_ =	sdelay $0x3  }
0x5d0: {  	s22 =	spop (v2sf)  }
0x5d1: {  	[tilespmem:s22+$0x8100] =	vst.add.f32.msk $0xffff, v3  }
0x5d2: {  	v3 =	vld [tilespmem:s1+$0xFFFFFF90];
	_ =	sdelay $0x4  }
0x5d3: {  	[tilespmem:s22+$0x8110] =	vst.add.f32.msk $0xffff, v3  }
0x5d4: {  	v3 =	vld [tilespmem:s1+$0xFFFFFFA0];
	_ =	sdelay $0x1  }
0x5d5: {  	(v2sf) =	vpush v2, $0x8;
	_ =	sdelay $0x2  }
0x5d6: {  	[tilespmem:s22+$0x8120] =	vst.add.f32.msk $0xffff, v3  }
0x5d7: {  	v3 =	vld [tilespmem:s1+$0xFFFFFFB0];
	_ =	sdelay $0x4  }
0x5d8: {  	s2 =	sshra.s32 s22, $0x2;
	[tilespmem:s22+$0x8130] =	vst.add.f32.msk $0xffff, v3  }
0x5d9: {  	[tilespmem:s2+$0x17D00] =	vst.add.f32.msk $0xffff, v1  }
0x5da: {  	v3 =	vld [tilespmem:s1+$0x0];
	_ =	sdelay $0x3  }
0x5db: {  	s23 =	spop (v2sf)  }
0x5dc: {  	[tilespmem:s23+$0x8100] =	vst.add.f32.msk $0xffff, v3  }
0x5dd: {  	v3 =	vld [tilespmem:s1+$0x10];
	_ =	sdelay $0x4  }
0x5de: {  	[tilespmem:s23+$0x8110] =	vst.add.f32.msk $0xffff, v3  }
0x5df: {  	v3 =	vld [tilespmem:s1+$0x20];
	_ =	sdelay $0x1  }
0x5e0: {  	(v2sf) =	vpush v2, $0x9;
	_ =	sdelay $0x2  }
0x5e1: {  	[tilespmem:s23+$0x8120] =	vst.add.f32.msk $0xffff, v3  }
0x5e2: {  	v3 =	vld [tilespmem:s1+$0x30];
	_ =	sdelay $0x4  }
0x5e3: {  	s2 =	sshra.s32 s23, $0x2;
	[tilespmem:s23+$0x8130] =	vst.add.f32.msk $0xffff, v3  }
0x5e4: {  	[tilespmem:s2+$0x17D00] =	vst.add.f32.msk $0xffff, v1  }
0x5e5: {  	v3 =	vld [tilespmem:s1+$0x80];
	_ =	sdelay $0x3  }
0x5e6: {  	s24 =	spop (v2sf)  }
0x5e7: {  	[tilespmem:s24+$0x8100] =	vst.add.f32.msk $0xffff, v3  }
0x5e8: {  	v3 =	vld [tilespmem:s1+$0x90];
	_ =	sdelay $0x4  }
0x5e9: {  	[tilespmem:s24+$0x8110] =	vst.add.f32.msk $0xffff, v3  }
0x5ea: {  	v3 =	vld [tilespmem:s1+$0xA0];
	_ =	sdelay $0x1  }
0x5eb: {  	(v2sf) =	vpush v2, $0xA;
	_ =	sdelay $0x2  }
0x5ec: {  	[tilespmem:s24+$0x8120] =	vst.add.f32.msk $0xffff, v3  }
0x5ed: {  	v3 =	vld [tilespmem:s1+$0xB0];
	_ =	sdelay $0x4  }
0x5ee: {  	s2 =	sshra.s32 s24, $0x2;
	[tilespmem:s24+$0x8130] =	vst.add.f32.msk $0xffff, v3  }
0x5ef: {  	[tilespmem:s2+$0x17D00] =	vst.add.f32.msk $0xffff, v1  }
0x5f0: {  	v3 =	vld [tilespmem:s1+$0x100];
	_ =	sdelay $0x3  }
0x5f1: {  	s25 =	spop (v2sf)  }
0x5f2: {  	[tilespmem:s25+$0x8100] =	vst.add.f32.msk $0xffff, v3  }
0x5f3: {  	v3 =	vld [tilespmem:s1+$0x110];
	_ =	sdelay $0x4  }
0x5f4: {  	[tilespmem:s25+$0x8110] =	vst.add.f32.msk $0xffff, v3  }
0x5f5: {  	v3 =	vld [tilespmem:s1+$0x120];
	_ =	sdelay $0x1  }
0x5f6: {  	(v2sf) =	vpush v2, $0xB;
	_ =	sdelay $0x2  }
0x5f7: {  	[tilespmem:s25+$0x8120] =	vst.add.f32.msk $0xffff, v3  }
0x5f8: {  	v3 =	vld [tilespmem:s1+$0x130];
	_ =	sdelay $0x4  }
0x5f9: {  	s2 =	sshra.s32 s25, $0x2;
	[tilespmem:s25+$0x8130] =	vst.add.f32.msk $0xffff, v3  }
0x5fa: {  	[tilespmem:s2+$0x17D00] =	vst.add.f32.msk $0xffff, v1  }
0x5fb: {  	v3 =	vld [tilespmem:s1+$0x180];
	_ =	sdelay $0x3  }
0x5fc: {  	s26 =	spop (v2sf)  }
0x5fd: {  	[tilespmem:s26+$0x8100] =	vst.add.f32.msk $0xffff, v3  }
0x5fe: {  	v3 =	vld [tilespmem:s1+$0x190];
	_ =	sdelay $0x4  }
0x5ff: {  	[tilespmem:s26+$0x8110] =	vst.add.f32.msk $0xffff, v3  }
0x600: {  	v3 =	vld [tilespmem:s1+$0x1A0];
	_ =	sdelay $0x1  }
0x601: {  	(v2sf) =	vpush v2, $0xC;
	_ =	sdelay $0x2  }
0x602: {  	[tilespmem:s26+$0x8120] =	vst.add.f32.msk $0xffff, v3  }
0x603: {  	v3 =	vld [tilespmem:s1+$0x1B0];
	_ =	sdelay $0x4  }
0x604: {  	s2 =	sshra.s32 s26, $0x2;
	[tilespmem:s26+$0x8130] =	vst.add.f32.msk $0xffff, v3  }
0x605: {  	[tilespmem:s2+$0x17D00] =	vst.add.f32.msk $0xffff, v1  }
0x606: {  	v3 =	vld [tilespmem:s1+$0x200];
	_ =	sdelay $0x3  }
0x607: {  	s28 =	spop (v2sf)  }
0x608: {  	[tilespmem:s28+$0x8100] =	vst.add.f32.msk $0xffff, v3  }
0x609: {  	v3 =	vld [tilespmem:s1+$0x210];
	_ =	sdelay $0x4  }
0x60a: {  	[tilespmem:s28+$0x8110] =	vst.add.f32.msk $0xffff, v3  }
0x60b: {  	v3 =	vld [tilespmem:s1+$0x220];
	_ =	sdelay $0x1  }
0x60c: {  	(v2sf) =	vpush v2, $0xD;
	_ =	sdelay $0x2  }
0x60d: {  	[tilespmem:s28+$0x8120] =	vst.add.f32.msk $0xffff, v3  }
0x60e: {  	v3 =	vld [tilespmem:s1+$0x230];
	_ =	sdelay $0x4  }
0x60f: {  	s2 =	sshra.s32 s28, $0x2;
	[tilespmem:s28+$0x8130] =	vst.add.f32.msk $0xffff, v3  }
0x610: {  	[tilespmem:s2+$0x17D00] =	vst.add.f32.msk $0xffff, v1  }
0x611: {  	v3 =	vld [tilespmem:s1+$0x280];
	_ =	sdelay $0x3  }
0x612: {  	s29 =	spop (v2sf)  }
0x613: {  	[tilespmem:s29+$0x8100] =	vst.add.f32.msk $0xffff, v3  }
0x614: {  	v3 =	vld [tilespmem:s1+$0x290];
	_ =	sdelay $0x4  }
0x615: {  	[tilespmem:s29+$0x8110] =	vst.add.f32.msk $0xffff, v3  }
0x616: {  	v3 =	vld [tilespmem:s1+$0x2A0];
	_ =	sdelay $0x1  }
0x617: {  	(v2sf) =	vpush v2, $0xE;
	_ =	sdelay $0x2  }
0x618: {  	[tilespmem:s29+$0x8120] =	vst.add.f32.msk $0xffff, v3  }
0x619: {  	v3 =	vld [tilespmem:s1+$0x2B0];
	_ =	sdelay $0x4  }
0x61a: {  	s2 =	sshra.s32 s29, $0x2;
	[tilespmem:s29+$0x8130] =	vst.add.f32.msk $0xffff, v3  }
0x61b: {  	[tilespmem:s2+$0x17D00] =	vst.add.f32.msk $0xffff, v1  }
0x61c: {  	v3 =	vld [tilespmem:s1+$0x300];
	_ =	sdelay $0x3  }
0x61d: {  	s30 =	spop (v2sf)  }
0x61e: {  	[tilespmem:s30+$0x8100] =	vst.add.f32.msk $0xffff, v3  }
0x61f: {  	v3 =	vld [tilespmem:s1+$0x310];
	_ =	sdelay $0x4  }
0x620: {  	[tilespmem:s30+$0x8110] =	vst.add.f32.msk $0xffff, v3  }
0x621: {  	v3 =	vld [tilespmem:s1+$0x320];
	_ =	sdelay $0x1  }
0x622: {  	(v2sf) =	vpush v2, $0xF;
	_ =	sdelay $0x2  }
0x623: {  	[tilespmem:s30+$0x8120] =	vst.add.f32.msk $0xffff, v3  }
0x624: {  	v2 =	vld [tilespmem:s1+$0x330];
	_ =	sdelay $0x4  }
0x625: {  	s2 =	sshra.s32 s30, $0x2;
	[tilespmem:s30+$0x8130] =	vst.add.f32.msk $0xffff, v2  }
0x626: {  	[tilespmem:s2+$0x17D00] =	vst.add.f32.msk $0xffff, v1  }
0x627: {  	v2 =	vld [tilespmem:s1+$0x380];
	_ =	sdelay $0x3  }
0x628: {  	s31 =	spop (v2sf)  }
0x629: {  	[tilespmem:s31+$0x8100] =	vst.add.f32.msk $0xffff, v2  }
0x62a: {  	v2 =	vld [tilespmem:s1+$0x390];
	_ =	sdelay $0x4  }
0x62b: {  	[tilespmem:s31+$0x8110] =	vst.add.f32.msk $0xffff, v2  }
0x62c: {  	v2 =	vld [tilespmem:s1+$0x3A0];
	_ =	sdelay $0x4  }
0x62d: {  	[tilespmem:s31+$0x8120] =	vst.add.f32.msk $0xffff, v2  }
0x62e: {  	v2 =	vld [tilespmem:s1+$0x3B0]  }
0x62f: {  	p1 =	sne.s32 s0, $0xC0  }
.Ltmp12:
0x630: {  	_ = 	snop;
	(pc) =	sbr.rel @p1 .LBB2_15-.Ltmp12, $3  }
0x631: {  	_ =	sdelay $0x1  }
0x632: {  	s2 =	sshra.s32 s31, $0x2;
	[tilespmem:s31+$0x8130] =	vst.add.f32.msk $0xffff, v2  }
0x633: {  	s0 =	sadd.s32 $0x40, s0;
	s1 =	sadd.s32 $0x800, s1;
	[tilespmem:s2+$0x17D00] =	vst.add.f32.msk $0xffff, v1  }
.Ltmp13:
0x634: {  	_ = 	snop;
	(pc) =	sbr.rel .LBB2_16-.Ltmp13, $1  }
0x635: {  	_ =	sdelay $0x3  }
.LBB2_17:
0x636: {  	_ =	sfence.sel $0x180000  }
0x637: {  	[bflag:$0x0] =	sbarrier.arrive $0xFFFF  }
0x638: {  	_ =	strace $0x90000047  }
0x639: {  	s0 =	stileid.u32;
	[bflag:$0x2] =	sbarrier.arrive $0xFFFF  }
0x63a: {  	p0 =	sne.s32 s0, $0x0;
	s0 =	rddreg [dreg:$0x3]  }
0x63b: {  	s0 =	sadd.s32 @!p0 $0x100000, s0  }
0x63c: {  	[sflag:s0] =	ssyncadd.tile.s32 @!p0 $0x1;
	_ =	shalt  }
.Lfunc_end2:
_tile_overlayer_lowered:
.L_overlay_start_2:
0x63d: {  	(tag) =	ssettag $0x2  }
0x63e: {  	s0 =	rddreg [dreg:$0x0];
	s2 =	stileid.u32  }
0x63f: {  	s1 =	rddreg [dreg:$0x1];
	p0 =	sne.s32 s2, $0x0  }
0x640: {  	s3 =	rddreg [dreg:$0x2];
	[bflag:$0x3] =	sbarrier.arrive $0xFFFF;
	s2 =	simm.s32 @!p0 $0x1C05  }
0x641: {  	[timem:s3], [sflag:s2] =	dma.local @!p0 [hbm:s0], s1  }
0x642: {  	s0 =	simm.s32 @!p0 $0x5  }
0x643: {  	_ =	swait.ge @!p0 [sflag:s0], s1  }
0x644: {  	s1 =	ssub.s32 @!p0 $0x0, s1;
	[sflag:s0] =	ssyncset.done @!p0 $0x0  }
0x645: {  	[sflag:s0] =	ssyncadd.s32 @!p0 s1  }
0x646: {  	[bflag:$0x3] =	sbarrier.arrive $0xFFFF  }
0x647: {  	_ =	shalt  }

</sc_bundles>
